<compile_context>
chip_gen: v7x
topology: tpu7x:2x2x1
jax: 0.10.2.dev20260603
libtpu: 0.0.44.dev20260713+nightly
codegen_flags: <defaults>
</compile_context>

<pallas_src>
import jax
import jax.numpy as jnp
from jax import lax
from jax.experimental import pallas as pl
from jax.experimental.pallas import tpu as pltpu
from jax.experimental.pallas import tpu_sc as plsc

_VOCAB = 100000
_DIM = 128
_B = 4096
_LOSS_MARGIN = 1.0
_LAMBDA_W = 0.5

_NC = 2
_NS = 16
_NW = _NC * _NS
_ROWS_PER_W = _B // _NW
_CH = 32
_NCH = _ROWS_PER_W // _CH
_L = 16
_D2 = _DIM // 2


def _sc_kernel_body(
    h_x, referents, referent_attribs, positive_samples, positive_attribs,
    negative_samples, negative_attribs, pos_relations, neg_relations,
    entity_table, relation_table, attrib_table,
    out_partials,
    idx_v, hx_all,
    he0, ha0, tpe0, tpa0, tne0, tna0, rp0, rn0,
    he1, ha1, tpe1, tpa1, tne1, tna1, rp1, rn1,
    acc_v, sem_i, sem_h, sem_g0, sem_g1,
):
  wid = lax.axis_index("s") * _NC + lax.axis_index("c")
  base = wid * _ROWS_PER_W

  sem_g = (sem_g0, sem_g1)
  bufs = (
      (he0, ha0, tpe0, tpa0, tne0, tna0, rp0, rn0),
      (he1, ha1, tpe1, tpa1, tne1, tna1, rp1, rn1),
  )

  idx_srcs = (referents, referent_attribs, positive_samples,
              positive_attribs, negative_samples, negative_attribs,
              pos_relations, neg_relations)

  def fire(slot, ch):
    b = bufs[slot]
    r0 = ch * _CH

    def iv(k):
      return idx_v.at[k, pl.ds(r0, _CH)]

    return [
        pltpu.async_copy(entity_table.at[iv(0)], b[0], sem_g[slot]),
        pltpu.async_copy(attrib_table.at[iv(1)], b[1], sem_g[slot]),
        pltpu.async_copy(entity_table.at[iv(2)], b[2], sem_g[slot]),
        pltpu.async_copy(attrib_table.at[iv(3)], b[3], sem_g[slot]),
        pltpu.async_copy(entity_table.at[iv(4)], b[4], sem_g[slot]),
        pltpu.async_copy(attrib_table.at[iv(5)], b[5], sem_g[slot]),
        pltpu.async_copy(relation_table.at[iv(6)], b[6], sem_g[slot]),
        pltpu.async_copy(relation_table.at[iv(7)], b[7], sem_g[slot]),
    ]

  lanes = jnp.arange(_L, dtype=jnp.int32)
  perms = [lanes ^ d for d in (1, 2, 4, 8)]
  margin = jnp.full((_L,), _LOSS_MARGIN, jnp.float32)
  zero = jnp.zeros((_L,), jnp.float32)

  def make_row_body(b, r0):
    he, ha, tpe, tpa, tne, tna, rp, rn = b

    def row_body(i, acc):
      diff = jnp.zeros((_L,), jnp.float32)
      for j in range(_D2 // _L):
        cr = pl.ds(j * _L, _L)
        ci = pl.ds(_D2 + j * _L, _L)
        re_h = he[i, cr] + ha[i, cr] + hx_all[r0 + i, cr]
        im_h = he[i, ci] + ha[i, ci] + hx_all[r0 + i, ci]
        re_tp = tpe[i, cr] + tpa[i, cr]
        im_tp = tpe[i, ci] + tpa[i, ci]
        re_tn = tne[i, cr] + tna[i, cr]
        im_tn = tne[i, ci] + tna[i, ci]
        re_rp = rp[i, cr]
        im_rp = rp[i, ci]
        re_rn = rn[i, cr]
        im_rn = rn[i, ci]
        diff = diff + (
            re_rn * (re_h * re_tn + im_h * im_tn)
            + im_rn * (re_h * im_tn - im_h * re_tn)
            - re_rp * (re_h * re_tp + im_h * im_tp)
            - im_rp * (re_h * im_tp - im_h * re_tp)
        )
      for perm in perms:
        diff = diff + diff.at[perm].get(mode="promise_in_bounds")
      return acc + jnp.maximum(margin + diff, zero)

    return row_body

  d_i = [
      pltpu.async_copy(src.at[pl.ds(base, _ROWS_PER_W)], idx_v.at[k], sem_i)
      for k, src in enumerate(idx_srcs)
  ]
  d_h = pltpu.async_copy(h_x.at[pl.ds(base, _ROWS_PER_W)], hx_all, sem_h)
  for d in d_i:
    d.wait()
  g = [fire(0, 0), fire(1, 1)]
  d_h.wait()

  acc = jnp.zeros((_L,), jnp.float32)
  for ch in range(_NCH):
    cur = ch % 2
    for d in g[cur]:
      d.wait()
    acc = lax.fori_loop(0, _CH, make_row_body(bufs[cur], ch * _CH), acc)
    if ch + 2 < _NCH:
      g[cur] = fire(cur, ch + 2)

  acc_v[...] = acc
  pltpu.sync_copy(acc_v, out_partials.at[wid])


def kernel(h_x, referents, pos_relations, neg_relations, positive_samples,
           negative_samples, referent_attribs, positive_attribs,
           negative_attribs, entity_table, relation_table, attrib_table):
  mesh = plsc.VectorSubcoreMesh(core_axis_name="c", subcore_axis_name="s")
  row_t = pltpu.VMEM((_CH, _DIM), jnp.float32)
  run = pl.kernel(
      _sc_kernel_body,
      mesh=mesh,
      out_type=jax.ShapeDtypeStruct((_NW, _L), jnp.float32),
      scratch_types=[
          pltpu.VMEM((8, _ROWS_PER_W), jnp.int32),
          pltpu.VMEM((_ROWS_PER_W, _DIM), jnp.float32),
          row_t, row_t, row_t, row_t, row_t, row_t, row_t, row_t,
          row_t, row_t, row_t, row_t, row_t, row_t, row_t, row_t,
          pltpu.VMEM((_L,), jnp.float32),
          pltpu.SemaphoreType.DMA,
          pltpu.SemaphoreType.DMA,
          pltpu.SemaphoreType.DMA,
          pltpu.SemaphoreType.DMA,
      ],
  )
  partials = run(
      h_x, referents.astype(jnp.int32), referent_attribs.astype(jnp.int32),
      positive_samples.astype(jnp.int32), positive_attribs.astype(jnp.int32),
      negative_samples.astype(jnp.int32), negative_attribs.astype(jnp.int32),
      pos_relations.astype(jnp.int32), neg_relations.astype(jnp.int32),
      entity_table, relation_table, attrib_table)
  loss = jnp.sum(partials[:, 0]) * (_LAMBDA_W / _B)
  return (loss, h_x)

# --- scband reference (transcript-rebuilt; emitter-appended) ---
"""Pipeline reference for scband-coref-mrl-81595788689985 (READ-ONLY COPY).

The authoritative reference and input builder live on the scoring server;
editing this copy changes nothing except your own understanding.
"""

import jax, jax.numpy as jnp
import numpy as np

VOCAB = 100000
REL_VOCAB = 1000
ATTR_VOCAB = 1000
DIM = 128
B = 4096
LOSS_MARGIN = 1.0
LAMBDA_W = 0.5


def _complex_score(h, r, t):
    # ComplEx scoring: Re(<h, r, conj(t)>) with embeddings split into real/imag halves
    d = h.shape[-1] // 2
    re_h, im_h = h[:, :d], h[:, d:]
    re_r, im_r = r[:, :d], r[:, d:]
    re_t, im_t = t[:, :d], t[:, d:]
    return jnp.sum(
        re_h * re_r * re_t
        + im_h * re_r * im_t
        + re_h * im_r * im_t
        - im_h * im_r * re_t,
        axis=-1,
    )


def setup_inputs(seed: int = 0) -> dict:
    key = jax.random.key(seed)
    ks = jax.random.split(key, 12)
    h_x = jax.random.normal(ks[0], (B, DIM), dtype=jnp.float32)
    referents = jax.random.randint(ks[1], (B,), 0, VOCAB)
    pos_relations = jax.random.randint(ks[2], (B,), 0, REL_VOCAB)
    neg_relations = jax.random.randint(ks[3], (B,), 0, REL_VOCAB)
    positive_samples = jax.random.randint(ks[4], (B,), 0, VOCAB)
    negative_samples = jax.random.randint(ks[5], (B,), 0, VOCAB)
    referent_attribs = jax.random.randint(ks[6], (B,), 0, ATTR_VOCAB)
    positive_attribs = jax.random.randint(ks[7], (B,), 0, ATTR_VOCAB)
    negative_attribs = jax.random.randint(ks[8], (B,), 0, ATTR_VOCAB)
    entity_table = jax.random.normal(ks[9], (VOCAB, DIM), dtype=jnp.float32) * 0.02
    relation_table = jax.random.normal(ks[10], (REL_VOCAB, DIM), dtype=jnp.float32) * 0.02
    attrib_table = jax.random.normal(ks[11], (ATTR_VOCAB, DIM), dtype=jnp.float32) * 0.02
    return {
        "h_x": h_x,
        "referents": referents,
        "pos_relations": pos_relations,
        "neg_relations": neg_relations,
        "positive_samples": positive_samples,
        "negative_samples": negative_samples,
        "referent_attribs": referent_attribs,
        "positive_attribs": positive_attribs,
        "negative_attribs": negative_attribs,
        "entity_table": entity_table,
        "relation_table": relation_table,
        "attrib_table": attrib_table,
    }


def reference(h_x, referents, pos_relations, neg_relations, positive_samples,
              negative_samples, referent_attribs, positive_attribs,
              negative_attribs, entity_table, relation_table, attrib_table):
    # Embedding lookups (SparseCore gathers)
    h_emb = jnp.take(entity_table, referents, axis=0) \
        + jnp.take(attrib_table, referent_attribs, axis=0) + h_x
    t_pos = jnp.take(entity_table, positive_samples, axis=0) \
        + jnp.take(attrib_table, positive_attribs, axis=0)
    t_neg = jnp.take(entity_table, negative_samples, axis=0) \
        + jnp.take(attrib_table, negative_attribs, axis=0)
    r_pos = jnp.take(relation_table, pos_relations, axis=0)
    r_neg = jnp.take(relation_table, neg_relations, axis=0)

    positive_scores = _complex_score(h_emb, r_pos, t_pos)
    negative_scores = _complex_score(h_emb, r_neg, t_neg)

    # MarginRankingLoss.process_slcwa_scores (mean of hinge)
    loss = jnp.mean(jax.nn.relu(LOSS_MARGIN + negative_scores - positive_scores))
    loss = loss * LAMBDA_W
    return (loss, h_x)

if __name__ == "__main__":
    import jax
    _d = setup_inputs()
    print(jax.jit(kernel)(*tuple(_d.values())))

</pallas_src>

<mosaic_0001>
#map = affine_map<(d0, d1) -> (0, 0)>
#map1 = affine_map<(d0, d1) -> (0)>
module attributes {stable_mosaic.version = 14 : i64} {
  func.func @_sc_kernel_body(%arg0: i32, %arg1: i32, %arg2: memref<4096x128xf32, #tpu.memory_space<hbm>>, %arg3: memref<4096xi32, #tpu.memory_space<hbm>>, %arg4: memref<4096xi32, #tpu.memory_space<hbm>>, %arg5: memref<4096xi32, #tpu.memory_space<hbm>>, %arg6: memref<4096xi32, #tpu.memory_space<hbm>>, %arg7: memref<4096xi32, #tpu.memory_space<hbm>>, %arg8: memref<4096xi32, #tpu.memory_space<hbm>>, %arg9: memref<4096xi32, #tpu.memory_space<hbm>>, %arg10: memref<4096xi32, #tpu.memory_space<hbm>>, %arg11: memref<100000x128xf32, #tpu.memory_space<hbm>>, %arg12: memref<1000x128xf32, #tpu.memory_space<hbm>>, %arg13: memref<1000x128xf32, #tpu.memory_space<hbm>>, %arg14: memref<32x16xf32, #tpu.memory_space<hbm>>, %arg15: memref<8x128xi32, #tpu.memory_space<vmem>>, %arg16: memref<128x128xf32, #tpu.memory_space<vmem>>, %arg17: memref<32x128xf32, #tpu.memory_space<vmem>>, %arg18: memref<32x128xf32, #tpu.memory_space<vmem>>, %arg19: memref<32x128xf32, #tpu.memory_space<vmem>>, %arg20: memref<32x128xf32, #tpu.memory_space<vmem>>, %arg21: memref<32x128xf32, #tpu.memory_space<vmem>>, %arg22: memref<32x128xf32, #tpu.memory_space<vmem>>, %arg23: memref<32x128xf32, #tpu.memory_space<vmem>>, %arg24: memref<32x128xf32, #tpu.memory_space<vmem>>, %arg25: memref<32x128xf32, #tpu.memory_space<vmem>>, %arg26: memref<32x128xf32, #tpu.memory_space<vmem>>, %arg27: memref<32x128xf32, #tpu.memory_space<vmem>>, %arg28: memref<32x128xf32, #tpu.memory_space<vmem>>, %arg29: memref<32x128xf32, #tpu.memory_space<vmem>>, %arg30: memref<32x128xf32, #tpu.memory_space<vmem>>, %arg31: memref<32x128xf32, #tpu.memory_space<vmem>>, %arg32: memref<32x128xf32, #tpu.memory_space<vmem>>, %arg33: memref<16xf32, #tpu.memory_space<vmem>>, %arg34: memref<!tpu.dma_semaphore, #tpu.memory_space<semaphore_mem>>, %arg35: memref<!tpu.dma_semaphore, #tpu.memory_space<semaphore_mem>>, %arg36: memref<!tpu.dma_semaphore, #tpu.memory_space<semaphore_mem>>, %arg37: memref<!tpu.dma_semaphore, #tpu.memory_space<semaphore_mem>>) attributes {dimension_semantics = [#tpu.dimension_semantics<core_parallel>, #tpu.dimension_semantics<subcore_parallel>], iteration_bounds = array<i64: 2, 16>, scalar_prefetch = 0 : i64, scratch_operands = 23 : i64, tpu.core_type = #tpu.core_type<sc_vector_subcore>, window_params = [{transform_indices = #map}, {transform_indices = #map1}, {transform_indices = #map1}, {transform_indices = #map1}, {transform_indices = #map1}, {transform_indices = #map1}, {transform_indices = #map1}, {transform_indices = #map1}, {transform_indices = #map1}, {transform_indices = #map}, {transform_indices = #map}, {transform_indices = #map}, {transform_indices = #map}]} {
    %mul3A = arith.constant 2 : i32
    %mul3A_0 = arith.muli %arg1, %mul3A : i32
    %add3A = arith.addi %mul3A_0, %arg0 : i32
    %mul3A_1 = arith.constant 128 : i32
    %mul3A_2 = arith.muli %add3A, %mul3A_1 : i32
    %iota3A = tpu.iota {dimensions = array<i32: 0>} : vector<16xi32>
    %xor3A = arith.constant 1 : i32
    %xor3A_3 = vector.broadcast %xor3A : i32 to vector<16xi32>
    %xor3A_4 = arith.xori %iota3A, %xor3A_3 : vector<16xi32>
    %xor3A_5 = arith.constant 2 : i32
    %xor3A_6 = vector.broadcast %xor3A_5 : i32 to vector<16xi32>
    %xor3A_7 = arith.xori %iota3A, %xor3A_6 : vector<16xi32>
    %xor3A_8 = arith.constant 4 : i32
    %xor3A_9 = vector.broadcast %xor3A_8 : i32 to vector<16xi32>
    %xor3A_10 = arith.xori %iota3A, %xor3A_9 : vector<16xi32>
    %xor3A_11 = arith.constant 8 : i32
    %xor3A_12 = vector.broadcast %xor3A_11 : i32 to vector<16xi32>
    %xor3A_13 = arith.xori %iota3A, %xor3A_12 : vector<16xi32>
    %broadcast_in_dim3A = arith.constant 1.000000e+00 : f32
    %broadcast_in_dim3A_14 = vector.broadcast %broadcast_in_dim3A : f32 to vector<16xf32>
    %broadcast_in_dim3A_15 = arith.constant 0.000000e+00 : f32
    %broadcast_in_dim3A_16 = vector.broadcast %broadcast_in_dim3A_15 : f32 to vector<16xf32>
    %dma_start3A = arith.constant 0 : i32
    %dma_start3A_17 = arith.constant 0 : i32
    %dma_start3A_18 = tpu.memref_slice %arg15[%dma_start3A, %dma_start3A_17] : memref<8x128xi32, #tpu.memory_space<vmem>> -> memref<1x128xi32, #tpu.memory_space<vmem>>
    %dma_start3A_19 = tpu.memref_squeeze %dma_start3A_18 : memref<1x128xi32, #tpu.memory_space<vmem>> -> memref<128xi32, #tpu.memory_space<vmem>>
    %dma_start3A_20 = tpu.memref_slice %arg3[%mul3A_2] : memref<4096xi32, #tpu.memory_space<hbm>> -> memref<128xi32, #tpu.memory_space<hbm>>
    %dma_start3A_21 = arith.constant 0 : i32
    %dma_start3A_22 = tpu.memref_slice %arg15[%dma_start3A, %dma_start3A_21] : memref<8x128xi32, #tpu.memory_space<vmem>> -> memref<1x128xi32, #tpu.memory_space<vmem>>
    %dma_start3A_23 = tpu.memref_squeeze %dma_start3A_22 : memref<1x128xi32, #tpu.memory_space<vmem>> -> memref<128xi32, #tpu.memory_space<vmem>>
    %dma_start3A_24 = tpu.memref_slice %arg3[%mul3A_2] : memref<4096xi32, #tpu.memory_space<hbm>> -> memref<128xi32, #tpu.memory_space<hbm>>
    tpu.enqueue_dma source(%dma_start3A_24 : memref<128xi32, #tpu.memory_space<hbm>>) target(%dma_start3A_23 : memref<128xi32, #tpu.memory_space<vmem>>) target_semaphore(%arg34 : memref<!tpu.dma_semaphore, #tpu.memory_space<semaphore_mem>>)
    %dma_start3A_25 = arith.constant 1 : i32
    %dma_start3A_26 = arith.constant 0 : i32
    %dma_start3A_27 = tpu.memref_slice %arg15[%dma_start3A_25, %dma_start3A_26] : memref<8x128xi32, #tpu.memory_space<vmem>> -> memref<1x128xi32, #tpu.memory_space<vmem>>
    %dma_start3A_28 = tpu.memref_squeeze %dma_start3A_27 : memref<1x128xi32, #tpu.memory_space<vmem>> -> memref<128xi32, #tpu.memory_space<vmem>>
    %dma_start3A_29 = tpu.memref_slice %arg4[%mul3A_2] : memref<4096xi32, #tpu.memory_space<hbm>> -> memref<128xi32, #tpu.memory_space<hbm>>
    %dma_start3A_30 = arith.constant 0 : i32
    %dma_start3A_31 = tpu.memref_slice %arg15[%dma_start3A_25, %dma_start3A_30] : memref<8x128xi32, #tpu.memory_space<vmem>> -> memref<1x128xi32, #tpu.memory_space<vmem>>
    %dma_start3A_32 = tpu.memref_squeeze %dma_start3A_31 : memref<1x128xi32, #tpu.memory_space<vmem>> -> memref<128xi32, #tpu.memory_space<vmem>>
    %dma_start3A_33 = tpu.memref_slice %arg4[%mul3A_2] : memref<4096xi32, #tpu.memory_space<hbm>> -> memref<128xi32, #tpu.memory_space<hbm>>
    tpu.enqueue_dma source(%dma_start3A_33 : memref<128xi32, #tpu.memory_space<hbm>>) target(%dma_start3A_32 : memref<128xi32, #tpu.memory_space<vmem>>) target_semaphore(%arg34 : memref<!tpu.dma_semaphore, #tpu.memory_space<semaphore_mem>>)
    %dma_start3A_34 = arith.constant 2 : i32
    %dma_start3A_35 = arith.constant 0 : i32
    %dma_start3A_36 = tpu.memref_slice %arg15[%dma_start3A_34, %dma_start3A_35] : memref<8x128xi32, #tpu.memory_space<vmem>> -> memref<1x128xi32, #tpu.memory_space<vmem>>
    %dma_start3A_37 = tpu.memref_squeeze %dma_start3A_36 : memref<1x128xi32, #tpu.memory_space<vmem>> -> memref<128xi32, #tpu.memory_space<vmem>>
    %dma_start3A_38 = tpu.memref_slice %arg5[%mul3A_2] : memref<4096xi32, #tpu.memory_space<hbm>> -> memref<128xi32, #tpu.memory_space<hbm>>
    %dma_start3A_39 = arith.constant 0 : i32
    %dma_start3A_40 = tpu.memref_slice %arg15[%dma_start3A_34, %dma_start3A_39] : memref<8x128xi32, #tpu.memory_space<vmem>> -> memref<1x128xi32, #tpu.memory_space<vmem>>
    %dma_start3A_41 = tpu.memref_squeeze %dma_start3A_40 : memref<1x128xi32, #tpu.memory_space<vmem>> -> memref<128xi32, #tpu.memory_space<vmem>>
    %dma_start3A_42 = tpu.memref_slice %arg5[%mul3A_2] : memref<4096xi32, #tpu.memory_space<hbm>> -> memref<128xi32, #tpu.memory_space<hbm>>
    tpu.enqueue_dma source(%dma_start3A_42 : memref<128xi32, #tpu.memory_space<hbm>>) target(%dma_start3A_41 : memref<128xi32, #tpu.memory_space<vmem>>) target_semaphore(%arg34 : memref<!tpu.dma_semaphore, #tpu.memory_space<semaphore_mem>>)
    %dma_start3A_43 = arith.constant 3 : i32
    %dma_start3A_44 = arith.constant 0 : i32
    %dma_start3A_45 = tpu.memref_slice %arg15[%dma_start3A_43, %dma_start3A_44] : memref<8x128xi32, #tpu.memory_space<vmem>> -> memref<1x128xi32, #tpu.memory_space<vmem>>
    %dma_start3A_46 = tpu.memref_squeeze %dma_start3A_45 : memref<1x128xi32, #tpu.memory_space<vmem>> -> memref<128xi32, #tpu.memory_space<vmem>>
    %dma_start3A_47 = tpu.memref_slice %arg6[%mul3A_2] : memref<4096xi32, #tpu.memory_space<hbm>> -> memref<128xi32, #tpu.memory_space<hbm>>
    %dma_start3A_48 = arith.constant 0 : i32
    %dma_start3A_49 = tpu.memref_slice %arg15[%dma_start3A_43, %dma_start3A_48] : memref<8x128xi32, #tpu.memory_space<vmem>> -> memref<1x128xi32, #tpu.memory_space<vmem>>
    %dma_start3A_50 = tpu.memref_squeeze %dma_start3A_49 : memref<1x128xi32, #tpu.memory_space<vmem>> -> memref<128xi32, #tpu.memory_space<vmem>>
    %dma_start3A_51 = tpu.memref_slice %arg6[%mul3A_2] : memref<4096xi32, #tpu.memory_space<hbm>> -> memref<128xi32, #tpu.memory_space<hbm>>
    tpu.enqueue_dma source(%dma_start3A_51 : memref<128xi32, #tpu.memory_space<hbm>>) target(%dma_start3A_50 : memref<128xi32, #tpu.memory_space<vmem>>) target_semaphore(%arg34 : memref<!tpu.dma_semaphore, #tpu.memory_space<semaphore_mem>>)
    %dma_start3A_52 = arith.constant 4 : i32
    %dma_start3A_53 = arith.constant 0 : i32
    %dma_start3A_54 = tpu.memref_slice %arg15[%dma_start3A_52, %dma_start3A_53] : memref<8x128xi32, #tpu.memory_space<vmem>> -> memref<1x128xi32, #tpu.memory_space<vmem>>
    %dma_start3A_55 = tpu.memref_squeeze %dma_start3A_54 : memref<1x128xi32, #tpu.memory_space<vmem>> -> memref<128xi32, #tpu.memory_space<vmem>>
    %dma_start3A_56 = tpu.memref_slice %arg7[%mul3A_2] : memref<4096xi32, #tpu.memory_space<hbm>> -> memref<128xi32, #tpu.memory_space<hbm>>
    %dma_start3A_57 = arith.constant 0 : i32
    %dma_start3A_58 = tpu.memref_slice %arg15[%dma_start3A_52, %dma_start3A_57] : memref<8x128xi32, #tpu.memory_space<vmem>> -> memref<1x128xi32, #tpu.memory_space<vmem>>
    %dma_start3A_59 = tpu.memref_squeeze %dma_start3A_58 : memref<1x128xi32, #tpu.memory_space<vmem>> -> memref<128xi32, #tpu.memory_space<vmem>>
    %dma_start3A_60 = tpu.memref_slice %arg7[%mul3A_2] : memref<4096xi32, #tpu.memory_space<hbm>> -> memref<128xi32, #tpu.memory_space<hbm>>
    tpu.enqueue_dma source(%dma_start3A_60 : memref<128xi32, #tpu.memory_space<hbm>>) target(%dma_start3A_59 : memref<128xi32, #tpu.memory_space<vmem>>) target_semaphore(%arg34 : memref<!tpu.dma_semaphore, #tpu.memory_space<semaphore_mem>>)
    %dma_start3A_61 = arith.constant 5 : i32
    %dma_start3A_62 = arith.constant 0 : i32
    %dma_start3A_63 = tpu.memref_slice %arg15[%dma_start3A_61, %dma_start3A_62] : memref<8x128xi32, #tpu.memory_space<vmem>> -> memref<1x128xi32, #tpu.memory_space<vmem>>
    %dma_start3A_64 = tpu.memref_squeeze %dma_start3A_63 : memref<1x128xi32, #tpu.memory_space<vmem>> -> memref<128xi32, #tpu.memory_space<vmem>>
    %dma_start3A_65 = tpu.memref_slice %arg8[%mul3A_2] : memref<4096xi32, #tpu.memory_space<hbm>> -> memref<128xi32, #tpu.memory_space<hbm>>
    %dma_start3A_66 = arith.constant 0 : i32
    %dma_start3A_67 = tpu.memref_slice %arg15[%dma_start3A_61, %dma_start3A_66] : memref<8x128xi32, #tpu.memory_space<vmem>> -> memref<1x128xi32, #tpu.memory_space<vmem>>
    %dma_start3A_68 = tpu.memref_squeeze %dma_start3A_67 : memref<1x128xi32, #tpu.memory_space<vmem>> -> memref<128xi32, #tpu.memory_space<vmem>>
    %dma_start3A_69 = tpu.memref_slice %arg8[%mul3A_2] : memref<4096xi32, #tpu.memory_space<hbm>> -> memref<128xi32, #tpu.memory_space<hbm>>
    tpu.enqueue_dma source(%dma_start3A_69 : memref<128xi32, #tpu.memory_space<hbm>>) target(%dma_start3A_68 : memref<128xi32, #tpu.memory_space<vmem>>) target_semaphore(%arg34 : memref<!tpu.dma_semaphore, #tpu.memory_space<semaphore_mem>>)
    %dma_start3A_70 = arith.constant 6 : i32
    %dma_start3A_71 = arith.constant 0 : i32
    %dma_start3A_72 = tpu.memref_slice %arg15[%dma_start3A_70, %dma_start3A_71] : memref<8x128xi32, #tpu.memory_space<vmem>> -> memref<1x128xi32, #tpu.memory_space<vmem>>
    %dma_start3A_73 = tpu.memref_squeeze %dma_start3A_72 : memref<1x128xi32, #tpu.memory_space<vmem>> -> memref<128xi32, #tpu.memory_space<vmem>>
    %dma_start3A_74 = tpu.memref_slice %arg9[%mul3A_2] : memref<4096xi32, #tpu.memory_space<hbm>> -> memref<128xi32, #tpu.memory_space<hbm>>
    %dma_start3A_75 = arith.constant 0 : i32
    %dma_start3A_76 = tpu.memref_slice %arg15[%dma_start3A_70, %dma_start3A_75] : memref<8x128xi32, #tpu.memory_space<vmem>> -> memref<1x128xi32, #tpu.memory_space<vmem>>
    %dma_start3A_77 = tpu.memref_squeeze %dma_start3A_76 : memref<1x128xi32, #tpu.memory_space<vmem>> -> memref<128xi32, #tpu.memory_space<vmem>>
    %dma_start3A_78 = tpu.memref_slice %arg9[%mul3A_2] : memref<4096xi32, #tpu.memory_space<hbm>> -> memref<128xi32, #tpu.memory_space<hbm>>
    tpu.enqueue_dma source(%dma_start3A_78 : memref<128xi32, #tpu.memory_space<hbm>>) target(%dma_start3A_77 : memref<128xi32, #tpu.memory_space<vmem>>) target_semaphore(%arg34 : memref<!tpu.dma_semaphore, #tpu.memory_space<semaphore_mem>>)
    %dma_start3A_79 = arith.constant 7 : i32
    %dma_start3A_80 = arith.constant 0 : i32
    %dma_start3A_81 = tpu.memref_slice %arg15[%dma_start3A_79, %dma_start3A_80] : memref<8x128xi32, #tpu.memory_space<vmem>> -> memref<1x128xi32, #tpu.memory_space<vmem>>
    %dma_start3A_82 = tpu.memref_squeeze %dma_start3A_81 : memref<1x128xi32, #tpu.memory_space<vmem>> -> memref<128xi32, #tpu.memory_space<vmem>>
    %dma_start3A_83 = tpu.memref_slice %arg10[%mul3A_2] : memref<4096xi32, #tpu.memory_space<hbm>> -> memref<128xi32, #tpu.memory_space<hbm>>
    %dma_start3A_84 = arith.constant 0 : i32
    %dma_start3A_85 = tpu.memref_slice %arg15[%dma_start3A_79, %dma_start3A_84] : memref<8x128xi32, #tpu.memory_space<vmem>> -> memref<1x128xi32, #tpu.memory_space<vmem>>
    %dma_start3A_86 = tpu.memref_squeeze %dma_start3A_85 : memref<1x128xi32, #tpu.memory_space<vmem>> -> memref<128xi32, #tpu.memory_space<vmem>>
    %dma_start3A_87 = tpu.memref_slice %arg10[%mul3A_2] : memref<4096xi32, #tpu.memory_space<hbm>> -> memref<128xi32, #tpu.memory_space<hbm>>
    tpu.enqueue_dma source(%dma_start3A_87 : memref<128xi32, #tpu.memory_space<hbm>>) target(%dma_start3A_86 : memref<128xi32, #tpu.memory_space<vmem>>) target_semaphore(%arg34 : memref<!tpu.dma_semaphore, #tpu.memory_space<semaphore_mem>>)
    %dma_start3A_88 = arith.constant 0 : i32
    %dma_start3A_89 = tpu.memref_slice %arg2[%mul3A_2, %dma_start3A_88] : memref<4096x128xf32, #tpu.memory_space<hbm>> -> memref<128x128xf32, #tpu.memory_space<hbm>>
    %dma_start3A_90 = arith.constant 0 : i32
    %dma_start3A_91 = tpu.memref_slice %arg2[%mul3A_2, %dma_start3A_90] : memref<4096x128xf32, #tpu.memory_space<hbm>> -> memref<128x128xf32, #tpu.memory_space<hbm>>
    tpu.enqueue_dma source(%dma_start3A_91 : memref<128x128xf32, #tpu.memory_space<hbm>>) target(%arg16 : memref<128x128xf32, #tpu.memory_space<vmem>>) target_semaphore(%arg35 : memref<!tpu.dma_semaphore, #tpu.memory_space<semaphore_mem>>)
    %dma_wait3A = arith.constant 0 : i32
    %dma_wait3A_92 = arith.constant 0 : i32
    %dma_wait3A_93 = tpu.memref_slice %arg15[%dma_wait3A, %dma_wait3A_92] : memref<8x128xi32, #tpu.memory_space<vmem>> -> memref<1x128xi32, #tpu.memory_space<vmem>>
    %dma_wait3A_94 = tpu.memref_squeeze %dma_wait3A_93 : memref<1x128xi32, #tpu.memory_space<vmem>> -> memref<128xi32, #tpu.memory_space<vmem>>
    %dma_wait3A_95 = tpu.memref_slice %arg3[%mul3A_2] : memref<4096xi32, #tpu.memory_space<hbm>> -> memref<128xi32, #tpu.memory_space<hbm>>
    %dma_wait3A_96 = arith.constant 0 : i32
    %dma_wait3A_97 = tpu.memref_slice %arg15[%dma_wait3A, %dma_wait3A_96] : memref<8x128xi32, #tpu.memory_space<vmem>> -> memref<1x128xi32, #tpu.memory_space<vmem>>
    %dma_wait3A_98 = tpu.memref_squeeze %dma_wait3A_97 : memref<1x128xi32, #tpu.memory_space<vmem>> -> memref<128xi32, #tpu.memory_space<vmem>>
    %dma_wait3A_99 = tpu.memref_slice %arg3[%mul3A_2] : memref<4096xi32, #tpu.memory_space<hbm>> -> memref<128xi32, #tpu.memory_space<hbm>>
    tpu.wait_dma2 semaphore(%arg34 : memref<!tpu.dma_semaphore, #tpu.memory_space<semaphore_mem>>) src(%dma_wait3A_99 : memref<128xi32, #tpu.memory_space<hbm>>) dst(%dma_wait3A_98 : memref<128xi32, #tpu.memory_space<vmem>>)
    %dma_wait3A_100 = arith.constant 1 : i32
    %dma_wait3A_101 = arith.constant 0 : i32
    %dma_wait3A_102 = tpu.memref_slice %arg15[%dma_wait3A_100, %dma_wait3A_101] : memref<8x128xi32, #tpu.memory_space<vmem>> -> memref<1x128xi32, #tpu.memory_space<vmem>>
    %dma_wait3A_103 = tpu.memref_squeeze %dma_wait3A_102 : memref<1x128xi32, #tpu.memory_space<vmem>> -> memref<128xi32, #tpu.memory_space<vmem>>
    %dma_wait3A_104 = tpu.memref_slice %arg4[%mul3A_2] : memref<4096xi32, #tpu.memory_space<hbm>> -> memref<128xi32, #tpu.memory_space<hbm>>
    %dma_wait3A_105 = arith.constant 0 : i32
    %dma_wait3A_106 = tpu.memref_slice %arg15[%dma_wait3A_100, %dma_wait3A_105] : memref<8x128xi32, #tpu.memory_space<vmem>> -> memref<1x128xi32, #tpu.memory_space<vmem>>
    %dma_wait3A_107 = tpu.memref_squeeze %dma_wait3A_106 : memref<1x128xi32, #tpu.memory_space<vmem>> -> memref<128xi32, #tpu.memory_space<vmem>>
    %dma_wait3A_108 = tpu.memref_slice %arg4[%mul3A_2] : memref<4096xi32, #tpu.memory_space<hbm>> -> memref<128xi32, #tpu.memory_space<hbm>>
    tpu.wait_dma2 semaphore(%arg34 : memref<!tpu.dma_semaphore, #tpu.memory_space<semaphore_mem>>) src(%dma_wait3A_108 : memref<128xi32, #tpu.memory_space<hbm>>) dst(%dma_wait3A_107 : memref<128xi32, #tpu.memory_space<vmem>>)
    %dma_wait3A_109 = arith.constant 2 : i32
    %dma_wait3A_110 = arith.constant 0 : i32
    %dma_wait3A_111 = tpu.memref_slice %arg15[%dma_wait3A_109, %dma_wait3A_110] : memref<8x128xi32, #tpu.memory_space<vmem>> -> memref<1x128xi32, #tpu.memory_space<vmem>>
    %dma_wait3A_112 = tpu.memref_squeeze %dma_wait3A_111 : memref<1x128xi32, #tpu.memory_space<vmem>> -> memref<128xi32, #tpu.memory_space<vmem>>
    %dma_wait3A_113 = tpu.memref_slice %arg5[%mul3A_2] : memref<4096xi32, #tpu.memory_space<hbm>> -> memref<128xi32, #tpu.memory_space<hbm>>
    %dma_wait3A_114 = arith.constant 0 : i32
    %dma_wait3A_115 = tpu.memref_slice %arg15[%dma_wait3A_109, %dma_wait3A_114] : memref<8x128xi32, #tpu.memory_space<vmem>> -> memref<1x128xi32, #tpu.memory_space<vmem>>
    %dma_wait3A_116 = tpu.memref_squeeze %dma_wait3A_115 : memref<1x128xi32, #tpu.memory_space<vmem>> -> memref<128xi32, #tpu.memory_space<vmem>>
    %dma_wait3A_117 = tpu.memref_slice %arg5[%mul3A_2] : memref<4096xi32, #tpu.memory_space<hbm>> -> memref<128xi32, #tpu.memory_space<hbm>>
    tpu.wait_dma2 semaphore(%arg34 : memref<!tpu.dma_semaphore, #tpu.memory_space<semaphore_mem>>) src(%dma_wait3A_117 : memref<128xi32, #tpu.memory_space<hbm>>) dst(%dma_wait3A_116 : memref<128xi32, #tpu.memory_space<vmem>>)
    %dma_wait3A_118 = arith.constant 3 : i32
    %dma_wait3A_119 = arith.constant 0 : i32
    %dma_wait3A_120 = tpu.memref_slice %arg15[%dma_wait3A_118, %dma_wait3A_119] : memref<8x128xi32, #tpu.memory_space<vmem>> -> memref<1x128xi32, #tpu.memory_space<vmem>>
    %dma_wait3A_121 = tpu.memref_squeeze %dma_wait3A_120 : memref<1x128xi32, #tpu.memory_space<vmem>> -> memref<128xi32, #tpu.memory_space<vmem>>
    %dma_wait3A_122 = tpu.memref_slice %arg6[%mul3A_2] : memref<4096xi32, #tpu.memory_space<hbm>> -> memref<128xi32, #tpu.memory_space<hbm>>
    %dma_wait3A_123 = arith.constant 0 : i32
    %dma_wait3A_124 = tpu.memref_slice %arg15[%dma_wait3A_118, %dma_wait3A_123] : memref<8x128xi32, #tpu.memory_space<vmem>> -> memref<1x128xi32, #tpu.memory_space<vmem>>
    %dma_wait3A_125 = tpu.memref_squeeze %dma_wait3A_124 : memref<1x128xi32, #tpu.memory_space<vmem>> -> memref<128xi32, #tpu.memory_space<vmem>>
    %dma_wait3A_126 = tpu.memref_slice %arg6[%mul3A_2] : memref<4096xi32, #tpu.memory_space<hbm>> -> memref<128xi32, #tpu.memory_space<hbm>>
    tpu.wait_dma2 semaphore(%arg34 : memref<!tpu.dma_semaphore, #tpu.memory_space<semaphore_mem>>) src(%dma_wait3A_126 : memref<128xi32, #tpu.memory_space<hbm>>) dst(%dma_wait3A_125 : memref<128xi32, #tpu.memory_space<vmem>>)
    %dma_wait3A_127 = arith.constant 4 : i32
    %dma_wait3A_128 = arith.constant 0 : i32
    %dma_wait3A_129 = tpu.memref_slice %arg15[%dma_wait3A_127, %dma_wait3A_128] : memref<8x128xi32, #tpu.memory_space<vmem>> -> memref<1x128xi32, #tpu.memory_space<vmem>>
    %dma_wait3A_130 = tpu.memref_squeeze %dma_wait3A_129 : memref<1x128xi32, #tpu.memory_space<vmem>> -> memref<128xi32, #tpu.memory_space<vmem>>
    %dma_wait3A_131 = tpu.memref_slice %arg7[%mul3A_2] : memref<4096xi32, #tpu.memory_space<hbm>> -> memref<128xi32, #tpu.memory_space<hbm>>
    %dma_wait3A_132 = arith.constant 0 : i32
    %dma_wait3A_133 = tpu.memref_slice %arg15[%dma_wait3A_127, %dma_wait3A_132] : memref<8x128xi32, #tpu.memory_space<vmem>> -> memref<1x128xi32, #tpu.memory_space<vmem>>
    %dma_wait3A_134 = tpu.memref_squeeze %dma_wait3A_133 : memref<1x128xi32, #tpu.memory_space<vmem>> -> memref<128xi32, #tpu.memory_space<vmem>>
    %dma_wait3A_135 = tpu.memref_slice %arg7[%mul3A_2] : memref<4096xi32, #tpu.memory_space<hbm>> -> memref<128xi32, #tpu.memory_space<hbm>>
    tpu.wait_dma2 semaphore(%arg34 : memref<!tpu.dma_semaphore, #tpu.memory_space<semaphore_mem>>) src(%dma_wait3A_135 : memref<128xi32, #tpu.memory_space<hbm>>) dst(%dma_wait3A_134 : memref<128xi32, #tpu.memory_space<vmem>>)
    %dma_wait3A_136 = arith.constant 5 : i32
    %dma_wait3A_137 = arith.constant 0 : i32
    %dma_wait3A_138 = tpu.memref_slice %arg15[%dma_wait3A_136, %dma_wait3A_137] : memref<8x128xi32, #tpu.memory_space<vmem>> -> memref<1x128xi32, #tpu.memory_space<vmem>>
    %dma_wait3A_139 = tpu.memref_squeeze %dma_wait3A_138 : memref<1x128xi32, #tpu.memory_space<vmem>> -> memref<128xi32, #tpu.memory_space<vmem>>
    %dma_wait3A_140 = tpu.memref_slice %arg8[%mul3A_2] : memref<4096xi32, #tpu.memory_space<hbm>> -> memref<128xi32, #tpu.memory_space<hbm>>
    %dma_wait3A_141 = arith.constant 0 : i32
    %dma_wait3A_142 = tpu.memref_slice %arg15[%dma_wait3A_136, %dma_wait3A_141] : memref<8x128xi32, #tpu.memory_space<vmem>> -> memref<1x128xi32, #tpu.memory_space<vmem>>
    %dma_wait3A_143 = tpu.memref_squeeze %dma_wait3A_142 : memref<1x128xi32, #tpu.memory_space<vmem>> -> memref<128xi32, #tpu.memory_space<vmem>>
    %dma_wait3A_144 = tpu.memref_slice %arg8[%mul3A_2] : memref<4096xi32, #tpu.memory_space<hbm>> -> memref<128xi32, #tpu.memory_space<hbm>>
    tpu.wait_dma2 semaphore(%arg34 : memref<!tpu.dma_semaphore, #tpu.memory_space<semaphore_mem>>) src(%dma_wait3A_144 : memref<128xi32, #tpu.memory_space<hbm>>) dst(%dma_wait3A_143 : memref<128xi32, #tpu.memory_space<vmem>>)
    %dma_wait3A_145 = arith.constant 6 : i32
    %dma_wait3A_146 = arith.constant 0 : i32
    %dma_wait3A_147 = tpu.memref_slice %arg15[%dma_wait3A_145, %dma_wait3A_146] : memref<8x128xi32, #tpu.memory_space<vmem>> -> memref<1x128xi32, #tpu.memory_space<vmem>>
    %dma_wait3A_148 = tpu.memref_squeeze %dma_wait3A_147 : memref<1x128xi32, #tpu.memory_space<vmem>> -> memref<128xi32, #tpu.memory_space<vmem>>
    %dma_wait3A_149 = tpu.memref_slice %arg9[%mul3A_2] : memref<4096xi32, #tpu.memory_space<hbm>> -> memref<128xi32, #tpu.memory_space<hbm>>
    %dma_wait3A_150 = arith.constant 0 : i32
    %dma_wait3A_151 = tpu.memref_slice %arg15[%dma_wait3A_145, %dma_wait3A_150] : memref<8x128xi32, #tpu.memory_space<vmem>> -> memref<1x128xi32, #tpu.memory_space<vmem>>
    %dma_wait3A_152 = tpu.memref_squeeze %dma_wait3A_151 : memref<1x128xi32, #tpu.memory_space<vmem>> -> memref<128xi32, #tpu.memory_space<vmem>>
    %dma_wait3A_153 = tpu.memref_slice %arg9[%mul3A_2] : memref<4096xi32, #tpu.memory_space<hbm>> -> memref<128xi32, #tpu.memory_space<hbm>>
    tpu.wait_dma2 semaphore(%arg34 : memref<!tpu.dma_semaphore, #tpu.memory_space<semaphore_mem>>) src(%dma_wait3A_153 : memref<128xi32, #tpu.memory_space<hbm>>) dst(%dma_wait3A_152 : memref<128xi32, #tpu.memory_space<vmem>>)
    %dma_wait3A_154 = arith.constant 7 : i32
    %dma_wait3A_155 = arith.constant 0 : i32
    %dma_wait3A_156 = tpu.memref_slice %arg15[%dma_wait3A_154, %dma_wait3A_155] : memref<8x128xi32, #tpu.memory_space<vmem>> -> memref<1x128xi32, #tpu.memory_space<vmem>>
    %dma_wait3A_157 = tpu.memref_squeeze %dma_wait3A_156 : memref<1x128xi32, #tpu.memory_space<vmem>> -> memref<128xi32, #tpu.memory_space<vmem>>
    %dma_wait3A_158 = tpu.memref_slice %arg10[%mul3A_2] : memref<4096xi32, #tpu.memory_space<hbm>> -> memref<128xi32, #tpu.memory_space<hbm>>
    %dma_wait3A_159 = arith.constant 0 : i32
    %dma_wait3A_160 = tpu.memref_slice %arg15[%dma_wait3A_154, %dma_wait3A_159] : memref<8x128xi32, #tpu.memory_space<vmem>> -> memref<1x128xi32, #tpu.memory_space<vmem>>
    %dma_wait3A_161 = tpu.memref_squeeze %dma_wait3A_160 : memref<1x128xi32, #tpu.memory_space<vmem>> -> memref<128xi32, #tpu.memory_space<vmem>>
    %dma_wait3A_162 = tpu.memref_slice %arg10[%mul3A_2] : memref<4096xi32, #tpu.memory_space<hbm>> -> memref<128xi32, #tpu.memory_space<hbm>>
    tpu.wait_dma2 semaphore(%arg34 : memref<!tpu.dma_semaphore, #tpu.memory_space<semaphore_mem>>) src(%dma_wait3A_162 : memref<128xi32, #tpu.memory_space<hbm>>) dst(%dma_wait3A_161 : memref<128xi32, #tpu.memory_space<vmem>>)
    %dma_start3A_163 = arith.constant 0 : i32
    %dma_start3A_164 = arith.constant 0 : i32
    %dma_start3A_165 = tpu.memref_slice %arg15[%dma_start3A_163, %dma_start3A_164] : memref<8x128xi32, #tpu.memory_space<vmem>> -> memref<1x32xi32, #tpu.memory_space<vmem>>
    %dma_start3A_166 = tpu.memref_squeeze %dma_start3A_165 : memref<1x32xi32, #tpu.memory_space<vmem>> -> memref<32xi32, #tpu.memory_space<vmem>>
    %dma_start3A_167 = arith.constant 0 : i32
    %dma_start3A_168 = arith.constant 0 : i32
    %dma_start3A_169 = tpu.memref_slice %arg11[%dma_start3A_167, %dma_start3A_168] : memref<100000x128xf32, #tpu.memory_space<hbm>> -> memref<100000x128xf32, #tpu.memory_space<hbm>>
    tpu.enqueue_indirect_dma source(%dma_start3A_169 : memref<100000x128xf32, #tpu.memory_space<hbm>>) target(%arg17 : memref<32x128xf32, #tpu.memory_space<vmem>>) offsets(%dma_start3A_166 : memref<32xi32, #tpu.memory_space<vmem>>) semaphore(%arg36 : memref<!tpu.dma_semaphore, #tpu.memory_space<semaphore_mem>>)
    %dma_start3A_170 = arith.constant 1 : i32
    %dma_start3A_171 = arith.constant 0 : i32
    %dma_start3A_172 = tpu.memref_slice %arg15[%dma_start3A_170, %dma_start3A_171] : memref<8x128xi32, #tpu.memory_space<vmem>> -> memref<1x32xi32, #tpu.memory_space<vmem>>
    %dma_start3A_173 = tpu.memref_squeeze %dma_start3A_172 : memref<1x32xi32, #tpu.memory_space<vmem>> -> memref<32xi32, #tpu.memory_space<vmem>>
    %dma_start3A_174 = arith.constant 0 : i32
    %dma_start3A_175 = arith.constant 0 : i32
    %dma_start3A_176 = tpu.memref_slice %arg13[%dma_start3A_174, %dma_start3A_175] : memref<1000x128xf32, #tpu.memory_space<hbm>> -> memref<1000x128xf32, #tpu.memory_space<hbm>>
    tpu.enqueue_indirect_dma source(%dma_start3A_176 : memref<1000x128xf32, #tpu.memory_space<hbm>>) target(%arg18 : memref<32x128xf32, #tpu.memory_space<vmem>>) offsets(%dma_start3A_173 : memref<32xi32, #tpu.memory_space<vmem>>) semaphore(%arg36 : memref<!tpu.dma_semaphore, #tpu.memory_space<semaphore_mem>>)
    %dma_start3A_177 = arith.constant 2 : i32
    %dma_start3A_178 = arith.constant 0 : i32
    %dma_start3A_179 = tpu.memref_slice %arg15[%dma_start3A_177, %dma_start3A_178] : memref<8x128xi32, #tpu.memory_space<vmem>> -> memref<1x32xi32, #tpu.memory_space<vmem>>
    %dma_start3A_180 = tpu.memref_squeeze %dma_start3A_179 : memref<1x32xi32, #tpu.memory_space<vmem>> -> memref<32xi32, #tpu.memory_space<vmem>>
    %dma_start3A_181 = arith.constant 0 : i32
    %dma_start3A_182 = arith.constant 0 : i32
    %dma_start3A_183 = tpu.memref_slice %arg11[%dma_start3A_181, %dma_start3A_182] : memref<100000x128xf32, #tpu.memory_space<hbm>> -> memref<100000x128xf32, #tpu.memory_space<hbm>>
    tpu.enqueue_indirect_dma source(%dma_start3A_183 : memref<100000x128xf32, #tpu.memory_space<hbm>>) target(%arg19 : memref<32x128xf32, #tpu.memory_space<vmem>>) offsets(%dma_start3A_180 : memref<32xi32, #tpu.memory_space<vmem>>) semaphore(%arg36 : memref<!tpu.dma_semaphore, #tpu.memory_space<semaphore_mem>>)
    %dma_start3A_184 = arith.constant 3 : i32
    %dma_start3A_185 = arith.constant 0 : i32
    %dma_start3A_186 = tpu.memref_slice %arg15[%dma_start3A_184, %dma_start3A_185] : memref<8x128xi32, #tpu.memory_space<vmem>> -> memref<1x32xi32, #tpu.memory_space<vmem>>
    %dma_start3A_187 = tpu.memref_squeeze %dma_start3A_186 : memref<1x32xi32, #tpu.memory_space<vmem>> -> memref<32xi32, #tpu.memory_space<vmem>>
    %dma_start3A_188 = arith.constant 0 : i32
    %dma_start3A_189 = arith.constant 0 : i32
    %dma_start3A_190 = tpu.memref_slice %arg13[%dma_start3A_188, %dma_start3A_189] : memref<1000x128xf32, #tpu.memory_space<hbm>> -> memref<1000x128xf32, #tpu.memory_space<hbm>>
    tpu.enqueue_indirect_dma source(%dma_start3A_190 : memref<1000x128xf32, #tpu.memory_space<hbm>>) target(%arg20 : memref<32x128xf32, #tpu.memory_space<vmem>>) offsets(%dma_start3A_187 : memref<32xi32, #tpu.memory_space<vmem>>) semaphore(%arg36 : memref<!tpu.dma_semaphore, #tpu.memory_space<semaphore_mem>>)
    %dma_start3A_191 = arith.constant 4 : i32
    %dma_start3A_192 = arith.constant 0 : i32
    %dma_start3A_193 = tpu.memref_slice %arg15[%dma_start3A_191, %dma_start3A_192] : memref<8x128xi32, #tpu.memory_space<vmem>> -> memref<1x32xi32, #tpu.memory_space<vmem>>
    %dma_start3A_194 = tpu.memref_squeeze %dma_start3A_193 : memref<1x32xi32, #tpu.memory_space<vmem>> -> memref<32xi32, #tpu.memory_space<vmem>>
    %dma_start3A_195 = arith.constant 0 : i32
    %dma_start3A_196 = arith.constant 0 : i32
    %dma_start3A_197 = tpu.memref_slice %arg11[%dma_start3A_195, %dma_start3A_196] : memref<100000x128xf32, #tpu.memory_space<hbm>> -> memref<100000x128xf32, #tpu.memory_space<hbm>>
    tpu.enqueue_indirect_dma source(%dma_start3A_197 : memref<100000x128xf32, #tpu.memory_space<hbm>>) target(%arg21 : memref<32x128xf32, #tpu.memory_space<vmem>>) offsets(%dma_start3A_194 : memref<32xi32, #tpu.memory_space<vmem>>) semaphore(%arg36 : memref<!tpu.dma_semaphore, #tpu.memory_space<semaphore_mem>>)
    %dma_start3A_198 = arith.constant 5 : i32
    %dma_start3A_199 = arith.constant 0 : i32
    %dma_start3A_200 = tpu.memref_slice %arg15[%dma_start3A_198, %dma_start3A_199] : memref<8x128xi32, #tpu.memory_space<vmem>> -> memref<1x32xi32, #tpu.memory_space<vmem>>
    %dma_start3A_201 = tpu.memref_squeeze %dma_start3A_200 : memref<1x32xi32, #tpu.memory_space<vmem>> -> memref<32xi32, #tpu.memory_space<vmem>>
    %dma_start3A_202 = arith.constant 0 : i32
    %dma_start3A_203 = arith.constant 0 : i32
    %dma_start3A_204 = tpu.memref_slice %arg13[%dma_start3A_202, %dma_start3A_203] : memref<1000x128xf32, #tpu.memory_space<hbm>> -> memref<1000x128xf32, #tpu.memory_space<hbm>>
    tpu.enqueue_indirect_dma source(%dma_start3A_204 : memref<1000x128xf32, #tpu.memory_space<hbm>>) target(%arg22 : memref<32x128xf32, #tpu.memory_space<vmem>>) offsets(%dma_start3A_201 : memref<32xi32, #tpu.memory_space<vmem>>) semaphore(%arg36 : memref<!tpu.dma_semaphore, #tpu.memory_space<semaphore_mem>>)
    %dma_start3A_205 = arith.constant 6 : i32
    %dma_start3A_206 = arith.constant 0 : i32
    %dma_start3A_207 = tpu.memref_slice %arg15[%dma_start3A_205, %dma_start3A_206] : memref<8x128xi32, #tpu.memory_space<vmem>> -> memref<1x32xi32, #tpu.memory_space<vmem>>
    %dma_start3A_208 = tpu.memref_squeeze %dma_start3A_207 : memref<1x32xi32, #tpu.memory_space<vmem>> -> memref<32xi32, #tpu.memory_space<vmem>>
    %dma_start3A_209 = arith.constant 0 : i32
    %dma_start3A_210 = arith.constant 0 : i32
    %dma_start3A_211 = tpu.memref_slice %arg12[%dma_start3A_209, %dma_start3A_210] : memref<1000x128xf32, #tpu.memory_space<hbm>> -> memref<1000x128xf32, #tpu.memory_space<hbm>>
    tpu.enqueue_indirect_dma source(%dma_start3A_211 : memref<1000x128xf32, #tpu.memory_space<hbm>>) target(%arg23 : memref<32x128xf32, #tpu.memory_space<vmem>>) offsets(%dma_start3A_208 : memref<32xi32, #tpu.memory_space<vmem>>) semaphore(%arg36 : memref<!tpu.dma_semaphore, #tpu.memory_space<semaphore_mem>>)
    %dma_start3A_212 = arith.constant 7 : i32
    %dma_start3A_213 = arith.constant 0 : i32
    %dma_start3A_214 = tpu.memref_slice %arg15[%dma_start3A_212, %dma_start3A_213] : memref<8x128xi32, #tpu.memory_space<vmem>> -> memref<1x32xi32, #tpu.memory_space<vmem>>
    %dma_start3A_215 = tpu.memref_squeeze %dma_start3A_214 : memref<1x32xi32, #tpu.memory_space<vmem>> -> memref<32xi32, #tpu.memory_space<vmem>>
    %dma_start3A_216 = arith.constant 0 : i32
    %dma_start3A_217 = arith.constant 0 : i32
    %dma_start3A_218 = tpu.memref_slice %arg12[%dma_start3A_216, %dma_start3A_217] : memref<1000x128xf32, #tpu.memory_space<hbm>> -> memref<1000x128xf32, #tpu.memory_space<hbm>>
    tpu.enqueue_indirect_dma source(%dma_start3A_218 : memref<1000x128xf32, #tpu.memory_space<hbm>>) target(%arg24 : memref<32x128xf32, #tpu.memory_space<vmem>>) offsets(%dma_start3A_215 : memref<32xi32, #tpu.memory_space<vmem>>) semaphore(%arg36 : memref<!tpu.dma_semaphore, #tpu.memory_space<semaphore_mem>>)
    %dma_start3A_219 = arith.constant 0 : i32
    %dma_start3A_220 = arith.constant 32 : i32
    %dma_start3A_221 = tpu.memref_slice %arg15[%dma_start3A_219, %dma_start3A_220] : memref<8x128xi32, #tpu.memory_space<vmem>> -> memref<1x32xi32, #tpu.memory_space<vmem>>
    %dma_start3A_222 = tpu.memref_squeeze %dma_start3A_221 : memref<1x32xi32, #tpu.memory_space<vmem>> -> memref<32xi32, #tpu.memory_space<vmem>>
    %dma_start3A_223 = arith.constant 0 : i32
    %dma_start3A_224 = arith.constant 0 : i32
    %dma_start3A_225 = tpu.memref_slice %arg11[%dma_start3A_223, %dma_start3A_224] : memref<100000x128xf32, #tpu.memory_space<hbm>> -> memref<100000x128xf32, #tpu.memory_space<hbm>>
    tpu.enqueue_indirect_dma source(%dma_start3A_225 : memref<100000x128xf32, #tpu.memory_space<hbm>>) target(%arg25 : memref<32x128xf32, #tpu.memory_space<vmem>>) offsets(%dma_start3A_222 : memref<32xi32, #tpu.memory_space<vmem>>) semaphore(%arg37 : memref<!tpu.dma_semaphore, #tpu.memory_space<semaphore_mem>>)
    %dma_start3A_226 = arith.constant 1 : i32
    %dma_start3A_227 = arith.constant 32 : i32
    %dma_start3A_228 = tpu.memref_slice %arg15[%dma_start3A_226, %dma_start3A_227] : memref<8x128xi32, #tpu.memory_space<vmem>> -> memref<1x32xi32, #tpu.memory_space<vmem>>
    %dma_start3A_229 = tpu.memref_squeeze %dma_start3A_228 : memref<1x32xi32, #tpu.memory_space<vmem>> -> memref<32xi32, #tpu.memory_space<vmem>>
    %dma_start3A_230 = arith.constant 0 : i32
    %dma_start3A_231 = arith.constant 0 : i32
    %dma_start3A_232 = tpu.memref_slice %arg13[%dma_start3A_230, %dma_start3A_231] : memref<1000x128xf32, #tpu.memory_space<hbm>> -> memref<1000x128xf32, #tpu.memory_space<hbm>>
    tpu.enqueue_indirect_dma source(%dma_start3A_232 : memref<1000x128xf32, #tpu.memory_space<hbm>>) target(%arg26 : memref<32x128xf32, #tpu.memory_space<vmem>>) offsets(%dma_start3A_229 : memref<32xi32, #tpu.memory_space<vmem>>) semaphore(%arg37 : memref<!tpu.dma_semaphore, #tpu.memory_space<semaphore_mem>>)
    %dma_start3A_233 = arith.constant 2 : i32
    %dma_start3A_234 = arith.constant 32 : i32
    %dma_start3A_235 = tpu.memref_slice %arg15[%dma_start3A_233, %dma_start3A_234] : memref<8x128xi32, #tpu.memory_space<vmem>> -> memref<1x32xi32, #tpu.memory_space<vmem>>
    %dma_start3A_236 = tpu.memref_squeeze %dma_start3A_235 : memref<1x32xi32, #tpu.memory_space<vmem>> -> memref<32xi32, #tpu.memory_space<vmem>>
    %dma_start3A_237 = arith.constant 0 : i32
    %dma_start3A_238 = arith.constant 0 : i32
    %dma_start3A_239 = tpu.memref_slice %arg11[%dma_start3A_237, %dma_start3A_238] : memref<100000x128xf32, #tpu.memory_space<hbm>> -> memref<100000x128xf32, #tpu.memory_space<hbm>>
    tpu.enqueue_indirect_dma source(%dma_start3A_239 : memref<100000x128xf32, #tpu.memory_space<hbm>>) target(%arg27 : memref<32x128xf32, #tpu.memory_space<vmem>>) offsets(%dma_start3A_236 : memref<32xi32, #tpu.memory_space<vmem>>) semaphore(%arg37 : memref<!tpu.dma_semaphore, #tpu.memory_space<semaphore_mem>>)
    %dma_start3A_240 = arith.constant 3 : i32
    %dma_start3A_241 = arith.constant 32 : i32
    %dma_start3A_242 = tpu.memref_slice %arg15[%dma_start3A_240, %dma_start3A_241] : memref<8x128xi32, #tpu.memory_space<vmem>> -> memref<1x32xi32, #tpu.memory_space<vmem>>
    %dma_start3A_243 = tpu.memref_squeeze %dma_start3A_242 : memref<1x32xi32, #tpu.memory_space<vmem>> -> memref<32xi32, #tpu.memory_space<vmem>>
    %dma_start3A_244 = arith.constant 0 : i32
    %dma_start3A_245 = arith.constant 0 : i32
    %dma_start3A_246 = tpu.memref_slice %arg13[%dma_start3A_244, %dma_start3A_245] : memref<1000x128xf32, #tpu.memory_space<hbm>> -> memref<1000x128xf32, #tpu.memory_space<hbm>>
    tpu.enqueue_indirect_dma source(%dma_start3A_246 : memref<1000x128xf32, #tpu.memory_space<hbm>>) target(%arg28 : memref<32x128xf32, #tpu.memory_space<vmem>>) offsets(%dma_start3A_243 : memref<32xi32, #tpu.memory_space<vmem>>) semaphore(%arg37 : memref<!tpu.dma_semaphore, #tpu.memory_space<semaphore_mem>>)
    %dma_start3A_247 = arith.constant 4 : i32
    %dma_start3A_248 = arith.constant 32 : i32
    %dma_start3A_249 = tpu.memref_slice %arg15[%dma_start3A_247, %dma_start3A_248] : memref<8x128xi32, #tpu.memory_space<vmem>> -> memref<1x32xi32, #tpu.memory_space<vmem>>
    %dma_start3A_250 = tpu.memref_squeeze %dma_start3A_249 : memref<1x32xi32, #tpu.memory_space<vmem>> -> memref<32xi32, #tpu.memory_space<vmem>>
    %dma_start3A_251 = arith.constant 0 : i32
    %dma_start3A_252 = arith.constant 0 : i32
    %dma_start3A_253 = tpu.memref_slice %arg11[%dma_start3A_251, %dma_start3A_252] : memref<100000x128xf32, #tpu.memory_space<hbm>> -> memref<100000x128xf32, #tpu.memory_space<hbm>>
    tpu.enqueue_indirect_dma source(%dma_start3A_253 : memref<100000x128xf32, #tpu.memory_space<hbm>>) target(%arg29 : memref<32x128xf32, #tpu.memory_space<vmem>>) offsets(%dma_start3A_250 : memref<32xi32, #tpu.memory_space<vmem>>) semaphore(%arg37 : memref<!tpu.dma_semaphore, #tpu.memory_space<semaphore_mem>>)
    %dma_start3A_254 = arith.constant 5 : i32
    %dma_start3A_255 = arith.constant 32 : i32
    %dma_start3A_256 = tpu.memref_slice %arg15[%dma_start3A_254, %dma_start3A_255] : memref<8x128xi32, #tpu.memory_space<vmem>> -> memref<1x32xi32, #tpu.memory_space<vmem>>
    %dma_start3A_257 = tpu.memref_squeeze %dma_start3A_256 : memref<1x32xi32, #tpu.memory_space<vmem>> -> memref<32xi32, #tpu.memory_space<vmem>>
    %dma_start3A_258 = arith.constant 0 : i32
    %dma_start3A_259 = arith.constant 0 : i32
    %dma_start3A_260 = tpu.memref_slice %arg13[%dma_start3A_258, %dma_start3A_259] : memref<1000x128xf32, #tpu.memory_space<hbm>> -> memref<1000x128xf32, #tpu.memory_space<hbm>>
    tpu.enqueue_indirect_dma source(%dma_start3A_260 : memref<1000x128xf32, #tpu.memory_space<hbm>>) target(%arg30 : memref<32x128xf32, #tpu.memory_space<vmem>>) offsets(%dma_start3A_257 : memref<32xi32, #tpu.memory_space<vmem>>) semaphore(%arg37 : memref<!tpu.dma_semaphore, #tpu.memory_space<semaphore_mem>>)
    %dma_start3A_261 = arith.constant 6 : i32
    %dma_start3A_262 = arith.constant 32 : i32
    %dma_start3A_263 = tpu.memref_slice %arg15[%dma_start3A_261, %dma_start3A_262] : memref<8x128xi32, #tpu.memory_space<vmem>> -> memref<1x32xi32, #tpu.memory_space<vmem>>
    %dma_start3A_264 = tpu.memref_squeeze %dma_start3A_263 : memref<1x32xi32, #tpu.memory_space<vmem>> -> memref<32xi32, #tpu.memory_space<vmem>>
    %dma_start3A_265 = arith.constant 0 : i32
    %dma_start3A_266 = arith.constant 0 : i32
    %dma_start3A_267 = tpu.memref_slice %arg12[%dma_start3A_265, %dma_start3A_266] : memref<1000x128xf32, #tpu.memory_space<hbm>> -> memref<1000x128xf32, #tpu.memory_space<hbm>>
    tpu.enqueue_indirect_dma source(%dma_start3A_267 : memref<1000x128xf32, #tpu.memory_space<hbm>>) target(%arg31 : memref<32x128xf32, #tpu.memory_space<vmem>>) offsets(%dma_start3A_264 : memref<32xi32, #tpu.memory_space<vmem>>) semaphore(%arg37 : memref<!tpu.dma_semaphore, #tpu.memory_space<semaphore_mem>>)
    %dma_start3A_268 = arith.constant 7 : i32
    %dma_start3A_269 = arith.constant 32 : i32
    %dma_start3A_270 = tpu.memref_slice %arg15[%dma_start3A_268, %dma_start3A_269] : memref<8x128xi32, #tpu.memory_space<vmem>> -> memref<1x32xi32, #tpu.memory_space<vmem>>
    %dma_start3A_271 = tpu.memref_squeeze %dma_start3A_270 : memref<1x32xi32, #tpu.memory_space<vmem>> -> memref<32xi32, #tpu.memory_space<vmem>>
    %dma_start3A_272 = arith.constant 0 : i32
    %dma_start3A_273 = arith.constant 0 : i32
    %dma_start3A_274 = tpu.memref_slice %arg12[%dma_start3A_272, %dma_start3A_273] : memref<1000x128xf32, #tpu.memory_space<hbm>> -> memref<1000x128xf32, #tpu.memory_space<hbm>>
    tpu.enqueue_indirect_dma source(%dma_start3A_274 : memref<1000x128xf32, #tpu.memory_space<hbm>>) target(%arg32 : memref<32x128xf32, #tpu.memory_space<vmem>>) offsets(%dma_start3A_271 : memref<32xi32, #tpu.memory_space<vmem>>) semaphore(%arg37 : memref<!tpu.dma_semaphore, #tpu.memory_space<semaphore_mem>>)
    %dma_wait3A_275 = arith.constant 0 : i32
    %dma_wait3A_276 = tpu.memref_slice %arg2[%mul3A_2, %dma_wait3A_275] : memref<4096x128xf32, #tpu.memory_space<hbm>> -> memref<128x128xf32, #tpu.memory_space<hbm>>
    %dma_wait3A_277 = arith.constant 0 : i32
    %dma_wait3A_278 = tpu.memref_slice %arg2[%mul3A_2, %dma_wait3A_277] : memref<4096x128xf32, #tpu.memory_space<hbm>> -> memref<128x128xf32, #tpu.memory_space<hbm>>
    tpu.wait_dma2 semaphore(%arg35 : memref<!tpu.dma_semaphore, #tpu.memory_space<semaphore_mem>>) src(%dma_wait3A_278 : memref<128x128xf32, #tpu.memory_space<hbm>>) dst(%arg16 : memref<128x128xf32, #tpu.memory_space<vmem>>)
    %broadcast_in_dim3A_279 = arith.constant 0.000000e+00 : f32
    %broadcast_in_dim3A_280 = vector.broadcast %broadcast_in_dim3A_279 : f32 to vector<16xf32>
    %dma_wait3A_281 = arith.constant 0 : i32
    %dma_wait3A_282 = arith.constant 0 : i32
    %dma_wait3A_283 = tpu.memref_slice %arg15[%dma_wait3A_281, %dma_wait3A_282] : memref<8x128xi32, #tpu.memory_space<vmem>> -> memref<1x32xi32, #tpu.memory_space<vmem>>
    %dma_wait3A_284 = tpu.memref_squeeze %dma_wait3A_283 : memref<1x32xi32, #tpu.memory_space<vmem>> -> memref<32xi32, #tpu.memory_space<vmem>>
    %dma_wait3A_285 = arith.constant 0 : i32
    %dma_wait3A_286 = arith.constant 0 : i32
    %dma_wait3A_287 = tpu.memref_slice %arg11[%dma_wait3A_285, %dma_wait3A_286] : memref<100000x128xf32, #tpu.memory_space<hbm>> -> memref<100000x128xf32, #tpu.memory_space<hbm>>
    tpu.wait_indirect_dma semaphore(%arg36 : memref<!tpu.dma_semaphore, #tpu.memory_space<semaphore_mem>>) src(%dma_wait3A_287 : memref<100000x128xf32, #tpu.memory_space<hbm>>) dst(%arg17 : memref<32x128xf32, #tpu.memory_space<vmem>>)
    %dma_wait3A_288 = arith.constant 1 : i32
    %dma_wait3A_289 = arith.constant 0 : i32
    %dma_wait3A_290 = tpu.memref_slice %arg15[%dma_wait3A_288, %dma_wait3A_289] : memref<8x128xi32, #tpu.memory_space<vmem>> -> memref<1x32xi32, #tpu.memory_space<vmem>>
    %dma_wait3A_291 = tpu.memref_squeeze %dma_wait3A_290 : memref<1x32xi32, #tpu.memory_space<vmem>> -> memref<32xi32, #tpu.memory_space<vmem>>
    %dma_wait3A_292 = arith.constant 0 : i32
    %dma_wait3A_293 = arith.constant 0 : i32
    %dma_wait3A_294 = tpu.memref_slice %arg13[%dma_wait3A_292, %dma_wait3A_293] : memref<1000x128xf32, #tpu.memory_space<hbm>> -> memref<1000x128xf32, #tpu.memory_space<hbm>>
    tpu.wait_indirect_dma semaphore(%arg36 : memref<!tpu.dma_semaphore, #tpu.memory_space<semaphore_mem>>) src(%dma_wait3A_294 : memref<1000x128xf32, #tpu.memory_space<hbm>>) dst(%arg18 : memref<32x128xf32, #tpu.memory_space<vmem>>)
    %dma_wait3A_295 = arith.constant 2 : i32
    %dma_wait3A_296 = arith.constant 0 : i32
    %dma_wait3A_297 = tpu.memref_slice %arg15[%dma_wait3A_295, %dma_wait3A_296] : memref<8x128xi32, #tpu.memory_space<vmem>> -> memref<1x32xi32, #tpu.memory_space<vmem>>
    %dma_wait3A_298 = tpu.memref_squeeze %dma_wait3A_297 : memref<1x32xi32, #tpu.memory_space<vmem>> -> memref<32xi32, #tpu.memory_space<vmem>>
    %dma_wait3A_299 = arith.constant 0 : i32
    %dma_wait3A_300 = arith.constant 0 : i32
    %dma_wait3A_301 = tpu.memref_slice %arg11[%dma_wait3A_299, %dma_wait3A_300] : memref<100000x128xf32, #tpu.memory_space<hbm>> -> memref<100000x128xf32, #tpu.memory_space<hbm>>
    tpu.wait_indirect_dma semaphore(%arg36 : memref<!tpu.dma_semaphore, #tpu.memory_space<semaphore_mem>>) src(%dma_wait3A_301 : memref<100000x128xf32, #tpu.memory_space<hbm>>) dst(%arg19 : memref<32x128xf32, #tpu.memory_space<vmem>>)
    %dma_wait3A_302 = arith.constant 3 : i32
    %dma_wait3A_303 = arith.constant 0 : i32
    %dma_wait3A_304 = tpu.memref_slice %arg15[%dma_wait3A_302, %dma_wait3A_303] : memref<8x128xi32, #tpu.memory_space<vmem>> -> memref<1x32xi32, #tpu.memory_space<vmem>>
    %dma_wait3A_305 = tpu.memref_squeeze %dma_wait3A_304 : memref<1x32xi32, #tpu.memory_space<vmem>> -> memref<32xi32, #tpu.memory_space<vmem>>
    %dma_wait3A_306 = arith.constant 0 : i32
    %dma_wait3A_307 = arith.constant 0 : i32
    %dma_wait3A_308 = tpu.memref_slice %arg13[%dma_wait3A_306, %dma_wait3A_307] : memref<1000x128xf32, #tpu.memory_space<hbm>> -> memref<1000x128xf32, #tpu.memory_space<hbm>>
    tpu.wait_indirect_dma semaphore(%arg36 : memref<!tpu.dma_semaphore, #tpu.memory_space<semaphore_mem>>) src(%dma_wait3A_308 : memref<1000x128xf32, #tpu.memory_space<hbm>>) dst(%arg20 : memref<32x128xf32, #tpu.memory_space<vmem>>)
    %dma_wait3A_309 = arith.constant 4 : i32
    %dma_wait3A_310 = arith.constant 0 : i32
    %dma_wait3A_311 = tpu.memref_slice %arg15[%dma_wait3A_309, %dma_wait3A_310] : memref<8x128xi32, #tpu.memory_space<vmem>> -> memref<1x32xi32, #tpu.memory_space<vmem>>
    %dma_wait3A_312 = tpu.memref_squeeze %dma_wait3A_311 : memref<1x32xi32, #tpu.memory_space<vmem>> -> memref<32xi32, #tpu.memory_space<vmem>>
    %dma_wait3A_313 = arith.constant 0 : i32
    %dma_wait3A_314 = arith.constant 0 : i32
    %dma_wait3A_315 = tpu.memref_slice %arg11[%dma_wait3A_313, %dma_wait3A_314] : memref<100000x128xf32, #tpu.memory_space<hbm>> -> memref<100000x128xf32, #tpu.memory_space<hbm>>
    tpu.wait_indirect_dma semaphore(%arg36 : memref<!tpu.dma_semaphore, #tpu.memory_space<semaphore_mem>>) src(%dma_wait3A_315 : memref<100000x128xf32, #tpu.memory_space<hbm>>) dst(%arg21 : memref<32x128xf32, #tpu.memory_space<vmem>>)
    %dma_wait3A_316 = arith.constant 5 : i32
    %dma_wait3A_317 = arith.constant 0 : i32
    %dma_wait3A_318 = tpu.memref_slice %arg15[%dma_wait3A_316, %dma_wait3A_317] : memref<8x128xi32, #tpu.memory_space<vmem>> -> memref<1x32xi32, #tpu.memory_space<vmem>>
    %dma_wait3A_319 = tpu.memref_squeeze %dma_wait3A_318 : memref<1x32xi32, #tpu.memory_space<vmem>> -> memref<32xi32, #tpu.memory_space<vmem>>
    %dma_wait3A_320 = arith.constant 0 : i32
    %dma_wait3A_321 = arith.constant 0 : i32
    %dma_wait3A_322 = tpu.memref_slice %arg13[%dma_wait3A_320, %dma_wait3A_321] : memref<1000x128xf32, #tpu.memory_space<hbm>> -> memref<1000x128xf32, #tpu.memory_space<hbm>>
    tpu.wait_indirect_dma semaphore(%arg36 : memref<!tpu.dma_semaphore, #tpu.memory_space<semaphore_mem>>) src(%dma_wait3A_322 : memref<1000x128xf32, #tpu.memory_space<hbm>>) dst(%arg22 : memref<32x128xf32, #tpu.memory_space<vmem>>)
    %dma_wait3A_323 = arith.constant 6 : i32
    %dma_wait3A_324 = arith.constant 0 : i32
    %dma_wait3A_325 = tpu.memref_slice %arg15[%dma_wait3A_323, %dma_wait3A_324] : memref<8x128xi32, #tpu.memory_space<vmem>> -> memref<1x32xi32, #tpu.memory_space<vmem>>
    %dma_wait3A_326 = tpu.memref_squeeze %dma_wait3A_325 : memref<1x32xi32, #tpu.memory_space<vmem>> -> memref<32xi32, #tpu.memory_space<vmem>>
    %dma_wait3A_327 = arith.constant 0 : i32
    %dma_wait3A_328 = arith.constant 0 : i32
    %dma_wait3A_329 = tpu.memref_slice %arg12[%dma_wait3A_327, %dma_wait3A_328] : memref<1000x128xf32, #tpu.memory_space<hbm>> -> memref<1000x128xf32, #tpu.memory_space<hbm>>
    tpu.wait_indirect_dma semaphore(%arg36 : memref<!tpu.dma_semaphore, #tpu.memory_space<semaphore_mem>>) src(%dma_wait3A_329 : memref<1000x128xf32, #tpu.memory_space<hbm>>) dst(%arg23 : memref<32x128xf32, #tpu.memory_space<vmem>>)
    %dma_wait3A_330 = arith.constant 7 : i32
    %dma_wait3A_331 = arith.constant 0 : i32
    %dma_wait3A_332 = tpu.memref_slice %arg15[%dma_wait3A_330, %dma_wait3A_331] : memref<8x128xi32, #tpu.memory_space<vmem>> -> memref<1x32xi32, #tpu.memory_space<vmem>>
    %dma_wait3A_333 = tpu.memref_squeeze %dma_wait3A_332 : memref<1x32xi32, #tpu.memory_space<vmem>> -> memref<32xi32, #tpu.memory_space<vmem>>
    %dma_wait3A_334 = arith.constant 0 : i32
    %dma_wait3A_335 = arith.constant 0 : i32
    %dma_wait3A_336 = tpu.memref_slice %arg12[%dma_wait3A_334, %dma_wait3A_335] : memref<1000x128xf32, #tpu.memory_space<hbm>> -> memref<1000x128xf32, #tpu.memory_space<hbm>>
    tpu.wait_indirect_dma semaphore(%arg36 : memref<!tpu.dma_semaphore, #tpu.memory_space<semaphore_mem>>) src(%dma_wait3A_336 : memref<1000x128xf32, #tpu.memory_space<hbm>>) dst(%arg24 : memref<32x128xf32, #tpu.memory_space<vmem>>)
    %scan3A = arith.constant 0 : i32
    %scan3A_337 = arith.constant 32 : i32
    %scan3A_338 = arith.addi %scan3A, %scan3A_337 : i32
    %scan3A_339 = arith.constant 1 : i32
    %scan3A_340 = scf.for %scan3A_643 = %scan3A to %scan3A_338 step %scan3A_339 iter_args(%scan3A_644 = %broadcast_in_dim3A_280) -> (vector<16xf32>)  : i32 {
      %broadcast_in_dim3A_645 = arith.constant 0.000000e+00 : f32
      %broadcast_in_dim3A_646 = vector.broadcast %broadcast_in_dim3A_645 : f32 to vector<16xf32>
      %get3A = arith.index_cast %scan3A_643 : i32 to index
      %get3A_647 = arith.constant 0 : index
      %get3A_648 = tpu.vector_load %arg17[%get3A, %get3A_647] {strides = array<i32>} : memref<32x128xf32, #tpu.memory_space<vmem>>, vector<1x16xf32>,
      %get3A_649 = vector.shape_cast %get3A_648 : vector<1x16xf32> to vector<16xf32>
      %get3A_650 = arith.index_cast %scan3A_643 : i32 to index
      %get3A_651 = arith.constant 0 : index
      %get3A_652 = tpu.vector_load %arg18[%get3A_650, %get3A_651] {strides = array<i32>} : memref<32x128xf32, #tpu.memory_space<vmem>>, vector<1x16xf32>,
      %get3A_653 = vector.shape_cast %get3A_652 : vector<1x16xf32> to vector<16xf32>
      %add3A_654 = arith.addf %get3A_649, %get3A_653 : vector<16xf32>
      %add3A_655 = arith.constant 0 : i32
      %add3A_656 = arith.addi %add3A_655, %scan3A_643 : i32
      %get3A_657 = arith.index_cast %add3A_656 : i32 to index
      %get3A_658 = arith.constant 0 : index
      %get3A_659 = tpu.vector_load %arg16[%get3A_657, %get3A_658] {strides = array<i32>} : memref<128x128xf32, #tpu.memory_space<vmem>>, vector<1x16xf32>,
      %get3A_660 = vector.shape_cast %get3A_659 : vector<1x16xf32> to vector<16xf32>
      %add3A_661 = arith.addf %add3A_654, %get3A_660 : vector<16xf32>
      %get3A_662 = arith.index_cast %scan3A_643 : i32 to index
      %get3A_663 = arith.constant 64 : index
      %get3A_664 = tpu.vector_load %arg17[%get3A_662, %get3A_663] {strides = array<i32>} : memref<32x128xf32, #tpu.memory_space<vmem>>, vector<1x16xf32>,
      %get3A_665 = vector.shape_cast %get3A_664 : vector<1x16xf32> to vector<16xf32>
      %get3A_666 = arith.index_cast %scan3A_643 : i32 to index
      %get3A_667 = arith.constant 64 : index
      %get3A_668 = tpu.vector_load %arg18[%get3A_666, %get3A_667] {strides = array<i32>} : memref<32x128xf32, #tpu.memory_space<vmem>>, vector<1x16xf32>,
      %get3A_669 = vector.shape_cast %get3A_668 : vector<1x16xf32> to vector<16xf32>
      %add3A_670 = arith.addf %get3A_665, %get3A_669 : vector<16xf32>
      %add3A_671 = arith.constant 0 : i32
      %add3A_672 = arith.addi %add3A_671, %scan3A_643 : i32
      %get3A_673 = arith.index_cast %add3A_672 : i32 to index
      %get3A_674 = arith.constant 64 : index
      %get3A_675 = tpu.vector_load %arg16[%get3A_673, %get3A_674] {strides = array<i32>} : memref<128x128xf32, #tpu.memory_space<vmem>>, vector<1x16xf32>,
      %get3A_676 = vector.shape_cast %get3A_675 : vector<1x16xf32> to vector<16xf32>
      %add3A_677 = arith.addf %add3A_670, %get3A_676 : vector<16xf32>
      %get3A_678 = arith.index_cast %scan3A_643 : i32 to index
      %get3A_679 = arith.constant 0 : index
      %get3A_680 = tpu.vector_load %arg19[%get3A_678, %get3A_679] {strides = array<i32>} : memref<32x128xf32, #tpu.memory_space<vmem>>, vector<1x16xf32>,
      %get3A_681 = vector.shape_cast %get3A_680 : vector<1x16xf32> to vector<16xf32>
      %get3A_682 = arith.index_cast %scan3A_643 : i32 to index
      %get3A_683 = arith.constant 0 : index
      %get3A_684 = tpu.vector_load %arg20[%get3A_682, %get3A_683] {strides = array<i32>} : memref<32x128xf32, #tpu.memory_space<vmem>>, vector<1x16xf32>,
      %get3A_685 = vector.shape_cast %get3A_684 : vector<1x16xf32> to vector<16xf32>
      %add3A_686 = arith.addf %get3A_681, %get3A_685 : vector<16xf32>
      %get3A_687 = arith.index_cast %scan3A_643 : i32 to index
      %get3A_688 = arith.constant 64 : index
      %get3A_689 = tpu.vector_load %arg19[%get3A_687, %get3A_688] {strides = array<i32>} : memref<32x128xf32, #tpu.memory_space<vmem>>, vector<1x16xf32>,
      %get3A_690 = vector.shape_cast %get3A_689 : vector<1x16xf32> to vector<16xf32>
      %get3A_691 = arith.index_cast %scan3A_643 : i32 to index
      %get3A_692 = arith.constant 64 : index
      %get3A_693 = tpu.vector_load %arg20[%get3A_691, %get3A_692] {strides = array<i32>} : memref<32x128xf32, #tpu.memory_space<vmem>>, vector<1x16xf32>,
      %get3A_694 = vector.shape_cast %get3A_693 : vector<1x16xf32> to vector<16xf32>
      %add3A_695 = arith.addf %get3A_690, %get3A_694 : vector<16xf32>
      %get3A_696 = arith.index_cast %scan3A_643 : i32 to index
      %get3A_697 = arith.constant 0 : index
      %get3A_698 = tpu.vector_load %arg21[%get3A_696, %get3A_697] {strides = array<i32>} : memref<32x128xf32, #tpu.memory_space<vmem>>, vector<1x16xf32>,
      %get3A_699 = vector.shape_cast %get3A_698 : vector<1x16xf32> to vector<16xf32>
      %get3A_700 = arith.index_cast %scan3A_643 : i32 to index
      %get3A_701 = arith.constant 0 : index
      %get3A_702 = tpu.vector_load %arg22[%get3A_700, %get3A_701] {strides = array<i32>} : memref<32x128xf32, #tpu.memory_space<vmem>>, vector<1x16xf32>,
      %get3A_703 = vector.shape_cast %get3A_702 : vector<1x16xf32> to vector<16xf32>
      %add3A_704 = arith.addf %get3A_699, %get3A_703 : vector<16xf32>
      %get3A_705 = arith.index_cast %scan3A_643 : i32 to index
      %get3A_706 = arith.constant 64 : index
      %get3A_707 = tpu.vector_load %arg21[%get3A_705, %get3A_706] {strides = array<i32>} : memref<32x128xf32, #tpu.memory_space<vmem>>, vector<1x16xf32>,
      %get3A_708 = vector.shape_cast %get3A_707 : vector<1x16xf32> to vector<16xf32>
      %get3A_709 = arith.index_cast %scan3A_643 : i32 to index
      %get3A_710 = arith.constant 64 : index
      %get3A_711 = tpu.vector_load %arg22[%get3A_709, %get3A_710] {strides = array<i32>} : memref<32x128xf32, #tpu.memory_space<vmem>>, vector<1x16xf32>,
      %get3A_712 = vector.shape_cast %get3A_711 : vector<1x16xf32> to vector<16xf32>
      %add3A_713 = arith.addf %get3A_708, %get3A_712 : vector<16xf32>
      %get3A_714 = arith.index_cast %scan3A_643 : i32 to index
      %get3A_715 = arith.constant 0 : index
      %get3A_716 = tpu.vector_load %arg23[%get3A_714, %get3A_715] {strides = array<i32>} : memref<32x128xf32, #tpu.memory_space<vmem>>, vector<1x16xf32>,
      %get3A_717 = vector.shape_cast %get3A_716 : vector<1x16xf32> to vector<16xf32>
      %get3A_718 = arith.index_cast %scan3A_643 : i32 to index
      %get3A_719 = arith.constant 64 : index
      %get3A_720 = tpu.vector_load %arg23[%get3A_718, %get3A_719] {strides = array<i32>} : memref<32x128xf32, #tpu.memory_space<vmem>>, vector<1x16xf32>,
      %get3A_721 = vector.shape_cast %get3A_720 : vector<1x16xf32> to vector<16xf32>
      %get3A_722 = arith.index_cast %scan3A_643 : i32 to index
      %get3A_723 = arith.constant 0 : index
      %get3A_724 = tpu.vector_load %arg24[%get3A_722, %get3A_723] {strides = array<i32>} : memref<32x128xf32, #tpu.memory_space<vmem>>, vector<1x16xf32>,
      %get3A_725 = vector.shape_cast %get3A_724 : vector<1x16xf32> to vector<16xf32>
      %get3A_726 = arith.index_cast %scan3A_643 : i32 to index
      %get3A_727 = arith.constant 64 : index
      %get3A_728 = tpu.vector_load %arg24[%get3A_726, %get3A_727] {strides = array<i32>} : memref<32x128xf32, #tpu.memory_space<vmem>>, vector<1x16xf32>,
      %get3A_729 = vector.shape_cast %get3A_728 : vector<1x16xf32> to vector<16xf32>
      %mul3A_730 = arith.mulf %add3A_661, %add3A_704 : vector<16xf32>
      %mul3A_731 = arith.mulf %add3A_677, %add3A_713 : vector<16xf32>
      %add3A_732 = arith.addf %mul3A_730, %mul3A_731 : vector<16xf32>
      %mul3A_733 = arith.mulf %get3A_725, %add3A_732 : vector<16xf32>
      %mul3A_734 = arith.mulf %add3A_661, %add3A_713 : vector<16xf32>
      %mul3A_735 = arith.mulf %add3A_677, %add3A_704 : vector<16xf32>
      %sub3A = arith.subf %mul3A_734, %mul3A_735 : vector<16xf32>
      %mul3A_736 = arith.mulf %get3A_729, %sub3A : vector<16xf32>
      %add3A_737 = arith.addf %mul3A_733, %mul3A_736 : vector<16xf32>
      %mul3A_738 = arith.mulf %add3A_661, %add3A_686 : vector<16xf32>
      %mul3A_739 = arith.mulf %add3A_677, %add3A_695 : vector<16xf32>
      %add3A_740 = arith.addf %mul3A_738, %mul3A_739 : vector<16xf32>
      %mul3A_741 = arith.mulf %get3A_717, %add3A_740 : vector<16xf32>
      %sub3A_742 = arith.subf %add3A_737, %mul3A_741 : vector<16xf32>
      %mul3A_743 = arith.mulf %add3A_661, %add3A_695 : vector<16xf32>
      %mul3A_744 = arith.mulf %add3A_677, %add3A_686 : vector<16xf32>
      %sub3A_745 = arith.subf %mul3A_743, %mul3A_744 : vector<16xf32>
      %mul3A_746 = arith.mulf %get3A_721, %sub3A_745 : vector<16xf32>
      %sub3A_747 = arith.subf %sub3A_742, %mul3A_746 : vector<16xf32>
      %add3A_748 = arith.addf %broadcast_in_dim3A_646, %sub3A_747 : vector<16xf32>
      %get3A_749 = arith.index_cast %scan3A_643 : i32 to index
      %get3A_750 = arith.constant 16 : index
      %get3A_751 = tpu.vector_load %arg17[%get3A_749, %get3A_750] {strides = array<i32>} : memref<32x128xf32, #tpu.memory_space<vmem>>, vector<1x16xf32>,
      %get3A_752 = vector.shape_cast %get3A_751 : vector<1x16xf32> to vector<16xf32>
      %get3A_753 = arith.index_cast %scan3A_643 : i32 to index
      %get3A_754 = arith.constant 16 : index
      %get3A_755 = tpu.vector_load %arg18[%get3A_753, %get3A_754] {strides = array<i32>} : memref<32x128xf32, #tpu.memory_space<vmem>>, vector<1x16xf32>,
      %get3A_756 = vector.shape_cast %get3A_755 : vector<1x16xf32> to vector<16xf32>
      %add3A_757 = arith.addf %get3A_752, %get3A_756 : vector<16xf32>
      %add3A_758 = arith.constant 0 : i32
      %add3A_759 = arith.addi %add3A_758, %scan3A_643 : i32
      %get3A_760 = arith.index_cast %add3A_759 : i32 to index
      %get3A_761 = arith.constant 16 : index
      %get3A_762 = tpu.vector_load %arg16[%get3A_760, %get3A_761] {strides = array<i32>} : memref<128x128xf32, #tpu.memory_space<vmem>>, vector<1x16xf32>,
      %get3A_763 = vector.shape_cast %get3A_762 : vector<1x16xf32> to vector<16xf32>
      %add3A_764 = arith.addf %add3A_757, %get3A_763 : vector<16xf32>
      %get3A_765 = arith.index_cast %scan3A_643 : i32 to index
      %get3A_766 = arith.constant 80 : index
      %get3A_767 = tpu.vector_load %arg17[%get3A_765, %get3A_766] {strides = array<i32>} : memref<32x128xf32, #tpu.memory_space<vmem>>, vector<1x16xf32>,
      %get3A_768 = vector.shape_cast %get3A_767 : vector<1x16xf32> to vector<16xf32>
      %get3A_769 = arith.index_cast %scan3A_643 : i32 to index
      %get3A_770 = arith.constant 80 : index
      %get3A_771 = tpu.vector_load %arg18[%get3A_769, %get3A_770] {strides = array<i32>} : memref<32x128xf32, #tpu.memory_space<vmem>>, vector<1x16xf32>,
      %get3A_772 = vector.shape_cast %get3A_771 : vector<1x16xf32> to vector<16xf32>
      %add3A_773 = arith.addf %get3A_768, %get3A_772 : vector<16xf32>
      %add3A_774 = arith.constant 0 : i32
      %add3A_775 = arith.addi %add3A_774, %scan3A_643 : i32
      %get3A_776 = arith.index_cast %add3A_775 : i32 to index
      %get3A_777 = arith.constant 80 : index
      %get3A_778 = tpu.vector_load %arg16[%get3A_776, %get3A_777] {strides = array<i32>} : memref<128x128xf32, #tpu.memory_space<vmem>>, vector<1x16xf32>,
      %get3A_779 = vector.shape_cast %get3A_778 : vector<1x16xf32> to vector<16xf32>
      %add3A_780 = arith.addf %add3A_773, %get3A_779 : vector<16xf32>
      %get3A_781 = arith.index_cast %scan3A_643 : i32 to index
      %get3A_782 = arith.constant 16 : index
      %get3A_783 = tpu.vector_load %arg19[%get3A_781, %get3A_782] {strides = array<i32>} : memref<32x128xf32, #tpu.memory_space<vmem>>, vector<1x16xf32>,
      %get3A_784 = vector.shape_cast %get3A_783 : vector<1x16xf32> to vector<16xf32>
      %get3A_785 = arith.index_cast %scan3A_643 : i32 to index
      %get3A_786 = arith.constant 16 : index
      %get3A_787 = tpu.vector_load %arg20[%get3A_785, %get3A_786] {strides = array<i32>} : memref<32x128xf32, #tpu.memory_space<vmem>>, vector<1x16xf32>,
      %get3A_788 = vector.shape_cast %get3A_787 : vector<1x16xf32> to vector<16xf32>
      %add3A_789 = arith.addf %get3A_784, %get3A_788 : vector<16xf32>
      %get3A_790 = arith.index_cast %scan3A_643 : i32 to index
      %get3A_791 = arith.constant 80 : index
      %get3A_792 = tpu.vector_load %arg19[%get3A_790, %get3A_791] {strides = array<i32>} : memref<32x128xf32, #tpu.memory_space<vmem>>, vector<1x16xf32>,
      %get3A_793 = vector.shape_cast %get3A_792 : vector<1x16xf32> to vector<16xf32>
      %get3A_794 = arith.index_cast %scan3A_643 : i32 to index
      %get3A_795 = arith.constant 80 : index
      %get3A_796 = tpu.vector_load %arg20[%get3A_794, %get3A_795] {strides = array<i32>} : memref<32x128xf32, #tpu.memory_space<vmem>>, vector<1x16xf32>,
      %get3A_797 = vector.shape_cast %get3A_796 : vector<1x16xf32> to vector<16xf32>
      %add3A_798 = arith.addf %get3A_793, %get3A_797 : vector<16xf32>
      %get3A_799 = arith.index_cast %scan3A_643 : i32 to index
      %get3A_800 = arith.constant 16 : index
      %get3A_801 = tpu.vector_load %arg21[%get3A_799, %get3A_800] {strides = array<i32>} : memref<32x128xf32, #tpu.memory_space<vmem>>, vector<1x16xf32>,
      %get3A_802 = vector.shape_cast %get3A_801 : vector<1x16xf32> to vector<16xf32>
      %get3A_803 = arith.index_cast %scan3A_643 : i32 to index
      %get3A_804 = arith.constant 16 : index
      %get3A_805 = tpu.vector_load %arg22[%get3A_803, %get3A_804] {strides = array<i32>} : memref<32x128xf32, #tpu.memory_space<vmem>>, vector<1x16xf32>,
      %get3A_806 = vector.shape_cast %get3A_805 : vector<1x16xf32> to vector<16xf32>
      %add3A_807 = arith.addf %get3A_802, %get3A_806 : vector<16xf32>
      %get3A_808 = arith.index_cast %scan3A_643 : i32 to index
      %get3A_809 = arith.constant 80 : index
      %get3A_810 = tpu.vector_load %arg21[%get3A_808, %get3A_809] {strides = array<i32>} : memref<32x128xf32, #tpu.memory_space<vmem>>, vector<1x16xf32>,
      %get3A_811 = vector.shape_cast %get3A_810 : vector<1x16xf32> to vector<16xf32>
      %get3A_812 = arith.index_cast %scan3A_643 : i32 to index
      %get3A_813 = arith.constant 80 : index
      %get3A_814 = tpu.vector_load %arg22[%get3A_812, %get3A_813] {strides = array<i32>} : memref<32x128xf32, #tpu.memory_space<vmem>>, vector<1x16xf32>,
      %get3A_815 = vector.shape_cast %get3A_814 : vector<1x16xf32> to vector<16xf32>
      %add3A_816 = arith.addf %get3A_811, %get3A_815 : vector<16xf32>
      %get3A_817 = arith.index_cast %scan3A_643 : i32 to index
      %get3A_818 = arith.constant 16 : index
      %get3A_819 = tpu.vector_load %arg23[%get3A_817, %get3A_818] {strides = array<i32>} : memref<32x128xf32, #tpu.memory_space<vmem>>, vector<1x16xf32>,
      %get3A_820 = vector.shape_cast %get3A_819 : vector<1x16xf32> to vector<16xf32>
      %get3A_821 = arith.index_cast %scan3A_643 : i32 to index
      %get3A_822 = arith.constant 80 : index
      %get3A_823 = tpu.vector_load %arg23[%get3A_821, %get3A_822] {strides = array<i32>} : memref<32x128xf32, #tpu.memory_space<vmem>>, vector<1x16xf32>,
      %get3A_824 = vector.shape_cast %get3A_823 : vector<1x16xf32> to vector<16xf32>
      %get3A_825 = arith.index_cast %scan3A_643 : i32 to index
      %get3A_826 = arith.constant 16 : index
      %get3A_827 = tpu.vector_load %arg24[%get3A_825, %get3A_826] {strides = array<i32>} : memref<32x128xf32, #tpu.memory_space<vmem>>, vector<1x16xf32>,
      %get3A_828 = vector.shape_cast %get3A_827 : vector<1x16xf32> to vector<16xf32>
      %get3A_829 = arith.index_cast %scan3A_643 : i32 to index
      %get3A_830 = arith.constant 80 : index
      %get3A_831 = tpu.vector_load %arg24[%get3A_829, %get3A_830] {strides = array<i32>} : memref<32x128xf32, #tpu.memory_space<vmem>>, vector<1x16xf32>,
      %get3A_832 = vector.shape_cast %get3A_831 : vector<1x16xf32> to vector<16xf32>
      %mul3A_833 = arith.mulf %add3A_764, %add3A_807 : vector<16xf32>
      %mul3A_834 = arith.mulf %add3A_780, %add3A_816 : vector<16xf32>
      %add3A_835 = arith.addf %mul3A_833, %mul3A_834 : vector<16xf32>
      %mul3A_836 = arith.mulf %get3A_828, %add3A_835 : vector<16xf32>
      %mul3A_837 = arith.mulf %add3A_764, %add3A_816 : vector<16xf32>
      %mul3A_838 = arith.mulf %add3A_780, %add3A_807 : vector<16xf32>
      %sub3A_839 = arith.subf %mul3A_837, %mul3A_838 : vector<16xf32>
      %mul3A_840 = arith.mulf %get3A_832, %sub3A_839 : vector<16xf32>
      %add3A_841 = arith.addf %mul3A_836, %mul3A_840 : vector<16xf32>
      %mul3A_842 = arith.mulf %add3A_764, %add3A_789 : vector<16xf32>
      %mul3A_843 = arith.mulf %add3A_780, %add3A_798 : vector<16xf32>
      %add3A_844 = arith.addf %mul3A_842, %mul3A_843 : vector<16xf32>
      %mul3A_845 = arith.mulf %get3A_820, %add3A_844 : vector<16xf32>
      %sub3A_846 = arith.subf %add3A_841, %mul3A_845 : vector<16xf32>
      %mul3A_847 = arith.mulf %add3A_764, %add3A_798 : vector<16xf32>
      %mul3A_848 = arith.mulf %add3A_780, %add3A_789 : vector<16xf32>
      %sub3A_849 = arith.subf %mul3A_847, %mul3A_848 : vector<16xf32>
      %mul3A_850 = arith.mulf %get3A_824, %sub3A_849 : vector<16xf32>
      %sub3A_851 = arith.subf %sub3A_846, %mul3A_850 : vector<16xf32>
      %add3A_852 = arith.addf %add3A_748, %sub3A_851 : vector<16xf32>
      %get3A_853 = arith.index_cast %scan3A_643 : i32 to index
      %get3A_854 = arith.constant 32 : index
      %get3A_855 = tpu.vector_load %arg17[%get3A_853, %get3A_854] {strides = array<i32>} : memref<32x128xf32, #tpu.memory_space<vmem>>, vector<1x16xf32>,
      %get3A_856 = vector.shape_cast %get3A_855 : vector<1x16xf32> to vector<16xf32>
      %get3A_857 = arith.index_cast %scan3A_643 : i32 to index
      %get3A_858 = arith.constant 32 : index
      %get3A_859 = tpu.vector_load %arg18[%get3A_857, %get3A_858] {strides = array<i32>} : memref<32x128xf32, #tpu.memory_space<vmem>>, vector<1x16xf32>,
      %get3A_860 = vector.shape_cast %get3A_859 : vector<1x16xf32> to vector<16xf32>
      %add3A_861 = arith.addf %get3A_856, %get3A_860 : vector<16xf32>
      %add3A_862 = arith.constant 0 : i32
      %add3A_863 = arith.addi %add3A_862, %scan3A_643 : i32
      %get3A_864 = arith.index_cast %add3A_863 : i32 to index
      %get3A_865 = arith.constant 32 : index
      %get3A_866 = tpu.vector_load %arg16[%get3A_864, %get3A_865] {strides = array<i32>} : memref<128x128xf32, #tpu.memory_space<vmem>>, vector<1x16xf32>,
      %get3A_867 = vector.shape_cast %get3A_866 : vector<1x16xf32> to vector<16xf32>
      %add3A_868 = arith.addf %add3A_861, %get3A_867 : vector<16xf32>
      %get3A_869 = arith.index_cast %scan3A_643 : i32 to index
      %get3A_870 = arith.constant 96 : index
      %get3A_871 = tpu.vector_load %arg17[%get3A_869, %get3A_870] {strides = array<i32>} : memref<32x128xf32, #tpu.memory_space<vmem>>, vector<1x16xf32>,
      %get3A_872 = vector.shape_cast %get3A_871 : vector<1x16xf32> to vector<16xf32>
      %get3A_873 = arith.index_cast %scan3A_643 : i32 to index
      %get3A_874 = arith.constant 96 : index
      %get3A_875 = tpu.vector_load %arg18[%get3A_873, %get3A_874] {strides = array<i32>} : memref<32x128xf32, #tpu.memory_space<vmem>>, vector<1x16xf32>,
      %get3A_876 = vector.shape_cast %get3A_875 : vector<1x16xf32> to vector<16xf32>
      %add3A_877 = arith.addf %get3A_872, %get3A_876 : vector<16xf32>
      %add3A_878 = arith.constant 0 : i32
      %add3A_879 = arith.addi %add3A_878, %scan3A_643 : i32
      %get3A_880 = arith.index_cast %add3A_879 : i32 to index
      %get3A_881 = arith.constant 96 : index
      %get3A_882 = tpu.vector_load %arg16[%get3A_880, %get3A_881] {strides = array<i32>} : memref<128x128xf32, #tpu.memory_space<vmem>>, vector<1x16xf32>,
      %get3A_883 = vector.shape_cast %get3A_882 : vector<1x16xf32> to vector<16xf32>
      %add3A_884 = arith.addf %add3A_877, %get3A_883 : vector<16xf32>
      %get3A_885 = arith.index_cast %scan3A_643 : i32 to index
      %get3A_886 = arith.constant 32 : index
      %get3A_887 = tpu.vector_load %arg19[%get3A_885, %get3A_886] {strides = array<i32>} : memref<32x128xf32, #tpu.memory_space<vmem>>, vector<1x16xf32>,
      %get3A_888 = vector.shape_cast %get3A_887 : vector<1x16xf32> to vector<16xf32>
      %get3A_889 = arith.index_cast %scan3A_643 : i32 to index
      %get3A_890 = arith.constant 32 : index
      %get3A_891 = tpu.vector_load %arg20[%get3A_889, %get3A_890] {strides = array<i32>} : memref<32x128xf32, #tpu.memory_space<vmem>>, vector<1x16xf32>,
      %get3A_892 = vector.shape_cast %get3A_891 : vector<1x16xf32> to vector<16xf32>
      %add3A_893 = arith.addf %get3A_888, %get3A_892 : vector<16xf32>
      %get3A_894 = arith.index_cast %scan3A_643 : i32 to index
      %get3A_895 = arith.constant 96 : index
      %get3A_896 = tpu.vector_load %arg19[%get3A_894, %get3A_895] {strides = array<i32>} : memref<32x128xf32, #tpu.memory_space<vmem>>, vector<1x16xf32>,
      %get3A_897 = vector.shape_cast %get3A_896 : vector<1x16xf32> to vector<16xf32>
      %get3A_898 = arith.index_cast %scan3A_643 : i32 to index
      %get3A_899 = arith.constant 96 : index
      %get3A_900 = tpu.vector_load %arg20[%get3A_898, %get3A_899] {strides = array<i32>} : memref<32x128xf32, #tpu.memory_space<vmem>>, vector<1x16xf32>,
      %get3A_901 = vector.shape_cast %get3A_900 : vector<1x16xf32> to vector<16xf32>
      %add3A_902 = arith.addf %get3A_897, %get3A_901 : vector<16xf32>
      %get3A_903 = arith.index_cast %scan3A_643 : i32 to index
      %get3A_904 = arith.constant 32 : index
      %get3A_905 = tpu.vector_load %arg21[%get3A_903, %get3A_904] {strides = array<i32>} : memref<32x128xf32, #tpu.memory_space<vmem>>, vector<1x16xf32>,
      %get3A_906 = vector.shape_cast %get3A_905 : vector<1x16xf32> to vector<16xf32>
      %get3A_907 = arith.index_cast %scan3A_643 : i32 to index
      %get3A_908 = arith.constant 32 : index
      %get3A_909 = tpu.vector_load %arg22[%get3A_907, %get3A_908] {strides = array<i32>} : memref<32x128xf32, #tpu.memory_space<vmem>>, vector<1x16xf32>,
      %get3A_910 = vector.shape_cast %get3A_909 : vector<1x16xf32> to vector<16xf32>
      %add3A_911 = arith.addf %get3A_906, %get3A_910 : vector<16xf32>
      %get3A_912 = arith.index_cast %scan3A_643 : i32 to index
      %get3A_913 = arith.constant 96 : index
      %get3A_914 = tpu.vector_load %arg21[%get3A_912, %get3A_913] {strides = array<i32>} : memref<32x128xf32, #tpu.memory_space<vmem>>, vector<1x16xf32>,
      %get3A_915 = vector.shape_cast %get3A_914 : vector<1x16xf32> to vector<16xf32>
      %get3A_916 = arith.index_cast %scan3A_643 : i32 to index
      %get3A_917 = arith.constant 96 : index
      %get3A_918 = tpu.vector_load %arg22[%get3A_916, %get3A_917] {strides = array<i32>} : memref<32x128xf32, #tpu.memory_space<vmem>>, vector<1x16xf32>,
      %get3A_919 = vector.shape_cast %get3A_918 : vector<1x16xf32> to vector<16xf32>
      %add3A_920 = arith.addf %get3A_915, %get3A_919 : vector<16xf32>
      %get3A_921 = arith.index_cast %scan3A_643 : i32 to index
      %get3A_922 = arith.constant 32 : index
      %get3A_923 = tpu.vector_load %arg23[%get3A_921, %get3A_922] {strides = array<i32>} : memref<32x128xf32, #tpu.memory_space<vmem>>, vector<1x16xf32>,
      %get3A_924 = vector.shape_cast %get3A_923 : vector<1x16xf32> to vector<16xf32>
      %get3A_925 = arith.index_cast %scan3A_643 : i32 to index
      %get3A_926 = arith.constant 96 : index
      %get3A_927 = tpu.vector_load %arg23[%get3A_925, %get3A_926] {strides = array<i32>} : memref<32x128xf32, #tpu.memory_space<vmem>>, vector<1x16xf32>,
      %get3A_928 = vector.shape_cast %get3A_927 : vector<1x16xf32> to vector<16xf32>
      %get3A_929 = arith.index_cast %scan3A_643 : i32 to index
      %get3A_930 = arith.constant 32 : index
      %get3A_931 = tpu.vector_load %arg24[%get3A_929, %get3A_930] {strides = array<i32>} : memref<32x128xf32, #tpu.memory_space<vmem>>, vector<1x16xf32>,
      %get3A_932 = vector.shape_cast %get3A_931 : vector<1x16xf32> to vector<16xf32>
      %get3A_933 = arith.index_cast %scan3A_643 : i32 to index
      %get3A_934 = arith.constant 96 : index
      %get3A_935 = tpu.vector_load %arg24[%get3A_933, %get3A_934] {strides = array<i32>} : memref<32x128xf32, #tpu.memory_space<vmem>>, vector<1x16xf32>,
      %get3A_936 = vector.shape_cast %get3A_935 : vector<1x16xf32> to vector<16xf32>
      %mul3A_937 = arith.mulf %add3A_868, %add3A_911 : vector<16xf32>
      %mul3A_938 = arith.mulf %add3A_884, %add3A_920 : vector<16xf32>
      %add3A_939 = arith.addf %mul3A_937, %mul3A_938 : vector<16xf32>
      %mul3A_940 = arith.mulf %get3A_932, %add3A_939 : vector<16xf32>
      %mul3A_941 = arith.mulf %add3A_868, %add3A_920 : vector<16xf32>
      %mul3A_942 = arith.mulf %add3A_884, %add3A_911 : vector<16xf32>
      %sub3A_943 = arith.subf %mul3A_941, %mul3A_942 : vector<16xf32>
      %mul3A_944 = arith.mulf %get3A_936, %sub3A_943 : vector<16xf32>
      %add3A_945 = arith.addf %mul3A_940, %mul3A_944 : vector<16xf32>
      %mul3A_946 = arith.mulf %add3A_868, %add3A_893 : vector<16xf32>
      %mul3A_947 = arith.mulf %add3A_884, %add3A_902 : vector<16xf32>
      %add3A_948 = arith.addf %mul3A_946, %mul3A_947 : vector<16xf32>
      %mul3A_949 = arith.mulf %get3A_924, %add3A_948 : vector<16xf32>
      %sub3A_950 = arith.subf %add3A_945, %mul3A_949 : vector<16xf32>
      %mul3A_951 = arith.mulf %add3A_868, %add3A_902 : vector<16xf32>
      %mul3A_952 = arith.mulf %add3A_884, %add3A_893 : vector<16xf32>
      %sub3A_953 = arith.subf %mul3A_951, %mul3A_952 : vector<16xf32>
      %mul3A_954 = arith.mulf %get3A_928, %sub3A_953 : vector<16xf32>
      %sub3A_955 = arith.subf %sub3A_950, %mul3A_954 : vector<16xf32>
      %add3A_956 = arith.addf %add3A_852, %sub3A_955 : vector<16xf32>
      %get3A_957 = arith.index_cast %scan3A_643 : i32 to index
      %get3A_958 = arith.constant 48 : index
      %get3A_959 = tpu.vector_load %arg17[%get3A_957, %get3A_958] {strides = array<i32>} : memref<32x128xf32, #tpu.memory_space<vmem>>, vector<1x16xf32>,
      %get3A_960 = vector.shape_cast %get3A_959 : vector<1x16xf32> to vector<16xf32>
      %get3A_961 = arith.index_cast %scan3A_643 : i32 to index
      %get3A_962 = arith.constant 48 : index
      %get3A_963 = tpu.vector_load %arg18[%get3A_961, %get3A_962] {strides = array<i32>} : memref<32x128xf32, #tpu.memory_space<vmem>>, vector<1x16xf32>,
      %get3A_964 = vector.shape_cast %get3A_963 : vector<1x16xf32> to vector<16xf32>
      %add3A_965 = arith.addf %get3A_960, %get3A_964 : vector<16xf32>
      %add3A_966 = arith.constant 0 : i32
      %add3A_967 = arith.addi %add3A_966, %scan3A_643 : i32
      %get3A_968 = arith.index_cast %add3A_967 : i32 to index
      %get3A_969 = arith.constant 48 : index
      %get3A_970 = tpu.vector_load %arg16[%get3A_968, %get3A_969] {strides = array<i32>} : memref<128x128xf32, #tpu.memory_space<vmem>>, vector<1x16xf32>,
      %get3A_971 = vector.shape_cast %get3A_970 : vector<1x16xf32> to vector<16xf32>
      %add3A_972 = arith.addf %add3A_965, %get3A_971 : vector<16xf32>
      %get3A_973 = arith.index_cast %scan3A_643 : i32 to index
      %get3A_974 = arith.constant 112 : index
      %get3A_975 = tpu.vector_load %arg17[%get3A_973, %get3A_974] {strides = array<i32>} : memref<32x128xf32, #tpu.memory_space<vmem>>, vector<1x16xf32>,
      %get3A_976 = vector.shape_cast %get3A_975 : vector<1x16xf32> to vector<16xf32>
      %get3A_977 = arith.index_cast %scan3A_643 : i32 to index
      %get3A_978 = arith.constant 112 : index
      %get3A_979 = tpu.vector_load %arg18[%get3A_977, %get3A_978] {strides = array<i32>} : memref<32x128xf32, #tpu.memory_space<vmem>>, vector<1x16xf32>,
      %get3A_980 = vector.shape_cast %get3A_979 : vector<1x16xf32> to vector<16xf32>
      %add3A_981 = arith.addf %get3A_976, %get3A_980 : vector<16xf32>
      %add3A_982 = arith.constant 0 : i32
      %add3A_983 = arith.addi %add3A_982, %scan3A_643 : i32
      %get3A_984 = arith.index_cast %add3A_983 : i32 to index
      %get3A_985 = arith.constant 112 : index
      %get3A_986 = tpu.vector_load %arg16[%get3A_984, %get3A_985] {strides = array<i32>} : memref<128x128xf32, #tpu.memory_space<vmem>>, vector<1x16xf32>,
      %get3A_987 = vector.shape_cast %get3A_986 : vector<1x16xf32> to vector<16xf32>
      %add3A_988 = arith.addf %add3A_981, %get3A_987 : vector<16xf32>
      %get3A_989 = arith.index_cast %scan3A_643 : i32 to index
      %get3A_990 = arith.constant 48 : index
      %get3A_991 = tpu.vector_load %arg19[%get3A_989, %get3A_990] {strides = array<i32>} : memref<32x128xf32, #tpu.memory_space<vmem>>, vector<1x16xf32>,
      %get3A_992 = vector.shape_cast %get3A_991 : vector<1x16xf32> to vector<16xf32>
      %get3A_993 = arith.index_cast %scan3A_643 : i32 to index
      %get3A_994 = arith.constant 48 : index
      %get3A_995 = tpu.vector_load %arg20[%get3A_993, %get3A_994] {strides = array<i32>} : memref<32x128xf32, #tpu.memory_space<vmem>>, vector<1x16xf32>,
      %get3A_996 = vector.shape_cast %get3A_995 : vector<1x16xf32> to vector<16xf32>
      %add3A_997 = arith.addf %get3A_992, %get3A_996 : vector<16xf32>
      %get3A_998 = arith.index_cast %scan3A_643 : i32 to index
      %get3A_999 = arith.constant 112 : index
      %get3A_1000 = tpu.vector_load %arg19[%get3A_998, %get3A_999] {strides = array<i32>} : memref<32x128xf32, #tpu.memory_space<vmem>>, vector<1x16xf32>,
      %get3A_1001 = vector.shape_cast %get3A_1000 : vector<1x16xf32> to vector<16xf32>
      %get3A_1002 = arith.index_cast %scan3A_643 : i32 to index
      %get3A_1003 = arith.constant 112 : index
      %get3A_1004 = tpu.vector_load %arg20[%get3A_1002, %get3A_1003] {strides = array<i32>} : memref<32x128xf32, #tpu.memory_space<vmem>>, vector<1x16xf32>,
      %get3A_1005 = vector.shape_cast %get3A_1004 : vector<1x16xf32> to vector<16xf32>
      %add3A_1006 = arith.addf %get3A_1001, %get3A_1005 : vector<16xf32>
      %get3A_1007 = arith.index_cast %scan3A_643 : i32 to index
      %get3A_1008 = arith.constant 48 : index
      %get3A_1009 = tpu.vector_load %arg21[%get3A_1007, %get3A_1008] {strides = array<i32>} : memref<32x128xf32, #tpu.memory_space<vmem>>, vector<1x16xf32>,
      %get3A_1010 = vector.shape_cast %get3A_1009 : vector<1x16xf32> to vector<16xf32>
      %get3A_1011 = arith.index_cast %scan3A_643 : i32 to index
      %get3A_1012 = arith.constant 48 : index
      %get3A_1013 = tpu.vector_load %arg22[%get3A_1011, %get3A_1012] {strides = array<i32>} : memref<32x128xf32, #tpu.memory_space<vmem>>, vector<1x16xf32>,
      %get3A_1014 = vector.shape_cast %get3A_1013 : vector<1x16xf32> to vector<16xf32>
      %add3A_1015 = arith.addf %get3A_1010, %get3A_1014 : vector<16xf32>
      %get3A_1016 = arith.index_cast %scan3A_643 : i32 to index
      %get3A_1017 = arith.constant 112 : index
      %get3A_1018 = tpu.vector_load %arg21[%get3A_1016, %get3A_1017] {strides = array<i32>} : memref<32x128xf32, #tpu.memory_space<vmem>>, vector<1x16xf32>,
      %get3A_1019 = vector.shape_cast %get3A_1018 : vector<1x16xf32> to vector<16xf32>
      %get3A_1020 = arith.index_cast %scan3A_643 : i32 to index
      %get3A_1021 = arith.constant 112 : index
      %get3A_1022 = tpu.vector_load %arg22[%get3A_1020, %get3A_1021] {strides = array<i32>} : memref<32x128xf32, #tpu.memory_space<vmem>>, vector<1x16xf32>,
      %get3A_1023 = vector.shape_cast %get3A_1022 : vector<1x16xf32> to vector<16xf32>
      %add3A_1024 = arith.addf %get3A_1019, %get3A_1023 : vector<16xf32>
      %get3A_1025 = arith.index_cast %scan3A_643 : i32 to index
      %get3A_1026 = arith.constant 48 : index
      %get3A_1027 = tpu.vector_load %arg23[%get3A_1025, %get3A_1026] {strides = array<i32>} : memref<32x128xf32, #tpu.memory_space<vmem>>, vector<1x16xf32>,
      %get3A_1028 = vector.shape_cast %get3A_1027 : vector<1x16xf32> to vector<16xf32>
      %get3A_1029 = arith.index_cast %scan3A_643 : i32 to index
      %get3A_1030 = arith.constant 112 : index
      %get3A_1031 = tpu.vector_load %arg23[%get3A_1029, %get3A_1030] {strides = array<i32>} : memref<32x128xf32, #tpu.memory_space<vmem>>, vector<1x16xf32>,
      %get3A_1032 = vector.shape_cast %get3A_1031 : vector<1x16xf32> to vector<16xf32>
      %get3A_1033 = arith.index_cast %scan3A_643 : i32 to index
      %get3A_1034 = arith.constant 48 : index
      %get3A_1035 = tpu.vector_load %arg24[%get3A_1033, %get3A_1034] {strides = array<i32>} : memref<32x128xf32, #tpu.memory_space<vmem>>, vector<1x16xf32>,
      %get3A_1036 = vector.shape_cast %get3A_1035 : vector<1x16xf32> to vector<16xf32>
      %get3A_1037 = arith.index_cast %scan3A_643 : i32 to index
      %get3A_1038 = arith.constant 112 : index
      %get3A_1039 = tpu.vector_load %arg24[%get3A_1037, %get3A_1038] {strides = array<i32>} : memref<32x128xf32, #tpu.memory_space<vmem>>, vector<1x16xf32>,
      %get3A_1040 = vector.shape_cast %get3A_1039 : vector<1x16xf32> to vector<16xf32>
      %mul3A_1041 = arith.mulf %add3A_972, %add3A_1015 : vector<16xf32>
      %mul3A_1042 = arith.mulf %add3A_988, %add3A_1024 : vector<16xf32>
      %add3A_1043 = arith.addf %mul3A_1041, %mul3A_1042 : vector<16xf32>
      %mul3A_1044 = arith.mulf %get3A_1036, %add3A_1043 : vector<16xf32>
      %mul3A_1045 = arith.mulf %add3A_972, %add3A_1024 : vector<16xf32>
      %mul3A_1046 = arith.mulf %add3A_988, %add3A_1015 : vector<16xf32>
      %sub3A_1047 = arith.subf %mul3A_1045, %mul3A_1046 : vector<16xf32>
      %mul3A_1048 = arith.mulf %get3A_1040, %sub3A_1047 : vector<16xf32>
      %add3A_1049 = arith.addf %mul3A_1044, %mul3A_1048 : vector<16xf32>
      %mul3A_1050 = arith.mulf %add3A_972, %add3A_997 : vector<16xf32>
      %mul3A_1051 = arith.mulf %add3A_988, %add3A_1006 : vector<16xf32>
      %add3A_1052 = arith.addf %mul3A_1050, %mul3A_1051 : vector<16xf32>
      %mul3A_1053 = arith.mulf %get3A_1028, %add3A_1052 : vector<16xf32>
      %sub3A_1054 = arith.subf %add3A_1049, %mul3A_1053 : vector<16xf32>
      %mul3A_1055 = arith.mulf %add3A_972, %add3A_1006 : vector<16xf32>
      %mul3A_1056 = arith.mulf %add3A_988, %add3A_997 : vector<16xf32>
      %sub3A_1057 = arith.subf %mul3A_1055, %mul3A_1056 : vector<16xf32>
      %mul3A_1058 = arith.mulf %get3A_1032, %sub3A_1057 : vector<16xf32>
      %sub3A_1059 = arith.subf %sub3A_1054, %mul3A_1058 : vector<16xf32>
      %add3A_1060 = arith.addf %add3A_956, %sub3A_1059 : vector<16xf32>
      %lt3A = arith.constant 0 : i32
      %lt3A_1061 = vector.broadcast %lt3A : i32 to vector<16xi32>
      %lt3A_1062 = arith.cmpi slt, %xor3A_4, %lt3A_1061 : vector<16xi32>
      %add3A_1063 = arith.constant 16 : i32
      %add3A_1064 = vector.broadcast %add3A_1063 : i32 to vector<16xi32>
      %add3A_1065 = arith.addi %xor3A_4, %add3A_1064 : vector<16xi32>
      %select_n3A = arith.select %lt3A_1062, %add3A_1065, %xor3A_4 : vector<16xi1>, vector<16xi32>
      %broadcast_in_dim3A_1066 = vector.shape_cast %select_n3A : vector<16xi32> to vector<16x1xi32>
      %gather3A = vector.shape_cast %broadcast_in_dim3A_1066 : vector<16x1xi32> to vector<16xi32>
      %gather3A_1067 = tpu.dynamic_gather %add3A_1060[%gather3A] in [0] : vector<16xf32>, vector<16xi32> -> vector<16xf32>
      %add3A_1068 = arith.addf %add3A_1060, %gather3A_1067 : vector<16xf32>
      %lt3A_1069 = arith.constant 0 : i32
      %lt3A_1070 = vector.broadcast %lt3A_1069 : i32 to vector<16xi32>
      %lt3A_1071 = arith.cmpi slt, %xor3A_7, %lt3A_1070 : vector<16xi32>
      %add3A_1072 = arith.constant 16 : i32
      %add3A_1073 = vector.broadcast %add3A_1072 : i32 to vector<16xi32>
      %add3A_1074 = arith.addi %xor3A_7, %add3A_1073 : vector<16xi32>
      %select_n3A_1075 = arith.select %lt3A_1071, %add3A_1074, %xor3A_7 : vector<16xi1>, vector<16xi32>
      %broadcast_in_dim3A_1076 = vector.shape_cast %select_n3A_1075 : vector<16xi32> to vector<16x1xi32>
      %gather3A_1077 = vector.shape_cast %broadcast_in_dim3A_1076 : vector<16x1xi32> to vector<16xi32>
      %gather3A_1078 = tpu.dynamic_gather %add3A_1068[%gather3A_1077] in [0] : vector<16xf32>, vector<16xi32> -> vector<16xf32>
      %add3A_1079 = arith.addf %add3A_1068, %gather3A_1078 : vector<16xf32>
      %lt3A_1080 = arith.constant 0 : i32
      %lt3A_1081 = vector.broadcast %lt3A_1080 : i32 to vector<16xi32>
      %lt3A_1082 = arith.cmpi slt, %xor3A_10, %lt3A_1081 : vector<16xi32>
      %add3A_1083 = arith.constant 16 : i32
      %add3A_1084 = vector.broadcast %add3A_1083 : i32 to vector<16xi32>
      %add3A_1085 = arith.addi %xor3A_10, %add3A_1084 : vector<16xi32>
      %select_n3A_1086 = arith.select %lt3A_1082, %add3A_1085, %xor3A_10 : vector<16xi1>, vector<16xi32>
      %broadcast_in_dim3A_1087 = vector.shape_cast %select_n3A_1086 : vector<16xi32> to vector<16x1xi32>
      %gather3A_1088 = vector.shape_cast %broadcast_in_dim3A_1087 : vector<16x1xi32> to vector<16xi32>
      %gather3A_1089 = tpu.dynamic_gather %add3A_1079[%gather3A_1088] in [0] : vector<16xf32>, vector<16xi32> -> vector<16xf32>
      %add3A_1090 = arith.addf %add3A_1079, %gather3A_1089 : vector<16xf32>
      %lt3A_1091 = arith.constant 0 : i32
      %lt3A_1092 = vector.broadcast %lt3A_1091 : i32 to vector<16xi32>
      %lt3A_1093 = arith.cmpi slt, %xor3A_13, %lt3A_1092 : vector<16xi32>
      %add3A_1094 = arith.constant 16 : i32
      %add3A_1095 = vector.broadcast %add3A_1094 : i32 to vector<16xi32>
      %add3A_1096 = arith.addi %xor3A_13, %add3A_1095 : vector<16xi32>
      %select_n3A_1097 = arith.select %lt3A_1093, %add3A_1096, %xor3A_13 : vector<16xi1>, vector<16xi32>
      %broadcast_in_dim3A_1098 = vector.shape_cast %select_n3A_1097 : vector<16xi32> to vector<16x1xi32>
      %gather3A_1099 = vector.shape_cast %broadcast_in_dim3A_1098 : vector<16x1xi32> to vector<16xi32>
      %gather3A_1100 = tpu.dynamic_gather %add3A_1090[%gather3A_1099] in [0] : vector<16xf32>, vector<16xi32> -> vector<16xf32>
      %add3A_1101 = arith.addf %add3A_1090, %gather3A_1100 : vector<16xf32>
      %add3A_1102 = arith.addf %broadcast_in_dim3A_14, %add3A_1101 : vector<16xf32>
      %max3A = arith.maximumf %add3A_1102, %broadcast_in_dim3A_16 : vector<16xf32>
      %add3A_1103 = arith.addf %scan3A_644, %max3A : vector<16xf32>
      scf.yield %add3A_1103 : vector<16xf32>
    }
    %scan3A_341 = arith.constant 32 : i32
    %dma_start3A_342 = arith.constant 0 : i32
    %dma_start3A_343 = arith.constant 64 : i32
    %dma_start3A_344 = tpu.memref_slice %arg15[%dma_start3A_342, %dma_start3A_343] : memref<8x128xi32, #tpu.memory_space<vmem>> -> memref<1x32xi32, #tpu.memory_space<vmem>>
    %dma_start3A_345 = tpu.memref_squeeze %dma_start3A_344 : memref<1x32xi32, #tpu.memory_space<vmem>> -> memref<32xi32, #tpu.memory_space<vmem>>
    %dma_start3A_346 = arith.constant 0 : i32
    %dma_start3A_347 = arith.constant 0 : i32
    %dma_start3A_348 = tpu.memref_slice %arg11[%dma_start3A_346, %dma_start3A_347] : memref<100000x128xf32, #tpu.memory_space<hbm>> -> memref<100000x128xf32, #tpu.memory_space<hbm>>
    tpu.enqueue_indirect_dma source(%dma_start3A_348 : memref<100000x128xf32, #tpu.memory_space<hbm>>) target(%arg17 : memref<32x128xf32, #tpu.memory_space<vmem>>) offsets(%dma_start3A_345 : memref<32xi32, #tpu.memory_space<vmem>>) semaphore(%arg36 : memref<!tpu.dma_semaphore, #tpu.memory_space<semaphore_mem>>)
    %dma_start3A_349 = arith.constant 1 : i32
    %dma_start3A_350 = arith.constant 64 : i32
    %dma_start3A_351 = tpu.memref_slice %arg15[%dma_start3A_349, %dma_start3A_350] : memref<8x128xi32, #tpu.memory_space<vmem>> -> memref<1x32xi32, #tpu.memory_space<vmem>>
    %dma_start3A_352 = tpu.memref_squeeze %dma_start3A_351 : memref<1x32xi32, #tpu.memory_space<vmem>> -> memref<32xi32, #tpu.memory_space<vmem>>
    %dma_start3A_353 = arith.constant 0 : i32
    %dma_start3A_354 = arith.constant 0 : i32
    %dma_start3A_355 = tpu.memref_slice %arg13[%dma_start3A_353, %dma_start3A_354] : memref<1000x128xf32, #tpu.memory_space<hbm>> -> memref<1000x128xf32, #tpu.memory_space<hbm>>
    tpu.enqueue_indirect_dma source(%dma_start3A_355 : memref<1000x128xf32, #tpu.memory_space<hbm>>) target(%arg18 : memref<32x128xf32, #tpu.memory_space<vmem>>) offsets(%dma_start3A_352 : memref<32xi32, #tpu.memory_space<vmem>>) semaphore(%arg36 : memref<!tpu.dma_semaphore, #tpu.memory_space<semaphore_mem>>)
    %dma_start3A_356 = arith.constant 2 : i32
    %dma_start3A_357 = arith.constant 64 : i32
    %dma_start3A_358 = tpu.memref_slice %arg15[%dma_start3A_356, %dma_start3A_357] : memref<8x128xi32, #tpu.memory_space<vmem>> -> memref<1x32xi32, #tpu.memory_space<vmem>>
    %dma_start3A_359 = tpu.memref_squeeze %dma_start3A_358 : memref<1x32xi32, #tpu.memory_space<vmem>> -> memref<32xi32, #tpu.memory_space<vmem>>
    %dma_start3A_360 = arith.constant 0 : i32
    %dma_start3A_361 = arith.constant 0 : i32
    %dma_start3A_362 = tpu.memref_slice %arg11[%dma_start3A_360, %dma_start3A_361] : memref<100000x128xf32, #tpu.memory_space<hbm>> -> memref<100000x128xf32, #tpu.memory_space<hbm>>
    tpu.enqueue_indirect_dma source(%dma_start3A_362 : memref<100000x128xf32, #tpu.memory_space<hbm>>) target(%arg19 : memref<32x128xf32, #tpu.memory_space<vmem>>) offsets(%dma_start3A_359 : memref<32xi32, #tpu.memory_space<vmem>>) semaphore(%arg36 : memref<!tpu.dma_semaphore, #tpu.memory_space<semaphore_mem>>)
    %dma_start3A_363 = arith.constant 3 : i32
    %dma_start3A_364 = arith.constant 64 : i32
    %dma_start3A_365 = tpu.memref_slice %arg15[%dma_start3A_363, %dma_start3A_364] : memref<8x128xi32, #tpu.memory_space<vmem>> -> memref<1x32xi32, #tpu.memory_space<vmem>>
    %dma_start3A_366 = tpu.memref_squeeze %dma_start3A_365 : memref<1x32xi32, #tpu.memory_space<vmem>> -> memref<32xi32, #tpu.memory_space<vmem>>
    %dma_start3A_367 = arith.constant 0 : i32
    %dma_start3A_368 = arith.constant 0 : i32
    %dma_start3A_369 = tpu.memref_slice %arg13[%dma_start3A_367, %dma_start3A_368] : memref<1000x128xf32, #tpu.memory_space<hbm>> -> memref<1000x128xf32, #tpu.memory_space<hbm>>
    tpu.enqueue_indirect_dma source(%dma_start3A_369 : memref<1000x128xf32, #tpu.memory_space<hbm>>) target(%arg20 : memref<32x128xf32, #tpu.memory_space<vmem>>) offsets(%dma_start3A_366 : memref<32xi32, #tpu.memory_space<vmem>>) semaphore(%arg36 : memref<!tpu.dma_semaphore, #tpu.memory_space<semaphore_mem>>)
    %dma_start3A_370 = arith.constant 4 : i32
    %dma_start3A_371 = arith.constant 64 : i32
    %dma_start3A_372 = tpu.memref_slice %arg15[%dma_start3A_370, %dma_start3A_371] : memref<8x128xi32, #tpu.memory_space<vmem>> -> memref<1x32xi32, #tpu.memory_space<vmem>>
    %dma_start3A_373 = tpu.memref_squeeze %dma_start3A_372 : memref<1x32xi32, #tpu.memory_space<vmem>> -> memref<32xi32, #tpu.memory_space<vmem>>
    %dma_start3A_374 = arith.constant 0 : i32
    %dma_start3A_375 = arith.constant 0 : i32
    %dma_start3A_376 = tpu.memref_slice %arg11[%dma_start3A_374, %dma_start3A_375] : memref<100000x128xf32, #tpu.memory_space<hbm>> -> memref<100000x128xf32, #tpu.memory_space<hbm>>
    tpu.enqueue_indirect_dma source(%dma_start3A_376 : memref<100000x128xf32, #tpu.memory_space<hbm>>) target(%arg21 : memref<32x128xf32, #tpu.memory_space<vmem>>) offsets(%dma_start3A_373 : memref<32xi32, #tpu.memory_space<vmem>>) semaphore(%arg36 : memref<!tpu.dma_semaphore, #tpu.memory_space<semaphore_mem>>)
    %dma_start3A_377 = arith.constant 5 : i32
    %dma_start3A_378 = arith.constant 64 : i32
    %dma_start3A_379 = tpu.memref_slice %arg15[%dma_start3A_377, %dma_start3A_378] : memref<8x128xi32, #tpu.memory_space<vmem>> -> memref<1x32xi32, #tpu.memory_space<vmem>>
    %dma_start3A_380 = tpu.memref_squeeze %dma_start3A_379 : memref<1x32xi32, #tpu.memory_space<vmem>> -> memref<32xi32, #tpu.memory_space<vmem>>
    %dma_start3A_381 = arith.constant 0 : i32
    %dma_start3A_382 = arith.constant 0 : i32
    %dma_start3A_383 = tpu.memref_slice %arg13[%dma_start3A_381, %dma_start3A_382] : memref<1000x128xf32, #tpu.memory_space<hbm>> -> memref<1000x128xf32, #tpu.memory_space<hbm>>
    tpu.enqueue_indirect_dma source(%dma_start3A_383 : memref<1000x128xf32, #tpu.memory_space<hbm>>) target(%arg22 : memref<32x128xf32, #tpu.memory_space<vmem>>) offsets(%dma_start3A_380 : memref<32xi32, #tpu.memory_space<vmem>>) semaphore(%arg36 : memref<!tpu.dma_semaphore, #tpu.memory_space<semaphore_mem>>)
    %dma_start3A_384 = arith.constant 6 : i32
    %dma_start3A_385 = arith.constant 64 : i32
    %dma_start3A_386 = tpu.memref_slice %arg15[%dma_start3A_384, %dma_start3A_385] : memref<8x128xi32, #tpu.memory_space<vmem>> -> memref<1x32xi32, #tpu.memory_space<vmem>>
    %dma_start3A_387 = tpu.memref_squeeze %dma_start3A_386 : memref<1x32xi32, #tpu.memory_space<vmem>> -> memref<32xi32, #tpu.memory_space<vmem>>
    %dma_start3A_388 = arith.constant 0 : i32
    %dma_start3A_389 = arith.constant 0 : i32
    %dma_start3A_390 = tpu.memref_slice %arg12[%dma_start3A_388, %dma_start3A_389] : memref<1000x128xf32, #tpu.memory_space<hbm>> -> memref<1000x128xf32, #tpu.memory_space<hbm>>
    tpu.enqueue_indirect_dma source(%dma_start3A_390 : memref<1000x128xf32, #tpu.memory_space<hbm>>) target(%arg23 : memref<32x128xf32, #tpu.memory_space<vmem>>) offsets(%dma_start3A_387 : memref<32xi32, #tpu.memory_space<vmem>>) semaphore(%arg36 : memref<!tpu.dma_semaphore, #tpu.memory_space<semaphore_mem>>)
    %dma_start3A_391 = arith.constant 7 : i32
    %dma_start3A_392 = arith.constant 64 : i32
    %dma_start3A_393 = tpu.memref_slice %arg15[%dma_start3A_391, %dma_start3A_392] : memref<8x128xi32, #tpu.memory_space<vmem>> -> memref<1x32xi32, #tpu.memory_space<vmem>>
    %dma_start3A_394 = tpu.memref_squeeze %dma_start3A_393 : memref<1x32xi32, #tpu.memory_space<vmem>> -> memref<32xi32, #tpu.memory_space<vmem>>
    %dma_start3A_395 = arith.constant 0 : i32
    %dma_start3A_396 = arith.constant 0 : i32
    %dma_start3A_397 = tpu.memref_slice %arg12[%dma_start3A_395, %dma_start3A_396] : memref<1000x128xf32, #tpu.memory_space<hbm>> -> memref<1000x128xf32, #tpu.memory_space<hbm>>
    tpu.enqueue_indirect_dma source(%dma_start3A_397 : memref<1000x128xf32, #tpu.memory_space<hbm>>) target(%arg24 : memref<32x128xf32, #tpu.memory_space<vmem>>) offsets(%dma_start3A_394 : memref<32xi32, #tpu.memory_space<vmem>>) semaphore(%arg36 : memref<!tpu.dma_semaphore, #tpu.memory_space<semaphore_mem>>)
    %dma_wait3A_398 = arith.constant 0 : i32
    %dma_wait3A_399 = arith.constant 32 : i32
    %dma_wait3A_400 = tpu.memref_slice %arg15[%dma_wait3A_398, %dma_wait3A_399] : memref<8x128xi32, #tpu.memory_space<vmem>> -> memref<1x32xi32, #tpu.memory_space<vmem>>
    %dma_wait3A_401 = tpu.memref_squeeze %dma_wait3A_400 : memref<1x32xi32, #tpu.memory_space<vmem>> -> memref<32xi32, #tpu.memory_space<vmem>>
    %dma_wait3A_402 = arith.constant 0 : i32
    %dma_wait3A_403 = arith.constant 0 : i32
    %dma_wait3A_404 = tpu.memref_slice %arg11[%dma_wait3A_402, %dma_wait3A_403] : memref<100000x128xf32, #tpu.memory_space<hbm>> -> memref<100000x128xf32, #tpu.memory_space<hbm>>
    tpu.wait_indirect_dma semaphore(%arg37 : memref<!tpu.dma_semaphore, #tpu.memory_space<semaphore_mem>>) src(%dma_wait3A_404 : memref<100000x128xf32, #tpu.memory_space<hbm>>) dst(%arg25 : memref<32x128xf32, #tpu.memory_space<vmem>>)
    %dma_wait3A_405 = arith.constant 1 : i32
    %dma_wait3A_406 = arith.constant 32 : i32
    %dma_wait3A_407 = tpu.memref_slice %arg15[%dma_wait3A_405, %dma_wait3A_406] : memref<8x128xi32, #tpu.memory_space<vmem>> -> memref<1x32xi32, #tpu.memory_space<vmem>>
    %dma_wait3A_408 = tpu.memref_squeeze %dma_wait3A_407 : memref<1x32xi32, #tpu.memory_space<vmem>> -> memref<32xi32, #tpu.memory_space<vmem>>
    %dma_wait3A_409 = arith.constant 0 : i32
    %dma_wait3A_410 = arith.constant 0 : i32
    %dma_wait3A_411 = tpu.memref_slice %arg13[%dma_wait3A_409, %dma_wait3A_410] : memref<1000x128xf32, #tpu.memory_space<hbm>> -> memref<1000x128xf32, #tpu.memory_space<hbm>>
    tpu.wait_indirect_dma semaphore(%arg37 : memref<!tpu.dma_semaphore, #tpu.memory_space<semaphore_mem>>) src(%dma_wait3A_411 : memref<1000x128xf32, #tpu.memory_space<hbm>>) dst(%arg26 : memref<32x128xf32, #tpu.memory_space<vmem>>)
    %dma_wait3A_412 = arith.constant 2 : i32
    %dma_wait3A_413 = arith.constant 32 : i32
    %dma_wait3A_414 = tpu.memref_slice %arg15[%dma_wait3A_412, %dma_wait3A_413] : memref<8x128xi32, #tpu.memory_space<vmem>> -> memref<1x32xi32, #tpu.memory_space<vmem>>
    %dma_wait3A_415 = tpu.memref_squeeze %dma_wait3A_414 : memref<1x32xi32, #tpu.memory_space<vmem>> -> memref<32xi32, #tpu.memory_space<vmem>>
    %dma_wait3A_416 = arith.constant 0 : i32
    %dma_wait3A_417 = arith.constant 0 : i32
    %dma_wait3A_418 = tpu.memref_slice %arg11[%dma_wait3A_416, %dma_wait3A_417] : memref<100000x128xf32, #tpu.memory_space<hbm>> -> memref<100000x128xf32, #tpu.memory_space<hbm>>
    tpu.wait_indirect_dma semaphore(%arg37 : memref<!tpu.dma_semaphore, #tpu.memory_space<semaphore_mem>>) src(%dma_wait3A_418 : memref<100000x128xf32, #tpu.memory_space<hbm>>) dst(%arg27 : memref<32x128xf32, #tpu.memory_space<vmem>>)
    %dma_wait3A_419 = arith.constant 3 : i32
    %dma_wait3A_420 = arith.constant 32 : i32
    %dma_wait3A_421 = tpu.memref_slice %arg15[%dma_wait3A_419, %dma_wait3A_420] : memref<8x128xi32, #tpu.memory_space<vmem>> -> memref<1x32xi32, #tpu.memory_space<vmem>>
    %dma_wait3A_422 = tpu.memref_squeeze %dma_wait3A_421 : memref<1x32xi32, #tpu.memory_space<vmem>> -> memref<32xi32, #tpu.memory_space<vmem>>
    %dma_wait3A_423 = arith.constant 0 : i32
    %dma_wait3A_424 = arith.constant 0 : i32
    %dma_wait3A_425 = tpu.memref_slice %arg13[%dma_wait3A_423, %dma_wait3A_424] : memref<1000x128xf32, #tpu.memory_space<hbm>> -> memref<1000x128xf32, #tpu.memory_space<hbm>>
    tpu.wait_indirect_dma semaphore(%arg37 : memref<!tpu.dma_semaphore, #tpu.memory_space<semaphore_mem>>) src(%dma_wait3A_425 : memref<1000x128xf32, #tpu.memory_space<hbm>>) dst(%arg28 : memref<32x128xf32, #tpu.memory_space<vmem>>)
    %dma_wait3A_426 = arith.constant 4 : i32
    %dma_wait3A_427 = arith.constant 32 : i32
    %dma_wait3A_428 = tpu.memref_slice %arg15[%dma_wait3A_426, %dma_wait3A_427] : memref<8x128xi32, #tpu.memory_space<vmem>> -> memref<1x32xi32, #tpu.memory_space<vmem>>
    %dma_wait3A_429 = tpu.memref_squeeze %dma_wait3A_428 : memref<1x32xi32, #tpu.memory_space<vmem>> -> memref<32xi32, #tpu.memory_space<vmem>>
    %dma_wait3A_430 = arith.constant 0 : i32
    %dma_wait3A_431 = arith.constant 0 : i32
    %dma_wait3A_432 = tpu.memref_slice %arg11[%dma_wait3A_430, %dma_wait3A_431] : memref<100000x128xf32, #tpu.memory_space<hbm>> -> memref<100000x128xf32, #tpu.memory_space<hbm>>
    tpu.wait_indirect_dma semaphore(%arg37 : memref<!tpu.dma_semaphore, #tpu.memory_space<semaphore_mem>>) src(%dma_wait3A_432 : memref<100000x128xf32, #tpu.memory_space<hbm>>) dst(%arg29 : memref<32x128xf32, #tpu.memory_space<vmem>>)
    %dma_wait3A_433 = arith.constant 5 : i32
    %dma_wait3A_434 = arith.constant 32 : i32
    %dma_wait3A_435 = tpu.memref_slice %arg15[%dma_wait3A_433, %dma_wait3A_434] : memref<8x128xi32, #tpu.memory_space<vmem>> -> memref<1x32xi32, #tpu.memory_space<vmem>>
    %dma_wait3A_436 = tpu.memref_squeeze %dma_wait3A_435 : memref<1x32xi32, #tpu.memory_space<vmem>> -> memref<32xi32, #tpu.memory_space<vmem>>
    %dma_wait3A_437 = arith.constant 0 : i32
    %dma_wait3A_438 = arith.constant 0 : i32
    %dma_wait3A_439 = tpu.memref_slice %arg13[%dma_wait3A_437, %dma_wait3A_438] : memref<1000x128xf32, #tpu.memory_space<hbm>> -> memref<1000x128xf32, #tpu.memory_space<hbm>>
    tpu.wait_indirect_dma semaphore(%arg37 : memref<!tpu.dma_semaphore, #tpu.memory_space<semaphore_mem>>) src(%dma_wait3A_439 : memref<1000x128xf32, #tpu.memory_space<hbm>>) dst(%arg30 : memref<32x128xf32, #tpu.memory_space<vmem>>)
    %dma_wait3A_440 = arith.constant 6 : i32
    %dma_wait3A_441 = arith.constant 32 : i32
    %dma_wait3A_442 = tpu.memref_slice %arg15[%dma_wait3A_440, %dma_wait3A_441] : memref<8x128xi32, #tpu.memory_space<vmem>> -> memref<1x32xi32, #tpu.memory_space<vmem>>
    %dma_wait3A_443 = tpu.memref_squeeze %dma_wait3A_442 : memref<1x32xi32, #tpu.memory_space<vmem>> -> memref<32xi32, #tpu.memory_space<vmem>>
    %dma_wait3A_444 = arith.constant 0 : i32
    %dma_wait3A_445 = arith.constant 0 : i32
    %dma_wait3A_446 = tpu.memref_slice %arg12[%dma_wait3A_444, %dma_wait3A_445] : memref<1000x128xf32, #tpu.memory_space<hbm>> -> memref<1000x128xf32, #tpu.memory_space<hbm>>
    tpu.wait_indirect_dma semaphore(%arg37 : memref<!tpu.dma_semaphore, #tpu.memory_space<semaphore_mem>>) src(%dma_wait3A_446 : memref<1000x128xf32, #tpu.memory_space<hbm>>) dst(%arg31 : memref<32x128xf32, #tpu.memory_space<vmem>>)
    %dma_wait3A_447 = arith.constant 7 : i32
    %dma_wait3A_448 = arith.constant 32 : i32
    %dma_wait3A_449 = tpu.memref_slice %arg15[%dma_wait3A_447, %dma_wait3A_448] : memref<8x128xi32, #tpu.memory_space<vmem>> -> memref<1x32xi32, #tpu.memory_space<vmem>>
    %dma_wait3A_450 = tpu.memref_squeeze %dma_wait3A_449 : memref<1x32xi32, #tpu.memory_space<vmem>> -> memref<32xi32, #tpu.memory_space<vmem>>
    %dma_wait3A_451 = arith.constant 0 : i32
    %dma_wait3A_452 = arith.constant 0 : i32
    %dma_wait3A_453 = tpu.memref_slice %arg12[%dma_wait3A_451, %dma_wait3A_452] : memref<1000x128xf32, #tpu.memory_space<hbm>> -> memref<1000x128xf32, #tpu.memory_space<hbm>>
    tpu.wait_indirect_dma semaphore(%arg37 : memref<!tpu.dma_semaphore, #tpu.memory_space<semaphore_mem>>) src(%dma_wait3A_453 : memref<1000x128xf32, #tpu.memory_space<hbm>>) dst(%arg32 : memref<32x128xf32, #tpu.memory_space<vmem>>)
    %scan3A_454 = arith.constant 0 : i32
    %scan3A_455 = arith.constant 32 : i32
    %scan3A_456 = arith.addi %scan3A_454, %scan3A_455 : i32
    %scan3A_457 = arith.constant 1 : i32
    %scan3A_458 = scf.for %scan3A_643 = %scan3A_454 to %scan3A_456 step %scan3A_457 iter_args(%scan3A_644 = %scan3A_340) -> (vector<16xf32>)  : i32 {
      %broadcast_in_dim3A_645 = arith.constant 0.000000e+00 : f32
      %broadcast_in_dim3A_646 = vector.broadcast %broadcast_in_dim3A_645 : f32 to vector<16xf32>
      %get3A = arith.index_cast %scan3A_643 : i32 to index
      %get3A_647 = arith.constant 0 : index
      %get3A_648 = tpu.vector_load %arg25[%get3A, %get3A_647] {strides = array<i32>} : memref<32x128xf32, #tpu.memory_space<vmem>>, vector<1x16xf32>,
      %get3A_649 = vector.shape_cast %get3A_648 : vector<1x16xf32> to vector<16xf32>
      %get3A_650 = arith.index_cast %scan3A_643 : i32 to index
      %get3A_651 = arith.constant 0 : index
      %get3A_652 = tpu.vector_load %arg26[%get3A_650, %get3A_651] {strides = array<i32>} : memref<32x128xf32, #tpu.memory_space<vmem>>, vector<1x16xf32>,
      %get3A_653 = vector.shape_cast %get3A_652 : vector<1x16xf32> to vector<16xf32>
      %add3A_654 = arith.addf %get3A_649, %get3A_653 : vector<16xf32>
      %add3A_655 = arith.constant 32 : i32
      %add3A_656 = arith.addi %add3A_655, %scan3A_643 : i32
      %get3A_657 = arith.index_cast %add3A_656 : i32 to index
      %get3A_658 = arith.constant 0 : index
      %get3A_659 = tpu.vector_load %arg16[%get3A_657, %get3A_658] {strides = array<i32>} : memref<128x128xf32, #tpu.memory_space<vmem>>, vector<1x16xf32>,
      %get3A_660 = vector.shape_cast %get3A_659 : vector<1x16xf32> to vector<16xf32>
      %add3A_661 = arith.addf %add3A_654, %get3A_660 : vector<16xf32>
      %get3A_662 = arith.index_cast %scan3A_643 : i32 to index
      %get3A_663 = arith.constant 64 : index
      %get3A_664 = tpu.vector_load %arg25[%get3A_662, %get3A_663] {strides = array<i32>} : memref<32x128xf32, #tpu.memory_space<vmem>>, vector<1x16xf32>,
      %get3A_665 = vector.shape_cast %get3A_664 : vector<1x16xf32> to vector<16xf32>
      %get3A_666 = arith.index_cast %scan3A_643 : i32 to index
      %get3A_667 = arith.constant 64 : index
      %get3A_668 = tpu.vector_load %arg26[%get3A_666, %get3A_667] {strides = array<i32>} : memref<32x128xf32, #tpu.memory_space<vmem>>, vector<1x16xf32>,
      %get3A_669 = vector.shape_cast %get3A_668 : vector<1x16xf32> to vector<16xf32>
      %add3A_670 = arith.addf %get3A_665, %get3A_669 : vector<16xf32>
      %add3A_671 = arith.constant 32 : i32
      %add3A_672 = arith.addi %add3A_671, %scan3A_643 : i32
      %get3A_673 = arith.index_cast %add3A_672 : i32 to index
      %get3A_674 = arith.constant 64 : index
      %get3A_675 = tpu.vector_load %arg16[%get3A_673, %get3A_674] {strides = array<i32>} : memref<128x128xf32, #tpu.memory_space<vmem>>, vector<1x16xf32>,
      %get3A_676 = vector.shape_cast %get3A_675 : vector<1x16xf32> to vector<16xf32>
      %add3A_677 = arith.addf %add3A_670, %get3A_676 : vector<16xf32>
      %get3A_678 = arith.index_cast %scan3A_643 : i32 to index
      %get3A_679 = arith.constant 0 : index
      %get3A_680 = tpu.vector_load %arg27[%get3A_678, %get3A_679] {strides = array<i32>} : memref<32x128xf32, #tpu.memory_space<vmem>>, vector<1x16xf32>,
      %get3A_681 = vector.shape_cast %get3A_680 : vector<1x16xf32> to vector<16xf32>
      %get3A_682 = arith.index_cast %scan3A_643 : i32 to index
      %get3A_683 = arith.constant 0 : index
      %get3A_684 = tpu.vector_load %arg28[%get3A_682, %get3A_683] {strides = array<i32>} : memref<32x128xf32, #tpu.memory_space<vmem>>, vector<1x16xf32>,
      %get3A_685 = vector.shape_cast %get3A_684 : vector<1x16xf32> to vector<16xf32>
      %add3A_686 = arith.addf %get3A_681, %get3A_685 : vector<16xf32>
      %get3A_687 = arith.index_cast %scan3A_643 : i32 to index
      %get3A_688 = arith.constant 64 : index
      %get3A_689 = tpu.vector_load %arg27[%get3A_687, %get3A_688] {strides = array<i32>} : memref<32x128xf32, #tpu.memory_space<vmem>>, vector<1x16xf32>,
      %get3A_690 = vector.shape_cast %get3A_689 : vector<1x16xf32> to vector<16xf32>
      %get3A_691 = arith.index_cast %scan3A_643 : i32 to index
      %get3A_692 = arith.constant 64 : index
      %get3A_693 = tpu.vector_load %arg28[%get3A_691, %get3A_692] {strides = array<i32>} : memref<32x128xf32, #tpu.memory_space<vmem>>, vector<1x16xf32>,
      %get3A_694 = vector.shape_cast %get3A_693 : vector<1x16xf32> to vector<16xf32>
      %add3A_695 = arith.addf %get3A_690, %get3A_694 : vector<16xf32>
      %get3A_696 = arith.index_cast %scan3A_643 : i32 to index
      %get3A_697 = arith.constant 0 : index
      %get3A_698 = tpu.vector_load %arg29[%get3A_696, %get3A_697] {strides = array<i32>} : memref<32x128xf32, #tpu.memory_space<vmem>>, vector<1x16xf32>,
      %get3A_699 = vector.shape_cast %get3A_698 : vector<1x16xf32> to vector<16xf32>
      %get3A_700 = arith.index_cast %scan3A_643 : i32 to index
      %get3A_701 = arith.constant 0 : index
      %get3A_702 = tpu.vector_load %arg30[%get3A_700, %get3A_701] {strides = array<i32>} : memref<32x128xf32, #tpu.memory_space<vmem>>, vector<1x16xf32>,
      %get3A_703 = vector.shape_cast %get3A_702 : vector<1x16xf32> to vector<16xf32>
      %add3A_704 = arith.addf %get3A_699, %get3A_703 : vector<16xf32>
      %get3A_705 = arith.index_cast %scan3A_643 : i32 to index
      %get3A_706 = arith.constant 64 : index
      %get3A_707 = tpu.vector_load %arg29[%get3A_705, %get3A_706] {strides = array<i32>} : memref<32x128xf32, #tpu.memory_space<vmem>>, vector<1x16xf32>,
      %get3A_708 = vector.shape_cast %get3A_707 : vector<1x16xf32> to vector<16xf32>
      %get3A_709 = arith.index_cast %scan3A_643 : i32 to index
      %get3A_710 = arith.constant 64 : index
      %get3A_711 = tpu.vector_load %arg30[%get3A_709, %get3A_710] {strides = array<i32>} : memref<32x128xf32, #tpu.memory_space<vmem>>, vector<1x16xf32>,
      %get3A_712 = vector.shape_cast %get3A_711 : vector<1x16xf32> to vector<16xf32>
      %add3A_713 = arith.addf %get3A_708, %get3A_712 : vector<16xf32>
      %get3A_714 = arith.index_cast %scan3A_643 : i32 to index
      %get3A_715 = arith.constant 0 : index
      %get3A_716 = tpu.vector_load %arg31[%get3A_714, %get3A_715] {strides = array<i32>} : memref<32x128xf32, #tpu.memory_space<vmem>>, vector<1x16xf32>,
      %get3A_717 = vector.shape_cast %get3A_716 : vector<1x16xf32> to vector<16xf32>
      %get3A_718 = arith.index_cast %scan3A_643 : i32 to index
      %get3A_719 = arith.constant 64 : index
      %get3A_720 = tpu.vector_load %arg31[%get3A_718, %get3A_719] {strides = array<i32>} : memref<32x128xf32, #tpu.memory_space<vmem>>, vector<1x16xf32>,
      %get3A_721 = vector.shape_cast %get3A_720 : vector<1x16xf32> to vector<16xf32>
      %get3A_722 = arith.index_cast %scan3A_643 : i32 to index
      %get3A_723 = arith.constant 0 : index
      %get3A_724 = tpu.vector_load %arg32[%get3A_722, %get3A_723] {strides = array<i32>} : memref<32x128xf32, #tpu.memory_space<vmem>>, vector<1x16xf32>,
      %get3A_725 = vector.shape_cast %get3A_724 : vector<1x16xf32> to vector<16xf32>
      %get3A_726 = arith.index_cast %scan3A_643 : i32 to index
      %get3A_727 = arith.constant 64 : index
      %get3A_728 = tpu.vector_load %arg32[%get3A_726, %get3A_727] {strides = array<i32>} : memref<32x128xf32, #tpu.memory_space<vmem>>, vector<1x16xf32>,
      %get3A_729 = vector.shape_cast %get3A_728 : vector<1x16xf32> to vector<16xf32>
      %mul3A_730 = arith.mulf %add3A_661, %add3A_704 : vector<16xf32>
      %mul3A_731 = arith.mulf %add3A_677, %add3A_713 : vector<16xf32>
      %add3A_732 = arith.addf %mul3A_730, %mul3A_731 : vector<16xf32>
      %mul3A_733 = arith.mulf %get3A_725, %add3A_732 : vector<16xf32>
      %mul3A_734 = arith.mulf %add3A_661, %add3A_713 : vector<16xf32>
      %mul3A_735 = arith.mulf %add3A_677, %add3A_704 : vector<16xf32>
      %sub3A = arith.subf %mul3A_734, %mul3A_735 : vector<16xf32>
      %mul3A_736 = arith.mulf %get3A_729, %sub3A : vector<16xf32>
      %add3A_737 = arith.addf %mul3A_733, %mul3A_736 : vector<16xf32>
      %mul3A_738 = arith.mulf %add3A_661, %add3A_686 : vector<16xf32>
      %mul3A_739 = arith.mulf %add3A_677, %add3A_695 : vector<16xf32>
      %add3A_740 = arith.addf %mul3A_738, %mul3A_739 : vector<16xf32>
      %mul3A_741 = arith.mulf %get3A_717, %add3A_740 : vector<16xf32>
      %sub3A_742 = arith.subf %add3A_737, %mul3A_741 : vector<16xf32>
      %mul3A_743 = arith.mulf %add3A_661, %add3A_695 : vector<16xf32>
      %mul3A_744 = arith.mulf %add3A_677, %add3A_686 : vector<16xf32>
      %sub3A_745 = arith.subf %mul3A_743, %mul3A_744 : vector<16xf32>
      %mul3A_746 = arith.mulf %get3A_721, %sub3A_745 : vector<16xf32>
      %sub3A_747 = arith.subf %sub3A_742, %mul3A_746 : vector<16xf32>
      %add3A_748 = arith.addf %broadcast_in_dim3A_646, %sub3A_747 : vector<16xf32>
      %get3A_749 = arith.index_cast %scan3A_643 : i32 to index
      %get3A_750 = arith.constant 16 : index
      %get3A_751 = tpu.vector_load %arg25[%get3A_749, %get3A_750] {strides = array<i32>} : memref<32x128xf32, #tpu.memory_space<vmem>>, vector<1x16xf32>,
      %get3A_752 = vector.shape_cast %get3A_751 : vector<1x16xf32> to vector<16xf32>
      %get3A_753 = arith.index_cast %scan3A_643 : i32 to index
      %get3A_754 = arith.constant 16 : index
      %get3A_755 = tpu.vector_load %arg26[%get3A_753, %get3A_754] {strides = array<i32>} : memref<32x128xf32, #tpu.memory_space<vmem>>, vector<1x16xf32>,
      %get3A_756 = vector.shape_cast %get3A_755 : vector<1x16xf32> to vector<16xf32>
      %add3A_757 = arith.addf %get3A_752, %get3A_756 : vector<16xf32>
      %add3A_758 = arith.constant 32 : i32
      %add3A_759 = arith.addi %add3A_758, %scan3A_643 : i32
      %get3A_760 = arith.index_cast %add3A_759 : i32 to index
      %get3A_761 = arith.constant 16 : index
      %get3A_762 = tpu.vector_load %arg16[%get3A_760, %get3A_761] {strides = array<i32>} : memref<128x128xf32, #tpu.memory_space<vmem>>, vector<1x16xf32>,
      %get3A_763 = vector.shape_cast %get3A_762 : vector<1x16xf32> to vector<16xf32>
      %add3A_764 = arith.addf %add3A_757, %get3A_763 : vector<16xf32>
      %get3A_765 = arith.index_cast %scan3A_643 : i32 to index
      %get3A_766 = arith.constant 80 : index
      %get3A_767 = tpu.vector_load %arg25[%get3A_765, %get3A_766] {strides = array<i32>} : memref<32x128xf32, #tpu.memory_space<vmem>>, vector<1x16xf32>,
      %get3A_768 = vector.shape_cast %get3A_767 : vector<1x16xf32> to vector<16xf32>
      %get3A_769 = arith.index_cast %scan3A_643 : i32 to index
      %get3A_770 = arith.constant 80 : index
      %get3A_771 = tpu.vector_load %arg26[%get3A_769, %get3A_770] {strides = array<i32>} : memref<32x128xf32, #tpu.memory_space<vmem>>, vector<1x16xf32>,
      %get3A_772 = vector.shape_cast %get3A_771 : vector<1x16xf32> to vector<16xf32>
      %add3A_773 = arith.addf %get3A_768, %get3A_772 : vector<16xf32>
      %add3A_774 = arith.constant 32 : i32
      %add3A_775 = arith.addi %add3A_774, %scan3A_643 : i32
      %get3A_776 = arith.index_cast %add3A_775 : i32 to index
      %get3A_777 = arith.constant 80 : index
      %get3A_778 = tpu.vector_load %arg16[%get3A_776, %get3A_777] {strides = array<i32>} : memref<128x128xf32, #tpu.memory_space<vmem>>, vector<1x16xf32>,
      %get3A_779 = vector.shape_cast %get3A_778 : vector<1x16xf32> to vector<16xf32>
      %add3A_780 = arith.addf %add3A_773, %get3A_779 : vector<16xf32>
      %get3A_781 = arith.index_cast %scan3A_643 : i32 to index
      %get3A_782 = arith.constant 16 : index
      %get3A_783 = tpu.vector_load %arg27[%get3A_781, %get3A_782] {strides = array<i32>} : memref<32x128xf32, #tpu.memory_space<vmem>>, vector<1x16xf32>,
      %get3A_784 = vector.shape_cast %get3A_783 : vector<1x16xf32> to vector<16xf32>
      %get3A_785 = arith.index_cast %scan3A_643 : i32 to index
      %get3A_786 = arith.constant 16 : index
      %get3A_787 = tpu.vector_load %arg28[%get3A_785, %get3A_786] {strides = array<i32>} : memref<32x128xf32, #tpu.memory_space<vmem>>, vector<1x16xf32>,
      %get3A_788 = vector.shape_cast %get3A_787 : vector<1x16xf32> to vector<16xf32>
      %add3A_789 = arith.addf %get3A_784, %get3A_788 : vector<16xf32>
      %get3A_790 = arith.index_cast %scan3A_643 : i32 to index
      %get3A_791 = arith.constant 80 : index
      %get3A_792 = tpu.vector_load %arg27[%get3A_790, %get3A_791] {strides = array<i32>} : memref<32x128xf32, #tpu.memory_space<vmem>>, vector<1x16xf32>,
      %get3A_793 = vector.shape_cast %get3A_792 : vector<1x16xf32> to vector<16xf32>
      %get3A_794 = arith.index_cast %scan3A_643 : i32 to index
      %get3A_795 = arith.constant 80 : index
      %get3A_796 = tpu.vector_load %arg28[%get3A_794, %get3A_795] {strides = array<i32>} : memref<32x128xf32, #tpu.memory_space<vmem>>, vector<1x16xf32>,
      %get3A_797 = vector.shape_cast %get3A_796 : vector<1x16xf32> to vector<16xf32>
      %add3A_798 = arith.addf %get3A_793, %get3A_797 : vector<16xf32>
      %get3A_799 = arith.index_cast %scan3A_643 : i32 to index
      %get3A_800 = arith.constant 16 : index
      %get3A_801 = tpu.vector_load %arg29[%get3A_799, %get3A_800] {strides = array<i32>} : memref<32x128xf32, #tpu.memory_space<vmem>>, vector<1x16xf32>,
      %get3A_802 = vector.shape_cast %get3A_801 : vector<1x16xf32> to vector<16xf32>
      %get3A_803 = arith.index_cast %scan3A_643 : i32 to index
      %get3A_804 = arith.constant 16 : index
      %get3A_805 = tpu.vector_load %arg30[%get3A_803, %get3A_804] {strides = array<i32>} : memref<32x128xf32, #tpu.memory_space<vmem>>, vector<1x16xf32>,
      %get3A_806 = vector.shape_cast %get3A_805 : vector<1x16xf32> to vector<16xf32>
      %add3A_807 = arith.addf %get3A_802, %get3A_806 : vector<16xf32>
      %get3A_808 = arith.index_cast %scan3A_643 : i32 to index
      %get3A_809 = arith.constant 80 : index
      %get3A_810 = tpu.vector_load %arg29[%get3A_808, %get3A_809] {strides = array<i32>} : memref<32x128xf32, #tpu.memory_space<vmem>>, vector<1x16xf32>,
      %get3A_811 = vector.shape_cast %get3A_810 : vector<1x16xf32> to vector<16xf32>
      %get3A_812 = arith.index_cast %scan3A_643 : i32 to index
      %get3A_813 = arith.constant 80 : index
      %get3A_814 = tpu.vector_load %arg30[%get3A_812, %get3A_813] {strides = array<i32>} : memref<32x128xf32, #tpu.memory_space<vmem>>, vector<1x16xf32>,
      %get3A_815 = vector.shape_cast %get3A_814 : vector<1x16xf32> to vector<16xf32>
      %add3A_816 = arith.addf %get3A_811, %get3A_815 : vector<16xf32>
      %get3A_817 = arith.index_cast %scan3A_643 : i32 to index
      %get3A_818 = arith.constant 16 : index
      %get3A_819 = tpu.vector_load %arg31[%get3A_817, %get3A_818] {strides = array<i32>} : memref<32x128xf32, #tpu.memory_space<vmem>>, vector<1x16xf32>,
      %get3A_820 = vector.shape_cast %get3A_819 : vector<1x16xf32> to vector<16xf32>
      %get3A_821 = arith.index_cast %scan3A_643 : i32 to index
      %get3A_822 = arith.constant 80 : index
      %get3A_823 = tpu.vector_load %arg31[%get3A_821, %get3A_822] {strides = array<i32>} : memref<32x128xf32, #tpu.memory_space<vmem>>, vector<1x16xf32>,
      %get3A_824 = vector.shape_cast %get3A_823 : vector<1x16xf32> to vector<16xf32>
      %get3A_825 = arith.index_cast %scan3A_643 : i32 to index
      %get3A_826 = arith.constant 16 : index
      %get3A_827 = tpu.vector_load %arg32[%get3A_825, %get3A_826] {strides = array<i32>} : memref<32x128xf32, #tpu.memory_space<vmem>>, vector<1x16xf32>,
      %get3A_828 = vector.shape_cast %get3A_827 : vector<1x16xf32> to vector<16xf32>
      %get3A_829 = arith.index_cast %scan3A_643 : i32 to index
      %get3A_830 = arith.constant 80 : index
      %get3A_831 = tpu.vector_load %arg32[%get3A_829, %get3A_830] {strides = array<i32>} : memref<32x128xf32, #tpu.memory_space<vmem>>, vector<1x16xf32>,
      %get3A_832 = vector.shape_cast %get3A_831 : vector<1x16xf32> to vector<16xf32>
      %mul3A_833 = arith.mulf %add3A_764, %add3A_807 : vector<16xf32>
      %mul3A_834 = arith.mulf %add3A_780, %add3A_816 : vector<16xf32>
      %add3A_835 = arith.addf %mul3A_833, %mul3A_834 : vector<16xf32>
      %mul3A_836 = arith.mulf %get3A_828, %add3A_835 : vector<16xf32>
      %mul3A_837 = arith.mulf %add3A_764, %add3A_816 : vector<16xf32>
      %mul3A_838 = arith.mulf %add3A_780, %add3A_807 : vector<16xf32>
      %sub3A_839 = arith.subf %mul3A_837, %mul3A_838 : vector<16xf32>
      %mul3A_840 = arith.mulf %get3A_832, %sub3A_839 : vector<16xf32>
      %add3A_841 = arith.addf %mul3A_836, %mul3A_840 : vector<16xf32>
      %mul3A_842 = arith.mulf %add3A_764, %add3A_789 : vector<16xf32>
      %mul3A_843 = arith.mulf %add3A_780, %add3A_798 : vector<16xf32>
      %add3A_844 = arith.addf %mul3A_842, %mul3A_843 : vector<16xf32>
      %mul3A_845 = arith.mulf %get3A_820, %add3A_844 : vector<16xf32>
      %sub3A_846 = arith.subf %add3A_841, %mul3A_845 : vector<16xf32>
      %mul3A_847 = arith.mulf %add3A_764, %add3A_798 : vector<16xf32>
      %mul3A_848 = arith.mulf %add3A_780, %add3A_789 : vector<16xf32>
      %sub3A_849 = arith.subf %mul3A_847, %mul3A_848 : vector<16xf32>
      %mul3A_850 = arith.mulf %get3A_824, %sub3A_849 : vector<16xf32>
      %sub3A_851 = arith.subf %sub3A_846, %mul3A_850 : vector<16xf32>
      %add3A_852 = arith.addf %add3A_748, %sub3A_851 : vector<16xf32>
      %get3A_853 = arith.index_cast %scan3A_643 : i32 to index
      %get3A_854 = arith.constant 32 : index
      %get3A_855 = tpu.vector_load %arg25[%get3A_853, %get3A_854] {strides = array<i32>} : memref<32x128xf32, #tpu.memory_space<vmem>>, vector<1x16xf32>,
      %get3A_856 = vector.shape_cast %get3A_855 : vector<1x16xf32> to vector<16xf32>
      %get3A_857 = arith.index_cast %scan3A_643 : i32 to index
      %get3A_858 = arith.constant 32 : index
      %get3A_859 = tpu.vector_load %arg26[%get3A_857, %get3A_858] {strides = array<i32>} : memref<32x128xf32, #tpu.memory_space<vmem>>, vector<1x16xf32>,
      %get3A_860 = vector.shape_cast %get3A_859 : vector<1x16xf32> to vector<16xf32>
      %add3A_861 = arith.addf %get3A_856, %get3A_860 : vector<16xf32>
      %add3A_862 = arith.constant 32 : i32
      %add3A_863 = arith.addi %add3A_862, %scan3A_643 : i32
      %get3A_864 = arith.index_cast %add3A_863 : i32 to index
      %get3A_865 = arith.constant 32 : index
      %get3A_866 = tpu.vector_load %arg16[%get3A_864, %get3A_865] {strides = array<i32>} : memref<128x128xf32, #tpu.memory_space<vmem>>, vector<1x16xf32>,
      %get3A_867 = vector.shape_cast %get3A_866 : vector<1x16xf32> to vector<16xf32>
      %add3A_868 = arith.addf %add3A_861, %get3A_867 : vector<16xf32>
      %get3A_869 = arith.index_cast %scan3A_643 : i32 to index
      %get3A_870 = arith.constant 96 : index
      %get3A_871 = tpu.vector_load %arg25[%get3A_869, %get3A_870] {strides = array<i32>} : memref<32x128xf32, #tpu.memory_space<vmem>>, vector<1x16xf32>,
      %get3A_872 = vector.shape_cast %get3A_871 : vector<1x16xf32> to vector<16xf32>
      %get3A_873 = arith.index_cast %scan3A_643 : i32 to index
      %get3A_874 = arith.constant 96 : index
      %get3A_875 = tpu.vector_load %arg26[%get3A_873, %get3A_874] {strides = array<i32>} : memref<32x128xf32, #tpu.memory_space<vmem>>, vector<1x16xf32>,
      %get3A_876 = vector.shape_cast %get3A_875 : vector<1x16xf32> to vector<16xf32>
      %add3A_877 = arith.addf %get3A_872, %get3A_876 : vector<16xf32>
      %add3A_878 = arith.constant 32 : i32
      %add3A_879 = arith.addi %add3A_878, %scan3A_643 : i32
      %get3A_880 = arith.index_cast %add3A_879 : i32 to index
      %get3A_881 = arith.constant 96 : index
      %get3A_882 = tpu.vector_load %arg16[%get3A_880, %get3A_881] {strides = array<i32>} : memref<128x128xf32, #tpu.memory_space<vmem>>, vector<1x16xf32>,
      %get3A_883 = vector.shape_cast %get3A_882 : vector<1x16xf32> to vector<16xf32>
      %add3A_884 = arith.addf %add3A_877, %get3A_883 : vector<16xf32>
      %get3A_885 = arith.index_cast %scan3A_643 : i32 to index
      %get3A_886 = arith.constant 32 : index
      %get3A_887 = tpu.vector_load %arg27[%get3A_885, %get3A_886] {strides = array<i32>} : memref<32x128xf32, #tpu.memory_space<vmem>>, vector<1x16xf32>,
      %get3A_888 = vector.shape_cast %get3A_887 : vector<1x16xf32> to vector<16xf32>
      %get3A_889 = arith.index_cast %scan3A_643 : i32 to index
      %get3A_890 = arith.constant 32 : index
      %get3A_891 = tpu.vector_load %arg28[%get3A_889, %get3A_890] {strides = array<i32>} : memref<32x128xf32, #tpu.memory_space<vmem>>, vector<1x16xf32>,
      %get3A_892 = vector.shape_cast %get3A_891 : vector<1x16xf32> to vector<16xf32>
      %add3A_893 = arith.addf %get3A_888, %get3A_892 : vector<16xf32>
      %get3A_894 = arith.index_cast %scan3A_643 : i32 to index
      %get3A_895 = arith.constant 96 : index
      %get3A_896 = tpu.vector_load %arg27[%get3A_894, %get3A_895] {strides = array<i32>} : memref<32x128xf32, #tpu.memory_space<vmem>>, vector<1x16xf32>,
      %get3A_897 = vector.shape_cast %get3A_896 : vector<1x16xf32> to vector<16xf32>
      %get3A_898 = arith.index_cast %scan3A_643 : i32 to index
      %get3A_899 = arith.constant 96 : index
      %get3A_900 = tpu.vector_load %arg28[%get3A_898, %get3A_899] {strides = array<i32>} : memref<32x128xf32, #tpu.memory_space<vmem>>, vector<1x16xf32>,
      %get3A_901 = vector.shape_cast %get3A_900 : vector<1x16xf32> to vector<16xf32>
      %add3A_902 = arith.addf %get3A_897, %get3A_901 : vector<16xf32>
      %get3A_903 = arith.index_cast %scan3A_643 : i32 to index
      %get3A_904 = arith.constant 32 : index
      %get3A_905 = tpu.vector_load %arg29[%get3A_903, %get3A_904] {strides = array<i32>} : memref<32x128xf32, #tpu.memory_space<vmem>>, vector<1x16xf32>,
      %get3A_906 = vector.shape_cast %get3A_905 : vector<1x16xf32> to vector<16xf32>
      %get3A_907 = arith.index_cast %scan3A_643 : i32 to index
      %get3A_908 = arith.constant 32 : index
      %get3A_909 = tpu.vector_load %arg30[%get3A_907, %get3A_908] {strides = array<i32>} : memref<32x128xf32, #tpu.memory_space<vmem>>, vector<1x16xf32>,
      %get3A_910 = vector.shape_cast %get3A_909 : vector<1x16xf32> to vector<16xf32>
      %add3A_911 = arith.addf %get3A_906, %get3A_910 : vector<16xf32>
      %get3A_912 = arith.index_cast %scan3A_643 : i32 to index
      %get3A_913 = arith.constant 96 : index
      %get3A_914 = tpu.vector_load %arg29[%get3A_912, %get3A_913] {strides = array<i32>} : memref<32x128xf32, #tpu.memory_space<vmem>>, vector<1x16xf32>,
      %get3A_915 = vector.shape_cast %get3A_914 : vector<1x16xf32> to vector<16xf32>
      %get3A_916 = arith.index_cast %scan3A_643 : i32 to index
      %get3A_917 = arith.constant 96 : index
      %get3A_918 = tpu.vector_load %arg30[%get3A_916, %get3A_917] {strides = array<i32>} : memref<32x128xf32, #tpu.memory_space<vmem>>, vector<1x16xf32>,
      %get3A_919 = vector.shape_cast %get3A_918 : vector<1x16xf32> to vector<16xf32>
      %add3A_920 = arith.addf %get3A_915, %get3A_919 : vector<16xf32>
      %get3A_921 = arith.index_cast %scan3A_643 : i32 to index
      %get3A_922 = arith.constant 32 : index
      %get3A_923 = tpu.vector_load %arg31[%get3A_921, %get3A_922] {strides = array<i32>} : memref<32x128xf32, #tpu.memory_space<vmem>>, vector<1x16xf32>,
      %get3A_924 = vector.shape_cast %get3A_923 : vector<1x16xf32> to vector<16xf32>
      %get3A_925 = arith.index_cast %scan3A_643 : i32 to index
      %get3A_926 = arith.constant 96 : index
      %get3A_927 = tpu.vector_load %arg31[%get3A_925, %get3A_926] {strides = array<i32>} : memref<32x128xf32, #tpu.memory_space<vmem>>, vector<1x16xf32>,
      %get3A_928 = vector.shape_cast %get3A_927 : vector<1x16xf32> to vector<16xf32>
      %get3A_929 = arith.index_cast %scan3A_643 : i32 to index
      %get3A_930 = arith.constant 32 : index
      %get3A_931 = tpu.vector_load %arg32[%get3A_929, %get3A_930] {strides = array<i32>} : memref<32x128xf32, #tpu.memory_space<vmem>>, vector<1x16xf32>,
      %get3A_932 = vector.shape_cast %get3A_931 : vector<1x16xf32> to vector<16xf32>
      %get3A_933 = arith.index_cast %scan3A_643 : i32 to index
      %get3A_934 = arith.constant 96 : index
      %get3A_935 = tpu.vector_load %arg32[%get3A_933, %get3A_934] {strides = array<i32>} : memref<32x128xf32, #tpu.memory_space<vmem>>, vector<1x16xf32>,
      %get3A_936 = vector.shape_cast %get3A_935 : vector<1x16xf32> to vector<16xf32>
      %mul3A_937 = arith.mulf %add3A_868, %add3A_911 : vector<16xf32>
      %mul3A_938 = arith.mulf %add3A_884, %add3A_920 : vector<16xf32>
      %add3A_939 = arith.addf %mul3A_937, %mul3A_938 : vector<16xf32>
      %mul3A_940 = arith.mulf %get3A_932, %add3A_939 : vector<16xf32>
      %mul3A_941 = arith.mulf %add3A_868, %add3A_920 : vector<16xf32>
      %mul3A_942 = arith.mulf %add3A_884, %add3A_911 : vector<16xf32>
      %sub3A_943 = arith.subf %mul3A_941, %mul3A_942 : vector<16xf32>
      %mul3A_944 = arith.mulf %get3A_936, %sub3A_943 : vector<16xf32>
      %add3A_945 = arith.addf %mul3A_940, %mul3A_944 : vector<16xf32>
      %mul3A_946 = arith.mulf %add3A_868, %add3A_893 : vector<16xf32>
      %mul3A_947 = arith.mulf %add3A_884, %add3A_902 : vector<16xf32>
      %add3A_948 = arith.addf %mul3A_946, %mul3A_947 : vector<16xf32>
      %mul3A_949 = arith.mulf %get3A_924, %add3A_948 : vector<16xf32>
      %sub3A_950 = arith.subf %add3A_945, %mul3A_949 : vector<16xf32>
      %mul3A_951 = arith.mulf %add3A_868, %add3A_902 : vector<16xf32>
      %mul3A_952 = arith.mulf %add3A_884, %add3A_893 : vector<16xf32>
      %sub3A_953 = arith.subf %mul3A_951, %mul3A_952 : vector<16xf32>
      %mul3A_954 = arith.mulf %get3A_928, %sub3A_953 : vector<16xf32>
      %sub3A_955 = arith.subf %sub3A_950, %mul3A_954 : vector<16xf32>
      %add3A_956 = arith.addf %add3A_852, %sub3A_955 : vector<16xf32>
      %get3A_957 = arith.index_cast %scan3A_643 : i32 to index
      %get3A_958 = arith.constant 48 : index
      %get3A_959 = tpu.vector_load %arg25[%get3A_957, %get3A_958] {strides = array<i32>} : memref<32x128xf32, #tpu.memory_space<vmem>>, vector<1x16xf32>,
      %get3A_960 = vector.shape_cast %get3A_959 : vector<1x16xf32> to vector<16xf32>
      %get3A_961 = arith.index_cast %scan3A_643 : i32 to index
      %get3A_962 = arith.constant 48 : index
      %get3A_963 = tpu.vector_load %arg26[%get3A_961, %get3A_962] {strides = array<i32>} : memref<32x128xf32, #tpu.memory_space<vmem>>, vector<1x16xf32>,
      %get3A_964 = vector.shape_cast %get3A_963 : vector<1x16xf32> to vector<16xf32>
      %add3A_965 = arith.addf %get3A_960, %get3A_964 : vector<16xf32>
      %add3A_966 = arith.constant 32 : i32
      %add3A_967 = arith.addi %add3A_966, %scan3A_643 : i32
      %get3A_968 = arith.index_cast %add3A_967 : i32 to index
      %get3A_969 = arith.constant 48 : index
      %get3A_970 = tpu.vector_load %arg16[%get3A_968, %get3A_969] {strides = array<i32>} : memref<128x128xf32, #tpu.memory_space<vmem>>, vector<1x16xf32>,
      %get3A_971 = vector.shape_cast %get3A_970 : vector<1x16xf32> to vector<16xf32>
      %add3A_972 = arith.addf %add3A_965, %get3A_971 : vector<16xf32>
      %get3A_973 = arith.index_cast %scan3A_643 : i32 to index
      %get3A_974 = arith.constant 112 : index
      %get3A_975 = tpu.vector_load %arg25[%get3A_973, %get3A_974] {strides = array<i32>} : memref<32x128xf32, #tpu.memory_space<vmem>>, vector<1x16xf32>,
      %get3A_976 = vector.shape_cast %get3A_975 : vector<1x16xf32> to vector<16xf32>
      %get3A_977 = arith.index_cast %scan3A_643 : i32 to index
      %get3A_978 = arith.constant 112 : index
      %get3A_979 = tpu.vector_load %arg26[%get3A_977, %get3A_978] {strides = array<i32>} : memref<32x128xf32, #tpu.memory_space<vmem>>, vector<1x16xf32>,
      %get3A_980 = vector.shape_cast %get3A_979 : vector<1x16xf32> to vector<16xf32>
      %add3A_981 = arith.addf %get3A_976, %get3A_980 : vector<16xf32>
      %add3A_982 = arith.constant 32 : i32
      %add3A_983 = arith.addi %add3A_982, %scan3A_643 : i32
      %get3A_984 = arith.index_cast %add3A_983 : i32 to index
      %get3A_985 = arith.constant 112 : index
      %get3A_986 = tpu.vector_load %arg16[%get3A_984, %get3A_985] {strides = array<i32>} : memref<128x128xf32, #tpu.memory_space<vmem>>, vector<1x16xf32>,
      %get3A_987 = vector.shape_cast %get3A_986 : vector<1x16xf32> to vector<16xf32>
      %add3A_988 = arith.addf %add3A_981, %get3A_987 : vector<16xf32>
      %get3A_989 = arith.index_cast %scan3A_643 : i32 to index
      %get3A_990 = arith.constant 48 : index
      %get3A_991 = tpu.vector_load %arg27[%get3A_989, %get3A_990] {strides = array<i32>} : memref<32x128xf32, #tpu.memory_space<vmem>>, vector<1x16xf32>,
      %get3A_992 = vector.shape_cast %get3A_991 : vector<1x16xf32> to vector<16xf32>
      %get3A_993 = arith.index_cast %scan3A_643 : i32 to index
      %get3A_994 = arith.constant 48 : index
      %get3A_995 = tpu.vector_load %arg28[%get3A_993, %get3A_994] {strides = array<i32>} : memref<32x128xf32, #tpu.memory_space<vmem>>, vector<1x16xf32>,
      %get3A_996 = vector.shape_cast %get3A_995 : vector<1x16xf32> to vector<16xf32>
      %add3A_997 = arith.addf %get3A_992, %get3A_996 : vector<16xf32>
      %get3A_998 = arith.index_cast %scan3A_643 : i32 to index
      %get3A_999 = arith.constant 112 : index
      %get3A_1000 = tpu.vector_load %arg27[%get3A_998, %get3A_999] {strides = array<i32>} : memref<32x128xf32, #tpu.memory_space<vmem>>, vector<1x16xf32>,
      %get3A_1001 = vector.shape_cast %get3A_1000 : vector<1x16xf32> to vector<16xf32>
      %get3A_1002 = arith.index_cast %scan3A_643 : i32 to index
      %get3A_1003 = arith.constant 112 : index
      %get3A_1004 = tpu.vector_load %arg28[%get3A_1002, %get3A_1003] {strides = array<i32>} : memref<32x128xf32, #tpu.memory_space<vmem>>, vector<1x16xf32>,
      %get3A_1005 = vector.shape_cast %get3A_1004 : vector<1x16xf32> to vector<16xf32>
      %add3A_1006 = arith.addf %get3A_1001, %get3A_1005 : vector<16xf32>
      %get3A_1007 = arith.index_cast %scan3A_643 : i32 to index
      %get3A_1008 = arith.constant 48 : index
      %get3A_1009 = tpu.vector_load %arg29[%get3A_1007, %get3A_1008] {strides = array<i32>} : memref<32x128xf32, #tpu.memory_space<vmem>>, vector<1x16xf32>,
      %get3A_1010 = vector.shape_cast %get3A_1009 : vector<1x16xf32> to vector<16xf32>
      %get3A_1011 = arith.index_cast %scan3A_643 : i32 to index
      %get3A_1012 = arith.constant 48 : index
      %get3A_1013 = tpu.vector_load %arg30[%get3A_1011, %get3A_1012] {strides = array<i32>} : memref<32x128xf32, #tpu.memory_space<vmem>>, vector<1x16xf32>,
      %get3A_1014 = vector.shape_cast %get3A_1013 : vector<1x16xf32> to vector<16xf32>
      %add3A_1015 = arith.addf %get3A_1010, %get3A_1014 : vector<16xf32>
      %get3A_1016 = arith.index_cast %scan3A_643 : i32 to index
      %get3A_1017 = arith.constant 112 : index
      %get3A_1018 = tpu.vector_load %arg29[%get3A_1016, %get3A_1017] {strides = array<i32>} : memref<32x128xf32, #tpu.memory_space<vmem>>, vector<1x16xf32>,
      %get3A_1019 = vector.shape_cast %get3A_1018 : vector<1x16xf32> to vector<16xf32>
      %get3A_1020 = arith.index_cast %scan3A_643 : i32 to index
      %get3A_1021 = arith.constant 112 : index
      %get3A_1022 = tpu.vector_load %arg30[%get3A_1020, %get3A_1021] {strides = array<i32>} : memref<32x128xf32, #tpu.memory_space<vmem>>, vector<1x16xf32>,
      %get3A_1023 = vector.shape_cast %get3A_1022 : vector<1x16xf32> to vector<16xf32>
      %add3A_1024 = arith.addf %get3A_1019, %get3A_1023 : vector<16xf32>
      %get3A_1025 = arith.index_cast %scan3A_643 : i32 to index
      %get3A_1026 = arith.constant 48 : index
      %get3A_1027 = tpu.vector_load %arg31[%get3A_1025, %get3A_1026] {strides = array<i32>} : memref<32x128xf32, #tpu.memory_space<vmem>>, vector<1x16xf32>,
      %get3A_1028 = vector.shape_cast %get3A_1027 : vector<1x16xf32> to vector<16xf32>
      %get3A_1029 = arith.index_cast %scan3A_643 : i32 to index
      %get3A_1030 = arith.constant 112 : index
      %get3A_1031 = tpu.vector_load %arg31[%get3A_1029, %get3A_1030] {strides = array<i32>} : memref<32x128xf32, #tpu.memory_space<vmem>>, vector<1x16xf32>,
      %get3A_1032 = vector.shape_cast %get3A_1031 : vector<1x16xf32> to vector<16xf32>
      %get3A_1033 = arith.index_cast %scan3A_643 : i32 to index
      %get3A_1034 = arith.constant 48 : index
      %get3A_1035 = tpu.vector_load %arg32[%get3A_1033, %get3A_1034] {strides = array<i32>} : memref<32x128xf32, #tpu.memory_space<vmem>>, vector<1x16xf32>,
      %get3A_1036 = vector.shape_cast %get3A_1035 : vector<1x16xf32> to vector<16xf32>
      %get3A_1037 = arith.index_cast %scan3A_643 : i32 to index
      %get3A_1038 = arith.constant 112 : index
      %get3A_1039 = tpu.vector_load %arg32[%get3A_1037, %get3A_1038] {strides = array<i32>} : memref<32x128xf32, #tpu.memory_space<vmem>>, vector<1x16xf32>,
      %get3A_1040 = vector.shape_cast %get3A_1039 : vector<1x16xf32> to vector<16xf32>
      %mul3A_1041 = arith.mulf %add3A_972, %add3A_1015 : vector<16xf32>
      %mul3A_1042 = arith.mulf %add3A_988, %add3A_1024 : vector<16xf32>
      %add3A_1043 = arith.addf %mul3A_1041, %mul3A_1042 : vector<16xf32>
      %mul3A_1044 = arith.mulf %get3A_1036, %add3A_1043 : vector<16xf32>
      %mul3A_1045 = arith.mulf %add3A_972, %add3A_1024 : vector<16xf32>
      %mul3A_1046 = arith.mulf %add3A_988, %add3A_1015 : vector<16xf32>
      %sub3A_1047 = arith.subf %mul3A_1045, %mul3A_1046 : vector<16xf32>
      %mul3A_1048 = arith.mulf %get3A_1040, %sub3A_1047 : vector<16xf32>
      %add3A_1049 = arith.addf %mul3A_1044, %mul3A_1048 : vector<16xf32>
      %mul3A_1050 = arith.mulf %add3A_972, %add3A_997 : vector<16xf32>
      %mul3A_1051 = arith.mulf %add3A_988, %add3A_1006 : vector<16xf32>
      %add3A_1052 = arith.addf %mul3A_1050, %mul3A_1051 : vector<16xf32>
      %mul3A_1053 = arith.mulf %get3A_1028, %add3A_1052 : vector<16xf32>
      %sub3A_1054 = arith.subf %add3A_1049, %mul3A_1053 : vector<16xf32>
      %mul3A_1055 = arith.mulf %add3A_972, %add3A_1006 : vector<16xf32>
      %mul3A_1056 = arith.mulf %add3A_988, %add3A_997 : vector<16xf32>
      %sub3A_1057 = arith.subf %mul3A_1055, %mul3A_1056 : vector<16xf32>
      %mul3A_1058 = arith.mulf %get3A_1032, %sub3A_1057 : vector<16xf32>
      %sub3A_1059 = arith.subf %sub3A_1054, %mul3A_1058 : vector<16xf32>
      %add3A_1060 = arith.addf %add3A_956, %sub3A_1059 : vector<16xf32>
      %lt3A = arith.constant 0 : i32
      %lt3A_1061 = vector.broadcast %lt3A : i32 to vector<16xi32>
      %lt3A_1062 = arith.cmpi slt, %xor3A_4, %lt3A_1061 : vector<16xi32>
      %add3A_1063 = arith.constant 16 : i32
      %add3A_1064 = vector.broadcast %add3A_1063 : i32 to vector<16xi32>
      %add3A_1065 = arith.addi %xor3A_4, %add3A_1064 : vector<16xi32>
      %select_n3A = arith.select %lt3A_1062, %add3A_1065, %xor3A_4 : vector<16xi1>, vector<16xi32>
      %broadcast_in_dim3A_1066 = vector.shape_cast %select_n3A : vector<16xi32> to vector<16x1xi32>
      %gather3A = vector.shape_cast %broadcast_in_dim3A_1066 : vector<16x1xi32> to vector<16xi32>
      %gather3A_1067 = tpu.dynamic_gather %add3A_1060[%gather3A] in [0] : vector<16xf32>, vector<16xi32> -> vector<16xf32>
      %add3A_1068 = arith.addf %add3A_1060, %gather3A_1067 : vector<16xf32>
      %lt3A_1069 = arith.constant 0 : i32
      %lt3A_1070 = vector.broadcast %lt3A_1069 : i32 to vector<16xi32>
      %lt3A_1071 = arith.cmpi slt, %xor3A_7, %lt3A_1070 : vector<16xi32>
      %add3A_1072 = arith.constant 16 : i32
      %add3A_1073 = vector.broadcast %add3A_1072 : i32 to vector<16xi32>
      %add3A_1074 = arith.addi %xor3A_7, %add3A_1073 : vector<16xi32>
      %select_n3A_1075 = arith.select %lt3A_1071, %add3A_1074, %xor3A_7 : vector<16xi1>, vector<16xi32>
      %broadcast_in_dim3A_1076 = vector.shape_cast %select_n3A_1075 : vector<16xi32> to vector<16x1xi32>
      %gather3A_1077 = vector.shape_cast %broadcast_in_dim3A_1076 : vector<16x1xi32> to vector<16xi32>
      %gather3A_1078 = tpu.dynamic_gather %add3A_1068[%gather3A_1077] in [0] : vector<16xf32>, vector<16xi32> -> vector<16xf32>
      %add3A_1079 = arith.addf %add3A_1068, %gather3A_1078 : vector<16xf32>
      %lt3A_1080 = arith.constant 0 : i32
      %lt3A_1081 = vector.broadcast %lt3A_1080 : i32 to vector<16xi32>
      %lt3A_1082 = arith.cmpi slt, %xor3A_10, %lt3A_1081 : vector<16xi32>
      %add3A_1083 = arith.constant 16 : i32
      %add3A_1084 = vector.broadcast %add3A_1083 : i32 to vector<16xi32>
      %add3A_1085 = arith.addi %xor3A_10, %add3A_1084 : vector<16xi32>
      %select_n3A_1086 = arith.select %lt3A_1082, %add3A_1085, %xor3A_10 : vector<16xi1>, vector<16xi32>
      %broadcast_in_dim3A_1087 = vector.shape_cast %select_n3A_1086 : vector<16xi32> to vector<16x1xi32>
      %gather3A_1088 = vector.shape_cast %broadcast_in_dim3A_1087 : vector<16x1xi32> to vector<16xi32>
      %gather3A_1089 = tpu.dynamic_gather %add3A_1079[%gather3A_1088] in [0] : vector<16xf32>, vector<16xi32> -> vector<16xf32>
      %add3A_1090 = arith.addf %add3A_1079, %gather3A_1089 : vector<16xf32>
      %lt3A_1091 = arith.constant 0 : i32
      %lt3A_1092 = vector.broadcast %lt3A_1091 : i32 to vector<16xi32>
      %lt3A_1093 = arith.cmpi slt, %xor3A_13, %lt3A_1092 : vector<16xi32>
      %add3A_1094 = arith.constant 16 : i32
      %add3A_1095 = vector.broadcast %add3A_1094 : i32 to vector<16xi32>
      %add3A_1096 = arith.addi %xor3A_13, %add3A_1095 : vector<16xi32>
      %select_n3A_1097 = arith.select %lt3A_1093, %add3A_1096, %xor3A_13 : vector<16xi1>, vector<16xi32>
      %broadcast_in_dim3A_1098 = vector.shape_cast %select_n3A_1097 : vector<16xi32> to vector<16x1xi32>
      %gather3A_1099 = vector.shape_cast %broadcast_in_dim3A_1098 : vector<16x1xi32> to vector<16xi32>
      %gather3A_1100 = tpu.dynamic_gather %add3A_1090[%gather3A_1099] in [0] : vector<16xf32>, vector<16xi32> -> vector<16xf32>
      %add3A_1101 = arith.addf %add3A_1090, %gather3A_1100 : vector<16xf32>
      %add3A_1102 = arith.addf %broadcast_in_dim3A_14, %add3A_1101 : vector<16xf32>
      %max3A = arith.maximumf %add3A_1102, %broadcast_in_dim3A_16 : vector<16xf32>
      %add3A_1103 = arith.addf %scan3A_644, %max3A : vector<16xf32>
      scf.yield %add3A_1103 : vector<16xf32>
    }
    %scan3A_459 = arith.constant 32 : i32
    %dma_start3A_460 = arith.constant 0 : i32
    %dma_start3A_461 = arith.constant 96 : i32
    %dma_start3A_462 = tpu.memref_slice %arg15[%dma_start3A_460, %dma_start3A_461] : memref<8x128xi32, #tpu.memory_space<vmem>> -> memref<1x32xi32, #tpu.memory_space<vmem>>
    %dma_start3A_463 = tpu.memref_squeeze %dma_start3A_462 : memref<1x32xi32, #tpu.memory_space<vmem>> -> memref<32xi32, #tpu.memory_space<vmem>>
    %dma_start3A_464 = arith.constant 0 : i32
    %dma_start3A_465 = arith.constant 0 : i32
    %dma_start3A_466 = tpu.memref_slice %arg11[%dma_start3A_464, %dma_start3A_465] : memref<100000x128xf32, #tpu.memory_space<hbm>> -> memref<100000x128xf32, #tpu.memory_space<hbm>>
    tpu.enqueue_indirect_dma source(%dma_start3A_466 : memref<100000x128xf32, #tpu.memory_space<hbm>>) target(%arg25 : memref<32x128xf32, #tpu.memory_space<vmem>>) offsets(%dma_start3A_463 : memref<32xi32, #tpu.memory_space<vmem>>) semaphore(%arg37 : memref<!tpu.dma_semaphore, #tpu.memory_space<semaphore_mem>>)
    %dma_start3A_467 = arith.constant 1 : i32
    %dma_start3A_468 = arith.constant 96 : i32
    %dma_start3A_469 = tpu.memref_slice %arg15[%dma_start3A_467, %dma_start3A_468] : memref<8x128xi32, #tpu.memory_space<vmem>> -> memref<1x32xi32, #tpu.memory_space<vmem>>
    %dma_start3A_470 = tpu.memref_squeeze %dma_start3A_469 : memref<1x32xi32, #tpu.memory_space<vmem>> -> memref<32xi32, #tpu.memory_space<vmem>>
    %dma_start3A_471 = arith.constant 0 : i32
    %dma_start3A_472 = arith.constant 0 : i32
    %dma_start3A_473 = tpu.memref_slice %arg13[%dma_start3A_471, %dma_start3A_472] : memref<1000x128xf32, #tpu.memory_space<hbm>> -> memref<1000x128xf32, #tpu.memory_space<hbm>>
    tpu.enqueue_indirect_dma source(%dma_start3A_473 : memref<1000x128xf32, #tpu.memory_space<hbm>>) target(%arg26 : memref<32x128xf32, #tpu.memory_space<vmem>>) offsets(%dma_start3A_470 : memref<32xi32, #tpu.memory_space<vmem>>) semaphore(%arg37 : memref<!tpu.dma_semaphore, #tpu.memory_space<semaphore_mem>>)
    %dma_start3A_474 = arith.constant 2 : i32
    %dma_start3A_475 = arith.constant 96 : i32
    %dma_start3A_476 = tpu.memref_slice %arg15[%dma_start3A_474, %dma_start3A_475] : memref<8x128xi32, #tpu.memory_space<vmem>> -> memref<1x32xi32, #tpu.memory_space<vmem>>
    %dma_start3A_477 = tpu.memref_squeeze %dma_start3A_476 : memref<1x32xi32, #tpu.memory_space<vmem>> -> memref<32xi32, #tpu.memory_space<vmem>>
    %dma_start3A_478 = arith.constant 0 : i32
    %dma_start3A_479 = arith.constant 0 : i32
    %dma_start3A_480 = tpu.memref_slice %arg11[%dma_start3A_478, %dma_start3A_479] : memref<100000x128xf32, #tpu.memory_space<hbm>> -> memref<100000x128xf32, #tpu.memory_space<hbm>>
    tpu.enqueue_indirect_dma source(%dma_start3A_480 : memref<100000x128xf32, #tpu.memory_space<hbm>>) target(%arg27 : memref<32x128xf32, #tpu.memory_space<vmem>>) offsets(%dma_start3A_477 : memref<32xi32, #tpu.memory_space<vmem>>) semaphore(%arg37 : memref<!tpu.dma_semaphore, #tpu.memory_space<semaphore_mem>>)
    %dma_start3A_481 = arith.constant 3 : i32
    %dma_start3A_482 = arith.constant 96 : i32
    %dma_start3A_483 = tpu.memref_slice %arg15[%dma_start3A_481, %dma_start3A_482] : memref<8x128xi32, #tpu.memory_space<vmem>> -> memref<1x32xi32, #tpu.memory_space<vmem>>
    %dma_start3A_484 = tpu.memref_squeeze %dma_start3A_483 : memref<1x32xi32, #tpu.memory_space<vmem>> -> memref<32xi32, #tpu.memory_space<vmem>>
    %dma_start3A_485 = arith.constant 0 : i32
    %dma_start3A_486 = arith.constant 0 : i32
    %dma_start3A_487 = tpu.memref_slice %arg13[%dma_start3A_485, %dma_start3A_486] : memref<1000x128xf32, #tpu.memory_space<hbm>> -> memref<1000x128xf32, #tpu.memory_space<hbm>>
    tpu.enqueue_indirect_dma source(%dma_start3A_487 : memref<1000x128xf32, #tpu.memory_space<hbm>>) target(%arg28 : memref<32x128xf32, #tpu.memory_space<vmem>>) offsets(%dma_start3A_484 : memref<32xi32, #tpu.memory_space<vmem>>) semaphore(%arg37 : memref<!tpu.dma_semaphore, #tpu.memory_space<semaphore_mem>>)
    %dma_start3A_488 = arith.constant 4 : i32
    %dma_start3A_489 = arith.constant 96 : i32
    %dma_start3A_490 = tpu.memref_slice %arg15[%dma_start3A_488, %dma_start3A_489] : memref<8x128xi32, #tpu.memory_space<vmem>> -> memref<1x32xi32, #tpu.memory_space<vmem>>
    %dma_start3A_491 = tpu.memref_squeeze %dma_start3A_490 : memref<1x32xi32, #tpu.memory_space<vmem>> -> memref<32xi32, #tpu.memory_space<vmem>>
    %dma_start3A_492 = arith.constant 0 : i32
    %dma_start3A_493 = arith.constant 0 : i32
    %dma_start3A_494 = tpu.memref_slice %arg11[%dma_start3A_492, %dma_start3A_493] : memref<100000x128xf32, #tpu.memory_space<hbm>> -> memref<100000x128xf32, #tpu.memory_space<hbm>>
    tpu.enqueue_indirect_dma source(%dma_start3A_494 : memref<100000x128xf32, #tpu.memory_space<hbm>>) target(%arg29 : memref<32x128xf32, #tpu.memory_space<vmem>>) offsets(%dma_start3A_491 : memref<32xi32, #tpu.memory_space<vmem>>) semaphore(%arg37 : memref<!tpu.dma_semaphore, #tpu.memory_space<semaphore_mem>>)
    %dma_start3A_495 = arith.constant 5 : i32
    %dma_start3A_496 = arith.constant 96 : i32
    %dma_start3A_497 = tpu.memref_slice %arg15[%dma_start3A_495, %dma_start3A_496] : memref<8x128xi32, #tpu.memory_space<vmem>> -> memref<1x32xi32, #tpu.memory_space<vmem>>
    %dma_start3A_498 = tpu.memref_squeeze %dma_start3A_497 : memref<1x32xi32, #tpu.memory_space<vmem>> -> memref<32xi32, #tpu.memory_space<vmem>>
    %dma_start3A_499 = arith.constant 0 : i32
    %dma_start3A_500 = arith.constant 0 : i32
    %dma_start3A_501 = tpu.memref_slice %arg13[%dma_start3A_499, %dma_start3A_500] : memref<1000x128xf32, #tpu.memory_space<hbm>> -> memref<1000x128xf32, #tpu.memory_space<hbm>>
    tpu.enqueue_indirect_dma source(%dma_start3A_501 : memref<1000x128xf32, #tpu.memory_space<hbm>>) target(%arg30 : memref<32x128xf32, #tpu.memory_space<vmem>>) offsets(%dma_start3A_498 : memref<32xi32, #tpu.memory_space<vmem>>) semaphore(%arg37 : memref<!tpu.dma_semaphore, #tpu.memory_space<semaphore_mem>>)
    %dma_start3A_502 = arith.constant 6 : i32
    %dma_start3A_503 = arith.constant 96 : i32
    %dma_start3A_504 = tpu.memref_slice %arg15[%dma_start3A_502, %dma_start3A_503] : memref<8x128xi32, #tpu.memory_space<vmem>> -> memref<1x32xi32, #tpu.memory_space<vmem>>
    %dma_start3A_505 = tpu.memref_squeeze %dma_start3A_504 : memref<1x32xi32, #tpu.memory_space<vmem>> -> memref<32xi32, #tpu.memory_space<vmem>>
    %dma_start3A_506 = arith.constant 0 : i32
    %dma_start3A_507 = arith.constant 0 : i32
    %dma_start3A_508 = tpu.memref_slice %arg12[%dma_start3A_506, %dma_start3A_507] : memref<1000x128xf32, #tpu.memory_space<hbm>> -> memref<1000x128xf32, #tpu.memory_space<hbm>>
    tpu.enqueue_indirect_dma source(%dma_start3A_508 : memref<1000x128xf32, #tpu.memory_space<hbm>>) target(%arg31 : memref<32x128xf32, #tpu.memory_space<vmem>>) offsets(%dma_start3A_505 : memref<32xi32, #tpu.memory_space<vmem>>) semaphore(%arg37 : memref<!tpu.dma_semaphore, #tpu.memory_space<semaphore_mem>>)
    %dma_start3A_509 = arith.constant 7 : i32
    %dma_start3A_510 = arith.constant 96 : i32
    %dma_start3A_511 = tpu.memref_slice %arg15[%dma_start3A_509, %dma_start3A_510] : memref<8x128xi32, #tpu.memory_space<vmem>> -> memref<1x32xi32, #tpu.memory_space<vmem>>
    %dma_start3A_512 = tpu.memref_squeeze %dma_start3A_511 : memref<1x32xi32, #tpu.memory_space<vmem>> -> memref<32xi32, #tpu.memory_space<vmem>>
    %dma_start3A_513 = arith.constant 0 : i32
    %dma_start3A_514 = arith.constant 0 : i32
    %dma_start3A_515 = tpu.memref_slice %arg12[%dma_start3A_513, %dma_start3A_514] : memref<1000x128xf32, #tpu.memory_space<hbm>> -> memref<1000x128xf32, #tpu.memory_space<hbm>>
    tpu.enqueue_indirect_dma source(%dma_start3A_515 : memref<1000x128xf32, #tpu.memory_space<hbm>>) target(%arg32 : memref<32x128xf32, #tpu.memory_space<vmem>>) offsets(%dma_start3A_512 : memref<32xi32, #tpu.memory_space<vmem>>) semaphore(%arg37 : memref<!tpu.dma_semaphore, #tpu.memory_space<semaphore_mem>>)
    %dma_wait3A_516 = arith.constant 0 : i32
    %dma_wait3A_517 = arith.constant 64 : i32
    %dma_wait3A_518 = tpu.memref_slice %arg15[%dma_wait3A_516, %dma_wait3A_517] : memref<8x128xi32, #tpu.memory_space<vmem>> -> memref<1x32xi32, #tpu.memory_space<vmem>>
    %dma_wait3A_519 = tpu.memref_squeeze %dma_wait3A_518 : memref<1x32xi32, #tpu.memory_space<vmem>> -> memref<32xi32, #tpu.memory_space<vmem>>
    %dma_wait3A_520 = arith.constant 0 : i32
    %dma_wait3A_521 = arith.constant 0 : i32
    %dma_wait3A_522 = tpu.memref_slice %arg11[%dma_wait3A_520, %dma_wait3A_521] : memref<100000x128xf32, #tpu.memory_space<hbm>> -> memref<100000x128xf32, #tpu.memory_space<hbm>>
    tpu.wait_indirect_dma semaphore(%arg36 : memref<!tpu.dma_semaphore, #tpu.memory_space<semaphore_mem>>) src(%dma_wait3A_522 : memref<100000x128xf32, #tpu.memory_space<hbm>>) dst(%arg17 : memref<32x128xf32, #tpu.memory_space<vmem>>)
    %dma_wait3A_523 = arith.constant 1 : i32
    %dma_wait3A_524 = arith.constant 64 : i32
    %dma_wait3A_525 = tpu.memref_slice %arg15[%dma_wait3A_523, %dma_wait3A_524] : memref<8x128xi32, #tpu.memory_space<vmem>> -> memref<1x32xi32, #tpu.memory_space<vmem>>
    %dma_wait3A_526 = tpu.memref_squeeze %dma_wait3A_525 : memref<1x32xi32, #tpu.memory_space<vmem>> -> memref<32xi32, #tpu.memory_space<vmem>>
    %dma_wait3A_527 = arith.constant 0 : i32
    %dma_wait3A_528 = arith.constant 0 : i32
    %dma_wait3A_529 = tpu.memref_slice %arg13[%dma_wait3A_527, %dma_wait3A_528] : memref<1000x128xf32, #tpu.memory_space<hbm>> -> memref<1000x128xf32, #tpu.memory_space<hbm>>
    tpu.wait_indirect_dma semaphore(%arg36 : memref<!tpu.dma_semaphore, #tpu.memory_space<semaphore_mem>>) src(%dma_wait3A_529 : memref<1000x128xf32, #tpu.memory_space<hbm>>) dst(%arg18 : memref<32x128xf32, #tpu.memory_space<vmem>>)
    %dma_wait3A_530 = arith.constant 2 : i32
    %dma_wait3A_531 = arith.constant 64 : i32
    %dma_wait3A_532 = tpu.memref_slice %arg15[%dma_wait3A_530, %dma_wait3A_531] : memref<8x128xi32, #tpu.memory_space<vmem>> -> memref<1x32xi32, #tpu.memory_space<vmem>>
    %dma_wait3A_533 = tpu.memref_squeeze %dma_wait3A_532 : memref<1x32xi32, #tpu.memory_space<vmem>> -> memref<32xi32, #tpu.memory_space<vmem>>
    %dma_wait3A_534 = arith.constant 0 : i32
    %dma_wait3A_535 = arith.constant 0 : i32
    %dma_wait3A_536 = tpu.memref_slice %arg11[%dma_wait3A_534, %dma_wait3A_535] : memref<100000x128xf32, #tpu.memory_space<hbm>> -> memref<100000x128xf32, #tpu.memory_space<hbm>>
    tpu.wait_indirect_dma semaphore(%arg36 : memref<!tpu.dma_semaphore, #tpu.memory_space<semaphore_mem>>) src(%dma_wait3A_536 : memref<100000x128xf32, #tpu.memory_space<hbm>>) dst(%arg19 : memref<32x128xf32, #tpu.memory_space<vmem>>)
    %dma_wait3A_537 = arith.constant 3 : i32
    %dma_wait3A_538 = arith.constant 64 : i32
    %dma_wait3A_539 = tpu.memref_slice %arg15[%dma_wait3A_537, %dma_wait3A_538] : memref<8x128xi32, #tpu.memory_space<vmem>> -> memref<1x32xi32, #tpu.memory_space<vmem>>
    %dma_wait3A_540 = tpu.memref_squeeze %dma_wait3A_539 : memref<1x32xi32, #tpu.memory_space<vmem>> -> memref<32xi32, #tpu.memory_space<vmem>>
    %dma_wait3A_541 = arith.constant 0 : i32
    %dma_wait3A_542 = arith.constant 0 : i32
    %dma_wait3A_543 = tpu.memref_slice %arg13[%dma_wait3A_541, %dma_wait3A_542] : memref<1000x128xf32, #tpu.memory_space<hbm>> -> memref<1000x128xf32, #tpu.memory_space<hbm>>
    tpu.wait_indirect_dma semaphore(%arg36 : memref<!tpu.dma_semaphore, #tpu.memory_space<semaphore_mem>>) src(%dma_wait3A_543 : memref<1000x128xf32, #tpu.memory_space<hbm>>) dst(%arg20 : memref<32x128xf32, #tpu.memory_space<vmem>>)
    %dma_wait3A_544 = arith.constant 4 : i32
    %dma_wait3A_545 = arith.constant 64 : i32
    %dma_wait3A_546 = tpu.memref_slice %arg15[%dma_wait3A_544, %dma_wait3A_545] : memref<8x128xi32, #tpu.memory_space<vmem>> -> memref<1x32xi32, #tpu.memory_space<vmem>>
    %dma_wait3A_547 = tpu.memref_squeeze %dma_wait3A_546 : memref<1x32xi32, #tpu.memory_space<vmem>> -> memref<32xi32, #tpu.memory_space<vmem>>
    %dma_wait3A_548 = arith.constant 0 : i32
    %dma_wait3A_549 = arith.constant 0 : i32
    %dma_wait3A_550 = tpu.memref_slice %arg11[%dma_wait3A_548, %dma_wait3A_549] : memref<100000x128xf32, #tpu.memory_space<hbm>> -> memref<100000x128xf32, #tpu.memory_space<hbm>>
    tpu.wait_indirect_dma semaphore(%arg36 : memref<!tpu.dma_semaphore, #tpu.memory_space<semaphore_mem>>) src(%dma_wait3A_550 : memref<100000x128xf32, #tpu.memory_space<hbm>>) dst(%arg21 : memref<32x128xf32, #tpu.memory_space<vmem>>)
    %dma_wait3A_551 = arith.constant 5 : i32
    %dma_wait3A_552 = arith.constant 64 : i32
    %dma_wait3A_553 = tpu.memref_slice %arg15[%dma_wait3A_551, %dma_wait3A_552] : memref<8x128xi32, #tpu.memory_space<vmem>> -> memref<1x32xi32, #tpu.memory_space<vmem>>
    %dma_wait3A_554 = tpu.memref_squeeze %dma_wait3A_553 : memref<1x32xi32, #tpu.memory_space<vmem>> -> memref<32xi32, #tpu.memory_space<vmem>>
    %dma_wait3A_555 = arith.constant 0 : i32
    %dma_wait3A_556 = arith.constant 0 : i32
    %dma_wait3A_557 = tpu.memref_slice %arg13[%dma_wait3A_555, %dma_wait3A_556] : memref<1000x128xf32, #tpu.memory_space<hbm>> -> memref<1000x128xf32, #tpu.memory_space<hbm>>
    tpu.wait_indirect_dma semaphore(%arg36 : memref<!tpu.dma_semaphore, #tpu.memory_space<semaphore_mem>>) src(%dma_wait3A_557 : memref<1000x128xf32, #tpu.memory_space<hbm>>) dst(%arg22 : memref<32x128xf32, #tpu.memory_space<vmem>>)
    %dma_wait3A_558 = arith.constant 6 : i32
    %dma_wait3A_559 = arith.constant 64 : i32
    %dma_wait3A_560 = tpu.memref_slice %arg15[%dma_wait3A_558, %dma_wait3A_559] : memref<8x128xi32, #tpu.memory_space<vmem>> -> memref<1x32xi32, #tpu.memory_space<vmem>>
    %dma_wait3A_561 = tpu.memref_squeeze %dma_wait3A_560 : memref<1x32xi32, #tpu.memory_space<vmem>> -> memref<32xi32, #tpu.memory_space<vmem>>
    %dma_wait3A_562 = arith.constant 0 : i32
    %dma_wait3A_563 = arith.constant 0 : i32
    %dma_wait3A_564 = tpu.memref_slice %arg12[%dma_wait3A_562, %dma_wait3A_563] : memref<1000x128xf32, #tpu.memory_space<hbm>> -> memref<1000x128xf32, #tpu.memory_space<hbm>>
    tpu.wait_indirect_dma semaphore(%arg36 : memref<!tpu.dma_semaphore, #tpu.memory_space<semaphore_mem>>) src(%dma_wait3A_564 : memref<1000x128xf32, #tpu.memory_space<hbm>>) dst(%arg23 : memref<32x128xf32, #tpu.memory_space<vmem>>)
    %dma_wait3A_565 = arith.constant 7 : i32
    %dma_wait3A_566 = arith.constant 64 : i32
    %dma_wait3A_567 = tpu.memref_slice %arg15[%dma_wait3A_565, %dma_wait3A_566] : memref<8x128xi32, #tpu.memory_space<vmem>> -> memref<1x32xi32, #tpu.memory_space<vmem>>
    %dma_wait3A_568 = tpu.memref_squeeze %dma_wait3A_567 : memref<1x32xi32, #tpu.memory_space<vmem>> -> memref<32xi32, #tpu.memory_space<vmem>>
    %dma_wait3A_569 = arith.constant 0 : i32
    %dma_wait3A_570 = arith.constant 0 : i32
    %dma_wait3A_571 = tpu.memref_slice %arg12[%dma_wait3A_569, %dma_wait3A_570] : memref<1000x128xf32, #tpu.memory_space<hbm>> -> memref<1000x128xf32, #tpu.memory_space<hbm>>
    tpu.wait_indirect_dma semaphore(%arg36 : memref<!tpu.dma_semaphore, #tpu.memory_space<semaphore_mem>>) src(%dma_wait3A_571 : memref<1000x128xf32, #tpu.memory_space<hbm>>) dst(%arg24 : memref<32x128xf32, #tpu.memory_space<vmem>>)
    %scan3A_572 = arith.constant 0 : i32
    %scan3A_573 = arith.constant 32 : i32
    %scan3A_574 = arith.addi %scan3A_572, %scan3A_573 : i32
    %scan3A_575 = arith.constant 1 : i32
    %scan3A_576 = scf.for %scan3A_643 = %scan3A_572 to %scan3A_574 step %scan3A_575 iter_args(%scan3A_644 = %scan3A_458) -> (vector<16xf32>)  : i32 {
      %broadcast_in_dim3A_645 = arith.constant 0.000000e+00 : f32
      %broadcast_in_dim3A_646 = vector.broadcast %broadcast_in_dim3A_645 : f32 to vector<16xf32>
      %get3A = arith.index_cast %scan3A_643 : i32 to index
      %get3A_647 = arith.constant 0 : index
      %get3A_648 = tpu.vector_load %arg17[%get3A, %get3A_647] {strides = array<i32>} : memref<32x128xf32, #tpu.memory_space<vmem>>, vector<1x16xf32>,
      %get3A_649 = vector.shape_cast %get3A_648 : vector<1x16xf32> to vector<16xf32>
      %get3A_650 = arith.index_cast %scan3A_643 : i32 to index
      %get3A_651 = arith.constant 0 : index
      %get3A_652 = tpu.vector_load %arg18[%get3A_650, %get3A_651] {strides = array<i32>} : memref<32x128xf32, #tpu.memory_space<vmem>>, vector<1x16xf32>,
      %get3A_653 = vector.shape_cast %get3A_652 : vector<1x16xf32> to vector<16xf32>
      %add3A_654 = arith.addf %get3A_649, %get3A_653 : vector<16xf32>
      %add3A_655 = arith.constant 64 : i32
      %add3A_656 = arith.addi %add3A_655, %scan3A_643 : i32
      %get3A_657 = arith.index_cast %add3A_656 : i32 to index
      %get3A_658 = arith.constant 0 : index
      %get3A_659 = tpu.vector_load %arg16[%get3A_657, %get3A_658] {strides = array<i32>} : memref<128x128xf32, #tpu.memory_space<vmem>>, vector<1x16xf32>,
      %get3A_660 = vector.shape_cast %get3A_659 : vector<1x16xf32> to vector<16xf32>
      %add3A_661 = arith.addf %add3A_654, %get3A_660 : vector<16xf32>
      %get3A_662 = arith.index_cast %scan3A_643 : i32 to index
      %get3A_663 = arith.constant 64 : index
      %get3A_664 = tpu.vector_load %arg17[%get3A_662, %get3A_663] {strides = array<i32>} : memref<32x128xf32, #tpu.memory_space<vmem>>, vector<1x16xf32>,
      %get3A_665 = vector.shape_cast %get3A_664 : vector<1x16xf32> to vector<16xf32>
      %get3A_666 = arith.index_cast %scan3A_643 : i32 to index
      %get3A_667 = arith.constant 64 : index
      %get3A_668 = tpu.vector_load %arg18[%get3A_666, %get3A_667] {strides = array<i32>} : memref<32x128xf32, #tpu.memory_space<vmem>>, vector<1x16xf32>,
      %get3A_669 = vector.shape_cast %get3A_668 : vector<1x16xf32> to vector<16xf32>
      %add3A_670 = arith.addf %get3A_665, %get3A_669 : vector<16xf32>
      %add3A_671 = arith.constant 64 : i32
      %add3A_672 = arith.addi %add3A_671, %scan3A_643 : i32
      %get3A_673 = arith.index_cast %add3A_672 : i32 to index
      %get3A_674 = arith.constant 64 : index
      %get3A_675 = tpu.vector_load %arg16[%get3A_673, %get3A_674] {strides = array<i32>} : memref<128x128xf32, #tpu.memory_space<vmem>>, vector<1x16xf32>,
      %get3A_676 = vector.shape_cast %get3A_675 : vector<1x16xf32> to vector<16xf32>
      %add3A_677 = arith.addf %add3A_670, %get3A_676 : vector<16xf32>
      %get3A_678 = arith.index_cast %scan3A_643 : i32 to index
      %get3A_679 = arith.constant 0 : index
      %get3A_680 = tpu.vector_load %arg19[%get3A_678, %get3A_679] {strides = array<i32>} : memref<32x128xf32, #tpu.memory_space<vmem>>, vector<1x16xf32>,
      %get3A_681 = vector.shape_cast %get3A_680 : vector<1x16xf32> to vector<16xf32>
      %get3A_682 = arith.index_cast %scan3A_643 : i32 to index
      %get3A_683 = arith.constant 0 : index
      %get3A_684 = tpu.vector_load %arg20[%get3A_682, %get3A_683] {strides = array<i32>} : memref<32x128xf32, #tpu.memory_space<vmem>>, vector<1x16xf32>,
      %get3A_685 = vector.shape_cast %get3A_684 : vector<1x16xf32> to vector<16xf32>
      %add3A_686 = arith.addf %get3A_681, %get3A_685 : vector<16xf32>
      %get3A_687 = arith.index_cast %scan3A_643 : i32 to index
      %get3A_688 = arith.constant 64 : index
      %get3A_689 = tpu.vector_load %arg19[%get3A_687, %get3A_688] {strides = array<i32>} : memref<32x128xf32, #tpu.memory_space<vmem>>, vector<1x16xf32>,
      %get3A_690 = vector.shape_cast %get3A_689 : vector<1x16xf32> to vector<16xf32>
      %get3A_691 = arith.index_cast %scan3A_643 : i32 to index
      %get3A_692 = arith.constant 64 : index
      %get3A_693 = tpu.vector_load %arg20[%get3A_691, %get3A_692] {strides = array<i32>} : memref<32x128xf32, #tpu.memory_space<vmem>>, vector<1x16xf32>,
      %get3A_694 = vector.shape_cast %get3A_693 : vector<1x16xf32> to vector<16xf32>
      %add3A_695 = arith.addf %get3A_690, %get3A_694 : vector<16xf32>
      %get3A_696 = arith.index_cast %scan3A_643 : i32 to index
      %get3A_697 = arith.constant 0 : index
      %get3A_698 = tpu.vector_load %arg21[%get3A_696, %get3A_697] {strides = array<i32>} : memref<32x128xf32, #tpu.memory_space<vmem>>, vector<1x16xf32>,
      %get3A_699 = vector.shape_cast %get3A_698 : vector<1x16xf32> to vector<16xf32>
      %get3A_700 = arith.index_cast %scan3A_643 : i32 to index
      %get3A_701 = arith.constant 0 : index
      %get3A_702 = tpu.vector_load %arg22[%get3A_700, %get3A_701] {strides = array<i32>} : memref<32x128xf32, #tpu.memory_space<vmem>>, vector<1x16xf32>,
      %get3A_703 = vector.shape_cast %get3A_702 : vector<1x16xf32> to vector<16xf32>
      %add3A_704 = arith.addf %get3A_699, %get3A_703 : vector<16xf32>
      %get3A_705 = arith.index_cast %scan3A_643 : i32 to index
      %get3A_706 = arith.constant 64 : index
      %get3A_707 = tpu.vector_load %arg21[%get3A_705, %get3A_706] {strides = array<i32>} : memref<32x128xf32, #tpu.memory_space<vmem>>, vector<1x16xf32>,
      %get3A_708 = vector.shape_cast %get3A_707 : vector<1x16xf32> to vector<16xf32>
      %get3A_709 = arith.index_cast %scan3A_643 : i32 to index
      %get3A_710 = arith.constant 64 : index
      %get3A_711 = tpu.vector_load %arg22[%get3A_709, %get3A_710] {strides = array<i32>} : memref<32x128xf32, #tpu.memory_space<vmem>>, vector<1x16xf32>,
      %get3A_712 = vector.shape_cast %get3A_711 : vector<1x16xf32> to vector<16xf32>
      %add3A_713 = arith.addf %get3A_708, %get3A_712 : vector<16xf32>
      %get3A_714 = arith.index_cast %scan3A_643 : i32 to index
      %get3A_715 = arith.constant 0 : index
      %get3A_716 = tpu.vector_load %arg23[%get3A_714, %get3A_715] {strides = array<i32>} : memref<32x128xf32, #tpu.memory_space<vmem>>, vector<1x16xf32>,
      %get3A_717 = vector.shape_cast %get3A_716 : vector<1x16xf32> to vector<16xf32>
      %get3A_718 = arith.index_cast %scan3A_643 : i32 to index
      %get3A_719 = arith.constant 64 : index
      %get3A_720 = tpu.vector_load %arg23[%get3A_718, %get3A_719] {strides = array<i32>} : memref<32x128xf32, #tpu.memory_space<vmem>>, vector<1x16xf32>,
      %get3A_721 = vector.shape_cast %get3A_720 : vector<1x16xf32> to vector<16xf32>
      %get3A_722 = arith.index_cast %scan3A_643 : i32 to index
      %get3A_723 = arith.constant 0 : index
      %get3A_724 = tpu.vector_load %arg24[%get3A_722, %get3A_723] {strides = array<i32>} : memref<32x128xf32, #tpu.memory_space<vmem>>, vector<1x16xf32>,
      %get3A_725 = vector.shape_cast %get3A_724 : vector<1x16xf32> to vector<16xf32>
      %get3A_726 = arith.index_cast %scan3A_643 : i32 to index
      %get3A_727 = arith.constant 64 : index
      %get3A_728 = tpu.vector_load %arg24[%get3A_726, %get3A_727] {strides = array<i32>} : memref<32x128xf32, #tpu.memory_space<vmem>>, vector<1x16xf32>,
      %get3A_729 = vector.shape_cast %get3A_728 : vector<1x16xf32> to vector<16xf32>
      %mul3A_730 = arith.mulf %add3A_661, %add3A_704 : vector<16xf32>
      %mul3A_731 = arith.mulf %add3A_677, %add3A_713 : vector<16xf32>
      %add3A_732 = arith.addf %mul3A_730, %mul3A_731 : vector<16xf32>
      %mul3A_733 = arith.mulf %get3A_725, %add3A_732 : vector<16xf32>
      %mul3A_734 = arith.mulf %add3A_661, %add3A_713 : vector<16xf32>
      %mul3A_735 = arith.mulf %add3A_677, %add3A_704 : vector<16xf32>
      %sub3A = arith.subf %mul3A_734, %mul3A_735 : vector<16xf32>
      %mul3A_736 = arith.mulf %get3A_729, %sub3A : vector<16xf32>
      %add3A_737 = arith.addf %mul3A_733, %mul3A_736 : vector<16xf32>
      %mul3A_738 = arith.mulf %add3A_661, %add3A_686 : vector<16xf32>
      %mul3A_739 = arith.mulf %add3A_677, %add3A_695 : vector<16xf32>
      %add3A_740 = arith.addf %mul3A_738, %mul3A_739 : vector<16xf32>
      %mul3A_741 = arith.mulf %get3A_717, %add3A_740 : vector<16xf32>
      %sub3A_742 = arith.subf %add3A_737, %mul3A_741 : vector<16xf32>
      %mul3A_743 = arith.mulf %add3A_661, %add3A_695 : vector<16xf32>
      %mul3A_744 = arith.mulf %add3A_677, %add3A_686 : vector<16xf32>
      %sub3A_745 = arith.subf %mul3A_743, %mul3A_744 : vector<16xf32>
      %mul3A_746 = arith.mulf %get3A_721, %sub3A_745 : vector<16xf32>
      %sub3A_747 = arith.subf %sub3A_742, %mul3A_746 : vector<16xf32>
      %add3A_748 = arith.addf %broadcast_in_dim3A_646, %sub3A_747 : vector<16xf32>
      %get3A_749 = arith.index_cast %scan3A_643 : i32 to index
      %get3A_750 = arith.constant 16 : index
      %get3A_751 = tpu.vector_load %arg17[%get3A_749, %get3A_750] {strides = array<i32>} : memref<32x128xf32, #tpu.memory_space<vmem>>, vector<1x16xf32>,
      %get3A_752 = vector.shape_cast %get3A_751 : vector<1x16xf32> to vector<16xf32>
      %get3A_753 = arith.index_cast %scan3A_643 : i32 to index
      %get3A_754 = arith.constant 16 : index
      %get3A_755 = tpu.vector_load %arg18[%get3A_753, %get3A_754] {strides = array<i32>} : memref<32x128xf32, #tpu.memory_space<vmem>>, vector<1x16xf32>,
      %get3A_756 = vector.shape_cast %get3A_755 : vector<1x16xf32> to vector<16xf32>
      %add3A_757 = arith.addf %get3A_752, %get3A_756 : vector<16xf32>
      %add3A_758 = arith.constant 64 : i32
      %add3A_759 = arith.addi %add3A_758, %scan3A_643 : i32
      %get3A_760 = arith.index_cast %add3A_759 : i32 to index
      %get3A_761 = arith.constant 16 : index
      %get3A_762 = tpu.vector_load %arg16[%get3A_760, %get3A_761] {strides = array<i32>} : memref<128x128xf32, #tpu.memory_space<vmem>>, vector<1x16xf32>,
      %get3A_763 = vector.shape_cast %get3A_762 : vector<1x16xf32> to vector<16xf32>
      %add3A_764 = arith.addf %add3A_757, %get3A_763 : vector<16xf32>
      %get3A_765 = arith.index_cast %scan3A_643 : i32 to index
      %get3A_766 = arith.constant 80 : index
      %get3A_767 = tpu.vector_load %arg17[%get3A_765, %get3A_766] {strides = array<i32>} : memref<32x128xf32, #tpu.memory_space<vmem>>, vector<1x16xf32>,
      %get3A_768 = vector.shape_cast %get3A_767 : vector<1x16xf32> to vector<16xf32>
      %get3A_769 = arith.index_cast %scan3A_643 : i32 to index
      %get3A_770 = arith.constant 80 : index
      %get3A_771 = tpu.vector_load %arg18[%get3A_769, %get3A_770] {strides = array<i32>} : memref<32x128xf32, #tpu.memory_space<vmem>>, vector<1x16xf32>,
      %get3A_772 = vector.shape_cast %get3A_771 : vector<1x16xf32> to vector<16xf32>
      %add3A_773 = arith.addf %get3A_768, %get3A_772 : vector<16xf32>
      %add3A_774 = arith.constant 64 : i32
      %add3A_775 = arith.addi %add3A_774, %scan3A_643 : i32
      %get3A_776 = arith.index_cast %add3A_775 : i32 to index
      %get3A_777 = arith.constant 80 : index
      %get3A_778 = tpu.vector_load %arg16[%get3A_776, %get3A_777] {strides = array<i32>} : memref<128x128xf32, #tpu.memory_space<vmem>>, vector<1x16xf32>,
      %get3A_779 = vector.shape_cast %get3A_778 : vector<1x16xf32> to vector<16xf32>
      %add3A_780 = arith.addf %add3A_773, %get3A_779 : vector<16xf32>
      %get3A_781 = arith.index_cast %scan3A_643 : i32 to index
      %get3A_782 = arith.constant 16 : index
      %get3A_783 = tpu.vector_load %arg19[%get3A_781, %get3A_782] {strides = array<i32>} : memref<32x128xf32, #tpu.memory_space<vmem>>, vector<1x16xf32>,
      %get3A_784 = vector.shape_cast %get3A_783 : vector<1x16xf32> to vector<16xf32>
      %get3A_785 = arith.index_cast %scan3A_643 : i32 to index
      %get3A_786 = arith.constant 16 : index
      %get3A_787 = tpu.vector_load %arg20[%get3A_785, %get3A_786] {strides = array<i32>} : memref<32x128xf32, #tpu.memory_space<vmem>>, vector<1x16xf32>,
      %get3A_788 = vector.shape_cast %get3A_787 : vector<1x16xf32> to vector<16xf32>
      %add3A_789 = arith.addf %get3A_784, %get3A_788 : vector<16xf32>
      %get3A_790 = arith.index_cast %scan3A_643 : i32 to index
      %get3A_791 = arith.constant 80 : index
      %get3A_792 = tpu.vector_load %arg19[%get3A_790, %get3A_791] {strides = array<i32>} : memref<32x128xf32, #tpu.memory_space<vmem>>, vector<1x16xf32>,
      %get3A_793 = vector.shape_cast %get3A_792 : vector<1x16xf32> to vector<16xf32>
      %get3A_794 = arith.index_cast %scan3A_643 : i32 to index
      %get3A_795 = arith.constant 80 : index
      %get3A_796 = tpu.vector_load %arg20[%get3A_794, %get3A_795] {strides = array<i32>} : memref<32x128xf32, #tpu.memory_space<vmem>>, vector<1x16xf32>,
      %get3A_797 = vector.shape_cast %get3A_796 : vector<1x16xf32> to vector<16xf32>
      %add3A_798 = arith.addf %get3A_793, %get3A_797 : vector<16xf32>
      %get3A_799 = arith.index_cast %scan3A_643 : i32 to index
      %get3A_800 = arith.constant 16 : index
      %get3A_801 = tpu.vector_load %arg21[%get3A_799, %get3A_800] {strides = array<i32>} : memref<32x128xf32, #tpu.memory_space<vmem>>, vector<1x16xf32>,
      %get3A_802 = vector.shape_cast %get3A_801 : vector<1x16xf32> to vector<16xf32>
      %get3A_803 = arith.index_cast %scan3A_643 : i32 to index
      %get3A_804 = arith.constant 16 : index
      %get3A_805 = tpu.vector_load %arg22[%get3A_803, %get3A_804] {strides = array<i32>} : memref<32x128xf32, #tpu.memory_space<vmem>>, vector<1x16xf32>,
      %get3A_806 = vector.shape_cast %get3A_805 : vector<1x16xf32> to vector<16xf32>
      %add3A_807 = arith.addf %get3A_802, %get3A_806 : vector<16xf32>
      %get3A_808 = arith.index_cast %scan3A_643 : i32 to index
      %get3A_809 = arith.constant 80 : index
      %get3A_810 = tpu.vector_load %arg21[%get3A_808, %get3A_809] {strides = array<i32>} : memref<32x128xf32, #tpu.memory_space<vmem>>, vector<1x16xf32>,
      %get3A_811 = vector.shape_cast %get3A_810 : vector<1x16xf32> to vector<16xf32>
      %get3A_812 = arith.index_cast %scan3A_643 : i32 to index
      %get3A_813 = arith.constant 80 : index
      %get3A_814 = tpu.vector_load %arg22[%get3A_812, %get3A_813] {strides = array<i32>} : memref<32x128xf32, #tpu.memory_space<vmem>>, vector<1x16xf32>,
      %get3A_815 = vector.shape_cast %get3A_814 : vector<1x16xf32> to vector<16xf32>
      %add3A_816 = arith.addf %get3A_811, %get3A_815 : vector<16xf32>
      %get3A_817 = arith.index_cast %scan3A_643 : i32 to index
      %get3A_818 = arith.constant 16 : index
      %get3A_819 = tpu.vector_load %arg23[%get3A_817, %get3A_818] {strides = array<i32>} : memref<32x128xf32, #tpu.memory_space<vmem>>, vector<1x16xf32>,
      %get3A_820 = vector.shape_cast %get3A_819 : vector<1x16xf32> to vector<16xf32>
      %get3A_821 = arith.index_cast %scan3A_643 : i32 to index
      %get3A_822 = arith.constant 80 : index
      %get3A_823 = tpu.vector_load %arg23[%get3A_821, %get3A_822] {strides = array<i32>} : memref<32x128xf32, #tpu.memory_space<vmem>>, vector<1x16xf32>,
      %get3A_824 = vector.shape_cast %get3A_823 : vector<1x16xf32> to vector<16xf32>
      %get3A_825 = arith.index_cast %scan3A_643 : i32 to index
      %get3A_826 = arith.constant 16 : index
      %get3A_827 = tpu.vector_load %arg24[%get3A_825, %get3A_826] {strides = array<i32>} : memref<32x128xf32, #tpu.memory_space<vmem>>, vector<1x16xf32>,
      %get3A_828 = vector.shape_cast %get3A_827 : vector<1x16xf32> to vector<16xf32>
      %get3A_829 = arith.index_cast %scan3A_643 : i32 to index
      %get3A_830 = arith.constant 80 : index
      %get3A_831 = tpu.vector_load %arg24[%get3A_829, %get3A_830] {strides = array<i32>} : memref<32x128xf32, #tpu.memory_space<vmem>>, vector<1x16xf32>,
      %get3A_832 = vector.shape_cast %get3A_831 : vector<1x16xf32> to vector<16xf32>
      %mul3A_833 = arith.mulf %add3A_764, %add3A_807 : vector<16xf32>
      %mul3A_834 = arith.mulf %add3A_780, %add3A_816 : vector<16xf32>
      %add3A_835 = arith.addf %mul3A_833, %mul3A_834 : vector<16xf32>
      %mul3A_836 = arith.mulf %get3A_828, %add3A_835 : vector<16xf32>
      %mul3A_837 = arith.mulf %add3A_764, %add3A_816 : vector<16xf32>
      %mul3A_838 = arith.mulf %add3A_780, %add3A_807 : vector<16xf32>
      %sub3A_839 = arith.subf %mul3A_837, %mul3A_838 : vector<16xf32>
      %mul3A_840 = arith.mulf %get3A_832, %sub3A_839 : vector<16xf32>
      %add3A_841 = arith.addf %mul3A_836, %mul3A_840 : vector<16xf32>
      %mul3A_842 = arith.mulf %add3A_764, %add3A_789 : vector<16xf32>
      %mul3A_843 = arith.mulf %add3A_780, %add3A_798 : vector<16xf32>
      %add3A_844 = arith.addf %mul3A_842, %mul3A_843 : vector<16xf32>
      %mul3A_845 = arith.mulf %get3A_820, %add3A_844 : vector<16xf32>
      %sub3A_846 = arith.subf %add3A_841, %mul3A_845 : vector<16xf32>
      %mul3A_847 = arith.mulf %add3A_764, %add3A_798 : vector<16xf32>
      %mul3A_848 = arith.mulf %add3A_780, %add3A_789 : vector<16xf32>
      %sub3A_849 = arith.subf %mul3A_847, %mul3A_848 : vector<16xf32>
      %mul3A_850 = arith.mulf %get3A_824, %sub3A_849 : vector<16xf32>
      %sub3A_851 = arith.subf %sub3A_846, %mul3A_850 : vector<16xf32>
      %add3A_852 = arith.addf %add3A_748, %sub3A_851 : vector<16xf32>
      %get3A_853 = arith.index_cast %scan3A_643 : i32 to index
      %get3A_854 = arith.constant 32 : index
      %get3A_855 = tpu.vector_load %arg17[%get3A_853, %get3A_854] {strides = array<i32>} : memref<32x128xf32, #tpu.memory_space<vmem>>, vector<1x16xf32>,
      %get3A_856 = vector.shape_cast %get3A_855 : vector<1x16xf32> to vector<16xf32>
      %get3A_857 = arith.index_cast %scan3A_643 : i32 to index
      %get3A_858 = arith.constant 32 : index
      %get3A_859 = tpu.vector_load %arg18[%get3A_857, %get3A_858] {strides = array<i32>} : memref<32x128xf32, #tpu.memory_space<vmem>>, vector<1x16xf32>,
      %get3A_860 = vector.shape_cast %get3A_859 : vector<1x16xf32> to vector<16xf32>
      %add3A_861 = arith.addf %get3A_856, %get3A_860 : vector<16xf32>
      %add3A_862 = arith.constant 64 : i32
      %add3A_863 = arith.addi %add3A_862, %scan3A_643 : i32
      %get3A_864 = arith.index_cast %add3A_863 : i32 to index
      %get3A_865 = arith.constant 32 : index
      %get3A_866 = tpu.vector_load %arg16[%get3A_864, %get3A_865] {strides = array<i32>} : memref<128x128xf32, #tpu.memory_space<vmem>>, vector<1x16xf32>,
      %get3A_867 = vector.shape_cast %get3A_866 : vector<1x16xf32> to vector<16xf32>
      %add3A_868 = arith.addf %add3A_861, %get3A_867 : vector<16xf32>
      %get3A_869 = arith.index_cast %scan3A_643 : i32 to index
      %get3A_870 = arith.constant 96 : index
      %get3A_871 = tpu.vector_load %arg17[%get3A_869, %get3A_870] {strides = array<i32>} : memref<32x128xf32, #tpu.memory_space<vmem>>, vector<1x16xf32>,
      %get3A_872 = vector.shape_cast %get3A_871 : vector<1x16xf32> to vector<16xf32>
      %get3A_873 = arith.index_cast %scan3A_643 : i32 to index
      %get3A_874 = arith.constant 96 : index
      %get3A_875 = tpu.vector_load %arg18[%get3A_873, %get3A_874] {strides = array<i32>} : memref<32x128xf32, #tpu.memory_space<vmem>>, vector<1x16xf32>,
      %get3A_876 = vector.shape_cast %get3A_875 : vector<1x16xf32> to vector<16xf32>
      %add3A_877 = arith.addf %get3A_872, %get3A_876 : vector<16xf32>
      %add3A_878 = arith.constant 64 : i32
      %add3A_879 = arith.addi %add3A_878, %scan3A_643 : i32
      %get3A_880 = arith.index_cast %add3A_879 : i32 to index
      %get3A_881 = arith.constant 96 : index
      %get3A_882 = tpu.vector_load %arg16[%get3A_880, %get3A_881] {strides = array<i32>} : memref<128x128xf32, #tpu.memory_space<vmem>>, vector<1x16xf32>,
      %get3A_883 = vector.shape_cast %get3A_882 : vector<1x16xf32> to vector<16xf32>
      %add3A_884 = arith.addf %add3A_877, %get3A_883 : vector<16xf32>
      %get3A_885 = arith.index_cast %scan3A_643 : i32 to index
      %get3A_886 = arith.constant 32 : index
      %get3A_887 = tpu.vector_load %arg19[%get3A_885, %get3A_886] {strides = array<i32>} : memref<32x128xf32, #tpu.memory_space<vmem>>, vector<1x16xf32>,
      %get3A_888 = vector.shape_cast %get3A_887 : vector<1x16xf32> to vector<16xf32>
      %get3A_889 = arith.index_cast %scan3A_643 : i32 to index
      %get3A_890 = arith.constant 32 : index
      %get3A_891 = tpu.vector_load %arg20[%get3A_889, %get3A_890] {strides = array<i32>} : memref<32x128xf32, #tpu.memory_space<vmem>>, vector<1x16xf32>,
      %get3A_892 = vector.shape_cast %get3A_891 : vector<1x16xf32> to vector<16xf32>
      %add3A_893 = arith.addf %get3A_888, %get3A_892 : vector<16xf32>
      %get3A_894 = arith.index_cast %scan3A_643 : i32 to index
      %get3A_895 = arith.constant 96 : index
      %get3A_896 = tpu.vector_load %arg19[%get3A_894, %get3A_895] {strides = array<i32>} : memref<32x128xf32, #tpu.memory_space<vmem>>, vector<1x16xf32>,
      %get3A_897 = vector.shape_cast %get3A_896 : vector<1x16xf32> to vector<16xf32>
      %get3A_898 = arith.index_cast %scan3A_643 : i32 to index
      %get3A_899 = arith.constant 96 : index
      %get3A_900 = tpu.vector_load %arg20[%get3A_898, %get3A_899] {strides = array<i32>} : memref<32x128xf32, #tpu.memory_space<vmem>>, vector<1x16xf32>,
      %get3A_901 = vector.shape_cast %get3A_900 : vector<1x16xf32> to vector<16xf32>
      %add3A_902 = arith.addf %get3A_897, %get3A_901 : vector<16xf32>
      %get3A_903 = arith.index_cast %scan3A_643 : i32 to index
      %get3A_904 = arith.constant 32 : index
      %get3A_905 = tpu.vector_load %arg21[%get3A_903, %get3A_904] {strides = array<i32>} : memref<32x128xf32, #tpu.memory_space<vmem>>, vector<1x16xf32>,
      %get3A_906 = vector.shape_cast %get3A_905 : vector<1x16xf32> to vector<16xf32>
      %get3A_907 = arith.index_cast %scan3A_643 : i32 to index
      %get3A_908 = arith.constant 32 : index
      %get3A_909 = tpu.vector_load %arg22[%get3A_907, %get3A_908] {strides = array<i32>} : memref<32x128xf32, #tpu.memory_space<vmem>>, vector<1x16xf32>,
      %get3A_910 = vector.shape_cast %get3A_909 : vector<1x16xf32> to vector<16xf32>
      %add3A_911 = arith.addf %get3A_906, %get3A_910 : vector<16xf32>
      %get3A_912 = arith.index_cast %scan3A_643 : i32 to index
      %get3A_913 = arith.constant 96 : index
      %get3A_914 = tpu.vector_load %arg21[%get3A_912, %get3A_913] {strides = array<i32>} : memref<32x128xf32, #tpu.memory_space<vmem>>, vector<1x16xf32>,
      %get3A_915 = vector.shape_cast %get3A_914 : vector<1x16xf32> to vector<16xf32>
      %get3A_916 = arith.index_cast %scan3A_643 : i32 to index
      %get3A_917 = arith.constant 96 : index
      %get3A_918 = tpu.vector_load %arg22[%get3A_916, %get3A_917] {strides = array<i32>} : memref<32x128xf32, #tpu.memory_space<vmem>>, vector<1x16xf32>,
      %get3A_919 = vector.shape_cast %get3A_918 : vector<1x16xf32> to vector<16xf32>
      %add3A_920 = arith.addf %get3A_915, %get3A_919 : vector<16xf32>
      %get3A_921 = arith.index_cast %scan3A_643 : i32 to index
      %get3A_922 = arith.constant 32 : index
      %get3A_923 = tpu.vector_load %arg23[%get3A_921, %get3A_922] {strides = array<i32>} : memref<32x128xf32, #tpu.memory_space<vmem>>, vector<1x16xf32>,
      %get3A_924 = vector.shape_cast %get3A_923 : vector<1x16xf32> to vector<16xf32>
      %get3A_925 = arith.index_cast %scan3A_643 : i32 to index
      %get3A_926 = arith.constant 96 : index
      %get3A_927 = tpu.vector_load %arg23[%get3A_925, %get3A_926] {strides = array<i32>} : memref<32x128xf32, #tpu.memory_space<vmem>>, vector<1x16xf32>,
      %get3A_928 = vector.shape_cast %get3A_927 : vector<1x16xf32> to vector<16xf32>
      %get3A_929 = arith.index_cast %scan3A_643 : i32 to index
      %get3A_930 = arith.constant 32 : index
      %get3A_931 = tpu.vector_load %arg24[%get3A_929, %get3A_930] {strides = array<i32>} : memref<32x128xf32, #tpu.memory_space<vmem>>, vector<1x16xf32>,
      %get3A_932 = vector.shape_cast %get3A_931 : vector<1x16xf32> to vector<16xf32>
      %get3A_933 = arith.index_cast %scan3A_643 : i32 to index
      %get3A_934 = arith.constant 96 : index
      %get3A_935 = tpu.vector_load %arg24[%get3A_933, %get3A_934] {strides = array<i32>} : memref<32x128xf32, #tpu.memory_space<vmem>>, vector<1x16xf32>,
      %get3A_936 = vector.shape_cast %get3A_935 : vector<1x16xf32> to vector<16xf32>
      %mul3A_937 = arith.mulf %add3A_868, %add3A_911 : vector<16xf32>
      %mul3A_938 = arith.mulf %add3A_884, %add3A_920 : vector<16xf32>
      %add3A_939 = arith.addf %mul3A_937, %mul3A_938 : vector<16xf32>
      %mul3A_940 = arith.mulf %get3A_932, %add3A_939 : vector<16xf32>
      %mul3A_941 = arith.mulf %add3A_868, %add3A_920 : vector<16xf32>
      %mul3A_942 = arith.mulf %add3A_884, %add3A_911 : vector<16xf32>
      %sub3A_943 = arith.subf %mul3A_941, %mul3A_942 : vector<16xf32>
      %mul3A_944 = arith.mulf %get3A_936, %sub3A_943 : vector<16xf32>
      %add3A_945 = arith.addf %mul3A_940, %mul3A_944 : vector<16xf32>
      %mul3A_946 = arith.mulf %add3A_868, %add3A_893 : vector<16xf32>
      %mul3A_947 = arith.mulf %add3A_884, %add3A_902 : vector<16xf32>
      %add3A_948 = arith.addf %mul3A_946, %mul3A_947 : vector<16xf32>
      %mul3A_949 = arith.mulf %get3A_924, %add3A_948 : vector<16xf32>
      %sub3A_950 = arith.subf %add3A_945, %mul3A_949 : vector<16xf32>
      %mul3A_951 = arith.mulf %add3A_868, %add3A_902 : vector<16xf32>
      %mul3A_952 = arith.mulf %add3A_884, %add3A_893 : vector<16xf32>
      %sub3A_953 = arith.subf %mul3A_951, %mul3A_952 : vector<16xf32>
      %mul3A_954 = arith.mulf %get3A_928, %sub3A_953 : vector<16xf32>
      %sub3A_955 = arith.subf %sub3A_950, %mul3A_954 : vector<16xf32>
      %add3A_956 = arith.addf %add3A_852, %sub3A_955 : vector<16xf32>
      %get3A_957 = arith.index_cast %scan3A_643 : i32 to index
      %get3A_958 = arith.constant 48 : index
      %get3A_959 = tpu.vector_load %arg17[%get3A_957, %get3A_958] {strides = array<i32>} : memref<32x128xf32, #tpu.memory_space<vmem>>, vector<1x16xf32>,
      %get3A_960 = vector.shape_cast %get3A_959 : vector<1x16xf32> to vector<16xf32>
      %get3A_961 = arith.index_cast %scan3A_643 : i32 to index
      %get3A_962 = arith.constant 48 : index
      %get3A_963 = tpu.vector_load %arg18[%get3A_961, %get3A_962] {strides = array<i32>} : memref<32x128xf32, #tpu.memory_space<vmem>>, vector<1x16xf32>,
      %get3A_964 = vector.shape_cast %get3A_963 : vector<1x16xf32> to vector<16xf32>
      %add3A_965 = arith.addf %get3A_960, %get3A_964 : vector<16xf32>
      %add3A_966 = arith.constant 64 : i32
      %add3A_967 = arith.addi %add3A_966, %scan3A_643 : i32
      %get3A_968 = arith.index_cast %add3A_967 : i32 to index
      %get3A_969 = arith.constant 48 : index
      %get3A_970 = tpu.vector_load %arg16[%get3A_968, %get3A_969] {strides = array<i32>} : memref<128x128xf32, #tpu.memory_space<vmem>>, vector<1x16xf32>,
      %get3A_971 = vector.shape_cast %get3A_970 : vector<1x16xf32> to vector<16xf32>
      %add3A_972 = arith.addf %add3A_965, %get3A_971 : vector<16xf32>
      %get3A_973 = arith.index_cast %scan3A_643 : i32 to index
      %get3A_974 = arith.constant 112 : index
      %get3A_975 = tpu.vector_load %arg17[%get3A_973, %get3A_974] {strides = array<i32>} : memref<32x128xf32, #tpu.memory_space<vmem>>, vector<1x16xf32>,
      %get3A_976 = vector.shape_cast %get3A_975 : vector<1x16xf32> to vector<16xf32>
      %get3A_977 = arith.index_cast %scan3A_643 : i32 to index
      %get3A_978 = arith.constant 112 : index
      %get3A_979 = tpu.vector_load %arg18[%get3A_977, %get3A_978] {strides = array<i32>} : memref<32x128xf32, #tpu.memory_space<vmem>>, vector<1x16xf32>,
      %get3A_980 = vector.shape_cast %get3A_979 : vector<1x16xf32> to vector<16xf32>
      %add3A_981 = arith.addf %get3A_976, %get3A_980 : vector<16xf32>
      %add3A_982 = arith.constant 64 : i32
      %add3A_983 = arith.addi %add3A_982, %scan3A_643 : i32
      %get3A_984 = arith.index_cast %add3A_983 : i32 to index
      %get3A_985 = arith.constant 112 : index
      %get3A_986 = tpu.vector_load %arg16[%get3A_984, %get3A_985] {strides = array<i32>} : memref<128x128xf32, #tpu.memory_space<vmem>>, vector<1x16xf32>,
      %get3A_987 = vector.shape_cast %get3A_986 : vector<1x16xf32> to vector<16xf32>
      %add3A_988 = arith.addf %add3A_981, %get3A_987 : vector<16xf32>
      %get3A_989 = arith.index_cast %scan3A_643 : i32 to index
      %get3A_990 = arith.constant 48 : index
      %get3A_991 = tpu.vector_load %arg19[%get3A_989, %get3A_990] {strides = array<i32>} : memref<32x128xf32, #tpu.memory_space<vmem>>, vector<1x16xf32>,
      %get3A_992 = vector.shape_cast %get3A_991 : vector<1x16xf32> to vector<16xf32>
      %get3A_993 = arith.index_cast %scan3A_643 : i32 to index
      %get3A_994 = arith.constant 48 : index
      %get3A_995 = tpu.vector_load %arg20[%get3A_993, %get3A_994] {strides = array<i32>} : memref<32x128xf32, #tpu.memory_space<vmem>>, vector<1x16xf32>,
      %get3A_996 = vector.shape_cast %get3A_995 : vector<1x16xf32> to vector<16xf32>
      %add3A_997 = arith.addf %get3A_992, %get3A_996 : vector<16xf32>
      %get3A_998 = arith.index_cast %scan3A_643 : i32 to index
      %get3A_999 = arith.constant 112 : index
      %get3A_1000 = tpu.vector_load %arg19[%get3A_998, %get3A_999] {strides = array<i32>} : memref<32x128xf32, #tpu.memory_space<vmem>>, vector<1x16xf32>,
      %get3A_1001 = vector.shape_cast %get3A_1000 : vector<1x16xf32> to vector<16xf32>
      %get3A_1002 = arith.index_cast %scan3A_643 : i32 to index
      %get3A_1003 = arith.constant 112 : index
      %get3A_1004 = tpu.vector_load %arg20[%get3A_1002, %get3A_1003] {strides = array<i32>} : memref<32x128xf32, #tpu.memory_space<vmem>>, vector<1x16xf32>,
      %get3A_1005 = vector.shape_cast %get3A_1004 : vector<1x16xf32> to vector<16xf32>
      %add3A_1006 = arith.addf %get3A_1001, %get3A_1005 : vector<16xf32>
      %get3A_1007 = arith.index_cast %scan3A_643 : i32 to index
      %get3A_1008 = arith.constant 48 : index
      %get3A_1009 = tpu.vector_load %arg21[%get3A_1007, %get3A_1008] {strides = array<i32>} : memref<32x128xf32, #tpu.memory_space<vmem>>, vector<1x16xf32>,
      %get3A_1010 = vector.shape_cast %get3A_1009 : vector<1x16xf32> to vector<16xf32>
      %get3A_1011 = arith.index_cast %scan3A_643 : i32 to index
      %get3A_1012 = arith.constant 48 : index
      %get3A_1013 = tpu.vector_load %arg22[%get3A_1011, %get3A_1012] {strides = array<i32>} : memref<32x128xf32, #tpu.memory_space<vmem>>, vector<1x16xf32>,
      %get3A_1014 = vector.shape_cast %get3A_1013 : vector<1x16xf32> to vector<16xf32>
      %add3A_1015 = arith.addf %get3A_1010, %get3A_1014 : vector<16xf32>
      %get3A_1016 = arith.index_cast %scan3A_643 : i32 to index
      %get3A_1017 = arith.constant 112 : index
      %get3A_1018 = tpu.vector_load %arg21[%get3A_1016, %get3A_1017] {strides = array<i32>} : memref<32x128xf32, #tpu.memory_space<vmem>>, vector<1x16xf32>,
      %get3A_1019 = vector.shape_cast %get3A_1018 : vector<1x16xf32> to vector<16xf32>
      %get3A_1020 = arith.index_cast %scan3A_643 : i32 to index
      %get3A_1021 = arith.constant 112 : index
      %get3A_1022 = tpu.vector_load %arg22[%get3A_1020, %get3A_1021] {strides = array<i32>} : memref<32x128xf32, #tpu.memory_space<vmem>>, vector<1x16xf32>,
      %get3A_1023 = vector.shape_cast %get3A_1022 : vector<1x16xf32> to vector<16xf32>
      %add3A_1024 = arith.addf %get3A_1019, %get3A_1023 : vector<16xf32>
      %get3A_1025 = arith.index_cast %scan3A_643 : i32 to index
      %get3A_1026 = arith.constant 48 : index
      %get3A_1027 = tpu.vector_load %arg23[%get3A_1025, %get3A_1026] {strides = array<i32>} : memref<32x128xf32, #tpu.memory_space<vmem>>, vector<1x16xf32>,
      %get3A_1028 = vector.shape_cast %get3A_1027 : vector<1x16xf32> to vector<16xf32>
      %get3A_1029 = arith.index_cast %scan3A_643 : i32 to index
      %get3A_1030 = arith.constant 112 : index
      %get3A_1031 = tpu.vector_load %arg23[%get3A_1029, %get3A_1030] {strides = array<i32>} : memref<32x128xf32, #tpu.memory_space<vmem>>, vector<1x16xf32>,
      %get3A_1032 = vector.shape_cast %get3A_1031 : vector<1x16xf32> to vector<16xf32>
      %get3A_1033 = arith.index_cast %scan3A_643 : i32 to index
      %get3A_1034 = arith.constant 48 : index
      %get3A_1035 = tpu.vector_load %arg24[%get3A_1033, %get3A_1034] {strides = array<i32>} : memref<32x128xf32, #tpu.memory_space<vmem>>, vector<1x16xf32>,
      %get3A_1036 = vector.shape_cast %get3A_1035 : vector<1x16xf32> to vector<16xf32>
      %get3A_1037 = arith.index_cast %scan3A_643 : i32 to index
      %get3A_1038 = arith.constant 112 : index
      %get3A_1039 = tpu.vector_load %arg24[%get3A_1037, %get3A_1038] {strides = array<i32>} : memref<32x128xf32, #tpu.memory_space<vmem>>, vector<1x16xf32>,
      %get3A_1040 = vector.shape_cast %get3A_1039 : vector<1x16xf32> to vector<16xf32>
      %mul3A_1041 = arith.mulf %add3A_972, %add3A_1015 : vector<16xf32>
      %mul3A_1042 = arith.mulf %add3A_988, %add3A_1024 : vector<16xf32>
      %add3A_1043 = arith.addf %mul3A_1041, %mul3A_1042 : vector<16xf32>
      %mul3A_1044 = arith.mulf %get3A_1036, %add3A_1043 : vector<16xf32>
      %mul3A_1045 = arith.mulf %add3A_972, %add3A_1024 : vector<16xf32>
      %mul3A_1046 = arith.mulf %add3A_988, %add3A_1015 : vector<16xf32>
      %sub3A_1047 = arith.subf %mul3A_1045, %mul3A_1046 : vector<16xf32>
      %mul3A_1048 = arith.mulf %get3A_1040, %sub3A_1047 : vector<16xf32>
      %add3A_1049 = arith.addf %mul3A_1044, %mul3A_1048 : vector<16xf32>
      %mul3A_1050 = arith.mulf %add3A_972, %add3A_997 : vector<16xf32>
      %mul3A_1051 = arith.mulf %add3A_988, %add3A_1006 : vector<16xf32>
      %add3A_1052 = arith.addf %mul3A_1050, %mul3A_1051 : vector<16xf32>
      %mul3A_1053 = arith.mulf %get3A_1028, %add3A_1052 : vector<16xf32>
      %sub3A_1054 = arith.subf %add3A_1049, %mul3A_1053 : vector<16xf32>
      %mul3A_1055 = arith.mulf %add3A_972, %add3A_1006 : vector<16xf32>
      %mul3A_1056 = arith.mulf %add3A_988, %add3A_997 : vector<16xf32>
      %sub3A_1057 = arith.subf %mul3A_1055, %mul3A_1056 : vector<16xf32>
      %mul3A_1058 = arith.mulf %get3A_1032, %sub3A_1057 : vector<16xf32>
      %sub3A_1059 = arith.subf %sub3A_1054, %mul3A_1058 : vector<16xf32>
      %add3A_1060 = arith.addf %add3A_956, %sub3A_1059 : vector<16xf32>
      %lt3A = arith.constant 0 : i32
      %lt3A_1061 = vector.broadcast %lt3A : i32 to vector<16xi32>
      %lt3A_1062 = arith.cmpi slt, %xor3A_4, %lt3A_1061 : vector<16xi32>
      %add3A_1063 = arith.constant 16 : i32
      %add3A_1064 = vector.broadcast %add3A_1063 : i32 to vector<16xi32>
      %add3A_1065 = arith.addi %xor3A_4, %add3A_1064 : vector<16xi32>
      %select_n3A = arith.select %lt3A_1062, %add3A_1065, %xor3A_4 : vector<16xi1>, vector<16xi32>
      %broadcast_in_dim3A_1066 = vector.shape_cast %select_n3A : vector<16xi32> to vector<16x1xi32>
      %gather3A = vector.shape_cast %broadcast_in_dim3A_1066 : vector<16x1xi32> to vector<16xi32>
      %gather3A_1067 = tpu.dynamic_gather %add3A_1060[%gather3A] in [0] : vector<16xf32>, vector<16xi32> -> vector<16xf32>
      %add3A_1068 = arith.addf %add3A_1060, %gather3A_1067 : vector<16xf32>
      %lt3A_1069 = arith.constant 0 : i32
      %lt3A_1070 = vector.broadcast %lt3A_1069 : i32 to vector<16xi32>
      %lt3A_1071 = arith.cmpi slt, %xor3A_7, %lt3A_1070 : vector<16xi32>
      %add3A_1072 = arith.constant 16 : i32
      %add3A_1073 = vector.broadcast %add3A_1072 : i32 to vector<16xi32>
      %add3A_1074 = arith.addi %xor3A_7, %add3A_1073 : vector<16xi32>
      %select_n3A_1075 = arith.select %lt3A_1071, %add3A_1074, %xor3A_7 : vector<16xi1>, vector<16xi32>
      %broadcast_in_dim3A_1076 = vector.shape_cast %select_n3A_1075 : vector<16xi32> to vector<16x1xi32>
      %gather3A_1077 = vector.shape_cast %broadcast_in_dim3A_1076 : vector<16x1xi32> to vector<16xi32>
      %gather3A_1078 = tpu.dynamic_gather %add3A_1068[%gather3A_1077] in [0] : vector<16xf32>, vector<16xi32> -> vector<16xf32>
      %add3A_1079 = arith.addf %add3A_1068, %gather3A_1078 : vector<16xf32>
      %lt3A_1080 = arith.constant 0 : i32
      %lt3A_1081 = vector.broadcast %lt3A_1080 : i32 to vector<16xi32>
      %lt3A_1082 = arith.cmpi slt, %xor3A_10, %lt3A_1081 : vector<16xi32>
      %add3A_1083 = arith.constant 16 : i32
      %add3A_1084 = vector.broadcast %add3A_1083 : i32 to vector<16xi32>
      %add3A_1085 = arith.addi %xor3A_10, %add3A_1084 : vector<16xi32>
      %select_n3A_1086 = arith.select %lt3A_1082, %add3A_1085, %xor3A_10 : vector<16xi1>, vector<16xi32>
      %broadcast_in_dim3A_1087 = vector.shape_cast %select_n3A_1086 : vector<16xi32> to vector<16x1xi32>
      %gather3A_1088 = vector.shape_cast %broadcast_in_dim3A_1087 : vector<16x1xi32> to vector<16xi32>
      %gather3A_1089 = tpu.dynamic_gather %add3A_1079[%gather3A_1088] in [0] : vector<16xf32>, vector<16xi32> -> vector<16xf32>
      %add3A_1090 = arith.addf %add3A_1079, %gather3A_1089 : vector<16xf32>
      %lt3A_1091 = arith.constant 0 : i32
      %lt3A_1092 = vector.broadcast %lt3A_1091 : i32 to vector<16xi32>
      %lt3A_1093 = arith.cmpi slt, %xor3A_13, %lt3A_1092 : vector<16xi32>
      %add3A_1094 = arith.constant 16 : i32
      %add3A_1095 = vector.broadcast %add3A_1094 : i32 to vector<16xi32>
      %add3A_1096 = arith.addi %xor3A_13, %add3A_1095 : vector<16xi32>
      %select_n3A_1097 = arith.select %lt3A_1093, %add3A_1096, %xor3A_13 : vector<16xi1>, vector<16xi32>
      %broadcast_in_dim3A_1098 = vector.shape_cast %select_n3A_1097 : vector<16xi32> to vector<16x1xi32>
      %gather3A_1099 = vector.shape_cast %broadcast_in_dim3A_1098 : vector<16x1xi32> to vector<16xi32>
      %gather3A_1100 = tpu.dynamic_gather %add3A_1090[%gather3A_1099] in [0] : vector<16xf32>, vector<16xi32> -> vector<16xf32>
      %add3A_1101 = arith.addf %add3A_1090, %gather3A_1100 : vector<16xf32>
      %add3A_1102 = arith.addf %broadcast_in_dim3A_14, %add3A_1101 : vector<16xf32>
      %max3A = arith.maximumf %add3A_1102, %broadcast_in_dim3A_16 : vector<16xf32>
      %add3A_1103 = arith.addf %scan3A_644, %max3A : vector<16xf32>
      scf.yield %add3A_1103 : vector<16xf32>
    }
    %scan3A_577 = arith.constant 32 : i32
    %dma_wait3A_578 = arith.constant 0 : i32
    %dma_wait3A_579 = arith.constant 96 : i32
    %dma_wait3A_580 = tpu.memref_slice %arg15[%dma_wait3A_578, %dma_wait3A_579] : memref<8x128xi32, #tpu.memory_space<vmem>> -> memref<1x32xi32, #tpu.memory_space<vmem>>
    %dma_wait3A_581 = tpu.memref_squeeze %dma_wait3A_580 : memref<1x32xi32, #tpu.memory_space<vmem>> -> memref<32xi32, #tpu.memory_space<vmem>>
    %dma_wait3A_582 = arith.constant 0 : i32
    %dma_wait3A_583 = arith.constant 0 : i32
    %dma_wait3A_584 = tpu.memref_slice %arg11[%dma_wait3A_582, %dma_wait3A_583] : memref<100000x128xf32, #tpu.memory_space<hbm>> -> memref<100000x128xf32, #tpu.memory_space<hbm>>
    tpu.wait_indirect_dma semaphore(%arg37 : memref<!tpu.dma_semaphore, #tpu.memory_space<semaphore_mem>>) src(%dma_wait3A_584 : memref<100000x128xf32, #tpu.memory_space<hbm>>) dst(%arg25 : memref<32x128xf32, #tpu.memory_space<vmem>>)
    %dma_wait3A_585 = arith.constant 1 : i32
    %dma_wait3A_586 = arith.constant 96 : i32
    %dma_wait3A_587 = tpu.memref_slice %arg15[%dma_wait3A_585, %dma_wait3A_586] : memref<8x128xi32, #tpu.memory_space<vmem>> -> memref<1x32xi32, #tpu.memory_space<vmem>>
    %dma_wait3A_588 = tpu.memref_squeeze %dma_wait3A_587 : memref<1x32xi32, #tpu.memory_space<vmem>> -> memref<32xi32, #tpu.memory_space<vmem>>
    %dma_wait3A_589 = arith.constant 0 : i32
    %dma_wait3A_590 = arith.constant 0 : i32
    %dma_wait3A_591 = tpu.memref_slice %arg13[%dma_wait3A_589, %dma_wait3A_590] : memref<1000x128xf32, #tpu.memory_space<hbm>> -> memref<1000x128xf32, #tpu.memory_space<hbm>>
    tpu.wait_indirect_dma semaphore(%arg37 : memref<!tpu.dma_semaphore, #tpu.memory_space<semaphore_mem>>) src(%dma_wait3A_591 : memref<1000x128xf32, #tpu.memory_space<hbm>>) dst(%arg26 : memref<32x128xf32, #tpu.memory_space<vmem>>)
    %dma_wait3A_592 = arith.constant 2 : i32
    %dma_wait3A_593 = arith.constant 96 : i32
    %dma_wait3A_594 = tpu.memref_slice %arg15[%dma_wait3A_592, %dma_wait3A_593] : memref<8x128xi32, #tpu.memory_space<vmem>> -> memref<1x32xi32, #tpu.memory_space<vmem>>
    %dma_wait3A_595 = tpu.memref_squeeze %dma_wait3A_594 : memref<1x32xi32, #tpu.memory_space<vmem>> -> memref<32xi32, #tpu.memory_space<vmem>>
    %dma_wait3A_596 = arith.constant 0 : i32
    %dma_wait3A_597 = arith.constant 0 : i32
    %dma_wait3A_598 = tpu.memref_slice %arg11[%dma_wait3A_596, %dma_wait3A_597] : memref<100000x128xf32, #tpu.memory_space<hbm>> -> memref<100000x128xf32, #tpu.memory_space<hbm>>
    tpu.wait_indirect_dma semaphore(%arg37 : memref<!tpu.dma_semaphore, #tpu.memory_space<semaphore_mem>>) src(%dma_wait3A_598 : memref<100000x128xf32, #tpu.memory_space<hbm>>) dst(%arg27 : memref<32x128xf32, #tpu.memory_space<vmem>>)
    %dma_wait3A_599 = arith.constant 3 : i32
    %dma_wait3A_600 = arith.constant 96 : i32
    %dma_wait3A_601 = tpu.memref_slice %arg15[%dma_wait3A_599, %dma_wait3A_600] : memref<8x128xi32, #tpu.memory_space<vmem>> -> memref<1x32xi32, #tpu.memory_space<vmem>>
    %dma_wait3A_602 = tpu.memref_squeeze %dma_wait3A_601 : memref<1x32xi32, #tpu.memory_space<vmem>> -> memref<32xi32, #tpu.memory_space<vmem>>
    %dma_wait3A_603 = arith.constant 0 : i32
    %dma_wait3A_604 = arith.constant 0 : i32
    %dma_wait3A_605 = tpu.memref_slice %arg13[%dma_wait3A_603, %dma_wait3A_604] : memref<1000x128xf32, #tpu.memory_space<hbm>> -> memref<1000x128xf32, #tpu.memory_space<hbm>>
    tpu.wait_indirect_dma semaphore(%arg37 : memref<!tpu.dma_semaphore, #tpu.memory_space<semaphore_mem>>) src(%dma_wait3A_605 : memref<1000x128xf32, #tpu.memory_space<hbm>>) dst(%arg28 : memref<32x128xf32, #tpu.memory_space<vmem>>)
    %dma_wait3A_606 = arith.constant 4 : i32
    %dma_wait3A_607 = arith.constant 96 : i32
    %dma_wait3A_608 = tpu.memref_slice %arg15[%dma_wait3A_606, %dma_wait3A_607] : memref<8x128xi32, #tpu.memory_space<vmem>> -> memref<1x32xi32, #tpu.memory_space<vmem>>
    %dma_wait3A_609 = tpu.memref_squeeze %dma_wait3A_608 : memref<1x32xi32, #tpu.memory_space<vmem>> -> memref<32xi32, #tpu.memory_space<vmem>>
    %dma_wait3A_610 = arith.constant 0 : i32
    %dma_wait3A_611 = arith.constant 0 : i32
    %dma_wait3A_612 = tpu.memref_slice %arg11[%dma_wait3A_610, %dma_wait3A_611] : memref<100000x128xf32, #tpu.memory_space<hbm>> -> memref<100000x128xf32, #tpu.memory_space<hbm>>
    tpu.wait_indirect_dma semaphore(%arg37 : memref<!tpu.dma_semaphore, #tpu.memory_space<semaphore_mem>>) src(%dma_wait3A_612 : memref<100000x128xf32, #tpu.memory_space<hbm>>) dst(%arg29 : memref<32x128xf32, #tpu.memory_space<vmem>>)
    %dma_wait3A_613 = arith.constant 5 : i32
    %dma_wait3A_614 = arith.constant 96 : i32
    %dma_wait3A_615 = tpu.memref_slice %arg15[%dma_wait3A_613, %dma_wait3A_614] : memref<8x128xi32, #tpu.memory_space<vmem>> -> memref<1x32xi32, #tpu.memory_space<vmem>>
    %dma_wait3A_616 = tpu.memref_squeeze %dma_wait3A_615 : memref<1x32xi32, #tpu.memory_space<vmem>> -> memref<32xi32, #tpu.memory_space<vmem>>
    %dma_wait3A_617 = arith.constant 0 : i32
    %dma_wait3A_618 = arith.constant 0 : i32
    %dma_wait3A_619 = tpu.memref_slice %arg13[%dma_wait3A_617, %dma_wait3A_618] : memref<1000x128xf32, #tpu.memory_space<hbm>> -> memref<1000x128xf32, #tpu.memory_space<hbm>>
    tpu.wait_indirect_dma semaphore(%arg37 : memref<!tpu.dma_semaphore, #tpu.memory_space<semaphore_mem>>) src(%dma_wait3A_619 : memref<1000x128xf32, #tpu.memory_space<hbm>>) dst(%arg30 : memref<32x128xf32, #tpu.memory_space<vmem>>)
    %dma_wait3A_620 = arith.constant 6 : i32
    %dma_wait3A_621 = arith.constant 96 : i32
    %dma_wait3A_622 = tpu.memref_slice %arg15[%dma_wait3A_620, %dma_wait3A_621] : memref<8x128xi32, #tpu.memory_space<vmem>> -> memref<1x32xi32, #tpu.memory_space<vmem>>
    %dma_wait3A_623 = tpu.memref_squeeze %dma_wait3A_622 : memref<1x32xi32, #tpu.memory_space<vmem>> -> memref<32xi32, #tpu.memory_space<vmem>>
    %dma_wait3A_624 = arith.constant 0 : i32
    %dma_wait3A_625 = arith.constant 0 : i32
    %dma_wait3A_626 = tpu.memref_slice %arg12[%dma_wait3A_624, %dma_wait3A_625] : memref<1000x128xf32, #tpu.memory_space<hbm>> -> memref<1000x128xf32, #tpu.memory_space<hbm>>
    tpu.wait_indirect_dma semaphore(%arg37 : memref<!tpu.dma_semaphore, #tpu.memory_space<semaphore_mem>>) src(%dma_wait3A_626 : memref<1000x128xf32, #tpu.memory_space<hbm>>) dst(%arg31 : memref<32x128xf32, #tpu.memory_space<vmem>>)
    %dma_wait3A_627 = arith.constant 7 : i32
    %dma_wait3A_628 = arith.constant 96 : i32
    %dma_wait3A_629 = tpu.memref_slice %arg15[%dma_wait3A_627, %dma_wait3A_628] : memref<8x128xi32, #tpu.memory_space<vmem>> -> memref<1x32xi32, #tpu.memory_space<vmem>>
    %dma_wait3A_630 = tpu.memref_squeeze %dma_wait3A_629 : memref<1x32xi32, #tpu.memory_space<vmem>> -> memref<32xi32, #tpu.memory_space<vmem>>
    %dma_wait3A_631 = arith.constant 0 : i32
    %dma_wait3A_632 = arith.constant 0 : i32
    %dma_wait3A_633 = tpu.memref_slice %arg12[%dma_wait3A_631, %dma_wait3A_632] : memref<1000x128xf32, #tpu.memory_space<hbm>> -> memref<1000x128xf32, #tpu.memory_space<hbm>>
    tpu.wait_indirect_dma semaphore(%arg37 : memref<!tpu.dma_semaphore, #tpu.memory_space<semaphore_mem>>) src(%dma_wait3A_633 : memref<1000x128xf32, #tpu.memory_space<hbm>>) dst(%arg32 : memref<32x128xf32, #tpu.memory_space<vmem>>)
    %scan3A_634 = arith.constant 0 : i32
    %scan3A_635 = arith.constant 32 : i32
    %scan3A_636 = arith.addi %scan3A_634, %scan3A_635 : i32
    %scan3A_637 = arith.constant 1 : i32
    %scan3A_638 = scf.for %scan3A_643 = %scan3A_634 to %scan3A_636 step %scan3A_637 iter_args(%scan3A_644 = %scan3A_576) -> (vector<16xf32>)  : i32 {
      %broadcast_in_dim3A_645 = arith.constant 0.000000e+00 : f32
      %broadcast_in_dim3A_646 = vector.broadcast %broadcast_in_dim3A_645 : f32 to vector<16xf32>
      %get3A = arith.index_cast %scan3A_643 : i32 to index
      %get3A_647 = arith.constant 0 : index
      %get3A_648 = tpu.vector_load %arg25[%get3A, %get3A_647] {strides = array<i32>} : memref<32x128xf32, #tpu.memory_space<vmem>>, vector<1x16xf32>,
      %get3A_649 = vector.shape_cast %get3A_648 : vector<1x16xf32> to vector<16xf32>
      %get3A_650 = arith.index_cast %scan3A_643 : i32 to index
      %get3A_651 = arith.constant 0 : index
      %get3A_652 = tpu.vector_load %arg26[%get3A_650, %get3A_651] {strides = array<i32>} : memref<32x128xf32, #tpu.memory_space<vmem>>, vector<1x16xf32>,
      %get3A_653 = vector.shape_cast %get3A_652 : vector<1x16xf32> to vector<16xf32>
      %add3A_654 = arith.addf %get3A_649, %get3A_653 : vector<16xf32>
      %add3A_655 = arith.constant 96 : i32
      %add3A_656 = arith.addi %add3A_655, %scan3A_643 : i32
      %get3A_657 = arith.index_cast %add3A_656 : i32 to index
      %get3A_658 = arith.constant 0 : index
      %get3A_659 = tpu.vector_load %arg16[%get3A_657, %get3A_658] {strides = array<i32>} : memref<128x128xf32, #tpu.memory_space<vmem>>, vector<1x16xf32>,
      %get3A_660 = vector.shape_cast %get3A_659 : vector<1x16xf32> to vector<16xf32>
      %add3A_661 = arith.addf %add3A_654, %get3A_660 : vector<16xf32>
      %get3A_662 = arith.index_cast %scan3A_643 : i32 to index
      %get3A_663 = arith.constant 64 : index
      %get3A_664 = tpu.vector_load %arg25[%get3A_662, %get3A_663] {strides = array<i32>} : memref<32x128xf32, #tpu.memory_space<vmem>>, vector<1x16xf32>,
      %get3A_665 = vector.shape_cast %get3A_664 : vector<1x16xf32> to vector<16xf32>
      %get3A_666 = arith.index_cast %scan3A_643 : i32 to index
      %get3A_667 = arith.constant 64 : index
      %get3A_668 = tpu.vector_load %arg26[%get3A_666, %get3A_667] {strides = array<i32>} : memref<32x128xf32, #tpu.memory_space<vmem>>, vector<1x16xf32>,
      %get3A_669 = vector.shape_cast %get3A_668 : vector<1x16xf32> to vector<16xf32>
      %add3A_670 = arith.addf %get3A_665, %get3A_669 : vector<16xf32>
      %add3A_671 = arith.constant 96 : i32
      %add3A_672 = arith.addi %add3A_671, %scan3A_643 : i32
      %get3A_673 = arith.index_cast %add3A_672 : i32 to index
      %get3A_674 = arith.constant 64 : index
      %get3A_675 = tpu.vector_load %arg16[%get3A_673, %get3A_674] {strides = array<i32>} : memref<128x128xf32, #tpu.memory_space<vmem>>, vector<1x16xf32>,
      %get3A_676 = vector.shape_cast %get3A_675 : vector<1x16xf32> to vector<16xf32>
      %add3A_677 = arith.addf %add3A_670, %get3A_676 : vector<16xf32>
      %get3A_678 = arith.index_cast %scan3A_643 : i32 to index
      %get3A_679 = arith.constant 0 : index
      %get3A_680 = tpu.vector_load %arg27[%get3A_678, %get3A_679] {strides = array<i32>} : memref<32x128xf32, #tpu.memory_space<vmem>>, vector<1x16xf32>,
      %get3A_681 = vector.shape_cast %get3A_680 : vector<1x16xf32> to vector<16xf32>
      %get3A_682 = arith.index_cast %scan3A_643 : i32 to index
      %get3A_683 = arith.constant 0 : index
      %get3A_684 = tpu.vector_load %arg28[%get3A_682, %get3A_683] {strides = array<i32>} : memref<32x128xf32, #tpu.memory_space<vmem>>, vector<1x16xf32>,
      %get3A_685 = vector.shape_cast %get3A_684 : vector<1x16xf32> to vector<16xf32>
      %add3A_686 = arith.addf %get3A_681, %get3A_685 : vector<16xf32>
      %get3A_687 = arith.index_cast %scan3A_643 : i32 to index
      %get3A_688 = arith.constant 64 : index
      %get3A_689 = tpu.vector_load %arg27[%get3A_687, %get3A_688] {strides = array<i32>} : memref<32x128xf32, #tpu.memory_space<vmem>>, vector<1x16xf32>,
      %get3A_690 = vector.shape_cast %get3A_689 : vector<1x16xf32> to vector<16xf32>
      %get3A_691 = arith.index_cast %scan3A_643 : i32 to index
      %get3A_692 = arith.constant 64 : index
      %get3A_693 = tpu.vector_load %arg28[%get3A_691, %get3A_692] {strides = array<i32>} : memref<32x128xf32, #tpu.memory_space<vmem>>, vector<1x16xf32>,
      %get3A_694 = vector.shape_cast %get3A_693 : vector<1x16xf32> to vector<16xf32>
      %add3A_695 = arith.addf %get3A_690, %get3A_694 : vector<16xf32>
      %get3A_696 = arith.index_cast %scan3A_643 : i32 to index
      %get3A_697 = arith.constant 0 : index
      %get3A_698 = tpu.vector_load %arg29[%get3A_696, %get3A_697] {strides = array<i32>} : memref<32x128xf32, #tpu.memory_space<vmem>>, vector<1x16xf32>,
      %get3A_699 = vector.shape_cast %get3A_698 : vector<1x16xf32> to vector<16xf32>
      %get3A_700 = arith.index_cast %scan3A_643 : i32 to index
      %get3A_701 = arith.constant 0 : index
      %get3A_702 = tpu.vector_load %arg30[%get3A_700, %get3A_701] {strides = array<i32>} : memref<32x128xf32, #tpu.memory_space<vmem>>, vector<1x16xf32>,
      %get3A_703 = vector.shape_cast %get3A_702 : vector<1x16xf32> to vector<16xf32>
      %add3A_704 = arith.addf %get3A_699, %get3A_703 : vector<16xf32>
      %get3A_705 = arith.index_cast %scan3A_643 : i32 to index
      %get3A_706 = arith.constant 64 : index
      %get3A_707 = tpu.vector_load %arg29[%get3A_705, %get3A_706] {strides = array<i32>} : memref<32x128xf32, #tpu.memory_space<vmem>>, vector<1x16xf32>,
      %get3A_708 = vector.shape_cast %get3A_707 : vector<1x16xf32> to vector<16xf32>
      %get3A_709 = arith.index_cast %scan3A_643 : i32 to index
      %get3A_710 = arith.constant 64 : index
      %get3A_711 = tpu.vector_load %arg30[%get3A_709, %get3A_710] {strides = array<i32>} : memref<32x128xf32, #tpu.memory_space<vmem>>, vector<1x16xf32>,
      %get3A_712 = vector.shape_cast %get3A_711 : vector<1x16xf32> to vector<16xf32>
      %add3A_713 = arith.addf %get3A_708, %get3A_712 : vector<16xf32>
      %get3A_714 = arith.index_cast %scan3A_643 : i32 to index
      %get3A_715 = arith.constant 0 : index
      %get3A_716 = tpu.vector_load %arg31[%get3A_714, %get3A_715] {strides = array<i32>} : memref<32x128xf32, #tpu.memory_space<vmem>>, vector<1x16xf32>,
      %get3A_717 = vector.shape_cast %get3A_716 : vector<1x16xf32> to vector<16xf32>
      %get3A_718 = arith.index_cast %scan3A_643 : i32 to index
      %get3A_719 = arith.constant 64 : index
      %get3A_720 = tpu.vector_load %arg31[%get3A_718, %get3A_719] {strides = array<i32>} : memref<32x128xf32, #tpu.memory_space<vmem>>, vector<1x16xf32>,
      %get3A_721 = vector.shape_cast %get3A_720 : vector<1x16xf32> to vector<16xf32>
      %get3A_722 = arith.index_cast %scan3A_643 : i32 to index
      %get3A_723 = arith.constant 0 : index
      %get3A_724 = tpu.vector_load %arg32[%get3A_722, %get3A_723] {strides = array<i32>} : memref<32x128xf32, #tpu.memory_space<vmem>>, vector<1x16xf32>,
      %get3A_725 = vector.shape_cast %get3A_724 : vector<1x16xf32> to vector<16xf32>
      %get3A_726 = arith.index_cast %scan3A_643 : i32 to index
      %get3A_727 = arith.constant 64 : index
      %get3A_728 = tpu.vector_load %arg32[%get3A_726, %get3A_727] {strides = array<i32>} : memref<32x128xf32, #tpu.memory_space<vmem>>, vector<1x16xf32>,
      %get3A_729 = vector.shape_cast %get3A_728 : vector<1x16xf32> to vector<16xf32>
      %mul3A_730 = arith.mulf %add3A_661, %add3A_704 : vector<16xf32>
      %mul3A_731 = arith.mulf %add3A_677, %add3A_713 : vector<16xf32>
      %add3A_732 = arith.addf %mul3A_730, %mul3A_731 : vector<16xf32>
      %mul3A_733 = arith.mulf %get3A_725, %add3A_732 : vector<16xf32>
      %mul3A_734 = arith.mulf %add3A_661, %add3A_713 : vector<16xf32>
      %mul3A_735 = arith.mulf %add3A_677, %add3A_704 : vector<16xf32>
      %sub3A = arith.subf %mul3A_734, %mul3A_735 : vector<16xf32>
      %mul3A_736 = arith.mulf %get3A_729, %sub3A : vector<16xf32>
      %add3A_737 = arith.addf %mul3A_733, %mul3A_736 : vector<16xf32>
      %mul3A_738 = arith.mulf %add3A_661, %add3A_686 : vector<16xf32>
      %mul3A_739 = arith.mulf %add3A_677, %add3A_695 : vector<16xf32>
      %add3A_740 = arith.addf %mul3A_738, %mul3A_739 : vector<16xf32>
      %mul3A_741 = arith.mulf %get3A_717, %add3A_740 : vector<16xf32>
      %sub3A_742 = arith.subf %add3A_737, %mul3A_741 : vector<16xf32>
      %mul3A_743 = arith.mulf %add3A_661, %add3A_695 : vector<16xf32>
      %mul3A_744 = arith.mulf %add3A_677, %add3A_686 : vector<16xf32>
      %sub3A_745 = arith.subf %mul3A_743, %mul3A_744 : vector<16xf32>
      %mul3A_746 = arith.mulf %get3A_721, %sub3A_745 : vector<16xf32>
      %sub3A_747 = arith.subf %sub3A_742, %mul3A_746 : vector<16xf32>
      %add3A_748 = arith.addf %broadcast_in_dim3A_646, %sub3A_747 : vector<16xf32>
      %get3A_749 = arith.index_cast %scan3A_643 : i32 to index
      %get3A_750 = arith.constant 16 : index
      %get3A_751 = tpu.vector_load %arg25[%get3A_749, %get3A_750] {strides = array<i32>} : memref<32x128xf32, #tpu.memory_space<vmem>>, vector<1x16xf32>,
      %get3A_752 = vector.shape_cast %get3A_751 : vector<1x16xf32> to vector<16xf32>
      %get3A_753 = arith.index_cast %scan3A_643 : i32 to index
      %get3A_754 = arith.constant 16 : index
      %get3A_755 = tpu.vector_load %arg26[%get3A_753, %get3A_754] {strides = array<i32>} : memref<32x128xf32, #tpu.memory_space<vmem>>, vector<1x16xf32>,
      %get3A_756 = vector.shape_cast %get3A_755 : vector<1x16xf32> to vector<16xf32>
      %add3A_757 = arith.addf %get3A_752, %get3A_756 : vector<16xf32>
      %add3A_758 = arith.constant 96 : i32
      %add3A_759 = arith.addi %add3A_758, %scan3A_643 : i32
      %get3A_760 = arith.index_cast %add3A_759 : i32 to index
      %get3A_761 = arith.constant 16 : index
      %get3A_762 = tpu.vector_load %arg16[%get3A_760, %get3A_761] {strides = array<i32>} : memref<128x128xf32, #tpu.memory_space<vmem>>, vector<1x16xf32>,
      %get3A_763 = vector.shape_cast %get3A_762 : vector<1x16xf32> to vector<16xf32>
      %add3A_764 = arith.addf %add3A_757, %get3A_763 : vector<16xf32>
      %get3A_765 = arith.index_cast %scan3A_643 : i32 to index
      %get3A_766 = arith.constant 80 : index
      %get3A_767 = tpu.vector_load %arg25[%get3A_765, %get3A_766] {strides = array<i32>} : memref<32x128xf32, #tpu.memory_space<vmem>>, vector<1x16xf32>,
      %get3A_768 = vector.shape_cast %get3A_767 : vector<1x16xf32> to vector<16xf32>
      %get3A_769 = arith.index_cast %scan3A_643 : i32 to index
      %get3A_770 = arith.constant 80 : index
      %get3A_771 = tpu.vector_load %arg26[%get3A_769, %get3A_770] {strides = array<i32>} : memref<32x128xf32, #tpu.memory_space<vmem>>, vector<1x16xf32>,
      %get3A_772 = vector.shape_cast %get3A_771 : vector<1x16xf32> to vector<16xf32>
      %add3A_773 = arith.addf %get3A_768, %get3A_772 : vector<16xf32>
      %add3A_774 = arith.constant 96 : i32
      %add3A_775 = arith.addi %add3A_774, %scan3A_643 : i32
      %get3A_776 = arith.index_cast %add3A_775 : i32 to index
      %get3A_777 = arith.constant 80 : index
      %get3A_778 = tpu.vector_load %arg16[%get3A_776, %get3A_777] {strides = array<i32>} : memref<128x128xf32, #tpu.memory_space<vmem>>, vector<1x16xf32>,
      %get3A_779 = vector.shape_cast %get3A_778 : vector<1x16xf32> to vector<16xf32>
      %add3A_780 = arith.addf %add3A_773, %get3A_779 : vector<16xf32>
      %get3A_781 = arith.index_cast %scan3A_643 : i32 to index
      %get3A_782 = arith.constant 16 : index
      %get3A_783 = tpu.vector_load %arg27[%get3A_781, %get3A_782] {strides = array<i32>} : memref<32x128xf32, #tpu.memory_space<vmem>>, vector<1x16xf32>,
      %get3A_784 = vector.shape_cast %get3A_783 : vector<1x16xf32> to vector<16xf32>
      %get3A_785 = arith.index_cast %scan3A_643 : i32 to index
      %get3A_786 = arith.constant 16 : index
      %get3A_787 = tpu.vector_load %arg28[%get3A_785, %get3A_786] {strides = array<i32>} : memref<32x128xf32, #tpu.memory_space<vmem>>, vector<1x16xf32>,
      %get3A_788 = vector.shape_cast %get3A_787 : vector<1x16xf32> to vector<16xf32>
      %add3A_789 = arith.addf %get3A_784, %get3A_788 : vector<16xf32>
      %get3A_790 = arith.index_cast %scan3A_643 : i32 to index
      %get3A_791 = arith.constant 80 : index
      %get3A_792 = tpu.vector_load %arg27[%get3A_790, %get3A_791] {strides = array<i32>} : memref<32x128xf32, #tpu.memory_space<vmem>>, vector<1x16xf32>,
      %get3A_793 = vector.shape_cast %get3A_792 : vector<1x16xf32> to vector<16xf32>
      %get3A_794 = arith.index_cast %scan3A_643 : i32 to index
      %get3A_795 = arith.constant 80 : index
      %get3A_796 = tpu.vector_load %arg28[%get3A_794, %get3A_795] {strides = array<i32>} : memref<32x128xf32, #tpu.memory_space<vmem>>, vector<1x16xf32>,
      %get3A_797 = vector.shape_cast %get3A_796 : vector<1x16xf32> to vector<16xf32>
      %add3A_798 = arith.addf %get3A_793, %get3A_797 : vector<16xf32>
      %get3A_799 = arith.index_cast %scan3A_643 : i32 to index
      %get3A_800 = arith.constant 16 : index
      %get3A_801 = tpu.vector_load %arg29[%get3A_799, %get3A_800] {strides = array<i32>} : memref<32x128xf32, #tpu.memory_space<vmem>>, vector<1x16xf32>,
      %get3A_802 = vector.shape_cast %get3A_801 : vector<1x16xf32> to vector<16xf32>
      %get3A_803 = arith.index_cast %scan3A_643 : i32 to index
      %get3A_804 = arith.constant 16 : index
      %get3A_805 = tpu.vector_load %arg30[%get3A_803, %get3A_804] {strides = array<i32>} : memref<32x128xf32, #tpu.memory_space<vmem>>, vector<1x16xf32>,
      %get3A_806 = vector.shape_cast %get3A_805 : vector<1x16xf32> to vector<16xf32>
      %add3A_807 = arith.addf %get3A_802, %get3A_806 : vector<16xf32>
      %get3A_808 = arith.index_cast %scan3A_643 : i32 to index
      %get3A_809 = arith.constant 80 : index
      %get3A_810 = tpu.vector_load %arg29[%get3A_808, %get3A_809] {strides = array<i32>} : memref<32x128xf32, #tpu.memory_space<vmem>>, vector<1x16xf32>,
      %get3A_811 = vector.shape_cast %get3A_810 : vector<1x16xf32> to vector<16xf32>
      %get3A_812 = arith.index_cast %scan3A_643 : i32 to index
      %get3A_813 = arith.constant 80 : index
      %get3A_814 = tpu.vector_load %arg30[%get3A_812, %get3A_813] {strides = array<i32>} : memref<32x128xf32, #tpu.memory_space<vmem>>, vector<1x16xf32>,
      %get3A_815 = vector.shape_cast %get3A_814 : vector<1x16xf32> to vector<16xf32>
      %add3A_816 = arith.addf %get3A_811, %get3A_815 : vector<16xf32>
      %get3A_817 = arith.index_cast %scan3A_643 : i32 to index
      %get3A_818 = arith.constant 16 : index
      %get3A_819 = tpu.vector_load %arg31[%get3A_817, %get3A_818] {strides = array<i32>} : memref<32x128xf32, #tpu.memory_space<vmem>>, vector<1x16xf32>,
      %get3A_820 = vector.shape_cast %get3A_819 : vector<1x16xf32> to vector<16xf32>
      %get3A_821 = arith.index_cast %scan3A_643 : i32 to index
      %get3A_822 = arith.constant 80 : index
      %get3A_823 = tpu.vector_load %arg31[%get3A_821, %get3A_822] {strides = array<i32>} : memref<32x128xf32, #tpu.memory_space<vmem>>, vector<1x16xf32>,
      %get3A_824 = vector.shape_cast %get3A_823 : vector<1x16xf32> to vector<16xf32>
      %get3A_825 = arith.index_cast %scan3A_643 : i32 to index
      %get3A_826 = arith.constant 16 : index
      %get3A_827 = tpu.vector_load %arg32[%get3A_825, %get3A_826] {strides = array<i32>} : memref<32x128xf32, #tpu.memory_space<vmem>>, vector<1x16xf32>,
      %get3A_828 = vector.shape_cast %get3A_827 : vector<1x16xf32> to vector<16xf32>
      %get3A_829 = arith.index_cast %scan3A_643 : i32 to index
      %get3A_830 = arith.constant 80 : index
      %get3A_831 = tpu.vector_load %arg32[%get3A_829, %get3A_830] {strides = array<i32>} : memref<32x128xf32, #tpu.memory_space<vmem>>, vector<1x16xf32>,
      %get3A_832 = vector.shape_cast %get3A_831 : vector<1x16xf32> to vector<16xf32>
      %mul3A_833 = arith.mulf %add3A_764, %add3A_807 : vector<16xf32>
      %mul3A_834 = arith.mulf %add3A_780, %add3A_816 : vector<16xf32>
      %add3A_835 = arith.addf %mul3A_833, %mul3A_834 : vector<16xf32>
      %mul3A_836 = arith.mulf %get3A_828, %add3A_835 : vector<16xf32>
      %mul3A_837 = arith.mulf %add3A_764, %add3A_816 : vector<16xf32>
      %mul3A_838 = arith.mulf %add3A_780, %add3A_807 : vector<16xf32>
      %sub3A_839 = arith.subf %mul3A_837, %mul3A_838 : vector<16xf32>
      %mul3A_840 = arith.mulf %get3A_832, %sub3A_839 : vector<16xf32>
      %add3A_841 = arith.addf %mul3A_836, %mul3A_840 : vector<16xf32>
      %mul3A_842 = arith.mulf %add3A_764, %add3A_789 : vector<16xf32>
      %mul3A_843 = arith.mulf %add3A_780, %add3A_798 : vector<16xf32>
      %add3A_844 = arith.addf %mul3A_842, %mul3A_843 : vector<16xf32>
      %mul3A_845 = arith.mulf %get3A_820, %add3A_844 : vector<16xf32>
      %sub3A_846 = arith.subf %add3A_841, %mul3A_845 : vector<16xf32>
      %mul3A_847 = arith.mulf %add3A_764, %add3A_798 : vector<16xf32>
      %mul3A_848 = arith.mulf %add3A_780, %add3A_789 : vector<16xf32>
      %sub3A_849 = arith.subf %mul3A_847, %mul3A_848 : vector<16xf32>
      %mul3A_850 = arith.mulf %get3A_824, %sub3A_849 : vector<16xf32>
      %sub3A_851 = arith.subf %sub3A_846, %mul3A_850 : vector<16xf32>
      %add3A_852 = arith.addf %add3A_748, %sub3A_851 : vector<16xf32>
      %get3A_853 = arith.index_cast %scan3A_643 : i32 to index
      %get3A_854 = arith.constant 32 : index
      %get3A_855 = tpu.vector_load %arg25[%get3A_853, %get3A_854] {strides = array<i32>} : memref<32x128xf32, #tpu.memory_space<vmem>>, vector<1x16xf32>,
      %get3A_856 = vector.shape_cast %get3A_855 : vector<1x16xf32> to vector<16xf32>
      %get3A_857 = arith.index_cast %scan3A_643 : i32 to index
      %get3A_858 = arith.constant 32 : index
      %get3A_859 = tpu.vector_load %arg26[%get3A_857, %get3A_858] {strides = array<i32>} : memref<32x128xf32, #tpu.memory_space<vmem>>, vector<1x16xf32>,
      %get3A_860 = vector.shape_cast %get3A_859 : vector<1x16xf32> to vector<16xf32>
      %add3A_861 = arith.addf %get3A_856, %get3A_860 : vector<16xf32>
      %add3A_862 = arith.constant 96 : i32
      %add3A_863 = arith.addi %add3A_862, %scan3A_643 : i32
      %get3A_864 = arith.index_cast %add3A_863 : i32 to index
      %get3A_865 = arith.constant 32 : index
      %get3A_866 = tpu.vector_load %arg16[%get3A_864, %get3A_865] {strides = array<i32>} : memref<128x128xf32, #tpu.memory_space<vmem>>, vector<1x16xf32>,
      %get3A_867 = vector.shape_cast %get3A_866 : vector<1x16xf32> to vector<16xf32>
      %add3A_868 = arith.addf %add3A_861, %get3A_867 : vector<16xf32>
      %get3A_869 = arith.index_cast %scan3A_643 : i32 to index
      %get3A_870 = arith.constant 96 : index
      %get3A_871 = tpu.vector_load %arg25[%get3A_869, %get3A_870] {strides = array<i32>} : memref<32x128xf32, #tpu.memory_space<vmem>>, vector<1x16xf32>,
      %get3A_872 = vector.shape_cast %get3A_871 : vector<1x16xf32> to vector<16xf32>
      %get3A_873 = arith.index_cast %scan3A_643 : i32 to index
      %get3A_874 = arith.constant 96 : index
      %get3A_875 = tpu.vector_load %arg26[%get3A_873, %get3A_874] {strides = array<i32>} : memref<32x128xf32, #tpu.memory_space<vmem>>, vector<1x16xf32>,
      %get3A_876 = vector.shape_cast %get3A_875 : vector<1x16xf32> to vector<16xf32>
      %add3A_877 = arith.addf %get3A_872, %get3A_876 : vector<16xf32>
      %add3A_878 = arith.constant 96 : i32
      %add3A_879 = arith.addi %add3A_878, %scan3A_643 : i32
      %get3A_880 = arith.index_cast %add3A_879 : i32 to index
      %get3A_881 = arith.constant 96 : index
      %get3A_882 = tpu.vector_load %arg16[%get3A_880, %get3A_881] {strides = array<i32>} : memref<128x128xf32, #tpu.memory_space<vmem>>, vector<1x16xf32>,
      %get3A_883 = vector.shape_cast %get3A_882 : vector<1x16xf32> to vector<16xf32>
      %add3A_884 = arith.addf %add3A_877, %get3A_883 : vector<16xf32>
      %get3A_885 = arith.index_cast %scan3A_643 : i32 to index
      %get3A_886 = arith.constant 32 : index
      %get3A_887 = tpu.vector_load %arg27[%get3A_885, %get3A_886] {strides = array<i32>} : memref<32x128xf32, #tpu.memory_space<vmem>>, vector<1x16xf32>,
      %get3A_888 = vector.shape_cast %get3A_887 : vector<1x16xf32> to vector<16xf32>
      %get3A_889 = arith.index_cast %scan3A_643 : i32 to index
      %get3A_890 = arith.constant 32 : index
      %get3A_891 = tpu.vector_load %arg28[%get3A_889, %get3A_890] {strides = array<i32>} : memref<32x128xf32, #tpu.memory_space<vmem>>, vector<1x16xf32>,
      %get3A_892 = vector.shape_cast %get3A_891 : vector<1x16xf32> to vector<16xf32>
      %add3A_893 = arith.addf %get3A_888, %get3A_892 : vector<16xf32>
      %get3A_894 = arith.index_cast %scan3A_643 : i32 to index
      %get3A_895 = arith.constant 96 : index
      %get3A_896 = tpu.vector_load %arg27[%get3A_894, %get3A_895] {strides = array<i32>} : memref<32x128xf32, #tpu.memory_space<vmem>>, vector<1x16xf32>,
      %get3A_897 = vector.shape_cast %get3A_896 : vector<1x16xf32> to vector<16xf32>
      %get3A_898 = arith.index_cast %scan3A_643 : i32 to index
      %get3A_899 = arith.constant 96 : index
      %get3A_900 = tpu.vector_load %arg28[%get3A_898, %get3A_899] {strides = array<i32>} : memref<32x128xf32, #tpu.memory_space<vmem>>, vector<1x16xf32>,
      %get3A_901 = vector.shape_cast %get3A_900 : vector<1x16xf32> to vector<16xf32>
      %add3A_902 = arith.addf %get3A_897, %get3A_901 : vector<16xf32>
      %get3A_903 = arith.index_cast %scan3A_643 : i32 to index
      %get3A_904 = arith.constant 32 : index
      %get3A_905 = tpu.vector_load %arg29[%get3A_903, %get3A_904] {strides = array<i32>} : memref<32x128xf32, #tpu.memory_space<vmem>>, vector<1x16xf32>,
      %get3A_906 = vector.shape_cast %get3A_905 : vector<1x16xf32> to vector<16xf32>
      %get3A_907 = arith.index_cast %scan3A_643 : i32 to index
      %get3A_908 = arith.constant 32 : index
      %get3A_909 = tpu.vector_load %arg30[%get3A_907, %get3A_908] {strides = array<i32>} : memref<32x128xf32, #tpu.memory_space<vmem>>, vector<1x16xf32>,
      %get3A_910 = vector.shape_cast %get3A_909 : vector<1x16xf32> to vector<16xf32>
      %add3A_911 = arith.addf %get3A_906, %get3A_910 : vector<16xf32>
      %get3A_912 = arith.index_cast %scan3A_643 : i32 to index
      %get3A_913 = arith.constant 96 : index
      %get3A_914 = tpu.vector_load %arg29[%get3A_912, %get3A_913] {strides = array<i32>} : memref<32x128xf32, #tpu.memory_space<vmem>>, vector<1x16xf32>,
      %get3A_915 = vector.shape_cast %get3A_914 : vector<1x16xf32> to vector<16xf32>
      %get3A_916 = arith.index_cast %scan3A_643 : i32 to index
      %get3A_917 = arith.constant 96 : index
      %get3A_918 = tpu.vector_load %arg30[%get3A_916, %get3A_917] {strides = array<i32>} : memref<32x128xf32, #tpu.memory_space<vmem>>, vector<1x16xf32>,
      %get3A_919 = vector.shape_cast %get3A_918 : vector<1x16xf32> to vector<16xf32>
      %add3A_920 = arith.addf %get3A_915, %get3A_919 : vector<16xf32>
      %get3A_921 = arith.index_cast %scan3A_643 : i32 to index
      %get3A_922 = arith.constant 32 : index
      %get3A_923 = tpu.vector_load %arg31[%get3A_921, %get3A_922] {strides = array<i32>} : memref<32x128xf32, #tpu.memory_space<vmem>>, vector<1x16xf32>,
      %get3A_924 = vector.shape_cast %get3A_923 : vector<1x16xf32> to vector<16xf32>
      %get3A_925 = arith.index_cast %scan3A_643 : i32 to index
      %get3A_926 = arith.constant 96 : index
      %get3A_927 = tpu.vector_load %arg31[%get3A_925, %get3A_926] {strides = array<i32>} : memref<32x128xf32, #tpu.memory_space<vmem>>, vector<1x16xf32>,
      %get3A_928 = vector.shape_cast %get3A_927 : vector<1x16xf32> to vector<16xf32>
      %get3A_929 = arith.index_cast %scan3A_643 : i32 to index
      %get3A_930 = arith.constant 32 : index
      %get3A_931 = tpu.vector_load %arg32[%get3A_929, %get3A_930] {strides = array<i32>} : memref<32x128xf32, #tpu.memory_space<vmem>>, vector<1x16xf32>,
      %get3A_932 = vector.shape_cast %get3A_931 : vector<1x16xf32> to vector<16xf32>
      %get3A_933 = arith.index_cast %scan3A_643 : i32 to index
      %get3A_934 = arith.constant 96 : index
      %get3A_935 = tpu.vector_load %arg32[%get3A_933, %get3A_934] {strides = array<i32>} : memref<32x128xf32, #tpu.memory_space<vmem>>, vector<1x16xf32>,
      %get3A_936 = vector.shape_cast %get3A_935 : vector<1x16xf32> to vector<16xf32>
      %mul3A_937 = arith.mulf %add3A_868, %add3A_911 : vector<16xf32>
      %mul3A_938 = arith.mulf %add3A_884, %add3A_920 : vector<16xf32>
      %add3A_939 = arith.addf %mul3A_937, %mul3A_938 : vector<16xf32>
      %mul3A_940 = arith.mulf %get3A_932, %add3A_939 : vector<16xf32>
      %mul3A_941 = arith.mulf %add3A_868, %add3A_920 : vector<16xf32>
      %mul3A_942 = arith.mulf %add3A_884, %add3A_911 : vector<16xf32>
      %sub3A_943 = arith.subf %mul3A_941, %mul3A_942 : vector<16xf32>
      %mul3A_944 = arith.mulf %get3A_936, %sub3A_943 : vector<16xf32>
      %add3A_945 = arith.addf %mul3A_940, %mul3A_944 : vector<16xf32>
      %mul3A_946 = arith.mulf %add3A_868, %add3A_893 : vector<16xf32>
      %mul3A_947 = arith.mulf %add3A_884, %add3A_902 : vector<16xf32>
      %add3A_948 = arith.addf %mul3A_946, %mul3A_947 : vector<16xf32>
      %mul3A_949 = arith.mulf %get3A_924, %add3A_948 : vector<16xf32>
      %sub3A_950 = arith.subf %add3A_945, %mul3A_949 : vector<16xf32>
      %mul3A_951 = arith.mulf %add3A_868, %add3A_902 : vector<16xf32>
      %mul3A_952 = arith.mulf %add3A_884, %add3A_893 : vector<16xf32>
      %sub3A_953 = arith.subf %mul3A_951, %mul3A_952 : vector<16xf32>
      %mul3A_954 = arith.mulf %get3A_928, %sub3A_953 : vector<16xf32>
      %sub3A_955 = arith.subf %sub3A_950, %mul3A_954 : vector<16xf32>
      %add3A_956 = arith.addf %add3A_852, %sub3A_955 : vector<16xf32>
      %get3A_957 = arith.index_cast %scan3A_643 : i32 to index
      %get3A_958 = arith.constant 48 : index
      %get3A_959 = tpu.vector_load %arg25[%get3A_957, %get3A_958] {strides = array<i32>} : memref<32x128xf32, #tpu.memory_space<vmem>>, vector<1x16xf32>,
      %get3A_960 = vector.shape_cast %get3A_959 : vector<1x16xf32> to vector<16xf32>
      %get3A_961 = arith.index_cast %scan3A_643 : i32 to index
      %get3A_962 = arith.constant 48 : index
      %get3A_963 = tpu.vector_load %arg26[%get3A_961, %get3A_962] {strides = array<i32>} : memref<32x128xf32, #tpu.memory_space<vmem>>, vector<1x16xf32>,
      %get3A_964 = vector.shape_cast %get3A_963 : vector<1x16xf32> to vector<16xf32>
      %add3A_965 = arith.addf %get3A_960, %get3A_964 : vector<16xf32>
      %add3A_966 = arith.constant 96 : i32
      %add3A_967 = arith.addi %add3A_966, %scan3A_643 : i32
      %get3A_968 = arith.index_cast %add3A_967 : i32 to index
      %get3A_969 = arith.constant 48 : index
      %get3A_970 = tpu.vector_load %arg16[%get3A_968, %get3A_969] {strides = array<i32>} : memref<128x128xf32, #tpu.memory_space<vmem>>, vector<1x16xf32>,
      %get3A_971 = vector.shape_cast %get3A_970 : vector<1x16xf32> to vector<16xf32>
      %add3A_972 = arith.addf %add3A_965, %get3A_971 : vector<16xf32>
      %get3A_973 = arith.index_cast %scan3A_643 : i32 to index
      %get3A_974 = arith.constant 112 : index
      %get3A_975 = tpu.vector_load %arg25[%get3A_973, %get3A_974] {strides = array<i32>} : memref<32x128xf32, #tpu.memory_space<vmem>>, vector<1x16xf32>,
      %get3A_976 = vector.shape_cast %get3A_975 : vector<1x16xf32> to vector<16xf32>
      %get3A_977 = arith.index_cast %scan3A_643 : i32 to index
      %get3A_978 = arith.constant 112 : index
      %get3A_979 = tpu.vector_load %arg26[%get3A_977, %get3A_978] {strides = array<i32>} : memref<32x128xf32, #tpu.memory_space<vmem>>, vector<1x16xf32>,
      %get3A_980 = vector.shape_cast %get3A_979 : vector<1x16xf32> to vector<16xf32>
      %add3A_981 = arith.addf %get3A_976, %get3A_980 : vector<16xf32>
      %add3A_982 = arith.constant 96 : i32
      %add3A_983 = arith.addi %add3A_982, %scan3A_643 : i32
      %get3A_984 = arith.index_cast %add3A_983 : i32 to index
      %get3A_985 = arith.constant 112 : index
      %get3A_986 = tpu.vector_load %arg16[%get3A_984, %get3A_985] {strides = array<i32>} : memref<128x128xf32, #tpu.memory_space<vmem>>, vector<1x16xf32>,
      %get3A_987 = vector.shape_cast %get3A_986 : vector<1x16xf32> to vector<16xf32>
      %add3A_988 = arith.addf %add3A_981, %get3A_987 : vector<16xf32>
      %get3A_989 = arith.index_cast %scan3A_643 : i32 to index
      %get3A_990 = arith.constant 48 : index
      %get3A_991 = tpu.vector_load %arg27[%get3A_989, %get3A_990] {strides = array<i32>} : memref<32x128xf32, #tpu.memory_space<vmem>>, vector<1x16xf32>,
      %get3A_992 = vector.shape_cast %get3A_991 : vector<1x16xf32> to vector<16xf32>
      %get3A_993 = arith.index_cast %scan3A_643 : i32 to index
      %get3A_994 = arith.constant 48 : index
      %get3A_995 = tpu.vector_load %arg28[%get3A_993, %get3A_994] {strides = array<i32>} : memref<32x128xf32, #tpu.memory_space<vmem>>, vector<1x16xf32>,
      %get3A_996 = vector.shape_cast %get3A_995 : vector<1x16xf32> to vector<16xf32>
      %add3A_997 = arith.addf %get3A_992, %get3A_996 : vector<16xf32>
      %get3A_998 = arith.index_cast %scan3A_643 : i32 to index
      %get3A_999 = arith.constant 112 : index
      %get3A_1000 = tpu.vector_load %arg27[%get3A_998, %get3A_999] {strides = array<i32>} : memref<32x128xf32, #tpu.memory_space<vmem>>, vector<1x16xf32>,
      %get3A_1001 = vector.shape_cast %get3A_1000 : vector<1x16xf32> to vector<16xf32>
      %get3A_1002 = arith.index_cast %scan3A_643 : i32 to index
      %get3A_1003 = arith.constant 112 : index
      %get3A_1004 = tpu.vector_load %arg28[%get3A_1002, %get3A_1003] {strides = array<i32>} : memref<32x128xf32, #tpu.memory_space<vmem>>, vector<1x16xf32>,
      %get3A_1005 = vector.shape_cast %get3A_1004 : vector<1x16xf32> to vector<16xf32>
      %add3A_1006 = arith.addf %get3A_1001, %get3A_1005 : vector<16xf32>
      %get3A_1007 = arith.index_cast %scan3A_643 : i32 to index
      %get3A_1008 = arith.constant 48 : index
      %get3A_1009 = tpu.vector_load %arg29[%get3A_1007, %get3A_1008] {strides = array<i32>} : memref<32x128xf32, #tpu.memory_space<vmem>>, vector<1x16xf32>,
      %get3A_1010 = vector.shape_cast %get3A_1009 : vector<1x16xf32> to vector<16xf32>
      %get3A_1011 = arith.index_cast %scan3A_643 : i32 to index
      %get3A_1012 = arith.constant 48 : index
      %get3A_1013 = tpu.vector_load %arg30[%get3A_1011, %get3A_1012] {strides = array<i32>} : memref<32x128xf32, #tpu.memory_space<vmem>>, vector<1x16xf32>,
      %get3A_1014 = vector.shape_cast %get3A_1013 : vector<1x16xf32> to vector<16xf32>
      %add3A_1015 = arith.addf %get3A_1010, %get3A_1014 : vector<16xf32>
      %get3A_1016 = arith.index_cast %scan3A_643 : i32 to index
      %get3A_1017 = arith.constant 112 : index
      %get3A_1018 = tpu.vector_load %arg29[%get3A_1016, %get3A_1017] {strides = array<i32>} : memref<32x128xf32, #tpu.memory_space<vmem>>, vector<1x16xf32>,
      %get3A_1019 = vector.shape_cast %get3A_1018 : vector<1x16xf32> to vector<16xf32>
      %get3A_1020 = arith.index_cast %scan3A_643 : i32 to index
      %get3A_1021 = arith.constant 112 : index
      %get3A_1022 = tpu.vector_load %arg30[%get3A_1020, %get3A_1021] {strides = array<i32>} : memref<32x128xf32, #tpu.memory_space<vmem>>, vector<1x16xf32>,
      %get3A_1023 = vector.shape_cast %get3A_1022 : vector<1x16xf32> to vector<16xf32>
      %add3A_1024 = arith.addf %get3A_1019, %get3A_1023 : vector<16xf32>
      %get3A_1025 = arith.index_cast %scan3A_643 : i32 to index
      %get3A_1026 = arith.constant 48 : index
      %get3A_1027 = tpu.vector_load %arg31[%get3A_1025, %get3A_1026] {strides = array<i32>} : memref<32x128xf32, #tpu.memory_space<vmem>>, vector<1x16xf32>,
      %get3A_1028 = vector.shape_cast %get3A_1027 : vector<1x16xf32> to vector<16xf32>
      %get3A_1029 = arith.index_cast %scan3A_643 : i32 to index
      %get3A_1030 = arith.constant 112 : index
      %get3A_1031 = tpu.vector_load %arg31[%get3A_1029, %get3A_1030] {strides = array<i32>} : memref<32x128xf32, #tpu.memory_space<vmem>>, vector<1x16xf32>,
      %get3A_1032 = vector.shape_cast %get3A_1031 : vector<1x16xf32> to vector<16xf32>
      %get3A_1033 = arith.index_cast %scan3A_643 : i32 to index
      %get3A_1034 = arith.constant 48 : index
      %get3A_1035 = tpu.vector_load %arg32[%get3A_1033, %get3A_1034] {strides = array<i32>} : memref<32x128xf32, #tpu.memory_space<vmem>>, vector<1x16xf32>,
      %get3A_1036 = vector.shape_cast %get3A_1035 : vector<1x16xf32> to vector<16xf32>
      %get3A_1037 = arith.index_cast %scan3A_643 : i32 to index
      %get3A_1038 = arith.constant 112 : index
      %get3A_1039 = tpu.vector_load %arg32[%get3A_1037, %get3A_1038] {strides = array<i32>} : memref<32x128xf32, #tpu.memory_space<vmem>>, vector<1x16xf32>,
      %get3A_1040 = vector.shape_cast %get3A_1039 : vector<1x16xf32> to vector<16xf32>
      %mul3A_1041 = arith.mulf %add3A_972, %add3A_1015 : vector<16xf32>
      %mul3A_1042 = arith.mulf %add3A_988, %add3A_1024 : vector<16xf32>
      %add3A_1043 = arith.addf %mul3A_1041, %mul3A_1042 : vector<16xf32>
      %mul3A_1044 = arith.mulf %get3A_1036, %add3A_1043 : vector<16xf32>
      %mul3A_1045 = arith.mulf %add3A_972, %add3A_1024 : vector<16xf32>
      %mul3A_1046 = arith.mulf %add3A_988, %add3A_1015 : vector<16xf32>
      %sub3A_1047 = arith.subf %mul3A_1045, %mul3A_1046 : vector<16xf32>
      %mul3A_1048 = arith.mulf %get3A_1040, %sub3A_1047 : vector<16xf32>
      %add3A_1049 = arith.addf %mul3A_1044, %mul3A_1048 : vector<16xf32>
      %mul3A_1050 = arith.mulf %add3A_972, %add3A_997 : vector<16xf32>
      %mul3A_1051 = arith.mulf %add3A_988, %add3A_1006 : vector<16xf32>
      %add3A_1052 = arith.addf %mul3A_1050, %mul3A_1051 : vector<16xf32>
      %mul3A_1053 = arith.mulf %get3A_1028, %add3A_1052 : vector<16xf32>
      %sub3A_1054 = arith.subf %add3A_1049, %mul3A_1053 : vector<16xf32>
      %mul3A_1055 = arith.mulf %add3A_972, %add3A_1006 : vector<16xf32>
      %mul3A_1056 = arith.mulf %add3A_988, %add3A_997 : vector<16xf32>
      %sub3A_1057 = arith.subf %mul3A_1055, %mul3A_1056 : vector<16xf32>
      %mul3A_1058 = arith.mulf %get3A_1032, %sub3A_1057 : vector<16xf32>
      %sub3A_1059 = arith.subf %sub3A_1054, %mul3A_1058 : vector<16xf32>
      %add3A_1060 = arith.addf %add3A_956, %sub3A_1059 : vector<16xf32>
      %lt3A = arith.constant 0 : i32
      %lt3A_1061 = vector.broadcast %lt3A : i32 to vector<16xi32>
      %lt3A_1062 = arith.cmpi slt, %xor3A_4, %lt3A_1061 : vector<16xi32>
      %add3A_1063 = arith.constant 16 : i32
      %add3A_1064 = vector.broadcast %add3A_1063 : i32 to vector<16xi32>
      %add3A_1065 = arith.addi %xor3A_4, %add3A_1064 : vector<16xi32>
      %select_n3A = arith.select %lt3A_1062, %add3A_1065, %xor3A_4 : vector<16xi1>, vector<16xi32>
      %broadcast_in_dim3A_1066 = vector.shape_cast %select_n3A : vector<16xi32> to vector<16x1xi32>
      %gather3A = vector.shape_cast %broadcast_in_dim3A_1066 : vector<16x1xi32> to vector<16xi32>
      %gather3A_1067 = tpu.dynamic_gather %add3A_1060[%gather3A] in [0] : vector<16xf32>, vector<16xi32> -> vector<16xf32>
      %add3A_1068 = arith.addf %add3A_1060, %gather3A_1067 : vector<16xf32>
      %lt3A_1069 = arith.constant 0 : i32
      %lt3A_1070 = vector.broadcast %lt3A_1069 : i32 to vector<16xi32>
      %lt3A_1071 = arith.cmpi slt, %xor3A_7, %lt3A_1070 : vector<16xi32>
      %add3A_1072 = arith.constant 16 : i32
      %add3A_1073 = vector.broadcast %add3A_1072 : i32 to vector<16xi32>
      %add3A_1074 = arith.addi %xor3A_7, %add3A_1073 : vector<16xi32>
      %select_n3A_1075 = arith.select %lt3A_1071, %add3A_1074, %xor3A_7 : vector<16xi1>, vector<16xi32>
      %broadcast_in_dim3A_1076 = vector.shape_cast %select_n3A_1075 : vector<16xi32> to vector<16x1xi32>
      %gather3A_1077 = vector.shape_cast %broadcast_in_dim3A_1076 : vector<16x1xi32> to vector<16xi32>
      %gather3A_1078 = tpu.dynamic_gather %add3A_1068[%gather3A_1077] in [0] : vector<16xf32>, vector<16xi32> -> vector<16xf32>
      %add3A_1079 = arith.addf %add3A_1068, %gather3A_1078 : vector<16xf32>
      %lt3A_1080 = arith.constant 0 : i32
      %lt3A_1081 = vector.broadcast %lt3A_1080 : i32 to vector<16xi32>
      %lt3A_1082 = arith.cmpi slt, %xor3A_10, %lt3A_1081 : vector<16xi32>
      %add3A_1083 = arith.constant 16 : i32
      %add3A_1084 = vector.broadcast %add3A_1083 : i32 to vector<16xi32>
      %add3A_1085 = arith.addi %xor3A_10, %add3A_1084 : vector<16xi32>
      %select_n3A_1086 = arith.select %lt3A_1082, %add3A_1085, %xor3A_10 : vector<16xi1>, vector<16xi32>
      %broadcast_in_dim3A_1087 = vector.shape_cast %select_n3A_1086 : vector<16xi32> to vector<16x1xi32>
      %gather3A_1088 = vector.shape_cast %broadcast_in_dim3A_1087 : vector<16x1xi32> to vector<16xi32>
      %gather3A_1089 = tpu.dynamic_gather %add3A_1079[%gather3A_1088] in [0] : vector<16xf32>, vector<16xi32> -> vector<16xf32>
      %add3A_1090 = arith.addf %add3A_1079, %gather3A_1089 : vector<16xf32>
      %lt3A_1091 = arith.constant 0 : i32
      %lt3A_1092 = vector.broadcast %lt3A_1091 : i32 to vector<16xi32>
      %lt3A_1093 = arith.cmpi slt, %xor3A_13, %lt3A_1092 : vector<16xi32>
      %add3A_1094 = arith.constant 16 : i32
      %add3A_1095 = vector.broadcast %add3A_1094 : i32 to vector<16xi32>
      %add3A_1096 = arith.addi %xor3A_13, %add3A_1095 : vector<16xi32>
      %select_n3A_1097 = arith.select %lt3A_1093, %add3A_1096, %xor3A_13 : vector<16xi1>, vector<16xi32>
      %broadcast_in_dim3A_1098 = vector.shape_cast %select_n3A_1097 : vector<16xi32> to vector<16x1xi32>
      %gather3A_1099 = vector.shape_cast %broadcast_in_dim3A_1098 : vector<16x1xi32> to vector<16xi32>
      %gather3A_1100 = tpu.dynamic_gather %add3A_1090[%gather3A_1099] in [0] : vector<16xf32>, vector<16xi32> -> vector<16xf32>
      %add3A_1101 = arith.addf %add3A_1090, %gather3A_1100 : vector<16xf32>
      %add3A_1102 = arith.addf %broadcast_in_dim3A_14, %add3A_1101 : vector<16xf32>
      %max3A = arith.maximumf %add3A_1102, %broadcast_in_dim3A_16 : vector<16xf32>
      %add3A_1103 = arith.addf %scan3A_644, %max3A : vector<16xf32>
      scf.yield %add3A_1103 : vector<16xf32>
    }
    %scan3A_639 = arith.constant 32 : i32
    %swap3A = arith.constant 0 : index
    %swap3A_640 = tpu.vector_load %arg33[%swap3A] {strides = array<i32>} : memref<16xf32, #tpu.memory_space<vmem>>, vector<16xf32>,
    %swap3A_641 = vector.shape_cast %swap3A_640 : vector<16xf32> to vector<16xf32>
    %swap3A_642 = vector.shape_cast %scan3A_638 : vector<16xf32> to vector<16xf32>
    tpu.vector_store %arg33[%swap3A], %swap3A_642 {strides = array<i32>} : memref<16xf32, #tpu.memory_space<vmem>>, vector<16xf32>,
    "tpu.region"() ({
      %run_scoped3A = tpu.sem_alloc : memref<!tpu.dma_semaphore, #tpu.memory_space<semaphore_mem>>
      %dma_start3A_643 = arith.constant 0 : i32
      %dma_start3A_644 = tpu.memref_slice %arg14[%add3A, %dma_start3A_643] : memref<32x16xf32, #tpu.memory_space<hbm>> -> memref<1x16xf32, #tpu.memory_space<hbm>>
      %dma_start3A_645 = tpu.memref_squeeze %dma_start3A_644 : memref<1x16xf32, #tpu.memory_space<hbm>> -> memref<16xf32, #tpu.memory_space<hbm>>
      %dma_start3A_646 = arith.constant 0 : i32
      %dma_start3A_647 = tpu.memref_slice %arg14[%add3A, %dma_start3A_646] : memref<32x16xf32, #tpu.memory_space<hbm>> -> memref<1x16xf32, #tpu.memory_space<hbm>>
      %dma_start3A_648 = tpu.memref_squeeze %dma_start3A_647 : memref<1x16xf32, #tpu.memory_space<hbm>> -> memref<16xf32, #tpu.memory_space<hbm>>
      tpu.enqueue_dma source(%arg33 : memref<16xf32, #tpu.memory_space<vmem>>) target(%dma_start3A_648 : memref<16xf32, #tpu.memory_space<hbm>>) target_semaphore(%run_scoped3A : memref<!tpu.dma_semaphore, #tpu.memory_space<semaphore_mem>>)
      %dma_wait3A_649 = arith.constant 0 : i32
      %dma_wait3A_650 = tpu.memref_slice %arg14[%add3A, %dma_wait3A_649] : memref<32x16xf32, #tpu.memory_space<hbm>> -> memref<1x16xf32, #tpu.memory_space<hbm>>
      %dma_wait3A_651 = tpu.memref_squeeze %dma_wait3A_650 : memref<1x16xf32, #tpu.memory_space<hbm>> -> memref<16xf32, #tpu.memory_space<hbm>>
      %dma_wait3A_652 = arith.constant 0 : i32
      %dma_wait3A_653 = tpu.memref_slice %arg14[%add3A, %dma_wait3A_652] : memref<32x16xf32, #tpu.memory_space<hbm>> -> memref<1x16xf32, #tpu.memory_space<hbm>>
      %dma_wait3A_654 = tpu.memref_squeeze %dma_wait3A_653 : memref<1x16xf32, #tpu.memory_space<hbm>> -> memref<16xf32, #tpu.memory_space<hbm>>
      tpu.wait_dma2 semaphore(%run_scoped3A : memref<!tpu.dma_semaphore, #tpu.memory_space<semaphore_mem>>) src(%arg33 : memref<16xf32, #tpu.memory_space<vmem>>) dst(%dma_wait3A_654 : memref<16xf32, #tpu.memory_space<hbm>>)
      tpu.yield
    }) : () -> ()
    return
  }
}

</mosaic_0001>

<sc_bundles>
// kernel: kernel.3.cloned.1.call-start
scs
__scs_entry_jumppad:
0x0: {  	(pc) =	sbr.rel $0x88, $3  }
0x1: {  	(tag) =	ssettag $0x0;
	lr =	simm.s32 $0x1  }
0x2: {  	[smem:$0x3F95] =	sst lr;
	_ =	strace $0xD0000000  }
0x3: {  	_ = 	snop  }
0x4: {  	_ = 	snop  }
0x5: {  	_ = 	snop  }
0x6: {  	_ = 	snop  }
0x7: {  	_ = 	snop  }
__scs_overlays_trampoline_lowered:
0x8: {  	[smem:$0x3FA4] =	sst s0  }
0x9: {  	[smem:$0x3FA5] =	sst s1  }
0xa: {  	[smem:$0x3FA6] =	sst s2  }
0xb: {  	[smem:$0x3FA7] =	sst s3  }
0xc: {  	[smem:$0x3FA8] =	sst s4  }
0xd: {  	[smem:$0x3FA9] =	sst s5  }
0xe: {  	[smem:$0x3FAA] =	sst s6  }
0xf: {  	[smem:$0x3FAB] =	sst s7  }
0x10: {  	[smem:$0x3FAC] =	sst s8  }
0x11: {  	[smem:$0x3FAD] =	sst s9;
	s0 =	simm.s32 @!p0 $0x0  }
0x12: {  	s1 =	sld [smem:$0x3F93];
	s0 =	simm.s32 @p0 $0x1  }
0x13: {  	[smem:$0x3FAE] =	sst s0;
	s0 =	simm.s32 @!p1 $0x0  }
0x14: {  	s2 =	sld [smem:$0x3F92];
	s0 =	simm.s32 @p1 $0x1  }
0x15: {  	[smem:$0x3FAF] =	sst s0;
	s0 =	simm.s32 @!p2 $0x0  }
0x16: {  	s3 =	sld [smem:$0x3FDB];
	s0 =	simm.s32 @p2 $0x1  }
0x17: {  	s4 =	simm.s32 $0x1BF5;
	[smem:$0x3FB1] =	sst s0  }
0x18: {  	s0 =	sld [smem:$0x3F94];
	_ =	swait.ge [sflag:s4], $0x0  }
0x19: {  	s7 =	sld [smem:$0x3F95]  }
0x1a: {  	s8 =	sadd.s32 $0xFFFFE003, lr  }
0x1b: {  	s9 =	sadd.s32 $0xFFFFFEF7, lr;
	s5 =	simm.s32 $0xFFFFFFFF;
	p2 =	slt.u32 s8, $0xFFFFF086  }
0x1c: {  	p1 =	slt.u32 s9, $0xF7A;
	s5 =	simm.s32 @!p2 $0x0  }
0x1d: {  	s5 =	simm.s32 @p1 $0x1;
	p0 =	seq.s32 s7, s2  }
0x1e: {  	s7 =	smul.u32 @!p0 $0xF7A, s2;
	p2 =	seq.s32 @!p0 s5, $0x0  }
0x1f: {  	s9 =	smul.u32 $0xF7A, s1;
	s8 =	simm.s32 @!p0 $0x1BF5;
	p2 =	por !p2, p0  }
0x20: {  	[sflag:s8] =	ssyncset.s32 @!p0 $0xFFFFF086;
	s6 =	sadd.s32 @!p0 s3, s7;
	s7 =	simm.s32 @!p0 $0x108  }
0x21: {  	s3 =	sadd.s32 s3, s9;
	s6 =	sadd.s32 @!p0 $0x88, s6;
	s7 =	simm.s32 @p2 $0x1082  }
0x22: {  	[simem:s7], [sflag:s8] =	dma.local @!p0 [hbm:s6], $0xF7A  }
0x23: {  	s9 =	sor.u32 $0xD0000000, s2;
	s6 =	simm.s32 $0x108;
	_ =	swait.ge @!p0 [sflag:s8], $0x0  }
0x24: {  	s3 =	sadd.s32 $0x88, s3;
	s6 =	simm.s32 @!p1 $0x1082;
	[sflag:s4] =	ssyncset.s32 $0xFFFFF086  }
0x25: {  	[simem:s6], [sflag:s4] =	dma.local [hbm:s3], $0xF7A  }
0x26: {  	[smem:$0x3F95] =	sst s1;
	(tag) =	ssettag s2;
	_ =	strace s9  }
0x27: {  	s1 =	sld [smem:$0x3FA5]  }
0x28: {  	s2 =	sld [smem:$0x3FA6]  }
0x29: {  	s4 =	sld [smem:$0x3FA8]  }
0x2a: {  	p0 =	seq.s32 s5, $0x0;
	s5 =	sld [smem:$0x3FA9]  }
0x2b: {  	s6 =	sld [smem:$0x3FAA]  }
0x2c: {  	s7 =	sld [smem:$0x3FAB]  }
0x2d: {  	s3 =	simm.s32 $0x108;
	s8 =	sld [smem:$0x3FAC]  }
0x2e: {  	s3 =	simm.s32 @!p0 $0x1082;
	s9 =	sld [smem:$0x3FAD]  }
0x2f: {  	lr =	sadd.s32 s0, s3;
	s0 =	sld [smem:$0x3FA4]  }
0x30: {  	s3 =	sld [smem:$0x3FA7]  }
0x31: {  	[smem:$0x3FB0] =	sst s10  }
0x32: {  	s10 =	sld [smem:$0x3FAE];
	_ =	sdelay $0x3  }
0x33: {  	p0 =	seq.s32 s10, $0x1;
	s10 =	sld [smem:$0x3FB0];
	_ =	sdelay $0x3  }
0x34: {  	[smem:$0x3FB0] =	sst s10  }
0x35: {  	s10 =	sld [smem:$0x3FAF];
	_ =	sdelay $0x3  }
0x36: {  	p1 =	seq.s32 s10, $0x1;
	s10 =	sld [smem:$0x3FB0];
	_ =	sdelay $0x3  }
0x37: {  	[smem:$0x3FB0] =	sst s10  }
0x38: {  	s10 =	sld [smem:$0x3FB1]  }
0x39: {  	_ = 	snop;
	(pc) =	sbr.ind lr, $3  }
0x3a: {  	_ = 	snop  }
0x3b: {  	_ = 	snop  }
0x3c: {  	p2 =	seq.s32 s10, $0x1;
	s10 =	sld [smem:$0x3FB0]  }
0x3d: {  	_ =	shalt  }
0x3e: {  	_ =	shalt  }
0x3f: {  	_ =	shalt  }
0x40: {  	_ =	shalt  }
0x41: {  	_ =	shalt  }
0x42: {  	_ =	shalt  }
0x43: {  	_ =	shalt  }
0x44: {  	_ =	shalt  }
0x45: {  	_ =	shalt  }
0x46: {  	_ =	shalt  }
0x47: {  	_ =	shalt  }
0x48: {  	_ =	shalt  }
0x49: {  	_ =	shalt  }
0x4a: {  	_ =	shalt  }
0x4b: {  	_ =	shalt  }
0x4c: {  	_ =	shalt  }
0x4d: {  	_ =	shalt  }
0x4e: {  	_ =	shalt  }
0x4f: {  	_ =	shalt  }
0x50: {  	_ =	shalt  }
0x51: {  	_ =	shalt  }
0x52: {  	_ =	shalt  }
0x53: {  	_ =	shalt  }
0x54: {  	_ =	shalt  }
0x55: {  	_ =	shalt  }
0x56: {  	_ =	shalt  }
0x57: {  	_ =	shalt  }
0x58: {  	_ =	shalt  }
0x59: {  	_ =	shalt  }
0x5a: {  	_ =	shalt  }
0x5b: {  	_ =	shalt  }
0x5c: {  	_ =	shalt  }
0x5d: {  	_ =	shalt  }
0x5e: {  	_ =	shalt  }
0x5f: {  	_ =	shalt  }
0x60: {  	_ =	shalt  }
0x61: {  	_ =	shalt  }
0x62: {  	_ =	shalt  }
0x63: {  	_ =	shalt  }
0x64: {  	_ =	shalt  }
0x65: {  	_ =	shalt  }
0x66: {  	_ =	shalt  }
0x67: {  	_ =	shalt  }
0x68: {  	_ =	shalt  }
0x69: {  	_ =	shalt  }
0x6a: {  	_ =	shalt  }
0x6b: {  	_ =	shalt  }
0x6c: {  	_ =	shalt  }
0x6d: {  	_ =	shalt  }
0x6e: {  	_ =	shalt  }
0x6f: {  	_ =	shalt  }
0x70: {  	_ =	shalt  }
0x71: {  	_ =	shalt  }
0x72: {  	_ =	shalt  }
0x73: {  	_ =	shalt  }
0x74: {  	_ =	shalt  }
0x75: {  	_ =	shalt  }
0x76: {  	_ =	shalt  }
0x77: {  	_ =	shalt  }
0x78: {  	_ =	shalt  }
0x79: {  	_ =	shalt  }
0x7a: {  	_ =	shalt  }
0x7b: {  	_ =	shalt  }
0x7c: {  	_ =	shalt  }
0x7d: {  	_ =	shalt  }
0x7e: {  	_ =	shalt  }
0x7f: {  	_ =	shalt  }
0x80: {  	_ =	shalt  }
0x81: {  	_ =	shalt  }
0x82: {  	_ =	shalt  }
0x83: {  	_ =	shalt  }
0x84: {  	_ =	shalt  }
0x85: {  	_ =	shalt  }
0x86: {  	_ =	shalt  }
0x87: {  	_ =	shalt  }
.Lfunc_end0:
.L_simem_size_0:
called_computation_lowered:
.L_overlay_start_0:
0x88: {  	s2 =	sld [smem:$0x3FD9]  }
0x89: {  	s3 =	sld [smem:$0x3FFE];
	_ =	sdelay $0x1  }
0x8a: {  	s1 =	srdreg.scid  }
0x8b: {  	s0 =	sand.u32 $0x1, s1  }
0x8c: {  	s29 =	sshll.u32 s0, $0xA;
	s2 =	sadd.s32 s3, s2  }
0x8d: {  	s2 =	sadd.s32 s2, s29  }
0x8e: {  	[smem:$0x3FBC] =	sst s2  }
0x8f: {  	_ = 	snop  }
0x90: {  	s4 =	sld [smem:$0x3FC9]  }
0x91: {  	s5 =	sld [smem:$0x3FC8]  }
0x92: {  	s2 =	sld [smem:$0x3FC7]  }
0x93: {  	s30 =	sld [smem:$0x3FC6]  }
0x94: {  	s7 =	sld [smem:$0x3FC5]  }
0x95: {  	s6 =	sld [smem:$0x3FC4]  }
0x96: {  	s8 =	sld [smem:$0x3FC3]  }
0x97: {  	s9 =	sld [smem:$0x3FC2]  }
0x98: {  	s10 =	sld [smem:$0x3FC1]  }
0x99: {  	s11 =	sld [smem:$0x3FD0]  }
0x9a: {  	s12 =	sld [smem:$0x3FC0]  }
0x9b: {  	s13 =	sld [smem:$0x3FBF]  }
0x9c: {  	s15 =	simm.s32 $0xA;
	s16 =	simm.s32 $0x10;
	s14 =	sld [smem:$0x3FBE]  }
0x9d: {  	[smem:s16], [sflag:s15] =	dma.local [hbm:s11], $0x1  }
0x9e: {  	_ =	swait.eq [sflag:s15], $0x1  }
0x9f: {  	[sflag:s15] =	ssyncset.done $0x0  }
0xa0: {  	[sflag:s15] =	ssyncadd.s32 $0xFFFFFFFF  }
0xa1: {  	s31 =	sld [smem:$0x11];
	(tm) =	ssettm $0x1  }
0xa2: {  	s18 =	sld [smem:$0x3FFB];
	_ =	sdelay $0x3  }
0xa3: {  	_ =	strace s18  }
0xa4: {  	s15 =	sld [smem:$0x3FFC];
	_ =	sdelay $0x3  }
0xa5: {  	_ =	strace s15  }
0xa6: {  	s15 =	sld [smem:$0x3FFD];
	_ =	sdelay $0x3  }
0xa7: {  	_ =	strace s15  }
0xa8: {  	_ =	strace $0x8FFFFFFF  }
0xa9: {  	s19 =	sld [smem:$0x3FDB];
	_ =	sdelay $0x1  }
0xaa: {  	s20 =	simm.s32 $_scs_section_size  }
0xab: {  	s17 =	simm.s32 $_size__tile_overlayer_lowered;
	s18 =	simm.s32 $_tile_overlayer_lowered  }
0xac: {  	s23 =	simm.s32 $0x1BFF;
	s22 =	sshll.u32 s18, $0x1;
	s15 =	sadd.s32 s20, s19  }
0xad: {  	s21 =	sshll.u32 s17, $0x1;
	s19 =	simm.s32 $0x0;
	s17 =	sadd.s32 s22, s15  }
0xae: {  	[timem:s19], [sflag:s23] =	dma.local [hbm:s17], s21  }
0xaf: {  	_ =	swait.ge [sflag:s23], s21  }
0xb0: {  	s16 =	ssub.s32 $0x0, s21;
	[sflag:s23] =	ssyncset.done $0x0  }
0xb1: {  	[sflag:s23] =	ssyncadd.s32 s16;
	_ =	sdelay $0x1  }
0xb2: {  	s24 =	simm.s32 $0x1B8B  }
0xb3: {  	_ =	swait.ge [sflag:s24], $0x1  }
0xb4: {  	[sflag:s24] =	ssyncset.done $0x0  }
0xb5: {  	s25 =	simm.s32 $0x1B8E;
	[sflag:s24] =	ssyncadd.s32 $0xFFFFFFFF  }
0xb6: {  	s26 =	simm.s32 $execute0_lowered;
	[smem:$0x3FD2] =	sst s25  }
0xb7: {  	s16 =	sshll.u32 s26, $0x1;
	_ =	strace $0x80000046;
	[dreg:$0x1] =	wrdreg $0xFFFFFFFF  }
0xb8: {  	s28 =	simm.s32 $_size_execute0_lowered;
	s15 =	sadd.s32 s15, s16;
	[dreg:$0x0] =	wrdreg $0x0  }
0xb9: {  	s16 =	sshll.u32 s28, $0x1;
	[dreg:$0x2] =	wrdreg s15  }
0xba: {  	[dreg:$0x3] =	wrdreg s16  }
0xbb: {  	[dreg:$0x4] =	wrdreg $0xC0  }
0xbc: {  	_ =	task [dreg:s19], $0x5FFFF  }
0xbd: {  	[dreg:$0x1] =	wrdreg $0xFFFFFFFF  }
0xbe: {  	[dreg:$0x0] =	wrdreg $0x60  }
0xbf: {  	[dreg:$0x2] =	wrdreg s4  }
0xc0: {  	[dreg:$0x3] =	wrdreg s5  }
0xc1: {  	[dreg:$0x4] =	wrdreg s8  }
0xc2: {  	[dreg:$0x5] =	wrdreg s7  }
0xc3: {  	[dreg:$0x6] =	wrdreg s9  }
0xc4: {  	[dreg:$0x7] =	wrdreg s6  }
0xc5: {  	[dreg:$0x8] =	wrdreg s10  }
0xc6: {  	[dreg:$0x9] =	wrdreg s2  }
0xc7: {  	[dreg:$0xa] =	wrdreg s30  }
0xc8: {  	[dreg:$0xb] =	wrdreg s12  }
0xc9: {  	[dreg:$0xc] =	wrdreg s13  }
0xca: {  	[dreg:$0xd] =	wrdreg s14  }
0xcb: {  	[dreg:$0xe] =	wrdreg s31  }
0xcc: {  	[dreg:$0xf] =	wrdreg $0x9  }
0xcd: {  	_ =	task.clear_ibuf [dreg:s19], $0x10FFFF;
	_ =	strace $0x90000046  }
0xce: {  	s29 =	simm.s32 $0x9;
	_ =	strace $0x80000048  }
0xcf: {  	_ =	swait.ge [sflag:s29], $0x1  }
0xd0: {  	[sflag:s29] =	ssyncadd.s32 $0xFFFFFFFF  }
0xd1: {  	_ =	strace $0x90000048  }
0xd2: {  	_ =	sfence  }
0xd3: {  	s30 =	sld [smem:$0x0];
	_ =	sdelay $0x2  }
0xd4: {  	s31 =	sshll.u32 s1, $0xD;
	s1 =	sshrl.u32 s1, $0x2  }
0xd5: {  	s3 =	sand.u32 $0x4000, s31;
	s1 =	sadd.s32 s1, s30  }
0xd6: {  	s0 =	sor.u32 s3, s0;
	s1 =	sshll.u32 s1, $0x11  }
0xd7: {  	s0 =	sor.u32 s1, s0  }
0xd8: {  	s0 =	sadd.s32 $0x8F2B, s0  }
0xd9: {  	[sflag:s0] =	ssyncadd.remote.s32 $0x1  }
0xda: {  	_ =	sfence.sel $0xFFFF  }
0xdb: {  	[dreg:$0x0] =	wrdreg $0xFFFFFFFF;
	(pc) =	sbr.abs _section_cstart, $3  }
0xdc: {  	[dreg:$0x1] =	wrdreg $0xFFFFFFFF  }
0xdd: {  	_ =	task.clear_ibuf [dreg:s19], $0x2FFFF;
	_ =	strace $0x9FFFFFFF  }
0xde: {  	(tm) =	ssettm $0x7FFFFFFF  }
0xdf: {  	_ =	shalt  }
tec
execute0_lowered:
.L_overlay_start_1:
0x0: {  	(tag) =	ssettag $0x1  }
0x1: {  	s0 =	rddreg [dreg:$0x0]  }
0x2: {  	s2 =	rddreg [dreg:$0x1]  }
0x3: {  	s7 =	rddreg [dreg:$0x2]  }
0x4: {  	s8 =	rddreg [dreg:$0x3]  }
0x5: {  	s9 =	rddreg [dreg:$0x4]  }
0x6: {  	s10 =	rddreg [dreg:$0x5]  }
0x7: {  	s11 =	rddreg [dreg:$0x6]  }
0x8: {  	s12 =	rddreg [dreg:$0x7]  }
0x9: {  	s13 =	rddreg [dreg:$0x8]  }
0xa: {  	s1 =	rddreg [dreg:$0x9]  }
0xb: {  	s3 =	rddreg [dreg:$0xa]  }
0xc: {  	s4 =	rddreg [dreg:$0xb]  }
0xd: {  	s5 =	srdreg.scid;
	s14 =	stileid.u32  }
0xe: {  	s15 =	rddreg [dreg:$0xc];
	s6 =	sand.u32 $0x1, s5;
	s14 =	sshll.u32 s14, $0x1  }
0xf: {  	s28 =	simm.s32 $0x12400;
	s29 =	simm.s32 $0x13400;
	s14 =	sor.u32 s6, s14  }
0x10: {  	s30 =	simm.s32 $0x2;
	s5 =	simm.s32 $0x0;
	s17 =	sshll.u32 s14, $0x4  }
0x11: {  	v0 =	vimm.s32 $0xEFCDAB89;
	s31 =	simm.s32 $0x3;
	[smem:$0x7FF] =	sst s5;
	s2 =	sadd.s32 s2, s17  }
0x12: {  	v1 =	vimm.s32 $0x67452301;
	v2 =	vimm.s32 $0xDCFE98BA;
	_ =	strace $0x80000047;
	s19 =	sadd.s32 s7, s17;
	[dreg:$0xe] =	wrdreg s2  }
0x13: {  	v3 =	vimm.s32 $0x54761032;
	v4 =	vimm.s32 $0xBA98FEDC;
	v5 =	vimm.s32 $0x32107654;
	s16 =	ssub.s32 $0x2, s6;
	s20 =	sadd.s32 s8, s17;
	[dreg:$0xf] =	wrdreg s19  }
0x14: {  	v6 =	vimm.s32 $0xFEDCBA98;
	v7 =	vimm.s32 $0x76543210;
	v0 =	vunpack.c.l.s4.s8 v0;
	s18 =	sshrl.u32 s16, $0x1;
	s21 =	sadd.s32 s9, s17;
	[dreg:$0x10] =	wrdreg s20  }
0x15: {  	v1 =	vunpack.c.l.s4.s8 v1;
	v2 =	vunpack.c.l.s4.s8 v2;
	v3 =	vunpack.c.l.s4.s8 v3;
	s24 =	sshll.u32 s14, $0xB;
	s22 =	sadd.s32 s10, s17;
	[dreg:$0x11] =	wrdreg s21  }
0x16: {  	v6 =	vunpack.c.l.s4.s8 v6;
	v4 =	vunpack.c.l.s4.s8 v4;
	v5 =	vunpack.c.l.s4.s8 v5;
	s16 =	ssub.s32 s16, s18;
	s23 =	sadd.s32 s11, s17;
	[dreg:$0x12] =	wrdreg s22  }
0x17: {  	v7 =	vunpack.c.l.s4.s8 v7;
	v0 =	vunpack.c.0.s8.s32 v0;
	v1 =	vunpack.c.0.s8.s32 v1;
	s25 =	sadd.s32 s12, s17;
	s26 =	sadd.s32 s13, s17;
	[dreg:$0x13] =	wrdreg s23  }
0x18: {  	v2 =	vunpack.c.0.s8.s32 v2;
	v3 =	vunpack.c.0.s8.s32 v3;
	v6 =	vunpack.c.0.s8.s32 v6;
	s14 =	sadd.s32 s0, s24;
	s15 =	sadd.s32 s15, s17;
	[dreg:$0x14] =	wrdreg s25  }
0x19: {  	v4 =	vunpack.c.0.s8.s32 v4;
	v5 =	vunpack.c.0.s8.s32 v5;
	v7 =	vunpack.c.0.s8.s32 v7;
	s0 =	simm.s32 $0x4;
	s24 =	simm.s32 $0x0;
	[dreg:$0x15] =	wrdreg s26  }
0x1a: {  	s16 =	smax.u32 s16, $0x1;
	s25 =	simm.s32 $0x1;
	s26 =	simm.s32 $0x20;
	v0 =	vcombine.low v1, v0;
	v1 =	vcombine.low v3, v2;
	v3 =	vand.u32 $0xF, v6  }
0x1b: {  	s22 =	simm.s32 $0x10400;
	s23 =	simm.s32 $0x11400;
	v2 =	vcombine.low v5, v4;
	s2 =	simm.s32 $0x5;
	v3 =	vcombine.low v3, v7  }
.LBB2_1:
0x1c: {  	s6 =	rddreg [dreg:$0xe]  }
0x1d: {  	[tilespmem:s5], [sflag:$0x1] =	stream.linear.gather [hbm4b:s6+s5], $0x80, $0x38;
	[tilespmem:$0x14480] =	vst v63  }
0x1e: {  	s17 =	simm.s32 $0x80;
	s11 =	rddreg [dreg:$0xf]  }
0x1f: {  	[tilespmem:s17], [sflag:$0x1] =	stream.linear.gather [hbm4b:s11+s5], $0x80, $0x38;
	[tilespmem:$0x14480] =	vst v63  }
0x20: {  	s18 =	simm.s32 $0x100;
	s12 =	rddreg [dreg:$0x10]  }
0x21: {  	[tilespmem:s18], [sflag:$0x1] =	stream.linear.gather [hbm4b:s12+s5], $0x80, $0x38;
	[tilespmem:$0x14480] =	vst v63  }
0x22: {  	s19 =	simm.s32 $0x180;
	s13 =	rddreg [dreg:$0x11]  }
0x23: {  	[tilespmem:s19], [sflag:$0x1] =	stream.linear.gather [hbm4b:s13+s5], $0x80, $0x38;
	[tilespmem:$0x14480] =	vst v63  }
0x24: {  	s7 =	rddreg [dreg:$0x12];
	s6 =	simm.s32 $0x200  }
0x25: {  	[tilespmem:s6], [sflag:$0x1] =	stream.linear.gather [hbm4b:s7+s5], $0x80, $0x38;
	[tilespmem:$0x14480] =	vst v63  }
0x26: {  	s8 =	rddreg [dreg:$0x13];
	s7 =	simm.s32 $0x280  }
0x27: {  	[tilespmem:s7], [sflag:$0x1] =	stream.linear.gather [hbm4b:s8+s5], $0x80, $0x38;
	[tilespmem:$0x14480] =	vst v63  }
0x28: {  	s9 =	rddreg [dreg:$0x14];
	s8 =	simm.s32 $0x300  }
0x29: {  	[tilespmem:s8], [sflag:$0x1] =	stream.linear.gather [hbm4b:s9+s5], $0x80, $0x38;
	[tilespmem:$0x14480] =	vst v63  }
0x2a: {  	s10 =	rddreg [dreg:$0x15];
	s9 =	simm.s32 $0x380  }
0x2b: {  	[tilespmem:s9], [sflag:$0x1] =	stream.linear.gather [hbm4b:s10+s5], $0x80, $0x38;
	[tilespmem:$0x14480] =	vst v63  }
0x2c: {  	s20 =	simm.s32 $0x400  }
0x2d: {  	[tilespmem:s20], [sflag:$0x2] =	stream.linear.gather [hbm4b:s14+s5], $0x4000, $0x38;
	[tilespmem:$0x14480] =	vst v63  }
0x2e: {  	_ =	swait.ge [sflag:s25], $0x80  }
0x2f: {  	[sflag:s25] =	ssyncset.done $0x0  }
0x30: {  	[sflag:s25] =	ssyncadd.s32 $0xFFFFFF80  }
0x31: {  	_ =	swait.ge [sflag:s25], $0x80  }
0x32: {  	[sflag:s25] =	ssyncset.done $0x0  }
0x33: {  	[sflag:s25] =	ssyncadd.s32 $0xFFFFFF80  }
0x34: {  	_ =	swait.ge [sflag:s25], $0x80  }
0x35: {  	[sflag:s25] =	ssyncset.done $0x0  }
0x36: {  	[sflag:s25] =	ssyncadd.s32 $0xFFFFFF80  }
0x37: {  	_ =	swait.ge [sflag:s25], $0x80  }
0x38: {  	[sflag:s25] =	ssyncset.done $0x0  }
0x39: {  	[sflag:s25] =	ssyncadd.s32 $0xFFFFFF80  }
0x3a: {  	_ =	swait.ge [sflag:s25], $0x80  }
0x3b: {  	[sflag:s25] =	ssyncset.done $0x0  }
0x3c: {  	[sflag:s25] =	ssyncadd.s32 $0xFFFFFF80  }
0x3d: {  	_ =	swait.ge [sflag:s25], $0x80  }
0x3e: {  	[sflag:s25] =	ssyncset.done $0x0  }
0x3f: {  	[sflag:s25] =	ssyncadd.s32 $0xFFFFFF80  }
0x40: {  	_ =	swait.ge [sflag:s25], $0x80  }
0x41: {  	[sflag:s25] =	ssyncset.done $0x0  }
0x42: {  	[sflag:s25] =	ssyncadd.s32 $0xFFFFFF80  }
0x43: {  	_ =	swait.ge [sflag:s25], $0x80  }
0x44: {  	[sflag:s25] =	ssyncset.done $0x0  }
0x45: {  	s10 =	simm.s32 $0x4400;
	[sflag:s25] =	ssyncadd.s32 $0xFFFFFF80  }
0x46: {  	[tilespmem:s10], [sflag:$0x3] =	stream.indirect.gather [hbm4b:s1+s26], $0x80, s5, s26, $0xb8;
	[tilespmem:$0x14480] =	vst v63  }
0x47: {  	s20 =	simm.s32 $0x5400  }
0x48: {  	[tilespmem:s20], [sflag:$0x3] =	stream.indirect.gather [hbm4b:s4+s26], $0x80, s17, s26, $0xb8;
	[tilespmem:$0x14480] =	vst v63  }
0x49: {  	s20 =	simm.s32 $0x6400  }
0x4a: {  	[tilespmem:s20], [sflag:$0x3] =	stream.indirect.gather [hbm4b:s1+s26], $0x80, s18, s26, $0xb8;
	[tilespmem:$0x14480] =	vst v63  }
0x4b: {  	s11 =	simm.s32 $0x7400  }
0x4c: {  	[tilespmem:s11], [sflag:$0x3] =	stream.indirect.gather [hbm4b:s4+s26], $0x80, s19, s26, $0xb8;
	[tilespmem:$0x14480] =	vst v63  }
0x4d: {  	s11 =	simm.s32 $0x8400  }
0x4e: {  	[tilespmem:s11], [sflag:$0x3] =	stream.indirect.gather [hbm4b:s1+s26], $0x80, s6, s26, $0xb8;
	[tilespmem:$0x14480] =	vst v63  }
0x4f: {  	s21 =	simm.s32 $0x9400  }
0x50: {  	[tilespmem:s21], [sflag:$0x3] =	stream.indirect.gather [hbm4b:s4+s26], $0x80, s7, s26, $0xb8;
	[tilespmem:$0x14480] =	vst v63  }
0x51: {  	s12 =	simm.s32 $0xA400  }
0x52: {  	[tilespmem:s12], [sflag:$0x3] =	stream.indirect.gather [hbm4b:s3+s26], $0x80, s8, s26, $0xb8;
	[tilespmem:$0x14480] =	vst v63  }
0x53: {  	s13 =	simm.s32 $0xB400  }
0x54: {  	[tilespmem:s13], [sflag:$0x3] =	stream.indirect.gather [hbm4b:s3+s26], $0x80, s9, s26, $0xb8;
	[tilespmem:$0x14480] =	vst v63  }
0x55: {  	s12 =	simm.s32 $0xC400  }
0x56: {  	[tilespmem:s12], [sflag:$0x4] =	stream.indirect.gather [hbm4b:s1+s26], $0x80, s26, s26, $0xb8;
	[tilespmem:$0x14480] =	vst v63  }
0x57: {  	s17 =	simm.s32 $0xA0;
	s13 =	simm.s32 $0xD400  }
0x58: {  	[tilespmem:s13], [sflag:$0x4] =	stream.indirect.gather [hbm4b:s4+s26], $0x80, s17, s26, $0xb8;
	[tilespmem:$0x14480] =	vst v63  }
0x59: {  	s18 =	simm.s32 $0x120;
	s21 =	simm.s32 $0xE400  }
0x5a: {  	[tilespmem:s21], [sflag:$0x4] =	stream.indirect.gather [hbm4b:s1+s26], $0x80, s18, s26, $0xb8;
	[tilespmem:$0x14480] =	vst v63  }
0x5b: {  	s17 =	simm.s32 $0x1A0;
	s18 =	simm.s32 $0xF400  }
0x5c: {  	[tilespmem:s18], [sflag:$0x4] =	stream.indirect.gather [hbm4b:s4+s26], $0x80, s17, s26, $0xb8;
	[tilespmem:$0x14480] =	vst v63  }
0x5d: {  	s17 =	simm.s32 $0x220  }
0x5e: {  	[tilespmem:s22], [sflag:$0x4] =	stream.indirect.gather [hbm4b:s1+s26], $0x80, s17, s26, $0xb8;
	[tilespmem:$0x14480] =	vst v63  }
0x5f: {  	s18 =	simm.s32 $0x2A0  }
0x60: {  	[tilespmem:s23], [sflag:$0x4] =	stream.indirect.gather [hbm4b:s4+s26], $0x80, s18, s26, $0xb8;
	[tilespmem:$0x14480] =	vst v63  }
0x61: {  	s17 =	simm.s32 $0x320  }
0x62: {  	[tilespmem:s28], [sflag:$0x4] =	stream.indirect.gather [hbm4b:s3+s26], $0x80, s17, s26, $0xb8;
	[tilespmem:$0x14480] =	vst v63  }
0x63: {  	s18 =	simm.s32 $0x3A0  }
0x64: {  	[tilespmem:s29], [sflag:$0x4] =	stream.indirect.gather [hbm4b:s3+s26], $0x80, s18, s26, $0xb8;
	[tilespmem:$0x14480] =	vst v63  }
0x65: {  	_ =	swait.ge [sflag:s30], $0x4000  }
0x66: {  	[sflag:s30] =	ssyncset.done $0x0  }
0x67: {  	[sflag:s30] =	ssyncadd.s32 $0xFFFFC000  }
0x68: {  	_ =	swait.ge [sflag:s31], $0x1000  }
0x69: {  	[sflag:s31] =	ssyncset.done $0x0  }
0x6a: {  	[sflag:s31] =	ssyncadd.s32 $0xFFFFF000  }
0x6b: {  	_ =	swait.ge [sflag:s31], $0x1000  }
0x6c: {  	[sflag:s31] =	ssyncset.done $0x0  }
0x6d: {  	[sflag:s31] =	ssyncadd.s32 $0xFFFFF000  }
0x6e: {  	_ =	swait.ge [sflag:s31], $0x1000  }
0x6f: {  	[sflag:s31] =	ssyncset.done $0x0  }
0x70: {  	[sflag:s31] =	ssyncadd.s32 $0xFFFFF000  }
0x71: {  	_ =	swait.ge [sflag:s31], $0x1000  }
0x72: {  	[sflag:s31] =	ssyncset.done $0x0  }
0x73: {  	[sflag:s31] =	ssyncadd.s32 $0xFFFFF000  }
0x74: {  	_ =	swait.ge [sflag:s31], $0x1000  }
0x75: {  	[sflag:s31] =	ssyncset.done $0x0  }
0x76: {  	[sflag:s31] =	ssyncadd.s32 $0xFFFFF000  }
0x77: {  	_ =	swait.ge [sflag:s31], $0x1000  }
0x78: {  	[sflag:s31] =	ssyncset.done $0x0  }
0x79: {  	[sflag:s31] =	ssyncadd.s32 $0xFFFFF000  }
0x7a: {  	_ =	swait.ge [sflag:s31], $0x1000  }
0x7b: {  	[sflag:s31] =	ssyncset.done $0x0  }
0x7c: {  	[sflag:s31] =	ssyncadd.s32 $0xFFFFF000  }
0x7d: {  	_ =	swait.ge [sflag:s31], $0x1000  }
0x7e: {  	[sflag:s31] =	ssyncset.done $0x0  }
0x7f: {  	s17 =	simm.s32 $0x0;
	[sflag:s31] =	ssyncadd.s32 $0xFFFFF000  }
0x80: {  	v4 =	vld [tilespmem:s17+$0x6430]  }
0x81: {  	v10 =	vld [tilespmem:s17+$0x7430]  }
0x82: {  	v12 =	vld [tilespmem:s17+$0x6470]  }
0x83: {  	v13 =	vld [tilespmem:s17+$0x7470]  }
0x84: {  	v14 =	vld [tilespmem:s17+$0x6420]  }
0x85: {  	v15 =	vld [tilespmem:s17+$0x7420]  }
0x86: {  	v16 =	vld [tilespmem:s17+$0x6460]  }
0x87: {  	v17 =	vld [tilespmem:s17+$0x7460]  }
0x88: {  	v19 =	vld [tilespmem:s17+$0x430]  }
0x89: {  	v20 =	vld [tilespmem:s17+$0x470]  }
0x8a: {  	v18 =	vld [tilespmem:s17+$0x8430]  }
0x8b: {  	v21 =	vld [tilespmem:s17+$0x9430]  }
0x8c: {  	v22 =	vld [tilespmem:s17+$0x8470]  }
0x8d: {  	v23 =	vld [tilespmem:s17+$0x9470]  }
0x8e: {  	v24 =	vld [tilespmem:s17+$0x6410]  }
0x8f: {  	v25 =	vld [tilespmem:s17+$0x7410]  }
0x90: {  	v26 =	vld [tilespmem:s17+$0x6450]  }
0x91: {  	v27 =	vld [tilespmem:s17+$0x7450]  }
0x92: {  	v28 =	vld [tilespmem:s17+$0x420]  }
0x93: {  	v29 =	vld [tilespmem:s17+$0x460]  }
0x94: {  	v6 =	vld [tilespmem:s17+$0x8420]  }
0x95: {  	v8 =	vld [tilespmem:s17+$0x9420]  }
0x96: {  	v5 =	vld [tilespmem:s17+$0x8460]  }
0x97: {  	v7 =	vld [tilespmem:s17+$0x9460]  }
0x98: {  	v30 =	vld [tilespmem:s17+$0x4430]  }
0x99: {  	v31 =	vld [tilespmem:s17+$0x5430]  }
0x9a: {  	v32 =	vld [tilespmem:s17+$0x4470]  }
0x9b: {  	v33 =	vld [tilespmem:s17+$0x5470]  }
0x9c: {  	v34 =	vld [tilespmem:s17+$0x6400]  }
0x9d: {  	v35 =	vld [tilespmem:s17+$0x7400]  }
0x9e: {  	v36 =	vld [tilespmem:s17+$0x6440]  }
0x9f: {  	v37 =	vld [tilespmem:s17+$0x7440]  }
0xa0: {  	v38 =	vld [tilespmem:s17+$0x410]  }
0xa1: {  	v39 =	vld [tilespmem:s17+$0x450]  }
0xa2: {  	v9 =	vld [tilespmem:s17+$0x8410]  }
0xa3: {  	v40 =	vld [tilespmem:s17+$0x4420]  }
0xa4: {  	v41 =	vld [tilespmem:s17+$0x5420]  }
0xa5: {  	v42 =	vld [tilespmem:s17+$0x4460]  }
0xa6: {  	v43 =	vld [tilespmem:s17+$0x5460];
	v10 =	vadd.f32 v10, v4  }
0xa7: {  	v60 =	vld [tilespmem:s17+$0x4440];
	v44 =	vadd.f32 v13, v12;
	v45 =	vadd.f32 v15, v14  }
0xa8: {  	v4 =	vld [tilespmem:s17+$0x4410];
	v46 =	vadd.f32 v17, v16;
	v18 =	vadd.f32 v21, v18  }
0xa9: {  	v12 =	vld [tilespmem:s17+$0x5410];
	v47 =	vadd.f32 v23, v22;
	v14 =	vadd.f32 v25, v24  }
0xaa: {  	v15 =	vld [tilespmem:s17+$0x4450];
	v13 =	vadd.f32 v27, v26;
	v22 =	vadd.f32 v31, v30  }
0xab: {  	v21 =	vld [tilespmem:s17+$0x5450];
	v23 =	vadd.f32 v33, v32;
	v24 =	vadd.f32 v41, v40  }
0xac: {  	v30 =	vld [tilespmem:s17+$0x4400];
	v16 =	vadd.f32 v37, v36;
	v25 =	vadd.f32 v43, v42  }
0xad: {  	v31 =	vld [tilespmem:s17+$0x5400];
	v61 =	vadd.f32 v19, v22;
	v26 =	vadd.f32 v28, v24  }
0xae: {  	v62 =	vld [tilespmem:s17+$0x5440];
	v36 =	vadd.f32 v20, v23;
	v27 =	vadd.f32 v29, v25  }
0xaf: {  	v23 =	vld [tilespmem:s17+$0x400];
	v19 =	vmul.f32 v44, v61;
	v20 =	vmul.f32 v46, v26  }
0xb0: {  	v63 =	vld [tilespmem:s17+$0x440];
	v17 =	vadd.f32 v35, v34;
	v24 =	vmul.f32 v10, v36;
	v25 =	vmul.f32 v45, v27  }
0xb1: {  	v11 =	vld [tilespmem:s17+$0x9410];
	v22 =	vmul.f32 v10, v61;
	v28 =	vmul.f32 v45, v26;
	v12 =	vadd.f32 v12, v4  }
0xb2: {  	v37 =	vld [tilespmem:s17+$0x8450];
	v34 =	vmul.f32 v46, v27;
	v21 =	vadd.f32 v21, v15;
	v10 =	vadd.f32 v31, v30  }
0xb3: {  	v41 =	vld [tilespmem:s17+$0x9400];
	v31 =	vmul.f32 v44, v36;
	v30 =	vadd.f32 v62, v60;
	v15 =	vadd.f32 v38, v12  }
0xb4: {  	v40 =	vld [tilespmem:s17+$0x8440];
	v12 =	vadd.f32 v39, v21;
	v33 =	vadd.f32 v23, v10;
	v23 =	vmul.f32 v18, v61  }
0xb5: {  	s19 =	simm.s32 $0x7400;
	s7 =	simm.s32 $0x9400;
	v38 =	vld [tilespmem:s17+$0x9450];
	v35 =	vadd.f32 v63, v30;
	v30 =	vmul.f32 v47, v36;
	v10 =	vmul.f32 v47, v61  }
0xb6: {  	s8 =	simm.s32 $0xA400;
	s9 =	simm.s32 $0xB400;
	s18 =	simm.s32 $0x200;
	v4 =	vimm.f32 $0.0e+00;
	v39 =	vld [tilespmem:s17+$0x8400];
	v21 =	vmul.f32 v13, v15;
	v29 =	vmul.f32 v14, v12  }
.LBB2_2:
0xb7: {  	p0 =	sne.s32 s18, $0x3E00;
	v32 =	vld [tilespmem:s17+$0x9440];
	v42 =	vmul.f32 v16, v33;
	v6 =	vadd.f32 v8, v6;
	v8 =	vmul.f32 v18, v36  }
0xb8: {  	v14 =	vmul.f32 v14, v15;
	v5 =	vadd.f32 v7, v5;
	v18 =	vmul.f32 v17, v35;
	v7 =	vld [tilespmem:s17+$0xA470]  }
0xb9: {  	v9 =	vadd.f32 v11, v9;
	v11 =	vmul.f32 v13, v12;
	v13 =	vld [tilespmem:s17+$0xA420];
	v36 =	vmul.f32 v6, v26  }
0xba: {  	v37 =	vadd.f32 v38, v37;
	v38 =	vmul.f32 v5, v27;
	v5 =	vmul.f32 v5, v26;
	v26 =	vld [tilespmem:s17+$0xB430]  }
0xbb: {  	v17 =	vmul.f32 v17, v33;
	v6 =	vmul.f32 v6, v27;
	v39 =	vadd.f32 v41, v39;
	v41 =	vld [tilespmem:s17+$0xA440]  }
0xbc: {  	v16 =	vmul.f32 v16, v35;
	v27 =	vadd.f32 v32, v40;
	v32 =	vmul.f32 v9, v15;
	v40 =	vld [tilespmem:s17+$0xB420]  }
0xbd: {  	v19 =	vsub.f32 v19, v24;
	v45 =	vmul.f32 v37, v12;
	v44 =	vmul.f32 v39, v33;
	v43 =	vld [tilespmem:s17+$0xA400]  }
0xbe: {  	v20 =	vsub.f32 v20, v25;
	v22 =	vadd.f32 v31, v22;
	v24 =	vld [tilespmem:s17+$0xB400];
	v46 =	vmul.f32 v27, v35  }
0xbf: {  	v21 =	vsub.f32 v21, v29;
	v28 =	vadd.f32 v34, v28;
	v27 =	vmul.f32 v27, v33;
	v25 =	vld [tilespmem:s17+$0xB440]  }
0xc0: {  	v23 =	vadd.f32 v30, v23;
	v18 =	vsub.f32 v42, v18;
	v29 =	vmul.f32 v39, v35;
	v31 =	vld [tilespmem:s17+$0xB410]  }
0xc1: {  	v11 =	vadd.f32 v11, v14;
	v14 =	vadd.f32 v38, v36;
	v15 =	vmul.f32 v37, v15;
	v30 =	vld [tilespmem:s17+$0xB450]  }
0xc2: {  	v9 =	vmul.f32 v9, v12;
	v33 =	vadd.f32 v46, v44;
	v27 =	vsub.f32 v27, v29;
	v12 =	vld [tilespmem:s17+$0xB460]  }
0xc3: {  	v16 =	vadd.f32 v16, v17;
	v13 =	vmul.f32 v13, v28;
	v29 =	vadd.f32 v45, v32;
	v17 =	vld [tilespmem:s17+$0xA410]  }
0xc4: {  	v9 =	vsub.f32 v15, v9;
	v24 =	vmul.f32 v33, v24;
	v25 =	vmul.f32 v25, v27;
	v15 =	vld [tilespmem:s17+$0xB470]  }
0xc5: {  	v5 =	vsub.f32 v5, v6;
	v18 =	vmul.f32 v41, v18;
	v16 =	vmul.f32 v43, v16;
	v27 =	vld [tilespmem:s17+$0xA450]  }
0xc6: {  	v6 =	vadd.f32 v25, v24;
	v24 =	vmul.f32 v29, v31;
	v9 =	vmul.f32 v30, v9;
	v25 =	vld [tilespmem:s17+$0xA430]  }
0xc7: {  	v8 =	vsub.f32 v10, v8;
	v14 =	vmul.f32 v14, v40;
	v28 =	vld [tilespmem:s17+$0xA460];
	s17 =	sshra.s32 s18, $0x2;
	v5 =	vmul.f32 v12, v5  }
0xc8: {  	v10 =	vld [tilespmem:s17+$0x6430];
	v6 =	vsub.f32 v6, v16;
	v9 =	vadd.f32 v9, v24;
	v11 =	vmul.f32 v17, v11  }
0xc9: {  	v12 =	vld [tilespmem:s17+$0x7430];
	v5 =	vadd.f32 v5, v14;
	v14 =	vmul.f32 v23, v26;
	v8 =	vmul.f32 v15, v8  }
0xca: {  	v15 =	vld [tilespmem:s17+$0x6470];
	v6 =	vsub.f32 v6, v18;
	v9 =	vsub.f32 v9, v11;
	v11 =	vmul.f32 v27, v21  }
0xcb: {  	v16 =	vld [tilespmem:s17+$0x7470];
	v5 =	vsub.f32 v5, v13;
	v8 =	vadd.f32 v8, v14;
	v13 =	vmul.f32 v25, v22  }
0xcc: {  	v14 =	vld [tilespmem:s17+$0x6420];
	v6 =	vadd.f32 $0.0e+00, v6;
	v9 =	vsub.f32 v9, v11;
	v11 =	vmul.f32 v28, v20  }
0xcd: {  	v17 =	vld [tilespmem:s17+$0x7420];
	v8 =	vsub.f32 v8, v13  }
0xce: {  	v7 =	vmul.f32 v7, v19;
	v13 =	vld [tilespmem:s17+$0x6460];
	v6 =	vadd.f32 v9, v6;
	v5 =	vsub.f32 v5, v11  }
0xcf: {  	v18 =	vld [tilespmem:s17+$0x7460]  }
0xd0: {  	v19 =	vld [tilespmem:s17+$0x430];
	v5 =	vadd.f32 v5, v6;
	v6 =	vsub.f32 v8, v7  }
0xd1: {  	v20 =	vld [tilespmem:s17+$0x470]  }
0xd2: {  	v21 =	vld [tilespmem:s17+$0x8430];
	v5 =	vadd.f32 v6, v5  }
0xd3: {  	v22 =	vld [tilespmem:s17+$0x9430]  }
0xd4: {  	v23 =	vld [tilespmem:s17+$0x8470];
	v6 =	vperm.xlane v5, v0  }
0xd5: {  	v24 =	vld [tilespmem:s17+$0x9470]  }
0xd6: {  	v25 =	vld [tilespmem:s17+$0x6410];
	v5 =	vadd.f32 v5, v6  }
0xd7: {  	v26 =	vld [tilespmem:s17+$0x7410]  }
0xd8: {  	v27 =	vld [tilespmem:s17+$0x6450];
	v6 =	vperm.xlane v5, v1  }
0xd9: {  	v28 =	vld [tilespmem:s17+$0x7450]  }
0xda: {  	v29 =	vld [tilespmem:s17+$0x420];
	v7 =	vadd.f32 v5, v6  }
0xdb: {  	v30 =	vld [tilespmem:s17+$0x460]  }
0xdc: {  	v6 =	vld [tilespmem:s17+$0x8420];
	v9 =	vperm.xlane v7, v2  }
0xdd: {  	v8 =	vld [tilespmem:s17+$0x9420]  }
0xde: {  	v5 =	vld [tilespmem:s17+$0x8460];
	v9 =	vadd.f32 v7, v9  }
0xdf: {  	v7 =	vld [tilespmem:s17+$0x9460]  }
0xe0: {  	v31 =	vld [tilespmem:s17+$0x4430];
	v11 =	vperm.xlane v9, v3  }
0xe1: {  	v32 =	vld [tilespmem:s17+$0x5430]  }
0xe2: {  	v33 =	vld [tilespmem:s17+$0x4470];
	v9 =	vadd.f32 v9, v11  }
0xe3: {  	v34 =	vld [tilespmem:s17+$0x5470]  }
0xe4: {  	v35 =	vld [tilespmem:s17+$0x6400];
	v9 =	vadd.f32 $1.000000000e+00, v9  }
0xe5: {  	v36 =	vld [tilespmem:s17+$0x7400]  }
0xe6: {  	v37 =	vld [tilespmem:s17+$0x6440];
	v9 =	vmax.f32 v9, $0.0e+00  }
0xe7: {  	v38 =	vld [tilespmem:s17+$0x7440];
	v4 =	vadd.f32 v9, v4  }
0xe8: {  	v39 =	vld [tilespmem:s17+$0x410]  }
0xe9: {  	v40 =	vld [tilespmem:s17+$0x450]  }
0xea: {  	v9 =	vld [tilespmem:s17+$0x8410]  }
0xeb: {  	v11 =	vld [tilespmem:s17+$0x9410]  }
0xec: {  	v41 =	vld [tilespmem:s17+$0x4420]  }
0xed: {  	v42 =	vld [tilespmem:s17+$0x5420]  }
0xee: {  	v43 =	vld [tilespmem:s17+$0x4460]  }
0xef: {  	v10 =	vadd.f32 v12, v10;
	v45 =	vadd.f32 v16, v15;
	v44 =	vld [tilespmem:s17+$0x5460]  }
0xf0: {  	v46 =	vadd.f32 v17, v14;
	v47 =	vadd.f32 v18, v13;
	v12 =	vld [tilespmem:s17+$0x4410]  }
0xf1: {  	v18 =	vadd.f32 v22, v21;
	v48 =	vadd.f32 v24, v23;
	v15 =	vld [tilespmem:s17+$0x5410]  }
0xf2: {  	v14 =	vadd.f32 v26, v25;
	v13 =	vadd.f32 v28, v27;
	v21 =	vld [tilespmem:s17+$0x4450]  }
0xf3: {  	v23 =	vadd.f32 v32, v31;
	v24 =	vadd.f32 v34, v33;
	v22 =	vld [tilespmem:s17+$0x5450]  }
0xf4: {  	v17 =	vadd.f32 v36, v35;
	v16 =	vadd.f32 v38, v37;
	v28 =	vld [tilespmem:s17+$0x4400]  }
0xf5: {  	v25 =	vadd.f32 v42, v41;
	v27 =	vadd.f32 v44, v43;
	v31 =	vld [tilespmem:s17+$0x5400]  }
0xf6: {  	v42 =	vadd.f32 v19, v23;
	v32 =	vld [tilespmem:s17+$0x4440];
	v12 =	vadd.f32 v15, v12  }
0xf7: {  	v36 =	vadd.f32 v20, v24;
	v26 =	vadd.f32 v29, v25;
	v23 =	vld [tilespmem:s17+$0x5440]  }
0xf8: {  	v19 =	vmul.f32 v45, v42;
	v27 =	vadd.f32 v30, v27;
	v33 =	vld [tilespmem:s17+$0x400];
	v21 =	vadd.f32 v22, v21  }
0xf9: {  	v24 =	vmul.f32 v10, v36;
	v20 =	vmul.f32 v47, v26;
	v15 =	vadd.f32 v39, v12;
	v30 =	vld [tilespmem:s17+$0x440]  }
.Ltmp0:
0xfa: {  	v25 =	vmul.f32 v46, v27;
	v22 =	vmul.f32 v10, v42;
	v12 =	vadd.f32 v40, v21;
	v37 =	vld [tilespmem:s17+$0x8450];
	(pc) =	sbr.rel @p0 .LBB2_2-.Ltmp0, $4  }
0xfb: {  	v10 =	vadd.f32 v31, v28;
	v21 =	vmul.f32 v13, v15;
	v31 =	vmul.f32 v45, v36;
	v38 =	vld [tilespmem:s17+$0x9450]  }
0xfc: {  	v28 =	vmul.f32 v46, v26;
	v32 =	vadd.f32 v23, v32;
	v39 =	vld [tilespmem:s17+$0x8400];
	v29 =	vmul.f32 v14, v12  }
0xfd: {  	v34 =	vmul.f32 v47, v27;
	v23 =	vmul.f32 v18, v42;
	v33 =	vadd.f32 v33, v10;
	v41 =	vld [tilespmem:s17+$0x9400]  }
0xfe: {  	s18 =	sadd.s32 $0x200, s18;
	v10 =	vmul.f32 v48, v42;
	v35 =	vadd.f32 v30, v32;
	v40 =	vld [tilespmem:s17+$0x8440];
	v30 =	vmul.f32 v48, v36  }
0xff: {  	v42 =	vld [tilespmem:s17+$0x9440]  }
0x100: {  	v32 =	vld [tilespmem:s17+$0xA470]  }
0x101: {  	v43 =	vld [tilespmem:s17+$0xA420]  }
0x102: {  	v44 =	vld [tilespmem:s17+$0xB430]  }
0x103: {  	v45 =	vld [tilespmem:s17+$0xA440]  }
0x104: {  	v46 =	vld [tilespmem:s17+$0xB420]  }
0x105: {  	v47 =	vld [tilespmem:s17+$0xA400]  }
0x106: {  	v48 =	vld [tilespmem:s17+$0xB400]  }
0x107: {  	v49 =	vld [tilespmem:s17+$0xB440]  }
0x108: {  	v50 =	vld [tilespmem:s17+$0xB410]  }
0x109: {  	v51 =	vld [tilespmem:s17+$0xB450]  }
0x10a: {  	v52 =	vld [tilespmem:s17+$0xB460]  }
0x10b: {  	v53 =	vld [tilespmem:s17+$0xA410]  }
0x10c: {  	v54 =	vld [tilespmem:s17+$0xB470]  }
0x10d: {  	v55 =	vld [tilespmem:s17+$0xA450]  }
0x10e: {  	v56 =	vld [tilespmem:s17+$0xA430];
	s6 =	simm.s32 $0x40  }
0x10f: {  	v57 =	vld [tilespmem:s17+$0xA460];
	[tilespmem:s10], [sflag:$0x3] =	stream.indirect.gather [hbm4b:s1+s26], $0x80, s6, s26, $0xb8  }
0x110: {  	s17 =	simm.s32 $0xC0;
	s10 =	simm.s32 $0x5400  }
0x111: {  	[tilespmem:s10], [sflag:$0x3] =	stream.indirect.gather [hbm4b:s4+s26], $0x80, s17, s26, $0xb8;
	[tilespmem:$0x14480] =	vst v63  }
0x112: {  	s18 =	simm.s32 $0x140  }
0x113: {  	[tilespmem:s20], [sflag:$0x3] =	stream.indirect.gather [hbm4b:s1+s26], $0x80, s18, s26, $0xb8;
	[tilespmem:$0x14480] =	vst v63  }
0x114: {  	s10 =	simm.s32 $0x1C0  }
0x115: {  	[tilespmem:s19], [sflag:$0x3] =	stream.indirect.gather [hbm4b:s4+s26], $0x80, s10, s26, $0xb8;
	[tilespmem:$0x14480] =	vst v63  }
0x116: {  	s17 =	simm.s32 $0x240  }
0x117: {  	[tilespmem:s11], [sflag:$0x3] =	stream.indirect.gather [hbm4b:s1+s26], $0x80, s17, s26, $0xb8;
	[tilespmem:$0x14480] =	vst v63  }
0x118: {  	s18 =	simm.s32 $0x2C0  }
0x119: {  	[tilespmem:s7], [sflag:$0x3] =	stream.indirect.gather [hbm4b:s4+s26], $0x80, s18, s26, $0xb8;
	[tilespmem:$0x14480] =	vst v63  }
0x11a: {  	s19 =	simm.s32 $0x340  }
0x11b: {  	[tilespmem:s8], [sflag:$0x3] =	stream.indirect.gather [hbm4b:s3+s26], $0x80, s19, s26, $0xb8;
	[tilespmem:$0x14480] =	vst v63  }
0x11c: {  	s20 =	simm.s32 $0x3C0  }
0x11d: {  	[tilespmem:s9], [sflag:$0x3] =	stream.indirect.gather [hbm4b:s3+s26], $0x80, s20, s26, $0xb8;
	[tilespmem:$0x14480] =	vst v63  }
0x11e: {  	_ =	swait.ge [sflag:s0], $0x1000  }
0x11f: {  	[sflag:s0] =	ssyncset.done $0x0  }
0x120: {  	[sflag:s0] =	ssyncadd.s32 $0xFFFFF000  }
0x121: {  	_ =	swait.ge [sflag:s0], $0x1000  }
0x122: {  	[sflag:s0] =	ssyncset.done $0x0  }
0x123: {  	[sflag:s0] =	ssyncadd.s32 $0xFFFFF000  }
0x124: {  	_ =	swait.ge [sflag:s0], $0x1000  }
0x125: {  	[sflag:s0] =	ssyncset.done $0x0  }
0x126: {  	[sflag:s0] =	ssyncadd.s32 $0xFFFFF000  }
0x127: {  	_ =	swait.ge [sflag:s0], $0x1000  }
0x128: {  	[sflag:s0] =	ssyncset.done $0x0  }
0x129: {  	[sflag:s0] =	ssyncadd.s32 $0xFFFFF000  }
0x12a: {  	_ =	swait.ge [sflag:s0], $0x1000  }
0x12b: {  	[sflag:s0] =	ssyncset.done $0x0  }
0x12c: {  	v6 =	vadd.f32 v8, v6;
	v8 =	vmul.f32 v18, v36;
	v5 =	vadd.f32 v7, v5;
	[sflag:s0] =	ssyncadd.s32 $0xFFFFF000  }
0x12d: {  	v7 =	vadd.f32 v11, v9;
	v19 =	vsub.f32 v19, v24;
	v24 =	vmul.f32 v16, v33;
	_ =	swait.ge [sflag:s0], $0x1000  }
0x12e: {  	v20 =	vsub.f32 v20, v25;
	v22 =	vadd.f32 v31, v22;
	v14 =	vmul.f32 v14, v15;
	[sflag:s0] =	ssyncset.done $0x0  }
0x12f: {  	v21 =	vsub.f32 v21, v29;
	v13 =	vmul.f32 v13, v12;
	v25 =	vmul.f32 v17, v35;
	[sflag:s0] =	ssyncadd.s32 $0xFFFFF000  }
0x130: {  	v28 =	vadd.f32 v34, v28;
	v17 =	vmul.f32 v17, v33;
	v16 =	vmul.f32 v16, v35;
	_ =	swait.ge [sflag:s0], $0x1000  }
0x131: {  	v9 =	vadd.f32 v38, v37;
	v11 =	vmul.f32 v6, v26;
	v26 =	vmul.f32 v5, v26;
	[sflag:s0] =	ssyncset.done $0x0  }
0x132: {  	v5 =	vmul.f32 v5, v27;
	v6 =	vmul.f32 v6, v27;
	v18 =	vadd.f32 v41, v39;
	[sflag:s0] =	ssyncadd.s32 $0xFFFFF000  }
0x133: {  	v24 =	vsub.f32 v24, v25;
	v25 =	vmul.f32 v7, v15;
	v27 =	vadd.f32 v42, v40;
	_ =	swait.ge [sflag:s0], $0x1000  }
0x134: {  	v23 =	vadd.f32 v30, v23;
	v29 =	vmul.f32 v18, v33;
	v18 =	vmul.f32 v18, v35;
	[sflag:s0] =	ssyncset.done $0x0  }
0x135: {  	v13 =	vadd.f32 v13, v14;
	v31 =	vmul.f32 v27, v33;
	v27 =	vmul.f32 v27, v35;
	s17 =	simm.s32 $0x0;
	[sflag:s0] =	ssyncadd.s32 $0xFFFFF000  }
0x136: {  	v15 =	vmul.f32 v9, v15;
	v9 =	vmul.f32 v9, v12;
	v5 =	vadd.f32 v5, v11;
	v11 =	vld [tilespmem:s17+$0xE430]  }
0x137: {  	v7 =	vmul.f32 v7, v12;
	v14 =	vadd.f32 v27, v29;
	v18 =	vsub.f32 v31, v18;
	v12 =	vld [tilespmem:s17+$0xF430]  }
0x138: {  	v16 =	vadd.f32 v16, v17;
	v9 =	vadd.f32 v9, v25;
	v17 =	vmul.f32 v43, v28;
	v25 =	vld [tilespmem:s17+$0xE470]  }
0x139: {  	v7 =	vsub.f32 v15, v7;
	v14 =	vmul.f32 v14, v48;
	v18 =	vmul.f32 v49, v18;
	v15 =	vld [tilespmem:s17+$0xF470]  }
0x13a: {  	v6 =	vsub.f32 v26, v6;
	v16 =	vmul.f32 v47, v16;
	v24 =	vmul.f32 v45, v24;
	v26 =	vld [tilespmem:s17+$0xE420]  }
0x13b: {  	v9 =	vmul.f32 v9, v50;
	v7 =	vmul.f32 v51, v7;
	v14 =	vadd.f32 v18, v14;
	v18 =	vld [tilespmem:s17+$0xF420]  }
0x13c: {  	v8 =	vsub.f32 v10, v8;
	v5 =	vmul.f32 v5, v46;
	v6 =	vmul.f32 v52, v6;
	v27 =	vld [tilespmem:s17+$0xE460]  }
0x13d: {  	v7 =	vadd.f32 v7, v9;
	v9 =	vmul.f32 v53, v13;
	v10 =	vsub.f32 v14, v16;
	v13 =	vld [tilespmem:s17+$0xF460]  }
0x13e: {  	v8 =	vmul.f32 v54, v8;
	v5 =	vadd.f32 v6, v5;
	v6 =	vmul.f32 v23, v44;
	v23 =	vld [tilespmem:s17+$0x1430]  }
0x13f: {  	v7 =	vsub.f32 v7, v9;
	v9 =	vmul.f32 v55, v21;
	v10 =	vsub.f32 v10, v24;
	v21 =	vld [tilespmem:s17+$0x1470]  }
0x140: {  	v5 =	vsub.f32 v5, v17;
	v6 =	vadd.f32 v8, v6;
	v8 =	vmul.f32 v56, v22;
	v14 =	vld [tilespmem:s17+$0x10430]  }
0x141: {  	v7 =	vsub.f32 v7, v9;
	v9 =	vmul.f32 v57, v20;
	v10 =	vadd.f32 $0.0e+00, v10;
	v16 =	vld [tilespmem:s17+$0x11430]  }
0x142: {  	v6 =	vsub.f32 v6, v8;
	v17 =	vld [tilespmem:s17+$0x10470]  }
0x143: {  	v8 =	vmul.f32 v32, v19;
	v5 =	vsub.f32 v5, v9;
	v7 =	vadd.f32 v7, v10;
	v19 =	vld [tilespmem:s17+$0x11470]  }
0x144: {  	v20 =	vld [tilespmem:s17+$0xE410]  }
0x145: {  	v6 =	vsub.f32 v6, v8;
	v5 =	vadd.f32 v5, v7;
	v22 =	vld [tilespmem:s17+$0xF410]  }
0x146: {  	v24 =	vld [tilespmem:s17+$0xE450]  }
0x147: {  	v6 =	vadd.f32 v6, v5;
	v28 =	vld [tilespmem:s17+$0xF450]  }
0x148: {  	v29 =	vld [tilespmem:s17+$0x1420]  }
0x149: {  	v7 =	vperm.xlane v6, v0;
	v30 =	vld [tilespmem:s17+$0x1460]  }
0x14a: {  	v5 =	vld [tilespmem:s17+$0x10420]  }
0x14b: {  	v9 =	vadd.f32 v6, v7;
	v7 =	vld [tilespmem:s17+$0x11420]  }
0x14c: {  	v6 =	vld [tilespmem:s17+$0x10460]  }
0x14d: {  	v8 =	vld [tilespmem:s17+$0x11460]  }
0x14e: {  	v31 =	vld [tilespmem:s17+$0xC430]  }
0x14f: {  	v32 =	vld [tilespmem:s17+$0xD430]  }
0x150: {  	v10 =	vperm.xlane v9, v1;
	v33 =	vld [tilespmem:s17+$0xC470]  }
0x151: {  	v34 =	vld [tilespmem:s17+$0xD470]  }
0x152: {  	v9 =	vadd.f32 v9, v10;
	v35 =	vld [tilespmem:s17+$0xE400]  }
0x153: {  	v61 =	vld [tilespmem:s17+$0xF400]  }
0x154: {  	v10 =	vperm.xlane v9, v2;
	v62 =	vld [tilespmem:s17+$0xE440]  }
0x155: {  	v63 =	vld [tilespmem:s17+$0xF440]  }
0x156: {  	v9 =	vadd.f32 v9, v10;
	v39 =	vld [tilespmem:s17+$0x1410]  }
0x157: {  	v40 =	vld [tilespmem:s17+$0x1450]  }
0x158: {  	v10 =	vperm.xlane v9, v3;
	v53 =	vld [tilespmem:s17+$0xC420]  }
0x159: {  	v54 =	vld [tilespmem:s17+$0xD420]  }
0x15a: {  	v55 =	vld [tilespmem:s17+$0xC460];
	v10 =	vadd.f32 v9, v10  }
0x15b: {  	v56 =	vld [tilespmem:s17+$0xD460]  }
0x15c: {  	v37 =	vld [tilespmem:s17+$0x10450];
	v52 =	vadd.f32 $1.000000000e+00, v10;
	v11 =	vadd.f32 v12, v11  }
0x15d: {  	v38 =	vld [tilespmem:s17+$0x11450];
	v57 =	vadd.f32 v15, v25;
	v58 =	vadd.f32 v18, v26  }
0x15e: {  	v12 =	vld [tilespmem:s17+$0xC410];
	v59 =	vadd.f32 v13, v27;
	v18 =	vadd.f32 v16, v14  }
0x15f: {  	v15 =	vld [tilespmem:s17+$0xD410];
	v60 =	vadd.f32 v19, v17;
	v14 =	vadd.f32 v22, v20  }
0x160: {  	v19 =	vld [tilespmem:s17+$0xC450];
	v13 =	vadd.f32 v28, v24;
	v22 =	vadd.f32 v32, v31  }
0x161: {  	v20 =	vld [tilespmem:s17+$0xD450];
	v24 =	vadd.f32 v34, v33;
	v17 =	vadd.f32 v61, v35  }
0x162: {  	v28 =	vld [tilespmem:s17+$0xC400];
	v16 =	vadd.f32 v63, v62;
	v27 =	vadd.f32 v56, v55  }
0x163: {  	v31 =	vld [tilespmem:s17+$0xD400];
	v25 =	vadd.f32 v54, v53;
	v36 =	vadd.f32 v21, v24  }
0x164: {  	v41 =	vmax.f32 v52, $0.0e+00;
	v61 =	vld [tilespmem:s17+$0xC440];
	v62 =	vadd.f32 v23, v22;
	v27 =	vadd.f32 v30, v27  }
0x165: {  	v4 =	vadd.f32 v41, v4;
	v23 =	vld [tilespmem:s17+$0xD440];
	v24 =	vmul.f32 v11, v36  }
0x166: {  	v63 =	vld [tilespmem:s17+$0x1400];
	v26 =	vadd.f32 v29, v25;
	v25 =	vmul.f32 v58, v27;
	v22 =	vmul.f32 v11, v62  }
0x167: {  	v30 =	vld [tilespmem:s17+$0x1440];
	v34 =	vmul.f32 v59, v27;
	v12 =	vadd.f32 v15, v12;
	v21 =	vadd.f32 v20, v19  }
0x168: {  	v9 =	vld [tilespmem:s17+$0x10410];
	v19 =	vmul.f32 v57, v62;
	v20 =	vmul.f32 v59, v26;
	v11 =	vadd.f32 v31, v28  }
0x169: {  	v10 =	vld [tilespmem:s17+$0x11410];
	v31 =	vmul.f32 v57, v36;
	v28 =	vmul.f32 v58, v26;
	v15 =	vadd.f32 v39, v12  }
0x16a: {  	v41 =	vld [tilespmem:s17+$0x11400];
	v12 =	vadd.f32 v40, v21;
	v32 =	vadd.f32 v23, v61;
	v23 =	vmul.f32 v18, v62  }
0x16b: {  	v39 =	vld [tilespmem:s17+$0x10400];
	v33 =	vadd.f32 v63, v11;
	v11 =	vmul.f32 v60, v62;
	v21 =	vmul.f32 v13, v15  }
0x16c: {  	s18 =	simm.s32 $0x200;
	v40 =	vld [tilespmem:s17+$0x10440];
	v29 =	vmul.f32 v14, v12;
	v35 =	vadd.f32 v30, v32;
	v30 =	vmul.f32 v60, v36  }
.LBB2_4:
0x16d: {  	p0 =	sne.s32 s18, $0x3E00;
	v32 =	vld [tilespmem:s17+$0x11440];
	v42 =	vmul.f32 v16, v33;
	v5 =	vadd.f32 v7, v5;
	v7 =	vmul.f32 v18, v36  }
0x16e: {  	v14 =	vmul.f32 v14, v15;
	v6 =	vadd.f32 v8, v6;
	v18 =	vmul.f32 v17, v35;
	v8 =	vld [tilespmem:s17+$0x12470]  }
0x16f: {  	v9 =	vadd.f32 v10, v9;
	v10 =	vmul.f32 v13, v12;
	v13 =	vld [tilespmem:s17+$0x12420];
	v36 =	vmul.f32 v5, v26  }
0x170: {  	v37 =	vadd.f32 v38, v37;
	v38 =	vmul.f32 v6, v27;
	v6 =	vmul.f32 v6, v26;
	v26 =	vld [tilespmem:s17+$0x13430]  }
0x171: {  	v17 =	vmul.f32 v17, v33;
	v5 =	vmul.f32 v5, v27;
	v39 =	vadd.f32 v41, v39;
	v41 =	vld [tilespmem:s17+$0x12440]  }
0x172: {  	v16 =	vmul.f32 v16, v35;
	v27 =	vadd.f32 v32, v40;
	v32 =	vmul.f32 v9, v15;
	v40 =	vld [tilespmem:s17+$0x13420]  }
0x173: {  	v19 =	vsub.f32 v19, v24;
	v45 =	vmul.f32 v37, v12;
	v44 =	vmul.f32 v39, v33;
	v43 =	vld [tilespmem:s17+$0x12400]  }
0x174: {  	v20 =	vsub.f32 v20, v25;
	v22 =	vadd.f32 v31, v22;
	v24 =	vld [tilespmem:s17+$0x13400];
	v46 =	vmul.f32 v27, v35  }
0x175: {  	v21 =	vsub.f32 v21, v29;
	v28 =	vadd.f32 v34, v28;
	v27 =	vmul.f32 v27, v33;
	v25 =	vld [tilespmem:s17+$0x13440]  }
0x176: {  	v23 =	vadd.f32 v30, v23;
	v18 =	vsub.f32 v42, v18;
	v29 =	vmul.f32 v39, v35;
	v31 =	vld [tilespmem:s17+$0x13410]  }
0x177: {  	v10 =	vadd.f32 v10, v14;
	v14 =	vadd.f32 v38, v36;
	v15 =	vmul.f32 v37, v15;
	v30 =	vld [tilespmem:s17+$0x13450]  }
0x178: {  	v9 =	vmul.f32 v9, v12;
	v33 =	vadd.f32 v46, v44;
	v27 =	vsub.f32 v27, v29;
	v12 =	vld [tilespmem:s17+$0x13460]  }
0x179: {  	v16 =	vadd.f32 v16, v17;
	v13 =	vmul.f32 v13, v28;
	v29 =	vadd.f32 v45, v32;
	v17 =	vld [tilespmem:s17+$0x12410]  }
0x17a: {  	v9 =	vsub.f32 v15, v9;
	v24 =	vmul.f32 v33, v24;
	v25 =	vmul.f32 v25, v27;
	v15 =	vld [tilespmem:s17+$0x13470]  }
0x17b: {  	v5 =	vsub.f32 v6, v5;
	v18 =	vmul.f32 v41, v18;
	v16 =	vmul.f32 v43, v16;
	v27 =	vld [tilespmem:s17+$0x12450]  }
0x17c: {  	v6 =	vadd.f32 v25, v24;
	v24 =	vmul.f32 v29, v31;
	v9 =	vmul.f32 v30, v9;
	v25 =	vld [tilespmem:s17+$0x12430]  }
0x17d: {  	v7 =	vsub.f32 v11, v7;
	v14 =	vmul.f32 v14, v40;
	v28 =	vld [tilespmem:s17+$0x12460];
	s17 =	sshra.s32 s18, $0x2;
	v5 =	vmul.f32 v12, v5  }
0x17e: {  	v11 =	vld [tilespmem:s17+$0xE430];
	v6 =	vsub.f32 v6, v16;
	v9 =	vadd.f32 v9, v24;
	v10 =	vmul.f32 v17, v10  }
0x17f: {  	v12 =	vld [tilespmem:s17+$0xF430];
	v5 =	vadd.f32 v5, v14;
	v14 =	vmul.f32 v23, v26;
	v7 =	vmul.f32 v15, v7  }
0x180: {  	v15 =	vld [tilespmem:s17+$0xE470];
	v6 =	vsub.f32 v6, v18;
	v9 =	vsub.f32 v9, v10;
	v10 =	vmul.f32 v27, v21  }
0x181: {  	v16 =	vld [tilespmem:s17+$0xF470];
	v5 =	vsub.f32 v5, v13;
	v7 =	vadd.f32 v7, v14;
	v13 =	vmul.f32 v25, v22  }
0x182: {  	v14 =	vld [tilespmem:s17+$0xE420];
	v6 =	vadd.f32 $0.0e+00, v6;
	v9 =	vsub.f32 v9, v10;
	v10 =	vmul.f32 v28, v20  }
0x183: {  	v17 =	vld [tilespmem:s17+$0xF420];
	v7 =	vsub.f32 v7, v13  }
0x184: {  	v8 =	vmul.f32 v8, v19;
	v13 =	vld [tilespmem:s17+$0xE460];
	v6 =	vadd.f32 v9, v6;
	v5 =	vsub.f32 v5, v10  }
0x185: {  	v18 =	vld [tilespmem:s17+$0xF460]  }
0x186: {  	v19 =	vld [tilespmem:s17+$0x1430];
	v5 =	vadd.f32 v5, v6;
	v6 =	vsub.f32 v7, v8  }
0x187: {  	v20 =	vld [tilespmem:s17+$0x1470]  }
0x188: {  	v21 =	vld [tilespmem:s17+$0x10430];
	v5 =	vadd.f32 v6, v5  }
0x189: {  	v22 =	vld [tilespmem:s17+$0x11430]  }
0x18a: {  	v23 =	vld [tilespmem:s17+$0x10470];
	v6 =	vperm.xlane v5, v0  }
0x18b: {  	v24 =	vld [tilespmem:s17+$0x11470]  }
0x18c: {  	v25 =	vld [tilespmem:s17+$0xE410];
	v5 =	vadd.f32 v5, v6  }
0x18d: {  	v26 =	vld [tilespmem:s17+$0xF410]  }
0x18e: {  	v27 =	vld [tilespmem:s17+$0xE450];
	v6 =	vperm.xlane v5, v1  }
0x18f: {  	v28 =	vld [tilespmem:s17+$0xF450]  }
0x190: {  	v29 =	vld [tilespmem:s17+$0x1420];
	v8 =	vadd.f32 v5, v6  }
0x191: {  	v30 =	vld [tilespmem:s17+$0x1460]  }
0x192: {  	v5 =	vld [tilespmem:s17+$0x10420];
	v9 =	vperm.xlane v8, v2  }
0x193: {  	v7 =	vld [tilespmem:s17+$0x11420]  }
0x194: {  	v6 =	vld [tilespmem:s17+$0x10460];
	v9 =	vadd.f32 v8, v9  }
0x195: {  	v8 =	vld [tilespmem:s17+$0x11460]  }
0x196: {  	v31 =	vld [tilespmem:s17+$0xC430];
	v10 =	vperm.xlane v9, v3  }
0x197: {  	v32 =	vld [tilespmem:s17+$0xD430]  }
0x198: {  	v33 =	vld [tilespmem:s17+$0xC470];
	v9 =	vadd.f32 v9, v10  }
0x199: {  	v34 =	vld [tilespmem:s17+$0xD470]  }
0x19a: {  	v35 =	vld [tilespmem:s17+$0xE400];
	v9 =	vadd.f32 $1.000000000e+00, v9  }
0x19b: {  	v36 =	vld [tilespmem:s17+$0xF400]  }
0x19c: {  	v37 =	vld [tilespmem:s17+$0xE440];
	v9 =	vmax.f32 v9, $0.0e+00  }
0x19d: {  	v38 =	vld [tilespmem:s17+$0xF440];
	v4 =	vadd.f32 v9, v4  }
0x19e: {  	v39 =	vld [tilespmem:s17+$0x1410]  }
0x19f: {  	v40 =	vld [tilespmem:s17+$0x1450]  }
0x1a0: {  	v9 =	vld [tilespmem:s17+$0x10410]  }
0x1a1: {  	v10 =	vld [tilespmem:s17+$0x11410]  }
0x1a2: {  	v41 =	vld [tilespmem:s17+$0xC420]  }
0x1a3: {  	v42 =	vld [tilespmem:s17+$0xD420]  }
0x1a4: {  	v43 =	vld [tilespmem:s17+$0xC460]  }
0x1a5: {  	v11 =	vadd.f32 v12, v11;
	v45 =	vadd.f32 v16, v15;
	v44 =	vld [tilespmem:s17+$0xD460]  }
0x1a6: {  	v46 =	vadd.f32 v17, v14;
	v47 =	vadd.f32 v18, v13;
	v12 =	vld [tilespmem:s17+$0xC410]  }
0x1a7: {  	v18 =	vadd.f32 v22, v21;
	v48 =	vadd.f32 v24, v23;
	v15 =	vld [tilespmem:s17+$0xD410]  }
0x1a8: {  	v14 =	vadd.f32 v26, v25;
	v13 =	vadd.f32 v28, v27;
	v21 =	vld [tilespmem:s17+$0xC450]  }
0x1a9: {  	v23 =	vadd.f32 v32, v31;
	v24 =	vadd.f32 v34, v33;
	v22 =	vld [tilespmem:s17+$0xD450]  }
0x1aa: {  	v17 =	vadd.f32 v36, v35;
	v16 =	vadd.f32 v38, v37;
	v28 =	vld [tilespmem:s17+$0xC400]  }
0x1ab: {  	v25 =	vadd.f32 v42, v41;
	v27 =	vadd.f32 v44, v43;
	v31 =	vld [tilespmem:s17+$0xD400]  }
0x1ac: {  	v42 =	vadd.f32 v19, v23;
	v32 =	vld [tilespmem:s17+$0xC440];
	v12 =	vadd.f32 v15, v12  }
0x1ad: {  	v36 =	vadd.f32 v20, v24;
	v26 =	vadd.f32 v29, v25;
	v23 =	vld [tilespmem:s17+$0xD440]  }
0x1ae: {  	v19 =	vmul.f32 v45, v42;
	v27 =	vadd.f32 v30, v27;
	v33 =	vld [tilespmem:s17+$0x1400];
	v21 =	vadd.f32 v22, v21  }
0x1af: {  	v24 =	vmul.f32 v11, v36;
	v20 =	vmul.f32 v47, v26;
	v15 =	vadd.f32 v39, v12;
	v30 =	vld [tilespmem:s17+$0x1440]  }
.Ltmp1:
0x1b0: {  	v25 =	vmul.f32 v46, v27;
	v22 =	vmul.f32 v11, v42;
	v12 =	vadd.f32 v40, v21;
	v37 =	vld [tilespmem:s17+$0x10450];
	(pc) =	sbr.rel @p0 .LBB2_4-.Ltmp1, $4  }
0x1b1: {  	v11 =	vadd.f32 v31, v28;
	v21 =	vmul.f32 v13, v15;
	v31 =	vmul.f32 v45, v36;
	v38 =	vld [tilespmem:s17+$0x11450]  }
0x1b2: {  	v28 =	vmul.f32 v46, v26;
	v32 =	vadd.f32 v23, v32;
	v39 =	vld [tilespmem:s17+$0x10400];
	v29 =	vmul.f32 v14, v12  }
0x1b3: {  	v34 =	vmul.f32 v47, v27;
	v23 =	vmul.f32 v18, v42;
	v33 =	vadd.f32 v33, v11;
	v41 =	vld [tilespmem:s17+$0x11400]  }
0x1b4: {  	s18 =	sadd.s32 $0x200, s18;
	v11 =	vmul.f32 v48, v42;
	v35 =	vadd.f32 v30, v32;
	v40 =	vld [tilespmem:s17+$0x10440];
	v30 =	vmul.f32 v48, v36  }
0x1b5: {  	v42 =	vld [tilespmem:s17+$0x11440]  }
0x1b6: {  	v32 =	vld [tilespmem:s17+$0x12470]  }
0x1b7: {  	v43 =	vld [tilespmem:s17+$0x12420]  }
0x1b8: {  	v44 =	vld [tilespmem:s17+$0x13430]  }
0x1b9: {  	v45 =	vld [tilespmem:s17+$0x12440]  }
0x1ba: {  	v46 =	vld [tilespmem:s17+$0x13420]  }
0x1bb: {  	v47 =	vld [tilespmem:s17+$0x12400]  }
0x1bc: {  	v48 =	vld [tilespmem:s17+$0x13400]  }
0x1bd: {  	v49 =	vld [tilespmem:s17+$0x13440]  }
0x1be: {  	v50 =	vld [tilespmem:s17+$0x13410]  }
0x1bf: {  	v51 =	vld [tilespmem:s17+$0x13450]  }
0x1c0: {  	v52 =	vld [tilespmem:s17+$0x13460]  }
0x1c1: {  	v53 =	vld [tilespmem:s17+$0x12410]  }
0x1c2: {  	v54 =	vld [tilespmem:s17+$0x13470]  }
0x1c3: {  	v55 =	vld [tilespmem:s17+$0x12450]  }
0x1c4: {  	v56 =	vld [tilespmem:s17+$0x12430];
	s6 =	simm.s32 $0x60  }
0x1c5: {  	v57 =	vld [tilespmem:s17+$0x12460];
	[tilespmem:s12], [sflag:$0x4] =	stream.indirect.gather [hbm4b:s1+s26], $0x80, s6, s26, $0xb8  }
0x1c6: {  	s12 =	simm.s32 $0xE0  }
0x1c7: {  	[tilespmem:s13], [sflag:$0x4] =	stream.indirect.gather [hbm4b:s4+s26], $0x80, s12, s26, $0xb8;
	[tilespmem:$0x14480] =	vst v63  }
0x1c8: {  	s13 =	simm.s32 $0x160  }
0x1c9: {  	[tilespmem:s21], [sflag:$0x4] =	stream.indirect.gather [hbm4b:s1+s26], $0x80, s13, s26, $0xb8;
	[tilespmem:$0x14480] =	vst v63  }
0x1ca: {  	s17 =	simm.s32 $0xF400;
	s7 =	simm.s32 $0x1E0  }
0x1cb: {  	[tilespmem:s17], [sflag:$0x4] =	stream.indirect.gather [hbm4b:s4+s26], $0x80, s7, s26, $0xb8;
	[tilespmem:$0x14480] =	vst v63  }
0x1cc: {  	s18 =	simm.s32 $0x260  }
0x1cd: {  	[tilespmem:s22], [sflag:$0x4] =	stream.indirect.gather [hbm4b:s1+s26], $0x80, s18, s26, $0xb8;
	[tilespmem:$0x14480] =	vst v63  }
0x1ce: {  	s19 =	simm.s32 $0x2E0  }
0x1cf: {  	[tilespmem:s23], [sflag:$0x4] =	stream.indirect.gather [hbm4b:s4+s26], $0x80, s19, s26, $0xb8;
	[tilespmem:$0x14480] =	vst v63  }
0x1d0: {  	s20 =	simm.s32 $0x360  }
0x1d1: {  	[tilespmem:s28], [sflag:$0x4] =	stream.indirect.gather [hbm4b:s3+s26], $0x80, s20, s26, $0xb8;
	[tilespmem:$0x14480] =	vst v63  }
0x1d2: {  	s21 =	simm.s32 $0x3E0  }
0x1d3: {  	[tilespmem:s29], [sflag:$0x4] =	stream.indirect.gather [hbm4b:s3+s26], $0x80, s21, s26, $0xb8;
	[tilespmem:$0x14480] =	vst v63  }
0x1d4: {  	_ =	swait.ge [sflag:s31], $0x1000  }
0x1d5: {  	[sflag:s31] =	ssyncset.done $0x0  }
0x1d6: {  	[sflag:s31] =	ssyncadd.s32 $0xFFFFF000  }
0x1d7: {  	_ =	swait.ge [sflag:s31], $0x1000  }
0x1d8: {  	[sflag:s31] =	ssyncset.done $0x0  }
0x1d9: {  	[sflag:s31] =	ssyncadd.s32 $0xFFFFF000  }
0x1da: {  	_ =	swait.ge [sflag:s31], $0x1000  }
0x1db: {  	[sflag:s31] =	ssyncset.done $0x0  }
0x1dc: {  	[sflag:s31] =	ssyncadd.s32 $0xFFFFF000  }
0x1dd: {  	_ =	swait.ge [sflag:s31], $0x1000  }
0x1de: {  	[sflag:s31] =	ssyncset.done $0x0  }
0x1df: {  	[sflag:s31] =	ssyncadd.s32 $0xFFFFF000  }
0x1e0: {  	_ =	swait.ge [sflag:s31], $0x1000  }
0x1e1: {  	[sflag:s31] =	ssyncset.done $0x0  }
0x1e2: {  	v5 =	vadd.f32 v7, v5;
	v7 =	vmul.f32 v18, v36;
	v6 =	vadd.f32 v8, v6;
	[sflag:s31] =	ssyncadd.s32 $0xFFFFF000  }
0x1e3: {  	v8 =	vadd.f32 v10, v9;
	v19 =	vsub.f32 v19, v24;
	v24 =	vmul.f32 v16, v33;
	_ =	swait.ge [sflag:s31], $0x1000  }
0x1e4: {  	v20 =	vsub.f32 v20, v25;
	v22 =	vadd.f32 v31, v22;
	v14 =	vmul.f32 v14, v15;
	[sflag:s31] =	ssyncset.done $0x0  }
0x1e5: {  	v21 =	vsub.f32 v21, v29;
	v13 =	vmul.f32 v13, v12;
	v25 =	vmul.f32 v17, v35;
	[sflag:s31] =	ssyncadd.s32 $0xFFFFF000  }
0x1e6: {  	v28 =	vadd.f32 v34, v28;
	v17 =	vmul.f32 v17, v33;
	v16 =	vmul.f32 v16, v35;
	_ =	swait.ge [sflag:s31], $0x1000  }
0x1e7: {  	v9 =	vadd.f32 v38, v37;
	v10 =	vmul.f32 v5, v26;
	v26 =	vmul.f32 v6, v26;
	[sflag:s31] =	ssyncset.done $0x0  }
0x1e8: {  	v6 =	vmul.f32 v6, v27;
	v5 =	vmul.f32 v5, v27;
	v18 =	vadd.f32 v41, v39;
	[sflag:s31] =	ssyncadd.s32 $0xFFFFF000  }
0x1e9: {  	v24 =	vsub.f32 v24, v25;
	v25 =	vmul.f32 v8, v15;
	v27 =	vadd.f32 v42, v40;
	_ =	swait.ge [sflag:s31], $0x1000  }
0x1ea: {  	v23 =	vadd.f32 v30, v23;
	v29 =	vmul.f32 v18, v33;
	v18 =	vmul.f32 v18, v35;
	[sflag:s31] =	ssyncset.done $0x0  }
0x1eb: {  	v13 =	vadd.f32 v13, v14;
	v31 =	vmul.f32 v27, v33;
	v27 =	vmul.f32 v27, v35;
	s17 =	simm.s32 $0x0;
	[sflag:s31] =	ssyncadd.s32 $0xFFFFF000  }
0x1ec: {  	v15 =	vmul.f32 v9, v15;
	v9 =	vmul.f32 v9, v12;
	v6 =	vadd.f32 v6, v10;
	v14 =	vld [tilespmem:s17+$0x6430]  }
0x1ed: {  	v8 =	vmul.f32 v8, v12;
	v10 =	vadd.f32 v27, v29;
	v18 =	vsub.f32 v31, v18;
	v12 =	vld [tilespmem:s17+$0x7430]  }
0x1ee: {  	v16 =	vadd.f32 v16, v17;
	v9 =	vadd.f32 v9, v25;
	v17 =	vmul.f32 v43, v28;
	v25 =	vld [tilespmem:s17+$0x6470]  }
0x1ef: {  	v8 =	vsub.f32 v15, v8;
	v10 =	vmul.f32 v10, v48;
	v18 =	vmul.f32 v49, v18;
	v15 =	vld [tilespmem:s17+$0x7470]  }
0x1f0: {  	v5 =	vsub.f32 v26, v5;
	v16 =	vmul.f32 v47, v16;
	v24 =	vmul.f32 v45, v24;
	v26 =	vld [tilespmem:s17+$0x6420]  }
0x1f1: {  	v9 =	vmul.f32 v9, v50;
	v8 =	vmul.f32 v51, v8;
	v10 =	vadd.f32 v18, v10;
	v18 =	vld [tilespmem:s17+$0x7420]  }
0x1f2: {  	v7 =	vsub.f32 v11, v7;
	v6 =	vmul.f32 v6, v46;
	v5 =	vmul.f32 v52, v5;
	v11 =	vld [tilespmem:s17+$0x6460]  }
0x1f3: {  	v8 =	vadd.f32 v8, v9;
	v9 =	vmul.f32 v53, v13;
	v10 =	vsub.f32 v10, v16;
	v13 =	vld [tilespmem:s17+$0x7460]  }
0x1f4: {  	v7 =	vmul.f32 v54, v7;
	v5 =	vadd.f32 v5, v6;
	v6 =	vmul.f32 v23, v44;
	v23 =	vld [tilespmem:s17+$0x2430]  }
0x1f5: {  	v8 =	vsub.f32 v8, v9;
	v9 =	vmul.f32 v55, v21;
	v10 =	vsub.f32 v10, v24;
	v21 =	vld [tilespmem:s17+$0x2470]  }
0x1f6: {  	v5 =	vsub.f32 v5, v17;
	v6 =	vadd.f32 v7, v6;
	v7 =	vmul.f32 v56, v22;
	v16 =	vld [tilespmem:s17+$0x8430]  }
0x1f7: {  	v8 =	vsub.f32 v8, v9;
	v9 =	vmul.f32 v57, v20;
	v10 =	vadd.f32 $0.0e+00, v10;
	v17 =	vld [tilespmem:s17+$0x9430]  }
0x1f8: {  	v6 =	vsub.f32 v6, v7;
	v20 =	vld [tilespmem:s17+$0x8470]  }
0x1f9: {  	v5 =	vsub.f32 v5, v9;
	v7 =	vadd.f32 v8, v10;
	v8 =	vmul.f32 v32, v19;
	v19 =	vld [tilespmem:s17+$0x9470]  }
0x1fa: {  	v22 =	vld [tilespmem:s17+$0x6410]  }
0x1fb: {  	v5 =	vadd.f32 v5, v7;
	v6 =	vsub.f32 v6, v8;
	v24 =	vld [tilespmem:s17+$0x7410]  }
0x1fc: {  	v27 =	vld [tilespmem:s17+$0x6450]  }
0x1fd: {  	v6 =	vadd.f32 v6, v5;
	v28 =	vld [tilespmem:s17+$0x7450]  }
0x1fe: {  	v29 =	vld [tilespmem:s17+$0x2420]  }
0x1ff: {  	v7 =	vperm.xlane v6, v0;
	v30 =	vld [tilespmem:s17+$0x2460]  }
0x200: {  	v5 =	vld [tilespmem:s17+$0x8420]  }
0x201: {  	v9 =	vadd.f32 v6, v7;
	v7 =	vld [tilespmem:s17+$0x9420]  }
0x202: {  	v6 =	vld [tilespmem:s17+$0x8460]  }
0x203: {  	v8 =	vld [tilespmem:s17+$0x9460]  }
0x204: {  	v31 =	vld [tilespmem:s17+$0x4430]  }
0x205: {  	v32 =	vld [tilespmem:s17+$0x5430]  }
0x206: {  	v10 =	vperm.xlane v9, v1;
	v33 =	vld [tilespmem:s17+$0x4470]  }
0x207: {  	v34 =	vld [tilespmem:s17+$0x5470]  }
0x208: {  	v9 =	vadd.f32 v9, v10;
	v35 =	vld [tilespmem:s17+$0x6400]  }
0x209: {  	v59 =	vld [tilespmem:s17+$0x7400]  }
0x20a: {  	v10 =	vperm.xlane v9, v2;
	v60 =	vld [tilespmem:s17+$0x6440]  }
0x20b: {  	v61 =	vld [tilespmem:s17+$0x7440]  }
0x20c: {  	v9 =	vadd.f32 v9, v10;
	v39 =	vld [tilespmem:s17+$0x2410]  }
0x20d: {  	v40 =	vld [tilespmem:s17+$0x2450]  }
0x20e: {  	v10 =	vperm.xlane v9, v3;
	v63 =	vld [tilespmem:s17+$0x4420]  }
0x20f: {  	v52 =	vld [tilespmem:s17+$0x5420]  }
0x210: {  	v53 =	vld [tilespmem:s17+$0x4460];
	v10 =	vadd.f32 v9, v10  }
0x211: {  	v54 =	vld [tilespmem:s17+$0x5460]  }
0x212: {  	v36 =	vld [tilespmem:s17+$0x8450];
	v62 =	vadd.f32 $1.000000000e+00, v10;
	v55 =	vadd.f32 v12, v14  }
0x213: {  	v37 =	vld [tilespmem:s17+$0x9450];
	v56 =	vadd.f32 v15, v25;
	v57 =	vadd.f32 v18, v26  }
0x214: {  	v12 =	vld [tilespmem:s17+$0x4410];
	v11 =	vadd.f32 v13, v11;
	v18 =	vadd.f32 v17, v16  }
0x215: {  	v15 =	vld [tilespmem:s17+$0x5410];
	v58 =	vadd.f32 v19, v20;
	v14 =	vadd.f32 v24, v22  }
0x216: {  	v19 =	vld [tilespmem:s17+$0x4450];
	v13 =	vadd.f32 v28, v27;
	v22 =	vadd.f32 v32, v31  }
0x217: {  	v20 =	vld [tilespmem:s17+$0x5450];
	v24 =	vadd.f32 v34, v33;
	v17 =	vadd.f32 v59, v35  }
0x218: {  	v28 =	vld [tilespmem:s17+$0x4400];
	v16 =	vadd.f32 v61, v60;
	v27 =	vadd.f32 v54, v53  }
0x219: {  	v31 =	vld [tilespmem:s17+$0x5400];
	v25 =	vadd.f32 v52, v63;
	v35 =	vadd.f32 v21, v24  }
0x21a: {  	v41 =	vmax.f32 v62, $0.0e+00;
	v59 =	vld [tilespmem:s17+$0x4440];
	v60 =	vadd.f32 v23, v22;
	v27 =	vadd.f32 v30, v27  }
0x21b: {  	v4 =	vadd.f32 v41, v4;
	v23 =	vld [tilespmem:s17+$0x5440];
	v24 =	vmul.f32 v55, v35  }
0x21c: {  	v61 =	vld [tilespmem:s17+$0x2400];
	v26 =	vadd.f32 v29, v25;
	v25 =	vmul.f32 v57, v27;
	v22 =	vmul.f32 v55, v60  }
0x21d: {  	v30 =	vld [tilespmem:s17+$0x2440];
	v33 =	vmul.f32 v11, v27;
	v12 =	vadd.f32 v15, v12;
	v21 =	vadd.f32 v20, v19  }
0x21e: {  	v38 =	vld [tilespmem:s17+$0x8400];
	v19 =	vmul.f32 v56, v60;
	v20 =	vmul.f32 v11, v26;
	v62 =	vadd.f32 v31, v28  }
0x21f: {  	v9 =	vld [tilespmem:s17+$0x8410];
	v31 =	vmul.f32 v56, v35;
	v28 =	vmul.f32 v57, v26;
	v15 =	vadd.f32 v39, v12  }
0x220: {  	v10 =	vld [tilespmem:s17+$0x9410];
	v11 =	vmul.f32 v58, v60;
	v12 =	vadd.f32 v40, v21;
	v63 =	vadd.f32 v23, v59  }
0x221: {  	v32 =	vadd.f32 v61, v62;
	v40 =	vld [tilespmem:s17+$0x9400];
	v23 =	vmul.f32 v18, v60;
	v21 =	vmul.f32 v13, v15  }
0x222: {  	s18 =	simm.s32 $0x200;
	v39 =	vld [tilespmem:s17+$0x8440];
	v29 =	vmul.f32 v14, v12;
	v34 =	vadd.f32 v30, v63;
	v30 =	vmul.f32 v58, v35  }
.LBB2_6:
0x223: {  	p0 =	sne.s32 s18, $0x3E00;
	v41 =	vld [tilespmem:s17+$0x9440];
	v42 =	vmul.f32 v16, v32;
	v5 =	vadd.f32 v7, v5;
	v7 =	vmul.f32 v18, v35  }
0x224: {  	v14 =	vmul.f32 v14, v15;
	v6 =	vadd.f32 v8, v6;
	v18 =	vmul.f32 v17, v34;
	v8 =	vld [tilespmem:s17+$0xA470]  }
0x225: {  	v9 =	vadd.f32 v10, v9;
	v10 =	vmul.f32 v13, v12;
	v13 =	vld [tilespmem:s17+$0xA420];
	v35 =	vmul.f32 v5, v26  }
0x226: {  	v36 =	vadd.f32 v37, v36;
	v37 =	vmul.f32 v6, v27;
	v6 =	vmul.f32 v6, v26;
	v26 =	vld [tilespmem:s17+$0xB430]  }
0x227: {  	v17 =	vmul.f32 v17, v32;
	v5 =	vmul.f32 v5, v27;
	v38 =	vadd.f32 v40, v38;
	v40 =	vld [tilespmem:s17+$0xA440]  }
0x228: {  	v16 =	vmul.f32 v16, v34;
	v27 =	vadd.f32 v41, v39;
	v39 =	vmul.f32 v9, v15;
	v41 =	vld [tilespmem:s17+$0xB420]  }
0x229: {  	v19 =	vsub.f32 v19, v24;
	v45 =	vmul.f32 v36, v12;
	v44 =	vmul.f32 v38, v32;
	v43 =	vld [tilespmem:s17+$0xA400]  }
0x22a: {  	v20 =	vsub.f32 v20, v25;
	v22 =	vadd.f32 v31, v22;
	v24 =	vld [tilespmem:s17+$0xB400];
	v46 =	vmul.f32 v27, v34  }
0x22b: {  	v21 =	vsub.f32 v21, v29;
	v28 =	vadd.f32 v33, v28;
	v27 =	vmul.f32 v27, v32;
	v25 =	vld [tilespmem:s17+$0xB440]  }
0x22c: {  	v23 =	vadd.f32 v30, v23;
	v18 =	vsub.f32 v42, v18;
	v29 =	vmul.f32 v38, v34;
	v31 =	vld [tilespmem:s17+$0xB410]  }
0x22d: {  	v10 =	vadd.f32 v10, v14;
	v14 =	vadd.f32 v37, v35;
	v15 =	vmul.f32 v36, v15;
	v30 =	vld [tilespmem:s17+$0xB450]  }
0x22e: {  	v9 =	vmul.f32 v9, v12;
	v32 =	vadd.f32 v46, v44;
	v27 =	vsub.f32 v27, v29;
	v12 =	vld [tilespmem:s17+$0xB460]  }
0x22f: {  	v16 =	vadd.f32 v16, v17;
	v13 =	vmul.f32 v13, v28;
	v29 =	vadd.f32 v45, v39;
	v17 =	vld [tilespmem:s17+$0xA410]  }
0x230: {  	v9 =	vsub.f32 v15, v9;
	v24 =	vmul.f32 v32, v24;
	v25 =	vmul.f32 v25, v27;
	v15 =	vld [tilespmem:s17+$0xB470]  }
0x231: {  	v5 =	vsub.f32 v6, v5;
	v18 =	vmul.f32 v40, v18;
	v16 =	vmul.f32 v43, v16;
	v27 =	vld [tilespmem:s17+$0xA450]  }
0x232: {  	v6 =	vadd.f32 v25, v24;
	v24 =	vmul.f32 v29, v31;
	v9 =	vmul.f32 v30, v9;
	v25 =	vld [tilespmem:s17+$0xA430]  }
0x233: {  	v7 =	vsub.f32 v11, v7;
	v14 =	vmul.f32 v14, v41;
	v28 =	vld [tilespmem:s17+$0xA460];
	s17 =	sshra.s32 s18, $0x2;
	v5 =	vmul.f32 v12, v5  }
0x234: {  	v11 =	vld [tilespmem:s17+$0x6430];
	v6 =	vsub.f32 v6, v16;
	v9 =	vadd.f32 v9, v24;
	v10 =	vmul.f32 v17, v10  }
0x235: {  	v12 =	vld [tilespmem:s17+$0x7430];
	v5 =	vadd.f32 v5, v14;
	v14 =	vmul.f32 v23, v26;
	v7 =	vmul.f32 v15, v7  }
0x236: {  	v15 =	vld [tilespmem:s17+$0x6470];
	v6 =	vsub.f32 v6, v18;
	v9 =	vsub.f32 v9, v10;
	v10 =	vmul.f32 v27, v21  }
0x237: {  	v16 =	vld [tilespmem:s17+$0x7470];
	v5 =	vsub.f32 v5, v13;
	v7 =	vadd.f32 v7, v14;
	v13 =	vmul.f32 v25, v22  }
0x238: {  	v14 =	vld [tilespmem:s17+$0x6420];
	v6 =	vadd.f32 $0.0e+00, v6;
	v9 =	vsub.f32 v9, v10;
	v10 =	vmul.f32 v28, v20  }
0x239: {  	v17 =	vld [tilespmem:s17+$0x7420];
	v7 =	vsub.f32 v7, v13  }
0x23a: {  	v8 =	vmul.f32 v8, v19;
	v13 =	vld [tilespmem:s17+$0x6460];
	v6 =	vadd.f32 v9, v6;
	v5 =	vsub.f32 v5, v10  }
0x23b: {  	v18 =	vld [tilespmem:s17+$0x7460]  }
0x23c: {  	v19 =	vld [tilespmem:s17+$0x2430];
	v5 =	vadd.f32 v5, v6;
	v6 =	vsub.f32 v7, v8  }
0x23d: {  	v20 =	vld [tilespmem:s17+$0x2470]  }
0x23e: {  	v21 =	vld [tilespmem:s17+$0x8430];
	v5 =	vadd.f32 v6, v5  }
0x23f: {  	v22 =	vld [tilespmem:s17+$0x9430]  }
0x240: {  	v23 =	vld [tilespmem:s17+$0x8470];
	v6 =	vperm.xlane v5, v0  }
0x241: {  	v24 =	vld [tilespmem:s17+$0x9470]  }
0x242: {  	v25 =	vld [tilespmem:s17+$0x6410];
	v5 =	vadd.f32 v5, v6  }
0x243: {  	v26 =	vld [tilespmem:s17+$0x7410]  }
0x244: {  	v27 =	vld [tilespmem:s17+$0x6450];
	v6 =	vperm.xlane v5, v1  }
0x245: {  	v28 =	vld [tilespmem:s17+$0x7450]  }
0x246: {  	v29 =	vld [tilespmem:s17+$0x2420];
	v8 =	vadd.f32 v5, v6  }
0x247: {  	v30 =	vld [tilespmem:s17+$0x2460]  }
0x248: {  	v5 =	vld [tilespmem:s17+$0x8420];
	v9 =	vperm.xlane v8, v2  }
0x249: {  	v7 =	vld [tilespmem:s17+$0x9420]  }
0x24a: {  	v6 =	vld [tilespmem:s17+$0x8460];
	v9 =	vadd.f32 v8, v9  }
0x24b: {  	v8 =	vld [tilespmem:s17+$0x9460]  }
0x24c: {  	v31 =	vld [tilespmem:s17+$0x4430];
	v10 =	vperm.xlane v9, v3  }
0x24d: {  	v32 =	vld [tilespmem:s17+$0x5430]  }
0x24e: {  	v33 =	vld [tilespmem:s17+$0x4470];
	v9 =	vadd.f32 v9, v10  }
0x24f: {  	v34 =	vld [tilespmem:s17+$0x5470]  }
0x250: {  	v35 =	vld [tilespmem:s17+$0x6400];
	v9 =	vadd.f32 $1.000000000e+00, v9  }
0x251: {  	v36 =	vld [tilespmem:s17+$0x7400]  }
0x252: {  	v37 =	vld [tilespmem:s17+$0x6440];
	v9 =	vmax.f32 v9, $0.0e+00  }
0x253: {  	v38 =	vld [tilespmem:s17+$0x7440];
	v4 =	vadd.f32 v9, v4  }
0x254: {  	v39 =	vld [tilespmem:s17+$0x2410]  }
0x255: {  	v40 =	vld [tilespmem:s17+$0x2450]  }
0x256: {  	v9 =	vld [tilespmem:s17+$0x8410]  }
0x257: {  	v10 =	vld [tilespmem:s17+$0x9410]  }
0x258: {  	v41 =	vld [tilespmem:s17+$0x4420]  }
0x259: {  	v42 =	vld [tilespmem:s17+$0x5420]  }
0x25a: {  	v43 =	vld [tilespmem:s17+$0x4460]  }
0x25b: {  	v11 =	vadd.f32 v12, v11;
	v45 =	vadd.f32 v16, v15;
	v44 =	vld [tilespmem:s17+$0x5460]  }
0x25c: {  	v46 =	vadd.f32 v17, v14;
	v47 =	vadd.f32 v18, v13;
	v12 =	vld [tilespmem:s17+$0x4410]  }
0x25d: {  	v18 =	vadd.f32 v22, v21;
	v48 =	vadd.f32 v24, v23;
	v15 =	vld [tilespmem:s17+$0x5410]  }
0x25e: {  	v14 =	vadd.f32 v26, v25;
	v13 =	vadd.f32 v28, v27;
	v21 =	vld [tilespmem:s17+$0x4450]  }
0x25f: {  	v23 =	vadd.f32 v32, v31;
	v24 =	vadd.f32 v34, v33;
	v22 =	vld [tilespmem:s17+$0x5450]  }
0x260: {  	v17 =	vadd.f32 v36, v35;
	v16 =	vadd.f32 v38, v37;
	v28 =	vld [tilespmem:s17+$0x4400]  }
0x261: {  	v25 =	vadd.f32 v42, v41;
	v27 =	vadd.f32 v44, v43;
	v31 =	vld [tilespmem:s17+$0x5400]  }
0x262: {  	v41 =	vadd.f32 v19, v23;
	v32 =	vld [tilespmem:s17+$0x4440];
	v12 =	vadd.f32 v15, v12  }
0x263: {  	v35 =	vadd.f32 v20, v24;
	v26 =	vadd.f32 v29, v25;
	v23 =	vld [tilespmem:s17+$0x5440]  }
0x264: {  	v19 =	vmul.f32 v45, v41;
	v27 =	vadd.f32 v30, v27;
	v33 =	vld [tilespmem:s17+$0x2400];
	v21 =	vadd.f32 v22, v21  }
0x265: {  	v24 =	vmul.f32 v11, v35;
	v20 =	vmul.f32 v47, v26;
	v15 =	vadd.f32 v39, v12;
	v30 =	vld [tilespmem:s17+$0x2440]  }
.Ltmp2:
0x266: {  	v25 =	vmul.f32 v46, v27;
	v22 =	vmul.f32 v11, v41;
	v12 =	vadd.f32 v40, v21;
	v36 =	vld [tilespmem:s17+$0x8450];
	(pc) =	sbr.rel @p0 .LBB2_6-.Ltmp2, $4  }
0x267: {  	v11 =	vadd.f32 v31, v28;
	v21 =	vmul.f32 v13, v15;
	v31 =	vmul.f32 v45, v35;
	v37 =	vld [tilespmem:s17+$0x9450]  }
0x268: {  	v28 =	vmul.f32 v46, v26;
	v34 =	vadd.f32 v23, v32;
	v38 =	vld [tilespmem:s17+$0x8400];
	v29 =	vmul.f32 v14, v12  }
0x269: {  	v23 =	vmul.f32 v18, v41;
	v32 =	vadd.f32 v33, v11;
	v40 =	vld [tilespmem:s17+$0x9400];
	v33 =	vmul.f32 v47, v27  }
0x26a: {  	s18 =	sadd.s32 $0x200, s18;
	v11 =	vmul.f32 v48, v41;
	v34 =	vadd.f32 v30, v34;
	v39 =	vld [tilespmem:s17+$0x8440];
	v30 =	vmul.f32 v48, v35  }
0x26b: {  	v41 =	vld [tilespmem:s17+$0x9440]  }
0x26c: {  	v42 =	vld [tilespmem:s17+$0xA470]  }
0x26d: {  	v43 =	vld [tilespmem:s17+$0xA420]  }
0x26e: {  	v44 =	vld [tilespmem:s17+$0xB430]  }
0x26f: {  	v45 =	vld [tilespmem:s17+$0xA440]  }
0x270: {  	v46 =	vld [tilespmem:s17+$0xB420]  }
0x271: {  	v47 =	vld [tilespmem:s17+$0xA400]  }
0x272: {  	v48 =	vld [tilespmem:s17+$0xB400]  }
0x273: {  	v49 =	vld [tilespmem:s17+$0xB440]  }
0x274: {  	v50 =	vld [tilespmem:s17+$0xB410]  }
0x275: {  	v51 =	vld [tilespmem:s17+$0xB450]  }
0x276: {  	v52 =	vld [tilespmem:s17+$0xB460]  }
0x277: {  	v53 =	vld [tilespmem:s17+$0xA410]  }
0x278: {  	v54 =	vld [tilespmem:s17+$0xB470]  }
0x279: {  	v55 =	vld [tilespmem:s17+$0xA450]  }
0x27a: {  	v56 =	vld [tilespmem:s17+$0xA430]  }
0x27b: {  	v57 =	vld [tilespmem:s17+$0xA460];
	_ =	swait.ge [sflag:s0], $0x1000  }
0x27c: {  	[sflag:s0] =	ssyncset.done $0x0  }
0x27d: {  	[sflag:s0] =	ssyncadd.s32 $0xFFFFF000  }
0x27e: {  	_ =	swait.ge [sflag:s0], $0x1000  }
0x27f: {  	[sflag:s0] =	ssyncset.done $0x0  }
0x280: {  	[sflag:s0] =	ssyncadd.s32 $0xFFFFF000  }
0x281: {  	_ =	swait.ge [sflag:s0], $0x1000  }
0x282: {  	[sflag:s0] =	ssyncset.done $0x0  }
0x283: {  	[sflag:s0] =	ssyncadd.s32 $0xFFFFF000  }
0x284: {  	_ =	swait.ge [sflag:s0], $0x1000  }
0x285: {  	[sflag:s0] =	ssyncset.done $0x0  }
0x286: {  	[sflag:s0] =	ssyncadd.s32 $0xFFFFF000  }
0x287: {  	_ =	swait.ge [sflag:s0], $0x1000  }
0x288: {  	[sflag:s0] =	ssyncset.done $0x0  }
0x289: {  	v5 =	vadd.f32 v7, v5;
	v7 =	vmul.f32 v18, v35;
	v6 =	vadd.f32 v8, v6;
	[sflag:s0] =	ssyncadd.s32 $0xFFFFF000  }
0x28a: {  	v8 =	vadd.f32 v10, v9;
	v19 =	vsub.f32 v19, v24;
	v24 =	vmul.f32 v16, v32;
	_ =	swait.ge [sflag:s0], $0x1000  }
0x28b: {  	v20 =	vsub.f32 v20, v25;
	v22 =	vadd.f32 v31, v22;
	v14 =	vmul.f32 v14, v15;
	[sflag:s0] =	ssyncset.done $0x0  }
0x28c: {  	v21 =	vsub.f32 v21, v29;
	v13 =	vmul.f32 v13, v12;
	v25 =	vmul.f32 v17, v34;
	[sflag:s0] =	ssyncadd.s32 $0xFFFFF000  }
0x28d: {  	v28 =	vadd.f32 v33, v28;
	v17 =	vmul.f32 v17, v32;
	v16 =	vmul.f32 v16, v34;
	_ =	swait.ge [sflag:s0], $0x1000  }
0x28e: {  	v9 =	vadd.f32 v37, v36;
	v10 =	vmul.f32 v5, v26;
	v26 =	vmul.f32 v6, v26;
	[sflag:s0] =	ssyncset.done $0x0  }
0x28f: {  	v6 =	vmul.f32 v6, v27;
	v5 =	vmul.f32 v5, v27;
	v18 =	vadd.f32 v40, v38;
	[sflag:s0] =	ssyncadd.s32 $0xFFFFF000  }
0x290: {  	v24 =	vsub.f32 v24, v25;
	v25 =	vmul.f32 v8, v15;
	v27 =	vadd.f32 v41, v39;
	_ =	swait.ge [sflag:s0], $0x1000  }
0x291: {  	v23 =	vadd.f32 v30, v23;
	v29 =	vmul.f32 v18, v32;
	v18 =	vmul.f32 v18, v34;
	[sflag:s0] =	ssyncset.done $0x0  }
0x292: {  	s17 =	simm.s32 $0x0;
	v13 =	vadd.f32 v13, v14;
	v31 =	vmul.f32 v27, v32;
	v27 =	vmul.f32 v27, v34;
	[sflag:s0] =	ssyncadd.s32 $0xFFFFF000  }
0x293: {  	v15 =	vmul.f32 v9, v15;
	v9 =	vmul.f32 v9, v12;
	v6 =	vadd.f32 v6, v10;
	v14 =	vld [tilespmem:s17+$0xE430]  }
0x294: {  	v8 =	vmul.f32 v8, v12;
	v10 =	vadd.f32 v27, v29;
	v18 =	vsub.f32 v31, v18;
	v12 =	vld [tilespmem:s17+$0xF430]  }
0x295: {  	v16 =	vadd.f32 v16, v17;
	v9 =	vadd.f32 v9, v25;
	v17 =	vmul.f32 v43, v28;
	v25 =	vld [tilespmem:s17+$0xE470]  }
0x296: {  	v8 =	vsub.f32 v15, v8;
	v10 =	vmul.f32 v10, v48;
	v18 =	vmul.f32 v49, v18;
	v15 =	vld [tilespmem:s17+$0xF470]  }
0x297: {  	v5 =	vsub.f32 v26, v5;
	v16 =	vmul.f32 v47, v16;
	v24 =	vmul.f32 v45, v24;
	v26 =	vld [tilespmem:s17+$0xE420]  }
0x298: {  	v9 =	vmul.f32 v9, v50;
	v8 =	vmul.f32 v51, v8;
	v10 =	vadd.f32 v18, v10;
	v18 =	vld [tilespmem:s17+$0xF420]  }
0x299: {  	v7 =	vsub.f32 v11, v7;
	v6 =	vmul.f32 v6, v46;
	v5 =	vmul.f32 v52, v5;
	v11 =	vld [tilespmem:s17+$0xE460]  }
0x29a: {  	v8 =	vadd.f32 v8, v9;
	v9 =	vmul.f32 v53, v13;
	v10 =	vsub.f32 v10, v16;
	v13 =	vld [tilespmem:s17+$0xF460]  }
0x29b: {  	v7 =	vmul.f32 v54, v7;
	v5 =	vadd.f32 v5, v6;
	v6 =	vmul.f32 v23, v44;
	v23 =	vld [tilespmem:s17+$0x3430]  }
0x29c: {  	v8 =	vsub.f32 v8, v9;
	v9 =	vmul.f32 v55, v21;
	v10 =	vsub.f32 v10, v24;
	v21 =	vld [tilespmem:s17+$0x3470]  }
0x29d: {  	v5 =	vsub.f32 v5, v17;
	v6 =	vadd.f32 v7, v6;
	v16 =	vld [tilespmem:s17+$0x10430]  }
0x29e: {  	v7 =	vmul.f32 v56, v22;
	v8 =	vsub.f32 v8, v9;
	v10 =	vadd.f32 $0.0e+00, v10;
	v17 =	vld [tilespmem:s17+$0x11430]  }
0x29f: {  	v9 =	vmul.f32 v57, v20;
	v20 =	vld [tilespmem:s17+$0x10470]  }
0x2a0: {  	v6 =	vsub.f32 v6, v7;
	v7 =	vadd.f32 v8, v10;
	v8 =	vmul.f32 v42, v19;
	v19 =	vld [tilespmem:s17+$0x11470]  }
0x2a1: {  	v22 =	vld [tilespmem:s17+$0xE410]  }
0x2a2: {  	v24 =	vld [tilespmem:s17+$0xF410]  }
0x2a3: {  	v27 =	vld [tilespmem:s17+$0xE450]  }
0x2a4: {  	v28 =	vld [tilespmem:s17+$0xF450]  }
0x2a5: {  	v29 =	vld [tilespmem:s17+$0x3420]  }
0x2a6: {  	v30 =	vld [tilespmem:s17+$0x3460]  }
0x2a7: {  	v6 =	vsub.f32 v6, v8;
	v8 =	vld [tilespmem:s17+$0x11420]  }
0x2a8: {  	v31 =	vld [tilespmem:s17+$0xC430]  }
0x2a9: {  	v32 =	vld [tilespmem:s17+$0xD430]  }
0x2aa: {  	v33 =	vld [tilespmem:s17+$0xC470]  }
0x2ab: {  	v5 =	vsub.f32 v5, v9;
	v34 =	vld [tilespmem:s17+$0xD470]  }
0x2ac: {  	v35 =	vld [tilespmem:s17+$0xE400]  }
0x2ad: {  	v5 =	vadd.f32 v5, v7;
	v59 =	vld [tilespmem:s17+$0xF400]  }
0x2ae: {  	v60 =	vld [tilespmem:s17+$0xE440]  }
0x2af: {  	v61 =	vld [tilespmem:s17+$0xF440];
	v5 =	vadd.f32 v6, v5  }
0x2b0: {  	v39 =	vld [tilespmem:s17+$0x3410]  }
0x2b1: {  	v40 =	vld [tilespmem:s17+$0x3450];
	v7 =	vperm.xlane v5, v0  }
0x2b2: {  	v63 =	vld [tilespmem:s17+$0xC420]  }
0x2b3: {  	v52 =	vld [tilespmem:s17+$0xD420];
	v9 =	vadd.f32 v5, v7  }
0x2b4: {  	v53 =	vld [tilespmem:s17+$0xC460]  }
0x2b5: {  	v54 =	vld [tilespmem:s17+$0xD460];
	v10 =	vperm.xlane v9, v1  }
0x2b6: {  	v36 =	vld [tilespmem:s17+$0x10450]  }
0x2b7: {  	v37 =	vld [tilespmem:s17+$0x11450];
	v55 =	vadd.f32 v12, v14;
	v9 =	vadd.f32 v9, v10  }
0x2b8: {  	v38 =	vld [tilespmem:s17+$0x10400];
	v56 =	vadd.f32 v15, v25;
	v57 =	vadd.f32 v18, v26  }
0x2b9: {  	v12 =	vld [tilespmem:s17+$0xC410];
	v11 =	vadd.f32 v13, v11;
	v17 =	vadd.f32 v17, v16;
	v10 =	vperm.xlane v9, v2  }
0x2ba: {  	v13 =	vld [tilespmem:s17+$0xD410];
	v58 =	vadd.f32 v19, v20;
	v20 =	vadd.f32 v24, v22  }
0x2bb: {  	v18 =	vld [tilespmem:s17+$0xC450];
	v16 =	vadd.f32 v28, v27;
	v9 =	vadd.f32 v9, v10  }
0x2bc: {  	v19 =	vld [tilespmem:s17+$0xD450];
	v22 =	vadd.f32 v32, v31;
	v24 =	vadd.f32 v34, v33  }
0x2bd: {  	v27 =	vld [tilespmem:s17+$0xC400];
	v15 =	vadd.f32 v59, v35;
	v14 =	vadd.f32 v61, v60;
	v10 =	vperm.xlane v9, v3  }
0x2be: {  	v28 =	vld [tilespmem:s17+$0xD400];
	v25 =	vadd.f32 v52, v63;
	v31 =	vadd.f32 v54, v53  }
0x2bf: {  	v59 =	vld [tilespmem:s17+$0xC440];
	v60 =	vadd.f32 v23, v22;
	v10 =	vadd.f32 v9, v10  }
0x2c0: {  	v61 =	vld [tilespmem:s17+$0xD440];
	v26 =	vadd.f32 v29, v25;
	v35 =	vadd.f32 v21, v24  }
0x2c1: {  	v6 =	vld [tilespmem:s17+$0x10420];
	v25 =	vadd.f32 v30, v31;
	v62 =	vadd.f32 $1.000000000e+00, v10  }
0x2c2: {  	v63 =	vld [tilespmem:s17+$0x3440];
	v21 =	vmul.f32 v55, v35;
	v23 =	vmul.f32 v55, v60  }
0x2c3: {  	v29 =	vmul.f32 v57, v26;
	v32 =	vmul.f32 v11, v25;
	v41 =	vmax.f32 v62, $0.0e+00;
	v62 =	vld [tilespmem:s17+$0x3400]  }
0x2c4: {  	v5 =	vld [tilespmem:s17+$0x10460];
	v12 =	vadd.f32 v13, v12;
	v22 =	vadd.f32 v19, v18;
	v18 =	vmul.f32 v56, v60  }
0x2c5: {  	v7 =	vld [tilespmem:s17+$0x11460];
	v19 =	vmul.f32 v11, v26;
	v30 =	vadd.f32 v28, v27;
	v33 =	vadd.f32 v61, v59  }
0x2c6: {  	v27 =	vmul.f32 v56, v35;
	v11 =	vmul.f32 v58, v60;
	v13 =	vadd.f32 v39, v12;
	v9 =	vld [tilespmem:s17+$0x10410]  }
0x2c7: {  	v12 =	vadd.f32 v40, v22;
	v22 =	vmul.f32 v57, v25;
	v34 =	vadd.f32 v63, v33;
	v10 =	vld [tilespmem:s17+$0x11410]  }
0x2c8: {  	v39 =	vld [tilespmem:s17+$0x11400];
	v33 =	vmul.f32 v58, v35;
	v24 =	vmul.f32 v16, v13;
	v31 =	vadd.f32 v62, v30  }
0x2c9: {  	s18 =	simm.s32 $0x200;
	v40 =	vld [tilespmem:s17+$0x10440];
	v28 =	vmul.f32 v20, v12;
	v4 =	vadd.f32 v41, v4;
	v30 =	vmul.f32 v17, v60  }
.LBB2_8:
0x2ca: {  	p0 =	sne.s32 s18, $0x3E00;
	v41 =	vld [tilespmem:s17+$0x11440];
	v42 =	vmul.f32 v14, v31;
	v6 =	vadd.f32 v8, v6;
	v8 =	vmul.f32 v17, v35  }
0x2cb: {  	v20 =	vmul.f32 v20, v13;
	v5 =	vadd.f32 v7, v5;
	v17 =	vmul.f32 v15, v34;
	v7 =	vld [tilespmem:s17+$0x12470]  }
0x2cc: {  	v9 =	vadd.f32 v10, v9;
	v10 =	vmul.f32 v16, v12;
	v16 =	vld [tilespmem:s17+$0x12420];
	v35 =	vmul.f32 v6, v26  }
0x2cd: {  	v36 =	vadd.f32 v37, v36;
	v37 =	vmul.f32 v5, v25;
	v5 =	vmul.f32 v5, v26;
	v26 =	vld [tilespmem:s17+$0x13430]  }
0x2ce: {  	v15 =	vmul.f32 v15, v31;
	v6 =	vmul.f32 v6, v25;
	v38 =	vadd.f32 v39, v38;
	v39 =	vld [tilespmem:s17+$0x12440]  }
0x2cf: {  	v14 =	vmul.f32 v14, v34;
	v25 =	vadd.f32 v41, v40;
	v40 =	vmul.f32 v9, v13;
	v41 =	vld [tilespmem:s17+$0x13420]  }
0x2d0: {  	v18 =	vsub.f32 v18, v21;
	v45 =	vmul.f32 v36, v12;
	v44 =	vmul.f32 v38, v31;
	v43 =	vld [tilespmem:s17+$0x12400]  }
0x2d1: {  	v19 =	vsub.f32 v19, v22;
	v22 =	vadd.f32 v27, v23;
	v21 =	vld [tilespmem:s17+$0x13400];
	v46 =	vmul.f32 v25, v34  }
0x2d2: {  	v24 =	vsub.f32 v24, v28;
	v27 =	vadd.f32 v32, v29;
	v25 =	vmul.f32 v25, v31;
	v23 =	vld [tilespmem:s17+$0x13440]  }
0x2d3: {  	v30 =	vadd.f32 v33, v30;
	v17 =	vsub.f32 v42, v17;
	v28 =	vmul.f32 v38, v34;
	v29 =	vld [tilespmem:s17+$0x13410]  }
0x2d4: {  	v10 =	vadd.f32 v10, v20;
	v20 =	vadd.f32 v37, v35;
	v13 =	vmul.f32 v36, v13;
	v31 =	vld [tilespmem:s17+$0x13450]  }
0x2d5: {  	v9 =	vmul.f32 v9, v12;
	v32 =	vadd.f32 v46, v44;
	v25 =	vsub.f32 v25, v28;
	v12 =	vld [tilespmem:s17+$0x13460]  }
0x2d6: {  	v14 =	vadd.f32 v14, v15;
	v16 =	vmul.f32 v16, v27;
	v28 =	vadd.f32 v45, v40;
	v15 =	vld [tilespmem:s17+$0x12410]  }
0x2d7: {  	v9 =	vsub.f32 v13, v9;
	v21 =	vmul.f32 v32, v21;
	v23 =	vmul.f32 v23, v25;
	v13 =	vld [tilespmem:s17+$0x13470]  }
0x2d8: {  	v5 =	vsub.f32 v5, v6;
	v17 =	vmul.f32 v39, v17;
	v14 =	vmul.f32 v43, v14;
	v25 =	vld [tilespmem:s17+$0x12450]  }
0x2d9: {  	v6 =	vadd.f32 v23, v21;
	v21 =	vmul.f32 v28, v29;
	v9 =	vmul.f32 v31, v9;
	v23 =	vld [tilespmem:s17+$0x12430]  }
0x2da: {  	v8 =	vsub.f32 v11, v8;
	v20 =	vmul.f32 v20, v41;
	v27 =	vld [tilespmem:s17+$0x12460];
	s17 =	sshra.s32 s18, $0x2;
	v5 =	vmul.f32 v12, v5  }
0x2db: {  	v11 =	vld [tilespmem:s17+$0xE430];
	v6 =	vsub.f32 v6, v14;
	v9 =	vadd.f32 v9, v21;
	v10 =	vmul.f32 v15, v10  }
0x2dc: {  	v14 =	vmul.f32 v30, v26;
	v12 =	vld [tilespmem:s17+$0xF430];
	v5 =	vadd.f32 v5, v20;
	v8 =	vmul.f32 v13, v8  }
0x2dd: {  	v13 =	vld [tilespmem:s17+$0xE470];
	v6 =	vsub.f32 v6, v17;
	v9 =	vsub.f32 v9, v10;
	v10 =	vmul.f32 v25, v24  }
0x2de: {  	v15 =	vld [tilespmem:s17+$0xF470];
	v5 =	vsub.f32 v5, v16;
	v8 =	vadd.f32 v8, v14;
	v14 =	vmul.f32 v23, v22  }
0x2df: {  	v16 =	vld [tilespmem:s17+$0xE420];
	v6 =	vadd.f32 $0.0e+00, v6;
	v9 =	vsub.f32 v9, v10;
	v10 =	vmul.f32 v27, v19  }
0x2e0: {  	v17 =	vld [tilespmem:s17+$0xF420];
	v8 =	vsub.f32 v8, v14  }
0x2e1: {  	v7 =	vmul.f32 v7, v18;
	v14 =	vld [tilespmem:s17+$0xE460];
	v6 =	vadd.f32 v9, v6;
	v5 =	vsub.f32 v5, v10  }
0x2e2: {  	v18 =	vld [tilespmem:s17+$0xF460]  }
0x2e3: {  	v19 =	vld [tilespmem:s17+$0x3430];
	v5 =	vadd.f32 v5, v6;
	v6 =	vsub.f32 v8, v7  }
0x2e4: {  	v21 =	vld [tilespmem:s17+$0x3470]  }
0x2e5: {  	v20 =	vld [tilespmem:s17+$0x10430];
	v5 =	vadd.f32 v6, v5  }
0x2e6: {  	v22 =	vld [tilespmem:s17+$0x11430]  }
0x2e7: {  	v23 =	vld [tilespmem:s17+$0x10470];
	v6 =	vperm.xlane v5, v0  }
0x2e8: {  	v24 =	vld [tilespmem:s17+$0x11470]  }
0x2e9: {  	v25 =	vld [tilespmem:s17+$0xE410];
	v5 =	vadd.f32 v5, v6  }
0x2ea: {  	v26 =	vld [tilespmem:s17+$0xF410]  }
0x2eb: {  	v27 =	vld [tilespmem:s17+$0xE450];
	v6 =	vperm.xlane v5, v1  }
0x2ec: {  	v28 =	vld [tilespmem:s17+$0xF450]  }
0x2ed: {  	v29 =	vld [tilespmem:s17+$0x3420];
	v7 =	vadd.f32 v5, v6  }
0x2ee: {  	v30 =	vld [tilespmem:s17+$0x3460]  }
0x2ef: {  	v6 =	vld [tilespmem:s17+$0x10420];
	v9 =	vperm.xlane v7, v2  }
0x2f0: {  	v8 =	vld [tilespmem:s17+$0x11420]  }
0x2f1: {  	v5 =	vld [tilespmem:s17+$0x10460];
	v9 =	vadd.f32 v7, v9  }
0x2f2: {  	v7 =	vld [tilespmem:s17+$0x11460]  }
0x2f3: {  	v31 =	vld [tilespmem:s17+$0xC430];
	v10 =	vperm.xlane v9, v3  }
0x2f4: {  	v32 =	vld [tilespmem:s17+$0xD430]  }
0x2f5: {  	v33 =	vld [tilespmem:s17+$0xC470];
	v9 =	vadd.f32 v9, v10  }
0x2f6: {  	v34 =	vld [tilespmem:s17+$0xD470]  }
0x2f7: {  	v35 =	vld [tilespmem:s17+$0xE400];
	v9 =	vadd.f32 $1.000000000e+00, v9  }
0x2f8: {  	v36 =	vld [tilespmem:s17+$0xF400]  }
0x2f9: {  	v37 =	vld [tilespmem:s17+$0xE440];
	v9 =	vmax.f32 v9, $0.0e+00  }
0x2fa: {  	v38 =	vld [tilespmem:s17+$0xF440];
	v4 =	vadd.f32 v9, v4  }
0x2fb: {  	v39 =	vld [tilespmem:s17+$0x3410]  }
0x2fc: {  	v40 =	vld [tilespmem:s17+$0x3450]  }
0x2fd: {  	v9 =	vld [tilespmem:s17+$0x10410]  }
0x2fe: {  	v10 =	vld [tilespmem:s17+$0x11410]  }
0x2ff: {  	v41 =	vld [tilespmem:s17+$0xC420]  }
0x300: {  	v42 =	vld [tilespmem:s17+$0xD420]  }
0x301: {  	v43 =	vld [tilespmem:s17+$0xC460]  }
0x302: {  	v11 =	vadd.f32 v12, v11;
	v45 =	vadd.f32 v15, v13;
	v44 =	vld [tilespmem:s17+$0xD460]  }
0x303: {  	v46 =	vadd.f32 v17, v16;
	v47 =	vadd.f32 v18, v14;
	v12 =	vld [tilespmem:s17+$0xC410]  }
0x304: {  	v17 =	vadd.f32 v22, v20;
	v48 =	vadd.f32 v24, v23;
	v13 =	vld [tilespmem:s17+$0xD410]  }
0x305: {  	v20 =	vadd.f32 v26, v25;
	v16 =	vadd.f32 v28, v27;
	v18 =	vld [tilespmem:s17+$0xC450]  }
0x306: {  	v23 =	vadd.f32 v32, v31;
	v24 =	vadd.f32 v34, v33;
	v22 =	vld [tilespmem:s17+$0xD450]  }
0x307: {  	v15 =	vadd.f32 v36, v35;
	v14 =	vadd.f32 v38, v37;
	v27 =	vld [tilespmem:s17+$0xC400]  }
0x308: {  	v25 =	vadd.f32 v42, v41;
	v31 =	vadd.f32 v44, v43;
	v28 =	vld [tilespmem:s17+$0xD400]  }
0x309: {  	v41 =	vadd.f32 v19, v23;
	v32 =	vld [tilespmem:s17+$0xC440];
	v12 =	vadd.f32 v13, v12  }
0x30a: {  	v35 =	vadd.f32 v21, v24;
	v26 =	vadd.f32 v29, v25;
	v33 =	vld [tilespmem:s17+$0xD440]  }
0x30b: {  	v25 =	vadd.f32 v30, v31;
	v34 =	vld [tilespmem:s17+$0x3400];
	v22 =	vadd.f32 v22, v18;
	v18 =	vmul.f32 v45, v41  }
0x30c: {  	v21 =	vmul.f32 v11, v35;
	v19 =	vmul.f32 v47, v26;
	v13 =	vadd.f32 v39, v12;
	v42 =	vld [tilespmem:s17+$0x3440]  }
.Ltmp3:
0x30d: {  	v23 =	vmul.f32 v11, v41;
	v12 =	vadd.f32 v40, v22;
	v36 =	vld [tilespmem:s17+$0x10450];
	v22 =	vmul.f32 v46, v25;
	(pc) =	sbr.rel @p0 .LBB2_8-.Ltmp3, $4  }
0x30e: {  	v11 =	vadd.f32 v28, v27;
	v24 =	vmul.f32 v16, v13;
	v27 =	vmul.f32 v45, v35;
	v37 =	vld [tilespmem:s17+$0x11450]  }
0x30f: {  	v29 =	vmul.f32 v46, v26;
	v33 =	vadd.f32 v33, v32;
	v38 =	vld [tilespmem:s17+$0x10400];
	v28 =	vmul.f32 v20, v12  }
0x310: {  	v30 =	vmul.f32 v17, v41;
	v32 =	vmul.f32 v47, v25;
	v31 =	vadd.f32 v34, v11;
	v39 =	vld [tilespmem:s17+$0x11400]  }
0x311: {  	s18 =	sadd.s32 $0x200, s18;
	v11 =	vmul.f32 v48, v41;
	v34 =	vadd.f32 v42, v33;
	v40 =	vld [tilespmem:s17+$0x10440];
	v33 =	vmul.f32 v48, v35  }
0x312: {  	v42 =	vmul.f32 v14, v31;
	v6 =	vadd.f32 v8, v6;
	v8 =	vmul.f32 v17, v35  }
0x313: {  	v41 =	vld [tilespmem:s17+$0x11440];
	v20 =	vmul.f32 v20, v13;
	v5 =	vadd.f32 v7, v5;
	v7 =	vadd.f32 v10, v9  }
0x314: {  	v9 =	vmul.f32 v16, v12;
	v10 =	vld [tilespmem:s17+$0x12420];
	v18 =	vsub.f32 v18, v21;
	v19 =	vsub.f32 v19, v22  }
0x315: {  	v52 =	vld [tilespmem:s17+$0x12440];
	v53 =	vmul.f32 v15, v31;
	v60 =	vadd.f32 v27, v23;
	v24 =	vsub.f32 v24, v28  }
0x316: {  	v57 =	vld [tilespmem:s17+$0x13420];
	v62 =	vadd.f32 v32, v29;
	v17 =	vmul.f32 v15, v34;
	v55 =	vmul.f32 v14, v34  }
0x317: {  	v58 =	vld [tilespmem:s17+$0x12400];
	v49 =	vadd.f32 v37, v36;
	v48 =	vmul.f32 v6, v26;
	v50 =	vmul.f32 v5, v25  }
0x318: {  	v59 =	vld [tilespmem:s17+$0x13400];
	v5 =	vmul.f32 v5, v26;
	v6 =	vmul.f32 v6, v25;
	v51 =	vadd.f32 v39, v38  }
0x319: {  	v61 =	vld [tilespmem:s17+$0x13440];
	v56 =	vmul.f32 v7, v13;
	v7 =	vmul.f32 v7, v12;
	v54 =	vadd.f32 v41, v40  }
0x31a: {  	v47 =	vld [tilespmem:s17+$0x13460];
	v30 =	vadd.f32 v33, v30;
	v43 =	vmul.f32 v51, v31;
	v63 =	vmul.f32 v51, v34  }
0x31b: {  	v37 =	vld [tilespmem:s17+$0x13450];
	v9 =	vadd.f32 v9, v20;
	v45 =	vmul.f32 v54, v34;
	v25 =	vmul.f32 v54, v31  }
0x31c: {  	v44 =	vmul.f32 v49, v12;
	v17 =	vsub.f32 v42, v17;
	v14 =	vadd.f32 v55, v53;
	v34 =	vld [tilespmem:s17+$0x13410]  }
0x31d: {  	v26 =	vld [tilespmem:s17+$0x13430];
	v42 =	vmul.f32 v49, v13;
	v46 =	vadd.f32 v45, v43;
	v25 =	vsub.f32 v25, v63  }
0x31e: {  	v16 =	vadd.f32 v50, v48;
	v48 =	vld [tilespmem:s17+$0x12410];
	v49 =	vadd.f32 v44, v56;
	v10 =	vmul.f32 v10, v62  }
0x31f: {  	v7 =	vsub.f32 v42, v7;
	v51 =	vld [tilespmem:s17+$0x13470];
	v20 =	vmul.f32 v46, v59;
	v50 =	vmul.f32 v61, v25  }
0x320: {  	v5 =	vsub.f32 v5, v6;
	v14 =	vmul.f32 v58, v14;
	v17 =	vmul.f32 v52, v17;
	v52 =	vld [tilespmem:s17+$0x12450]  }
0x321: {  	v56 =	vld [tilespmem:s17+$0x12460];
	v7 =	vmul.f32 v37, v7;
	v54 =	vmul.f32 v49, v34;
	v53 =	vadd.f32 v50, v20  }
0x322: {  	v8 =	vsub.f32 v11, v8;
	v55 =	vld [tilespmem:s17+$0x12430];
	v16 =	vmul.f32 v16, v57;
	v5 =	vmul.f32 v47, v5  }
0x323: {  	v9 =	vmul.f32 v48, v9;
	v7 =	vadd.f32 v7, v54;
	v6 =	vsub.f32 v53, v14  }
0x324: {  	v57 =	vld [tilespmem:s17+$0x12470];
	v58 =	vmul.f32 v30, v26;
	v5 =	vadd.f32 v5, v16;
	v8 =	vmul.f32 v51, v8  }
0x325: {  	v59 =	vmul.f32 v52, v24;
	v7 =	vsub.f32 v7, v9;
	v6 =	vsub.f32 v6, v17  }
0x326: {  	v5 =	vsub.f32 v5, v10;
	v61 =	vmul.f32 v56, v19;
	v8 =	vadd.f32 v8, v58  }
0x327: {  	v60 =	vmul.f32 v55, v60;
	v7 =	vsub.f32 v7, v59;
	v6 =	vadd.f32 $0.0e+00, v6  }
0x328: {  	v5 =	vsub.f32 v5, v61  }
0x329: {  	v62 =	vmul.f32 v57, v18;
	v8 =	vsub.f32 v8, v60;
	v6 =	vadd.f32 v7, v6;
	_ =	sdelay $0x1  }
0x32a: {  	v63 =	vsub.f32 v8, v62;
	v5 =	vadd.f32 v5, v6;
	_ =	sdelay $0x1  }
0x32b: {  	v5 =	vadd.f32 v63, v5;
	_ =	sdelay $0x1  }
0x32c: {  	v6 =	vperm.xlane v5, v0;
	_ =	sdelay $0x1  }
0x32d: {  	v5 =	vadd.f32 v5, v6;
	_ =	sdelay $0x1  }
0x32e: {  	v6 =	vperm.xlane v5, v1;
	_ =	sdelay $0x1  }
0x32f: {  	v5 =	vadd.f32 v5, v6;
	_ =	sdelay $0x1  }
0x330: {  	v6 =	vperm.xlane v5, v2;
	_ =	sdelay $0x1  }
0x331: {  	v5 =	vadd.f32 v5, v6;
	_ =	sdelay $0x1  }
0x332: {  	v6 =	vperm.xlane v5, v3;
	_ =	sdelay $0x1  }
0x333: {  	v5 =	vadd.f32 v5, v6;
	_ =	sdelay $0x1  }
0x334: {  	v5 =	vadd.f32 $1.000000000e+00, v5;
	_ =	sdelay $0x1  }
0x335: {  	v5 =	vmax.f32 v5, $0.0e+00  }
0x336: {  	s24 =	sadd.s32 $0x1, s24;
	v4 =	vadd.f32 v5, v4  }
0x337: {  	p0 =	sne.s32 s24, s16  }
.Ltmp4:
0x338: {  	s6 =	simm.s32 $0x14400;
	[tilespmem:$0x14400] =	vst v4;
	(pc) =	sbr.rel @p0 .LBB2_1-.Ltmp4, $4  }
0x339: {  	[hbm4b:s15+s5] =	stream.linear.scatter [tilespmem:s6], [sflag:$0x5], $0x80, $0x38;
	[tilespmem:$0x14480] =	vst v63  }
0x33a: {  	_ =	swait.ge [sflag:s2], $0x80  }
0x33b: {  	[sflag:s2] =	ssyncset.done $0x0  }
0x33c: {  	[sflag:s2] =	ssyncadd.s32 $0xFFFFFF80  }
0x33d: {  	_ =	sfence.sel $0x180000  }
0x33e: {  	[bflag:$0x0] =	sbarrier.arrive $0xFFFF  }
0x33f: {  	_ =	strace $0x90000047  }
0x340: {  	s0 =	stileid.u32;
	[bflag:$0x2] =	sbarrier.arrive $0xFFFF  }
0x341: {  	p0 =	sne.s32 s0, $0x0;
	s0 =	rddreg [dreg:$0xd]  }
0x342: {  	s0 =	sadd.s32 @!p0 $0x100000, s0  }
0x343: {  	[sflag:s0] =	ssyncadd.tile.s32 @!p0 $0x1;
	_ =	shalt  }
.Lfunc_end2:
_tile_overlayer_lowered:
.L_overlay_start_2:
0x344: {  	(tag) =	ssettag $0x2  }
0x345: {  	s0 =	rddreg [dreg:$0x0];
	s2 =	stileid.u32  }
0x346: {  	s1 =	rddreg [dreg:$0x1];
	p0 =	sne.s32 s2, $0x0  }
0x347: {  	s3 =	rddreg [dreg:$0x2];
	[bflag:$0x3] =	sbarrier.arrive $0xFFFF;
	s2 =	simm.s32 @!p0 $0x1C05  }
0x348: {  	[timem:s3], [sflag:s2] =	dma.local @!p0 [hbm:s0], s1  }
0x349: {  	s0 =	simm.s32 @!p0 $0x5  }
0x34a: {  	_ =	swait.ge @!p0 [sflag:s0], s1  }
0x34b: {  	s1 =	ssub.s32 @!p0 $0x0, s1;
	[sflag:s0] =	ssyncset.done @!p0 $0x0  }
0x34c: {  	[sflag:s0] =	ssyncadd.s32 @!p0 s1  }
0x34d: {  	[bflag:$0x3] =	sbarrier.arrive $0xFFFF  }
0x34e: {  	_ =	shalt  }

</sc_bundles>
